<compile_context>
chip_gen: v7x
topology: tpu7x:2x2x1
jax: 0.10.2.dev20260603
libtpu: 0.0.44.dev20260713+nightly
codegen_flags: <defaults>
</compile_context>

<pallas_src>
import functools

import jax
import jax.numpy as jnp
from jax import lax
from jax.experimental import pallas as pl
from jax.experimental.pallas import tpu as pltpu
from jax.experimental.pallas import tpu_sc as plsc

IGNORE = 255
THRESH = 0.35667494393873245

B, C, H, W = 8, 19, 512, 512
HW = H * W
NPIX = B * HW
NC, NS = 2, 16
NTILES = NC * NS
PIX_PER_TILE = NPIX // NTILES
P = 2048
NCHUNK = PIX_PER_TILE // P
NGRP = P // 16
Q_PER_IMG = HW // PIX_PER_TILE

_mesh = plsc.VectorSubcoreMesh(core_axis_name="c", subcore_axis_name="s")
_cparams = pltpu.CompilerParams(needs_layout_passes=False,
                                use_tc_tiling_on_sc=False)


def _copy_chunk_in(preds_hbm, labels_hbm, weights_hbm, b, p0,
                   pred_v, lab_v, wgt_v, sem):
    copies = [pltpu.async_copy(preds_hbm.at[pl.ds(b * (C * HW) + c * HW + p0, P)],
                               pred_v.at[pl.ds(c * P, P)], sem)
              for c in range(C)]
    copies.append(pltpu.async_copy(labels_hbm.at[pl.ds(b * HW + p0, P)],
                                   lab_v, sem))
    copies.append(pltpu.async_copy(weights_hbm.at[pl.ds(b * HW + p0, P)],
                                   wgt_v, sem))
    for cp in copies:
        cp.wait()


def _loss_group(pred_v, lab_v, wgt_v, g):
    lab = lab_v[pl.ds(g * 16, 16)]
    wgt = wgt_v[pl.ds(g * 16, 16)]
    valid = lab != IGNORE
    safe_lab = jnp.where(valid, lab, 0)
    pos = g * 16 + lax.iota(jnp.int32, 16)
    val = plsc.load_gather(pred_v, [safe_lab * P + pos])
    loss = jnp.where(valid, wgt * (-val), jnp.zeros((16,), jnp.float32))
    return loss, valid


@functools.partial(
    pl.kernel,
    out_type=(
        jax.ShapeDtypeStruct((NTILES * 16,), jnp.float32),
        jax.ShapeDtypeStruct((NTILES * 16,), jnp.int32),
        jax.ShapeDtypeStruct((NTILES * 16,), jnp.int32),
    ),
    mesh=_mesh,
    scratch_types=(
        pltpu.VMEM((C * P,), jnp.float32),
        pltpu.VMEM((C * P,), jnp.float32),
        pltpu.VMEM((P,), jnp.int32),
        pltpu.VMEM((P,), jnp.int32),
        pltpu.VMEM((P,), jnp.float32),
        pltpu.VMEM((P,), jnp.float32),
        pltpu.VMEM((16,), jnp.float32),
        pltpu.VMEM((16,), jnp.int32),
        pltpu.VMEM((16,), jnp.int32),
        pltpu.SemaphoreType.DMA,
        pltpu.SemaphoreType.DMA,
    ),
    compiler_params=_cparams,
)
def _main_kernel(preds_hbm, labels_hbm, weights_hbm,
                 hsum_out, hcnt_out, vcnt_out,
                 pred_v0, pred_v1, lab_v0, lab_v1, wgt_v0, wgt_v1,
                 hs_v, hc_v, vc_v, sem0, sem1):
    wid = lax.axis_index("s") * NC + lax.axis_index("c")
    b = wid // Q_PER_IMG
    q = wid % Q_PER_IMG

    def start_chunk(i, pv, lv, wv, sem):
        p0 = q * PIX_PER_TILE + i * P
        for c in range(C):
            pltpu.async_copy(
                preds_hbm.at[pl.ds(b * (C * HW) + c * HW + p0, P)],
                pv.at[pl.ds(c * P, P)], sem)
        pltpu.async_copy(labels_hbm.at[pl.ds(b * HW + p0, P)], lv, sem)
        pltpu.async_copy(weights_hbm.at[pl.ds(b * HW + p0, P)], wv, sem)

    def wait_chunk(pv, lv, wv, sem):
        pltpu.make_async_copy(preds_hbm.at[pl.ds(0, C * P)], pv, sem).wait()
        pltpu.make_async_copy(labels_hbm.at[pl.ds(0, P)], lv, sem).wait()
        pltpu.make_async_copy(weights_hbm.at[pl.ds(0, P)], wv, sem).wait()

    def compute(pv, lv, wv, carry):
        def g_body(g, inner):
            hs, hc, vc = inner
            loss, valid = _loss_group(pv, lv, wv, g)
            hard = loss > THRESH
            hs = hs + jnp.where(hard, loss, jnp.zeros((16,), jnp.float32))
            hc = hc + hard.astype(jnp.int32)
            vc = vc + valid.astype(jnp.int32)
            return hs, hc, vc

        return lax.fori_loop(0, NGRP, g_body, carry, unroll=8)

    start_chunk(0, pred_v0, lab_v0, wgt_v0, sem0)

    def pair_body(i2, carry):
        start_chunk(2 * i2 + 1, pred_v1, lab_v1, wgt_v1, sem1)
        wait_chunk(pred_v0, lab_v0, wgt_v0, sem0)
        carry = compute(pred_v0, lab_v0, wgt_v0, carry)
        nxt = jnp.minimum(2 * i2 + 2, NCHUNK - 1)
        start_chunk(nxt, pred_v0, lab_v0, wgt_v0, sem0)
        wait_chunk(pred_v1, lab_v1, wgt_v1, sem1)
        carry = compute(pred_v1, lab_v1, wgt_v1, carry)
        return carry

    hs, hc, vc = lax.fori_loop(
        0, NCHUNK // 2, pair_body,
        (jnp.zeros((16,), jnp.float32), jnp.zeros((16,), jnp.int32),
         jnp.zeros((16,), jnp.int32)))
    wait_chunk(pred_v0, lab_v0, wgt_v0, sem0)
    hs_v[...] = hs
    hc_v[...] = hc
    vc_v[...] = vc
    pltpu.sync_copy(hs_v, hsum_out.at[pl.ds(wid * 16, 16)])
    pltpu.sync_copy(hc_v, hcnt_out.at[pl.ds(wid * 16, 16)])
    pltpu.sync_copy(vc_v, vcnt_out.at[pl.ds(wid * 16, 16)])


@functools.partial(
    pl.kernel,
    out_type=(
        jax.ShapeDtypeStruct((NTILES * 16,), jnp.int32),
        jax.ShapeDtypeStruct((NTILES * 16,), jnp.int32),
        jax.ShapeDtypeStruct((NTILES * 16,), jnp.float32),
    ),
    mesh=_mesh,
    scratch_types=(
        pltpu.VMEM((C * P,), jnp.float32),
        pltpu.VMEM((P,), jnp.int32),
        pltpu.VMEM((P,), jnp.float32),
        pltpu.VMEM((16,), jnp.uint32),
        pltpu.VMEM((16,), jnp.float32),
        pltpu.VMEM((16,), jnp.int32),
        pltpu.VMEM((16,), jnp.int32),
        pltpu.VMEM((16,), jnp.float32),
        pltpu.SemaphoreType.DMA,
    ),
    compiler_params=_cparams,
)
def _stats_kernel(preds_hbm, labels_hbm, weights_hbm, yu_hbm, tf_hbm,
                  ucnt_out, gcnt_out, gsum_out,
                  pred_v, lab_v, wgt_v, yu_v, tf_v, uc_v, gc_v, gs_v, sem):
    wid = lax.axis_index("s") * NC + lax.axis_index("c")
    b = wid // Q_PER_IMG
    q = wid % Q_PER_IMG
    pltpu.sync_copy(yu_hbm, yu_v)
    pltpu.sync_copy(tf_hbm, tf_v)
    yu = yu_v[...]
    tf = tf_v[...]

    def chunk_body(i, carry):
        uc, gc, gs = carry
        p0 = q * PIX_PER_TILE + i * P
        _copy_chunk_in(preds_hbm, labels_hbm, weights_hbm, b, p0,
                       pred_v, lab_v, wgt_v, sem)

        def g_body(g, inner):
            uc, gc, gs = inner
            loss, _ = _loss_group(pred_v, lab_v, wgt_v, g)
            bits = plsc.bitcast(loss, jnp.uint32)
            sign = bits >> jnp.uint32(31)
            flip = (jnp.zeros((16,), jnp.uint32) - sign) | jnp.uint32(0x80000000)
            u = bits ^ flip
            uc = uc + jnp.where(u >= yu, jnp.ones((16,), jnp.int32),
                                jnp.zeros((16,), jnp.int32))
            gt = loss > tf
            gc = gc + jnp.where(gt, jnp.ones((16,), jnp.int32),
                                jnp.zeros((16,), jnp.int32))
            gs = gs + jnp.where(gt, loss, jnp.zeros((16,), jnp.float32))
            return uc, gc, gs

        return lax.fori_loop(0, NGRP, g_body, (uc, gc, gs))

    uc, gc, gs = lax.fori_loop(
        0, NCHUNK, chunk_body,
        (jnp.zeros((16,), jnp.int32), jnp.zeros((16,), jnp.int32),
         jnp.zeros((16,), jnp.float32)))
    uc_v[...] = uc
    gc_v[...] = gc
    gs_v[...] = gs
    pltpu.sync_copy(uc_v, ucnt_out.at[pl.ds(wid * 16, 16)])
    pltpu.sync_copy(gc_v, gcnt_out.at[pl.ds(wid * 16, 16)])
    pltpu.sync_copy(gs_v, gsum_out.at[pl.ds(wid * 16, 16)])


def kernel(preds, labels, weights):
    preds3 = preds.reshape(B * C * HW)
    labels2 = labels.reshape(B * HW)
    weights2 = weights.reshape(B * HW)

    hsum, hcnt, vcnt = _main_kernel(preds3, labels2, weights2)
    sum_hard = jnp.sum(hsum)
    n_hard = jnp.sum(hcnt)
    n_valid = jnp.sum(vcnt)
    n_min = n_valid // 16

    def fast_path(_):
        return sum_hard / jnp.maximum(n_hard, 1).astype(jnp.float32)

    def slow_path(_):
        def bit_body(i, x):
            y = x | (jnp.uint32(1) << (jnp.uint32(31) - i.astype(jnp.uint32)))
            yv = jnp.full((16,), y, jnp.uint32)
            tv = jnp.zeros((16,), jnp.float32)
            ucnt, _, _ = _stats_kernel(preds3, labels2, weights2, yv, tv)
            return jnp.where(jnp.sum(ucnt) >= n_min, y, x)

        t_u = lax.fori_loop(0, 32, bit_body, jnp.uint32(0))
        t_bits = jnp.where(t_u >= jnp.uint32(0x80000000),
                           t_u ^ jnp.uint32(0x80000000), ~t_u)
        t = lax.bitcast_convert_type(t_bits, jnp.float32)
        yv = jnp.full((16,), t_u, jnp.uint32)
        tv = jnp.full((16,), t, jnp.float32)
        _, gcnt, gsum = _stats_kernel(preds3, labels2, weights2, yv, tv)
        c_gt = jnp.sum(gcnt)
        s_gt = jnp.sum(gsum)
        kf = n_min.astype(jnp.float32)
        return (s_gt + (n_min - c_gt).astype(jnp.float32) * t) / kf

    return lax.cond(n_hard >= n_min, fast_path, slow_path, operand=None)

# --- scband reference (transcript-rebuilt; emitter-appended) ---
"""Pipeline reference for scband-my-ohem-cross-entropy-74509092651233 (READ-ONLY COPY).

The authoritative reference and input builder live on the scoring server;
editing this copy changes nothing except your own understanding.
"""

import jax, jax.numpy as jnp
import numpy as np

IGNORE_LABEL = 255
THRESH = -float(np.log(0.7))


def setup_inputs(seed: int = 0) -> dict:
    key = jax.random.key(seed)
    k1, k2, k3 = jax.random.split(key, 3)
    preds = jax.random.normal(k1, (8, 19, 512, 512), dtype=jnp.float32)
    labels = jax.random.randint(k2, (8, 512, 512), 0, 19, dtype=jnp.int32)
    weights = jax.random.uniform(k3, (8, 512, 512), dtype=jnp.float32)
    return {"preds": preds, "labels": labels, "weights": weights}


def reference(preds, labels, weights):
    # NLLLoss(reduction='none', ignore_index=IGNORE_LABEL): per-pixel -logprob[label],
    # zeroed at ignored pixels. Then OHEM: keep loss > thresh, but at least n_min
    # hardest pixels (n_min = n_valid // 16), and return their mean.
    valid = labels != IGNORE_LABEL
    n_min = jnp.sum(valid) // 16
    safe_labels = jnp.where(valid, labels, 0)
    nll = -jnp.take_along_axis(preds, safe_labels[:, None, :, :], axis=1)[:, 0]  # [B,H,W]
    loss = jnp.where(valid, weights * nll, 0.0).reshape(-1)
    # mean(loss[loss > thresh]) if enough hard pixels, else mean(topk(loss, n_min)).
    # Equivalent: sort descending, take top max(n_hard, n_min), average.
    order = jnp.argsort(-loss)
    loss_sorted = loss[order]
    n_hard = jnp.sum(loss > THRESH)
    k = jnp.maximum(n_hard, n_min)
    idx = jnp.arange(loss.shape[0])
    sel = (idx < k).astype(loss.dtype)
    denom = jnp.maximum(k, 1).astype(loss.dtype)
    return jnp.sum(loss_sorted * sel) / denom

if __name__ == "__main__":
    import jax
    _d = setup_inputs()
    print(jax.jit(kernel)(*tuple(_d.values())))

</pallas_src>

<mosaic_0001>
#map = affine_map<(d0, d1) -> (0)>
module attributes {stable_mosaic.version = 14 : i64} {
  func.func @_stats_kernel(%arg0: i32, %arg1: i32, %arg2: memref<39845888xf32, #tpu.memory_space<hbm>>, %arg3: memref<2097152xi32, #tpu.memory_space<hbm>>, %arg4: memref<2097152xf32, #tpu.memory_space<hbm>>, %arg5: memref<16xi32, #tpu.memory_space<hbm>>, %arg6: memref<16xf32, #tpu.memory_space<hbm>>, %arg7: memref<512xi32, #tpu.memory_space<hbm>>, %arg8: memref<512xi32, #tpu.memory_space<hbm>>, %arg9: memref<512xf32, #tpu.memory_space<hbm>>, %arg10: memref<38912xf32, #tpu.memory_space<vmem>>, %arg11: memref<2048xi32, #tpu.memory_space<vmem>>, %arg12: memref<2048xf32, #tpu.memory_space<vmem>>, %arg13: memref<16xi32, #tpu.memory_space<vmem>>, %arg14: memref<16xf32, #tpu.memory_space<vmem>>, %arg15: memref<16xi32, #tpu.memory_space<vmem>>, %arg16: memref<16xi32, #tpu.memory_space<vmem>>, %arg17: memref<16xf32, #tpu.memory_space<vmem>>, %arg18: memref<!tpu.dma_semaphore, #tpu.memory_space<semaphore_mem>>) attributes {dimension_semantics = [#tpu.dimension_semantics<core_parallel>, #tpu.dimension_semantics<subcore_parallel>], iteration_bounds = array<i64: 2, 16>, scalar_prefetch = 0 : i64, scratch_operands = 9 : i64, tpu.core_type = #tpu.core_type<sc_vector_subcore>, window_params = [{transform_indices = #map}, {transform_indices = #map}, {transform_indices = #map}, {transform_indices = #map}, {transform_indices = #map}, {transform_indices = #map}, {transform_indices = #map}, {transform_indices = #map}]} {
    %mul3A = arith.constant 2 : i32
    %mul3A_0 = arith.muli %arg1, %mul3A : i32
    %add3A = arith.addi %mul3A_0, %arg0 : i32
    %jit3A = arith.constant 4 : i32
    %div3A = arith.divsi %add3A, %jit3A : i32
    %sign3A = arith.constant 0 : i32
    %sign3A_1 = arith.cmpi sgt, %add3A, %sign3A : i32
    %sign3A_2 = arith.extui %sign3A_1 : i1 to i32
    %sign3A_3 = arith.constant 0 : i32
    %sign3A_4 = arith.cmpi slt, %add3A, %sign3A_3 : i32
    %sign3A_5 = arith.extui %sign3A_4 : i1 to i32
    %sign3A_6 = arith.subi %sign3A_2, %sign3A_5 : i32
    %sign3A_7 = arith.constant 0 : i32
    %sign3A_8 = arith.cmpi sgt, %jit3A, %sign3A_7 : i32
    %sign3A_9 = arith.extui %sign3A_8 : i1 to i32
    %sign3A_10 = arith.constant 0 : i32
    %sign3A_11 = arith.cmpi slt, %jit3A, %sign3A_10 : i32
    %sign3A_12 = arith.extui %sign3A_11 : i1 to i32
    %sign3A_13 = arith.subi %sign3A_9, %sign3A_12 : i32
    %ne3A = arith.cmpi ne, %sign3A_6, %sign3A_13 : i32
    %rem3A = arith.remsi %add3A, %jit3A : i32
    %ne3A_14 = arith.constant 0 : i32
    %ne3A_15 = arith.cmpi ne, %rem3A, %ne3A_14 : i32
    %and3A = arith.andi %ne3A, %ne3A_15 : i1
    %sub3A = arith.constant 1 : i32
    %sub3A_16 = arith.subi %div3A, %sub3A : i32
    %select_n3A = arith.select %and3A, %sub3A_16, %div3A : i32
    %jit3A_17 = arith.constant 4 : i32
    %eq3A = arith.constant 0 : i32
    %eq3A_18 = arith.cmpi eq, %jit3A_17, %eq3A : i32
    %jit3A_19 = arith.constant 1 : i32
    %select_n3A_20 = arith.select %eq3A_18, %jit3A_19, %jit3A_17 : i32
    %rem3A_21 = arith.remsi %add3A, %select_n3A_20 : i32
    %ne3A_22 = arith.constant 0 : i32
    %ne3A_23 = arith.cmpi ne, %rem3A_21, %ne3A_22 : i32
    %lt3A = arith.constant 0 : i32
    %lt3A_24 = arith.cmpi slt, %rem3A_21, %lt3A : i32
    %lt3A_25 = arith.constant 0 : i32
    %lt3A_26 = arith.cmpi slt, %select_n3A_20, %lt3A_25 : i32
    %ne3A_27 = arith.xori %lt3A_24, %lt3A_26 : i1
    %and3A_28 = arith.andi %ne3A_27, %ne3A_23 : i1
    %add3A_29 = arith.addi %rem3A_21, %select_n3A_20 : i32
    %select_n3A_30 = arith.select %and3A_28, %add3A_29, %rem3A_21 : i32
    "tpu.region"() ({
      %run_scoped3A = tpu.sem_alloc : memref<!tpu.dma_semaphore, #tpu.memory_space<semaphore_mem>>
      tpu.enqueue_dma source(%arg5 : memref<16xi32, #tpu.memory_space<hbm>>) target(%arg13 : memref<16xi32, #tpu.memory_space<vmem>>) target_semaphore(%run_scoped3A : memref<!tpu.dma_semaphore, #tpu.memory_space<semaphore_mem>>)
      tpu.wait_dma2 semaphore(%run_scoped3A : memref<!tpu.dma_semaphore, #tpu.memory_space<semaphore_mem>>) src(%arg5 : memref<16xi32, #tpu.memory_space<hbm>>) dst(%arg13 : memref<16xi32, #tpu.memory_space<vmem>>)
      tpu.yield
    }) : () -> ()
    "tpu.region"() ({
      %run_scoped3A = tpu.sem_alloc : memref<!tpu.dma_semaphore, #tpu.memory_space<semaphore_mem>>
      tpu.enqueue_dma source(%arg6 : memref<16xf32, #tpu.memory_space<hbm>>) target(%arg14 : memref<16xf32, #tpu.memory_space<vmem>>) target_semaphore(%run_scoped3A : memref<!tpu.dma_semaphore, #tpu.memory_space<semaphore_mem>>)
      tpu.wait_dma2 semaphore(%run_scoped3A : memref<!tpu.dma_semaphore, #tpu.memory_space<semaphore_mem>>) src(%arg6 : memref<16xf32, #tpu.memory_space<hbm>>) dst(%arg14 : memref<16xf32, #tpu.memory_space<vmem>>)
      tpu.yield
    }) : () -> ()
    %get3A = arith.constant 0 : index
    %get3A_31 = tpu.vector_load %arg13[%get3A] {strides = array<i32>} : memref<16xi32, #tpu.memory_space<vmem>>, vector<16xi32>,
    %get3A_32 = arith.constant 0 : index
    %get3A_33 = tpu.vector_load %arg14[%get3A_32] {strides = array<i32>} : memref<16xf32, #tpu.memory_space<vmem>>, vector<16xf32>,
    %broadcast_in_dim3A = arith.constant 0 : i32
    %broadcast_in_dim3A_34 = vector.broadcast %broadcast_in_dim3A : i32 to vector<16xi32>
    %broadcast_in_dim3A_35 = arith.constant 0 : i32
    %broadcast_in_dim3A_36 = vector.broadcast %broadcast_in_dim3A_35 : i32 to vector<16xi32>
    %broadcast_in_dim3A_37 = arith.constant 0.000000e+00 : f32
    %broadcast_in_dim3A_38 = vector.broadcast %broadcast_in_dim3A_37 : f32 to vector<16xf32>
    %scan3A = arith.constant 0 : i32
    %scan3A_39 = arith.constant 32 : i32
    %scan3A_40 = arith.addi %scan3A, %scan3A_39 : i32
    %scan3A_41 = arith.constant 1 : i32
    %scan3A_42:3 = scf.for %scan3A_55 = %scan3A to %scan3A_40 step %scan3A_41 iter_args(%scan3A_56 = %broadcast_in_dim3A_34, %scan3A_57 = %broadcast_in_dim3A_36, %scan3A_58 = %broadcast_in_dim3A_38) -> (vector<16xi32>, vector<16xi32>, vector<16xf32>)  : i32 {
      %mul3A_59 = arith.constant 65536 : i32
      %mul3A_60 = arith.muli %select_n3A_30, %mul3A_59 : i32
      %mul3A_61 = arith.constant 2048 : i32
      %mul3A_62 = arith.muli %scan3A_55, %mul3A_61 : i32
      %add3A_63 = arith.addi %mul3A_60, %mul3A_62 : i32
      %mul3A_64 = arith.constant 4980736 : i32
      %mul3A_65 = arith.muli %select_n3A, %mul3A_64 : i32
      %add3A_66 = arith.constant 0 : i32
      %add3A_67 = arith.addi %mul3A_65, %add3A_66 : i32
      %add3A_68 = arith.addi %add3A_67, %add3A_63 : i32
      %dma_start3A = arith.constant 0 : i32
      %dma_start3A_69 = tpu.memref_slice %arg10[%dma_start3A] : memref<38912xf32, #tpu.memory_space<vmem>> -> memref<2048xf32, #tpu.memory_space<vmem>>
      %dma_start3A_70 = tpu.memref_slice %arg2[%add3A_68] : memref<39845888xf32, #tpu.memory_space<hbm>> -> memref<2048xf32, #tpu.memory_space<hbm>>
      %dma_start3A_71 = arith.constant 0 : i32
      %dma_start3A_72 = tpu.memref_slice %arg10[%dma_start3A_71] : memref<38912xf32, #tpu.memory_space<vmem>> -> memref<2048xf32, #tpu.memory_space<vmem>>
      %dma_start3A_73 = tpu.memref_slice %arg2[%add3A_68] : memref<39845888xf32, #tpu.memory_space<hbm>> -> memref<2048xf32, #tpu.memory_space<hbm>>
      tpu.enqueue_dma source(%dma_start3A_73 : memref<2048xf32, #tpu.memory_space<hbm>>) target(%dma_start3A_72 : memref<2048xf32, #tpu.memory_space<vmem>>) target_semaphore(%arg18 : memref<!tpu.dma_semaphore, #tpu.memory_space<semaphore_mem>>)
      %mul3A_74 = arith.constant 4980736 : i32
      %mul3A_75 = arith.muli %select_n3A, %mul3A_74 : i32
      %add3A_76 = arith.constant 262144 : i32
      %add3A_77 = arith.addi %mul3A_75, %add3A_76 : i32
      %add3A_78 = arith.addi %add3A_77, %add3A_63 : i32
      %dma_start3A_79 = arith.constant 2048 : i32
      %dma_start3A_80 = tpu.memref_slice %arg10[%dma_start3A_79] : memref<38912xf32, #tpu.memory_space<vmem>> -> memref<2048xf32, #tpu.memory_space<vmem>>
      %dma_start3A_81 = tpu.memref_slice %arg2[%add3A_78] : memref<39845888xf32, #tpu.memory_space<hbm>> -> memref<2048xf32, #tpu.memory_space<hbm>>
      %dma_start3A_82 = arith.constant 2048 : i32
      %dma_start3A_83 = tpu.memref_slice %arg10[%dma_start3A_82] : memref<38912xf32, #tpu.memory_space<vmem>> -> memref<2048xf32, #tpu.memory_space<vmem>>
      %dma_start3A_84 = tpu.memref_slice %arg2[%add3A_78] : memref<39845888xf32, #tpu.memory_space<hbm>> -> memref<2048xf32, #tpu.memory_space<hbm>>
      tpu.enqueue_dma source(%dma_start3A_84 : memref<2048xf32, #tpu.memory_space<hbm>>) target(%dma_start3A_83 : memref<2048xf32, #tpu.memory_space<vmem>>) target_semaphore(%arg18 : memref<!tpu.dma_semaphore, #tpu.memory_space<semaphore_mem>>)
      %mul3A_85 = arith.constant 4980736 : i32
      %mul3A_86 = arith.muli %select_n3A, %mul3A_85 : i32
      %add3A_87 = arith.constant 524288 : i32
      %add3A_88 = arith.addi %mul3A_86, %add3A_87 : i32
      %add3A_89 = arith.addi %add3A_88, %add3A_63 : i32
      %dma_start3A_90 = arith.constant 4096 : i32
      %dma_start3A_91 = tpu.memref_slice %arg10[%dma_start3A_90] : memref<38912xf32, #tpu.memory_space<vmem>> -> memref<2048xf32, #tpu.memory_space<vmem>>
      %dma_start3A_92 = tpu.memref_slice %arg2[%add3A_89] : memref<39845888xf32, #tpu.memory_space<hbm>> -> memref<2048xf32, #tpu.memory_space<hbm>>
      %dma_start3A_93 = arith.constant 4096 : i32
      %dma_start3A_94 = tpu.memref_slice %arg10[%dma_start3A_93] : memref<38912xf32, #tpu.memory_space<vmem>> -> memref<2048xf32, #tpu.memory_space<vmem>>
      %dma_start3A_95 = tpu.memref_slice %arg2[%add3A_89] : memref<39845888xf32, #tpu.memory_space<hbm>> -> memref<2048xf32, #tpu.memory_space<hbm>>
      tpu.enqueue_dma source(%dma_start3A_95 : memref<2048xf32, #tpu.memory_space<hbm>>) target(%dma_start3A_94 : memref<2048xf32, #tpu.memory_space<vmem>>) target_semaphore(%arg18 : memref<!tpu.dma_semaphore, #tpu.memory_space<semaphore_mem>>)
      %mul3A_96 = arith.constant 4980736 : i32
      %mul3A_97 = arith.muli %select_n3A, %mul3A_96 : i32
      %add3A_98 = arith.constant 786432 : i32
      %add3A_99 = arith.addi %mul3A_97, %add3A_98 : i32
      %add3A_100 = arith.addi %add3A_99, %add3A_63 : i32
      %dma_start3A_101 = arith.constant 6144 : i32
      %dma_start3A_102 = tpu.memref_slice %arg10[%dma_start3A_101] : memref<38912xf32, #tpu.memory_space<vmem>> -> memref<2048xf32, #tpu.memory_space<vmem>>
      %dma_start3A_103 = tpu.memref_slice %arg2[%add3A_100] : memref<39845888xf32, #tpu.memory_space<hbm>> -> memref<2048xf32, #tpu.memory_space<hbm>>
      %dma_start3A_104 = arith.constant 6144 : i32
      %dma_start3A_105 = tpu.memref_slice %arg10[%dma_start3A_104] : memref<38912xf32, #tpu.memory_space<vmem>> -> memref<2048xf32, #tpu.memory_space<vmem>>
      %dma_start3A_106 = tpu.memref_slice %arg2[%add3A_100] : memref<39845888xf32, #tpu.memory_space<hbm>> -> memref<2048xf32, #tpu.memory_space<hbm>>
      tpu.enqueue_dma source(%dma_start3A_106 : memref<2048xf32, #tpu.memory_space<hbm>>) target(%dma_start3A_105 : memref<2048xf32, #tpu.memory_space<vmem>>) target_semaphore(%arg18 : memref<!tpu.dma_semaphore, #tpu.memory_space<semaphore_mem>>)
      %mul3A_107 = arith.constant 4980736 : i32
      %mul3A_108 = arith.muli %select_n3A, %mul3A_107 : i32
      %add3A_109 = arith.constant 1048576 : i32
      %add3A_110 = arith.addi %mul3A_108, %add3A_109 : i32
      %add3A_111 = arith.addi %add3A_110, %add3A_63 : i32
      %dma_start3A_112 = arith.constant 8192 : i32
      %dma_start3A_113 = tpu.memref_slice %arg10[%dma_start3A_112] : memref<38912xf32, #tpu.memory_space<vmem>> -> memref<2048xf32, #tpu.memory_space<vmem>>
      %dma_start3A_114 = tpu.memref_slice %arg2[%add3A_111] : memref<39845888xf32, #tpu.memory_space<hbm>> -> memref<2048xf32, #tpu.memory_space<hbm>>
      %dma_start3A_115 = arith.constant 8192 : i32
      %dma_start3A_116 = tpu.memref_slice %arg10[%dma_start3A_115] : memref<38912xf32, #tpu.memory_space<vmem>> -> memref<2048xf32, #tpu.memory_space<vmem>>
      %dma_start3A_117 = tpu.memref_slice %arg2[%add3A_111] : memref<39845888xf32, #tpu.memory_space<hbm>> -> memref<2048xf32, #tpu.memory_space<hbm>>
      tpu.enqueue_dma source(%dma_start3A_117 : memref<2048xf32, #tpu.memory_space<hbm>>) target(%dma_start3A_116 : memref<2048xf32, #tpu.memory_space<vmem>>) target_semaphore(%arg18 : memref<!tpu.dma_semaphore, #tpu.memory_space<semaphore_mem>>)
      %mul3A_118 = arith.constant 4980736 : i32
      %mul3A_119 = arith.muli %select_n3A, %mul3A_118 : i32
      %add3A_120 = arith.constant 1310720 : i32
      %add3A_121 = arith.addi %mul3A_119, %add3A_120 : i32
      %add3A_122 = arith.addi %add3A_121, %add3A_63 : i32
      %dma_start3A_123 = arith.constant 10240 : i32
      %dma_start3A_124 = tpu.memref_slice %arg10[%dma_start3A_123] : memref<38912xf32, #tpu.memory_space<vmem>> -> memref<2048xf32, #tpu.memory_space<vmem>>
      %dma_start3A_125 = tpu.memref_slice %arg2[%add3A_122] : memref<39845888xf32, #tpu.memory_space<hbm>> -> memref<2048xf32, #tpu.memory_space<hbm>>
      %dma_start3A_126 = arith.constant 10240 : i32
      %dma_start3A_127 = tpu.memref_slice %arg10[%dma_start3A_126] : memref<38912xf32, #tpu.memory_space<vmem>> -> memref<2048xf32, #tpu.memory_space<vmem>>
      %dma_start3A_128 = tpu.memref_slice %arg2[%add3A_122] : memref<39845888xf32, #tpu.memory_space<hbm>> -> memref<2048xf32, #tpu.memory_space<hbm>>
      tpu.enqueue_dma source(%dma_start3A_128 : memref<2048xf32, #tpu.memory_space<hbm>>) target(%dma_start3A_127 : memref<2048xf32, #tpu.memory_space<vmem>>) target_semaphore(%arg18 : memref<!tpu.dma_semaphore, #tpu.memory_space<semaphore_mem>>)
      %mul3A_129 = arith.constant 4980736 : i32
      %mul3A_130 = arith.muli %select_n3A, %mul3A_129 : i32
      %add3A_131 = arith.constant 1572864 : i32
      %add3A_132 = arith.addi %mul3A_130, %add3A_131 : i32
      %add3A_133 = arith.addi %add3A_132, %add3A_63 : i32
      %dma_start3A_134 = arith.constant 12288 : i32
      %dma_start3A_135 = tpu.memref_slice %arg10[%dma_start3A_134] : memref<38912xf32, #tpu.memory_space<vmem>> -> memref<2048xf32, #tpu.memory_space<vmem>>
      %dma_start3A_136 = tpu.memref_slice %arg2[%add3A_133] : memref<39845888xf32, #tpu.memory_space<hbm>> -> memref<2048xf32, #tpu.memory_space<hbm>>
      %dma_start3A_137 = arith.constant 12288 : i32
      %dma_start3A_138 = tpu.memref_slice %arg10[%dma_start3A_137] : memref<38912xf32, #tpu.memory_space<vmem>> -> memref<2048xf32, #tpu.memory_space<vmem>>
      %dma_start3A_139 = tpu.memref_slice %arg2[%add3A_133] : memref<39845888xf32, #tpu.memory_space<hbm>> -> memref<2048xf32, #tpu.memory_space<hbm>>
      tpu.enqueue_dma source(%dma_start3A_139 : memref<2048xf32, #tpu.memory_space<hbm>>) target(%dma_start3A_138 : memref<2048xf32, #tpu.memory_space<vmem>>) target_semaphore(%arg18 : memref<!tpu.dma_semaphore, #tpu.memory_space<semaphore_mem>>)
      %mul3A_140 = arith.constant 4980736 : i32
      %mul3A_141 = arith.muli %select_n3A, %mul3A_140 : i32
      %add3A_142 = arith.constant 1835008 : i32
      %add3A_143 = arith.addi %mul3A_141, %add3A_142 : i32
      %add3A_144 = arith.addi %add3A_143, %add3A_63 : i32
      %dma_start3A_145 = arith.constant 14336 : i32
      %dma_start3A_146 = tpu.memref_slice %arg10[%dma_start3A_145] : memref<38912xf32, #tpu.memory_space<vmem>> -> memref<2048xf32, #tpu.memory_space<vmem>>
      %dma_start3A_147 = tpu.memref_slice %arg2[%add3A_144] : memref<39845888xf32, #tpu.memory_space<hbm>> -> memref<2048xf32, #tpu.memory_space<hbm>>
      %dma_start3A_148 = arith.constant 14336 : i32
      %dma_start3A_149 = tpu.memref_slice %arg10[%dma_start3A_148] : memref<38912xf32, #tpu.memory_space<vmem>> -> memref<2048xf32, #tpu.memory_space<vmem>>
      %dma_start3A_150 = tpu.memref_slice %arg2[%add3A_144] : memref<39845888xf32, #tpu.memory_space<hbm>> -> memref<2048xf32, #tpu.memory_space<hbm>>
      tpu.enqueue_dma source(%dma_start3A_150 : memref<2048xf32, #tpu.memory_space<hbm>>) target(%dma_start3A_149 : memref<2048xf32, #tpu.memory_space<vmem>>) target_semaphore(%arg18 : memref<!tpu.dma_semaphore, #tpu.memory_space<semaphore_mem>>)
      %mul3A_151 = arith.constant 4980736 : i32
      %mul3A_152 = arith.muli %select_n3A, %mul3A_151 : i32
      %add3A_153 = arith.constant 2097152 : i32
      %add3A_154 = arith.addi %mul3A_152, %add3A_153 : i32
      %add3A_155 = arith.addi %add3A_154, %add3A_63 : i32
      %dma_start3A_156 = arith.constant 16384 : i32
      %dma_start3A_157 = tpu.memref_slice %arg10[%dma_start3A_156] : memref<38912xf32, #tpu.memory_space<vmem>> -> memref<2048xf32, #tpu.memory_space<vmem>>
      %dma_start3A_158 = tpu.memref_slice %arg2[%add3A_155] : memref<39845888xf32, #tpu.memory_space<hbm>> -> memref<2048xf32, #tpu.memory_space<hbm>>
      %dma_start3A_159 = arith.constant 16384 : i32
      %dma_start3A_160 = tpu.memref_slice %arg10[%dma_start3A_159] : memref<38912xf32, #tpu.memory_space<vmem>> -> memref<2048xf32, #tpu.memory_space<vmem>>
      %dma_start3A_161 = tpu.memref_slice %arg2[%add3A_155] : memref<39845888xf32, #tpu.memory_space<hbm>> -> memref<2048xf32, #tpu.memory_space<hbm>>
      tpu.enqueue_dma source(%dma_start3A_161 : memref<2048xf32, #tpu.memory_space<hbm>>) target(%dma_start3A_160 : memref<2048xf32, #tpu.memory_space<vmem>>) target_semaphore(%arg18 : memref<!tpu.dma_semaphore, #tpu.memory_space<semaphore_mem>>)
      %mul3A_162 = arith.constant 4980736 : i32
      %mul3A_163 = arith.muli %select_n3A, %mul3A_162 : i32
      %add3A_164 = arith.constant 2359296 : i32
      %add3A_165 = arith.addi %mul3A_163, %add3A_164 : i32
      %add3A_166 = arith.addi %add3A_165, %add3A_63 : i32
      %dma_start3A_167 = arith.constant 18432 : i32
      %dma_start3A_168 = tpu.memref_slice %arg10[%dma_start3A_167] : memref<38912xf32, #tpu.memory_space<vmem>> -> memref<2048xf32, #tpu.memory_space<vmem>>
      %dma_start3A_169 = tpu.memref_slice %arg2[%add3A_166] : memref<39845888xf32, #tpu.memory_space<hbm>> -> memref<2048xf32, #tpu.memory_space<hbm>>
      %dma_start3A_170 = arith.constant 18432 : i32
      %dma_start3A_171 = tpu.memref_slice %arg10[%dma_start3A_170] : memref<38912xf32, #tpu.memory_space<vmem>> -> memref<2048xf32, #tpu.memory_space<vmem>>
      %dma_start3A_172 = tpu.memref_slice %arg2[%add3A_166] : memref<39845888xf32, #tpu.memory_space<hbm>> -> memref<2048xf32, #tpu.memory_space<hbm>>
      tpu.enqueue_dma source(%dma_start3A_172 : memref<2048xf32, #tpu.memory_space<hbm>>) target(%dma_start3A_171 : memref<2048xf32, #tpu.memory_space<vmem>>) target_semaphore(%arg18 : memref<!tpu.dma_semaphore, #tpu.memory_space<semaphore_mem>>)
      %mul3A_173 = arith.constant 4980736 : i32
      %mul3A_174 = arith.muli %select_n3A, %mul3A_173 : i32
      %add3A_175 = arith.constant 2621440 : i32
      %add3A_176 = arith.addi %mul3A_174, %add3A_175 : i32
      %add3A_177 = arith.addi %add3A_176, %add3A_63 : i32
      %dma_start3A_178 = arith.constant 20480 : i32
      %dma_start3A_179 = tpu.memref_slice %arg10[%dma_start3A_178] : memref<38912xf32, #tpu.memory_space<vmem>> -> memref<2048xf32, #tpu.memory_space<vmem>>
      %dma_start3A_180 = tpu.memref_slice %arg2[%add3A_177] : memref<39845888xf32, #tpu.memory_space<hbm>> -> memref<2048xf32, #tpu.memory_space<hbm>>
      %dma_start3A_181 = arith.constant 20480 : i32
      %dma_start3A_182 = tpu.memref_slice %arg10[%dma_start3A_181] : memref<38912xf32, #tpu.memory_space<vmem>> -> memref<2048xf32, #tpu.memory_space<vmem>>
      %dma_start3A_183 = tpu.memref_slice %arg2[%add3A_177] : memref<39845888xf32, #tpu.memory_space<hbm>> -> memref<2048xf32, #tpu.memory_space<hbm>>
      tpu.enqueue_dma source(%dma_start3A_183 : memref<2048xf32, #tpu.memory_space<hbm>>) target(%dma_start3A_182 : memref<2048xf32, #tpu.memory_space<vmem>>) target_semaphore(%arg18 : memref<!tpu.dma_semaphore, #tpu.memory_space<semaphore_mem>>)
      %mul3A_184 = arith.constant 4980736 : i32
      %mul3A_185 = arith.muli %select_n3A, %mul3A_184 : i32
      %add3A_186 = arith.constant 2883584 : i32
      %add3A_187 = arith.addi %mul3A_185, %add3A_186 : i32
      %add3A_188 = arith.addi %add3A_187, %add3A_63 : i32
      %dma_start3A_189 = arith.constant 22528 : i32
      %dma_start3A_190 = tpu.memref_slice %arg10[%dma_start3A_189] : memref<38912xf32, #tpu.memory_space<vmem>> -> memref<2048xf32, #tpu.memory_space<vmem>>
      %dma_start3A_191 = tpu.memref_slice %arg2[%add3A_188] : memref<39845888xf32, #tpu.memory_space<hbm>> -> memref<2048xf32, #tpu.memory_space<hbm>>
      %dma_start3A_192 = arith.constant 22528 : i32
      %dma_start3A_193 = tpu.memref_slice %arg10[%dma_start3A_192] : memref<38912xf32, #tpu.memory_space<vmem>> -> memref<2048xf32, #tpu.memory_space<vmem>>
      %dma_start3A_194 = tpu.memref_slice %arg2[%add3A_188] : memref<39845888xf32, #tpu.memory_space<hbm>> -> memref<2048xf32, #tpu.memory_space<hbm>>
      tpu.enqueue_dma source(%dma_start3A_194 : memref<2048xf32, #tpu.memory_space<hbm>>) target(%dma_start3A_193 : memref<2048xf32, #tpu.memory_space<vmem>>) target_semaphore(%arg18 : memref<!tpu.dma_semaphore, #tpu.memory_space<semaphore_mem>>)
      %mul3A_195 = arith.constant 4980736 : i32
      %mul3A_196 = arith.muli %select_n3A, %mul3A_195 : i32
      %add3A_197 = arith.constant 3145728 : i32
      %add3A_198 = arith.addi %mul3A_196, %add3A_197 : i32
      %add3A_199 = arith.addi %add3A_198, %add3A_63 : i32
      %dma_start3A_200 = arith.constant 24576 : i32
      %dma_start3A_201 = tpu.memref_slice %arg10[%dma_start3A_200] : memref<38912xf32, #tpu.memory_space<vmem>> -> memref<2048xf32, #tpu.memory_space<vmem>>
      %dma_start3A_202 = tpu.memref_slice %arg2[%add3A_199] : memref<39845888xf32, #tpu.memory_space<hbm>> -> memref<2048xf32, #tpu.memory_space<hbm>>
      %dma_start3A_203 = arith.constant 24576 : i32
      %dma_start3A_204 = tpu.memref_slice %arg10[%dma_start3A_203] : memref<38912xf32, #tpu.memory_space<vmem>> -> memref<2048xf32, #tpu.memory_space<vmem>>
      %dma_start3A_205 = tpu.memref_slice %arg2[%add3A_199] : memref<39845888xf32, #tpu.memory_space<hbm>> -> memref<2048xf32, #tpu.memory_space<hbm>>
      tpu.enqueue_dma source(%dma_start3A_205 : memref<2048xf32, #tpu.memory_space<hbm>>) target(%dma_start3A_204 : memref<2048xf32, #tpu.memory_space<vmem>>) target_semaphore(%arg18 : memref<!tpu.dma_semaphore, #tpu.memory_space<semaphore_mem>>)
      %mul3A_206 = arith.constant 4980736 : i32
      %mul3A_207 = arith.muli %select_n3A, %mul3A_206 : i32
      %add3A_208 = arith.constant 3407872 : i32
      %add3A_209 = arith.addi %mul3A_207, %add3A_208 : i32
      %add3A_210 = arith.addi %add3A_209, %add3A_63 : i32
      %dma_start3A_211 = arith.constant 26624 : i32
      %dma_start3A_212 = tpu.memref_slice %arg10[%dma_start3A_211] : memref<38912xf32, #tpu.memory_space<vmem>> -> memref<2048xf32, #tpu.memory_space<vmem>>
      %dma_start3A_213 = tpu.memref_slice %arg2[%add3A_210] : memref<39845888xf32, #tpu.memory_space<hbm>> -> memref<2048xf32, #tpu.memory_space<hbm>>
      %dma_start3A_214 = arith.constant 26624 : i32
      %dma_start3A_215 = tpu.memref_slice %arg10[%dma_start3A_214] : memref<38912xf32, #tpu.memory_space<vmem>> -> memref<2048xf32, #tpu.memory_space<vmem>>
      %dma_start3A_216 = tpu.memref_slice %arg2[%add3A_210] : memref<39845888xf32, #tpu.memory_space<hbm>> -> memref<2048xf32, #tpu.memory_space<hbm>>
      tpu.enqueue_dma source(%dma_start3A_216 : memref<2048xf32, #tpu.memory_space<hbm>>) target(%dma_start3A_215 : memref<2048xf32, #tpu.memory_space<vmem>>) target_semaphore(%arg18 : memref<!tpu.dma_semaphore, #tpu.memory_space<semaphore_mem>>)
      %mul3A_217 = arith.constant 4980736 : i32
      %mul3A_218 = arith.muli %select_n3A, %mul3A_217 : i32
      %add3A_219 = arith.constant 3670016 : i32
      %add3A_220 = arith.addi %mul3A_218, %add3A_219 : i32
      %add3A_221 = arith.addi %add3A_220, %add3A_63 : i32
      %dma_start3A_222 = arith.constant 28672 : i32
      %dma_start3A_223 = tpu.memref_slice %arg10[%dma_start3A_222] : memref<38912xf32, #tpu.memory_space<vmem>> -> memref<2048xf32, #tpu.memory_space<vmem>>
      %dma_start3A_224 = tpu.memref_slice %arg2[%add3A_221] : memref<39845888xf32, #tpu.memory_space<hbm>> -> memref<2048xf32, #tpu.memory_space<hbm>>
      %dma_start3A_225 = arith.constant 28672 : i32
      %dma_start3A_226 = tpu.memref_slice %arg10[%dma_start3A_225] : memref<38912xf32, #tpu.memory_space<vmem>> -> memref<2048xf32, #tpu.memory_space<vmem>>
      %dma_start3A_227 = tpu.memref_slice %arg2[%add3A_221] : memref<39845888xf32, #tpu.memory_space<hbm>> -> memref<2048xf32, #tpu.memory_space<hbm>>
      tpu.enqueue_dma source(%dma_start3A_227 : memref<2048xf32, #tpu.memory_space<hbm>>) target(%dma_start3A_226 : memref<2048xf32, #tpu.memory_space<vmem>>) target_semaphore(%arg18 : memref<!tpu.dma_semaphore, #tpu.memory_space<semaphore_mem>>)
      %mul3A_228 = arith.constant 4980736 : i32
      %mul3A_229 = arith.muli %select_n3A, %mul3A_228 : i32
      %add3A_230 = arith.constant 3932160 : i32
      %add3A_231 = arith.addi %mul3A_229, %add3A_230 : i32
      %add3A_232 = arith.addi %add3A_231, %add3A_63 : i32
      %dma_start3A_233 = arith.constant 30720 : i32
      %dma_start3A_234 = tpu.memref_slice %arg10[%dma_start3A_233] : memref<38912xf32, #tpu.memory_space<vmem>> -> memref<2048xf32, #tpu.memory_space<vmem>>
      %dma_start3A_235 = tpu.memref_slice %arg2[%add3A_232] : memref<39845888xf32, #tpu.memory_space<hbm>> -> memref<2048xf32, #tpu.memory_space<hbm>>
      %dma_start3A_236 = arith.constant 30720 : i32
      %dma_start3A_237 = tpu.memref_slice %arg10[%dma_start3A_236] : memref<38912xf32, #tpu.memory_space<vmem>> -> memref<2048xf32, #tpu.memory_space<vmem>>
      %dma_start3A_238 = tpu.memref_slice %arg2[%add3A_232] : memref<39845888xf32, #tpu.memory_space<hbm>> -> memref<2048xf32, #tpu.memory_space<hbm>>
      tpu.enqueue_dma source(%dma_start3A_238 : memref<2048xf32, #tpu.memory_space<hbm>>) target(%dma_start3A_237 : memref<2048xf32, #tpu.memory_space<vmem>>) target_semaphore(%arg18 : memref<!tpu.dma_semaphore, #tpu.memory_space<semaphore_mem>>)
      %mul3A_239 = arith.constant 4980736 : i32
      %mul3A_240 = arith.muli %select_n3A, %mul3A_239 : i32
      %add3A_241 = arith.constant 4194304 : i32
      %add3A_242 = arith.addi %mul3A_240, %add3A_241 : i32
      %add3A_243 = arith.addi %add3A_242, %add3A_63 : i32
      %dma_start3A_244 = arith.constant 32768 : i32
      %dma_start3A_245 = tpu.memref_slice %arg10[%dma_start3A_244] : memref<38912xf32, #tpu.memory_space<vmem>> -> memref<2048xf32, #tpu.memory_space<vmem>>
      %dma_start3A_246 = tpu.memref_slice %arg2[%add3A_243] : memref<39845888xf32, #tpu.memory_space<hbm>> -> memref<2048xf32, #tpu.memory_space<hbm>>
      %dma_start3A_247 = arith.constant 32768 : i32
      %dma_start3A_248 = tpu.memref_slice %arg10[%dma_start3A_247] : memref<38912xf32, #tpu.memory_space<vmem>> -> memref<2048xf32, #tpu.memory_space<vmem>>
      %dma_start3A_249 = tpu.memref_slice %arg2[%add3A_243] : memref<39845888xf32, #tpu.memory_space<hbm>> -> memref<2048xf32, #tpu.memory_space<hbm>>
      tpu.enqueue_dma source(%dma_start3A_249 : memref<2048xf32, #tpu.memory_space<hbm>>) target(%dma_start3A_248 : memref<2048xf32, #tpu.memory_space<vmem>>) target_semaphore(%arg18 : memref<!tpu.dma_semaphore, #tpu.memory_space<semaphore_mem>>)
      %mul3A_250 = arith.constant 4980736 : i32
      %mul3A_251 = arith.muli %select_n3A, %mul3A_250 : i32
      %add3A_252 = arith.constant 4456448 : i32
      %add3A_253 = arith.addi %mul3A_251, %add3A_252 : i32
      %add3A_254 = arith.addi %add3A_253, %add3A_63 : i32
      %dma_start3A_255 = arith.constant 34816 : i32
      %dma_start3A_256 = tpu.memref_slice %arg10[%dma_start3A_255] : memref<38912xf32, #tpu.memory_space<vmem>> -> memref<2048xf32, #tpu.memory_space<vmem>>
      %dma_start3A_257 = tpu.memref_slice %arg2[%add3A_254] : memref<39845888xf32, #tpu.memory_space<hbm>> -> memref<2048xf32, #tpu.memory_space<hbm>>
      %dma_start3A_258 = arith.constant 34816 : i32
      %dma_start3A_259 = tpu.memref_slice %arg10[%dma_start3A_258] : memref<38912xf32, #tpu.memory_space<vmem>> -> memref<2048xf32, #tpu.memory_space<vmem>>
      %dma_start3A_260 = tpu.memref_slice %arg2[%add3A_254] : memref<39845888xf32, #tpu.memory_space<hbm>> -> memref<2048xf32, #tpu.memory_space<hbm>>
      tpu.enqueue_dma source(%dma_start3A_260 : memref<2048xf32, #tpu.memory_space<hbm>>) target(%dma_start3A_259 : memref<2048xf32, #tpu.memory_space<vmem>>) target_semaphore(%arg18 : memref<!tpu.dma_semaphore, #tpu.memory_space<semaphore_mem>>)
      %mul3A_261 = arith.constant 4980736 : i32
      %mul3A_262 = arith.muli %select_n3A, %mul3A_261 : i32
      %add3A_263 = arith.constant 4718592 : i32
      %add3A_264 = arith.addi %mul3A_262, %add3A_263 : i32
      %add3A_265 = arith.addi %add3A_264, %add3A_63 : i32
      %dma_start3A_266 = arith.constant 36864 : i32
      %dma_start3A_267 = tpu.memref_slice %arg10[%dma_start3A_266] : memref<38912xf32, #tpu.memory_space<vmem>> -> memref<2048xf32, #tpu.memory_space<vmem>>
      %dma_start3A_268 = tpu.memref_slice %arg2[%add3A_265] : memref<39845888xf32, #tpu.memory_space<hbm>> -> memref<2048xf32, #tpu.memory_space<hbm>>
      %dma_start3A_269 = arith.constant 36864 : i32
      %dma_start3A_270 = tpu.memref_slice %arg10[%dma_start3A_269] : memref<38912xf32, #tpu.memory_space<vmem>> -> memref<2048xf32, #tpu.memory_space<vmem>>
      %dma_start3A_271 = tpu.memref_slice %arg2[%add3A_265] : memref<39845888xf32, #tpu.memory_space<hbm>> -> memref<2048xf32, #tpu.memory_space<hbm>>
      tpu.enqueue_dma source(%dma_start3A_271 : memref<2048xf32, #tpu.memory_space<hbm>>) target(%dma_start3A_270 : memref<2048xf32, #tpu.memory_space<vmem>>) target_semaphore(%arg18 : memref<!tpu.dma_semaphore, #tpu.memory_space<semaphore_mem>>)
      %mul3A_272 = arith.constant 262144 : i32
      %mul3A_273 = arith.muli %select_n3A, %mul3A_272 : i32
      %add3A_274 = arith.addi %mul3A_273, %add3A_63 : i32
      %dma_start3A_275 = tpu.memref_slice %arg3[%add3A_274] : memref<2097152xi32, #tpu.memory_space<hbm>> -> memref<2048xi32, #tpu.memory_space<hbm>>
      %dma_start3A_276 = tpu.memref_slice %arg3[%add3A_274] : memref<2097152xi32, #tpu.memory_space<hbm>> -> memref<2048xi32, #tpu.memory_space<hbm>>
      tpu.enqueue_dma source(%dma_start3A_276 : memref<2048xi32, #tpu.memory_space<hbm>>) target(%arg11 : memref<2048xi32, #tpu.memory_space<vmem>>) target_semaphore(%arg18 : memref<!tpu.dma_semaphore, #tpu.memory_space<semaphore_mem>>)
      %mul3A_277 = arith.constant 262144 : i32
      %mul3A_278 = arith.muli %select_n3A, %mul3A_277 : i32
      %add3A_279 = arith.addi %mul3A_278, %add3A_63 : i32
      %dma_start3A_280 = tpu.memref_slice %arg4[%add3A_279] : memref<2097152xf32, #tpu.memory_space<hbm>> -> memref<2048xf32, #tpu.memory_space<hbm>>
      %dma_start3A_281 = tpu.memref_slice %arg4[%add3A_279] : memref<2097152xf32, #tpu.memory_space<hbm>> -> memref<2048xf32, #tpu.memory_space<hbm>>
      tpu.enqueue_dma source(%dma_start3A_281 : memref<2048xf32, #tpu.memory_space<hbm>>) target(%arg12 : memref<2048xf32, #tpu.memory_space<vmem>>) target_semaphore(%arg18 : memref<!tpu.dma_semaphore, #tpu.memory_space<semaphore_mem>>)
      %dma_wait3A = arith.constant 0 : i32
      %dma_wait3A_282 = tpu.memref_slice %arg10[%dma_wait3A] : memref<38912xf32, #tpu.memory_space<vmem>> -> memref<2048xf32, #tpu.memory_space<vmem>>
      %dma_wait3A_283 = tpu.memref_slice %arg2[%add3A_68] : memref<39845888xf32, #tpu.memory_space<hbm>> -> memref<2048xf32, #tpu.memory_space<hbm>>
      %dma_wait3A_284 = arith.constant 0 : i32
      %dma_wait3A_285 = tpu.memref_slice %arg10[%dma_wait3A_284] : memref<38912xf32, #tpu.memory_space<vmem>> -> memref<2048xf32, #tpu.memory_space<vmem>>
      %dma_wait3A_286 = tpu.memref_slice %arg2[%add3A_68] : memref<39845888xf32, #tpu.memory_space<hbm>> -> memref<2048xf32, #tpu.memory_space<hbm>>
      tpu.wait_dma2 semaphore(%arg18 : memref<!tpu.dma_semaphore, #tpu.memory_space<semaphore_mem>>) src(%dma_wait3A_286 : memref<2048xf32, #tpu.memory_space<hbm>>) dst(%dma_wait3A_285 : memref<2048xf32, #tpu.memory_space<vmem>>)
      %dma_wait3A_287 = arith.constant 2048 : i32
      %dma_wait3A_288 = tpu.memref_slice %arg10[%dma_wait3A_287] : memref<38912xf32, #tpu.memory_space<vmem>> -> memref<2048xf32, #tpu.memory_space<vmem>>
      %dma_wait3A_289 = tpu.memref_slice %arg2[%add3A_78] : memref<39845888xf32, #tpu.memory_space<hbm>> -> memref<2048xf32, #tpu.memory_space<hbm>>
      %dma_wait3A_290 = arith.constant 2048 : i32
      %dma_wait3A_291 = tpu.memref_slice %arg10[%dma_wait3A_290] : memref<38912xf32, #tpu.memory_space<vmem>> -> memref<2048xf32, #tpu.memory_space<vmem>>
      %dma_wait3A_292 = tpu.memref_slice %arg2[%add3A_78] : memref<39845888xf32, #tpu.memory_space<hbm>> -> memref<2048xf32, #tpu.memory_space<hbm>>
      tpu.wait_dma2 semaphore(%arg18 : memref<!tpu.dma_semaphore, #tpu.memory_space<semaphore_mem>>) src(%dma_wait3A_292 : memref<2048xf32, #tpu.memory_space<hbm>>) dst(%dma_wait3A_291 : memref<2048xf32, #tpu.memory_space<vmem>>)
      %dma_wait3A_293 = arith.constant 4096 : i32
      %dma_wait3A_294 = tpu.memref_slice %arg10[%dma_wait3A_293] : memref<38912xf32, #tpu.memory_space<vmem>> -> memref<2048xf32, #tpu.memory_space<vmem>>
      %dma_wait3A_295 = tpu.memref_slice %arg2[%add3A_89] : memref<39845888xf32, #tpu.memory_space<hbm>> -> memref<2048xf32, #tpu.memory_space<hbm>>
      %dma_wait3A_296 = arith.constant 4096 : i32
      %dma_wait3A_297 = tpu.memref_slice %arg10[%dma_wait3A_296] : memref<38912xf32, #tpu.memory_space<vmem>> -> memref<2048xf32, #tpu.memory_space<vmem>>
      %dma_wait3A_298 = tpu.memref_slice %arg2[%add3A_89] : memref<39845888xf32, #tpu.memory_space<hbm>> -> memref<2048xf32, #tpu.memory_space<hbm>>
      tpu.wait_dma2 semaphore(%arg18 : memref<!tpu.dma_semaphore, #tpu.memory_space<semaphore_mem>>) src(%dma_wait3A_298 : memref<2048xf32, #tpu.memory_space<hbm>>) dst(%dma_wait3A_297 : memref<2048xf32, #tpu.memory_space<vmem>>)
      %dma_wait3A_299 = arith.constant 6144 : i32
      %dma_wait3A_300 = tpu.memref_slice %arg10[%dma_wait3A_299] : memref<38912xf32, #tpu.memory_space<vmem>> -> memref<2048xf32, #tpu.memory_space<vmem>>
      %dma_wait3A_301 = tpu.memref_slice %arg2[%add3A_100] : memref<39845888xf32, #tpu.memory_space<hbm>> -> memref<2048xf32, #tpu.memory_space<hbm>>
      %dma_wait3A_302 = arith.constant 6144 : i32
      %dma_wait3A_303 = tpu.memref_slice %arg10[%dma_wait3A_302] : memref<38912xf32, #tpu.memory_space<vmem>> -> memref<2048xf32, #tpu.memory_space<vmem>>
      %dma_wait3A_304 = tpu.memref_slice %arg2[%add3A_100] : memref<39845888xf32, #tpu.memory_space<hbm>> -> memref<2048xf32, #tpu.memory_space<hbm>>
      tpu.wait_dma2 semaphore(%arg18 : memref<!tpu.dma_semaphore, #tpu.memory_space<semaphore_mem>>) src(%dma_wait3A_304 : memref<2048xf32, #tpu.memory_space<hbm>>) dst(%dma_wait3A_303 : memref<2048xf32, #tpu.memory_space<vmem>>)
      %dma_wait3A_305 = arith.constant 8192 : i32
      %dma_wait3A_306 = tpu.memref_slice %arg10[%dma_wait3A_305] : memref<38912xf32, #tpu.memory_space<vmem>> -> memref<2048xf32, #tpu.memory_space<vmem>>
      %dma_wait3A_307 = tpu.memref_slice %arg2[%add3A_111] : memref<39845888xf32, #tpu.memory_space<hbm>> -> memref<2048xf32, #tpu.memory_space<hbm>>
      %dma_wait3A_308 = arith.constant 8192 : i32
      %dma_wait3A_309 = tpu.memref_slice %arg10[%dma_wait3A_308] : memref<38912xf32, #tpu.memory_space<vmem>> -> memref<2048xf32, #tpu.memory_space<vmem>>
      %dma_wait3A_310 = tpu.memref_slice %arg2[%add3A_111] : memref<39845888xf32, #tpu.memory_space<hbm>> -> memref<2048xf32, #tpu.memory_space<hbm>>
      tpu.wait_dma2 semaphore(%arg18 : memref<!tpu.dma_semaphore, #tpu.memory_space<semaphore_mem>>) src(%dma_wait3A_310 : memref<2048xf32, #tpu.memory_space<hbm>>) dst(%dma_wait3A_309 : memref<2048xf32, #tpu.memory_space<vmem>>)
      %dma_wait3A_311 = arith.constant 10240 : i32
      %dma_wait3A_312 = tpu.memref_slice %arg10[%dma_wait3A_311] : memref<38912xf32, #tpu.memory_space<vmem>> -> memref<2048xf32, #tpu.memory_space<vmem>>
      %dma_wait3A_313 = tpu.memref_slice %arg2[%add3A_122] : memref<39845888xf32, #tpu.memory_space<hbm>> -> memref<2048xf32, #tpu.memory_space<hbm>>
      %dma_wait3A_314 = arith.constant 10240 : i32
      %dma_wait3A_315 = tpu.memref_slice %arg10[%dma_wait3A_314] : memref<38912xf32, #tpu.memory_space<vmem>> -> memref<2048xf32, #tpu.memory_space<vmem>>
      %dma_wait3A_316 = tpu.memref_slice %arg2[%add3A_122] : memref<39845888xf32, #tpu.memory_space<hbm>> -> memref<2048xf32, #tpu.memory_space<hbm>>
      tpu.wait_dma2 semaphore(%arg18 : memref<!tpu.dma_semaphore, #tpu.memory_space<semaphore_mem>>) src(%dma_wait3A_316 : memref<2048xf32, #tpu.memory_space<hbm>>) dst(%dma_wait3A_315 : memref<2048xf32, #tpu.memory_space<vmem>>)
      %dma_wait3A_317 = arith.constant 12288 : i32
      %dma_wait3A_318 = tpu.memref_slice %arg10[%dma_wait3A_317] : memref<38912xf32, #tpu.memory_space<vmem>> -> memref<2048xf32, #tpu.memory_space<vmem>>
      %dma_wait3A_319 = tpu.memref_slice %arg2[%add3A_133] : memref<39845888xf32, #tpu.memory_space<hbm>> -> memref<2048xf32, #tpu.memory_space<hbm>>
      %dma_wait3A_320 = arith.constant 12288 : i32
      %dma_wait3A_321 = tpu.memref_slice %arg10[%dma_wait3A_320] : memref<38912xf32, #tpu.memory_space<vmem>> -> memref<2048xf32, #tpu.memory_space<vmem>>
      %dma_wait3A_322 = tpu.memref_slice %arg2[%add3A_133] : memref<39845888xf32, #tpu.memory_space<hbm>> -> memref<2048xf32, #tpu.memory_space<hbm>>
      tpu.wait_dma2 semaphore(%arg18 : memref<!tpu.dma_semaphore, #tpu.memory_space<semaphore_mem>>) src(%dma_wait3A_322 : memref<2048xf32, #tpu.memory_space<hbm>>) dst(%dma_wait3A_321 : memref<2048xf32, #tpu.memory_space<vmem>>)
      %dma_wait3A_323 = arith.constant 14336 : i32
      %dma_wait3A_324 = tpu.memref_slice %arg10[%dma_wait3A_323] : memref<38912xf32, #tpu.memory_space<vmem>> -> memref<2048xf32, #tpu.memory_space<vmem>>
      %dma_wait3A_325 = tpu.memref_slice %arg2[%add3A_144] : memref<39845888xf32, #tpu.memory_space<hbm>> -> memref<2048xf32, #tpu.memory_space<hbm>>
      %dma_wait3A_326 = arith.constant 14336 : i32
      %dma_wait3A_327 = tpu.memref_slice %arg10[%dma_wait3A_326] : memref<38912xf32, #tpu.memory_space<vmem>> -> memref<2048xf32, #tpu.memory_space<vmem>>
      %dma_wait3A_328 = tpu.memref_slice %arg2[%add3A_144] : memref<39845888xf32, #tpu.memory_space<hbm>> -> memref<2048xf32, #tpu.memory_space<hbm>>
      tpu.wait_dma2 semaphore(%arg18 : memref<!tpu.dma_semaphore, #tpu.memory_space<semaphore_mem>>) src(%dma_wait3A_328 : memref<2048xf32, #tpu.memory_space<hbm>>) dst(%dma_wait3A_327 : memref<2048xf32, #tpu.memory_space<vmem>>)
      %dma_wait3A_329 = arith.constant 16384 : i32
      %dma_wait3A_330 = tpu.memref_slice %arg10[%dma_wait3A_329] : memref<38912xf32, #tpu.memory_space<vmem>> -> memref<2048xf32, #tpu.memory_space<vmem>>
      %dma_wait3A_331 = tpu.memref_slice %arg2[%add3A_155] : memref<39845888xf32, #tpu.memory_space<hbm>> -> memref<2048xf32, #tpu.memory_space<hbm>>
      %dma_wait3A_332 = arith.constant 16384 : i32
      %dma_wait3A_333 = tpu.memref_slice %arg10[%dma_wait3A_332] : memref<38912xf32, #tpu.memory_space<vmem>> -> memref<2048xf32, #tpu.memory_space<vmem>>
      %dma_wait3A_334 = tpu.memref_slice %arg2[%add3A_155] : memref<39845888xf32, #tpu.memory_space<hbm>> -> memref<2048xf32, #tpu.memory_space<hbm>>
      tpu.wait_dma2 semaphore(%arg18 : memref<!tpu.dma_semaphore, #tpu.memory_space<semaphore_mem>>) src(%dma_wait3A_334 : memref<2048xf32, #tpu.memory_space<hbm>>) dst(%dma_wait3A_333 : memref<2048xf32, #tpu.memory_space<vmem>>)
      %dma_wait3A_335 = arith.constant 18432 : i32
      %dma_wait3A_336 = tpu.memref_slice %arg10[%dma_wait3A_335] : memref<38912xf32, #tpu.memory_space<vmem>> -> memref<2048xf32, #tpu.memory_space<vmem>>
      %dma_wait3A_337 = tpu.memref_slice %arg2[%add3A_166] : memref<39845888xf32, #tpu.memory_space<hbm>> -> memref<2048xf32, #tpu.memory_space<hbm>>
      %dma_wait3A_338 = arith.constant 18432 : i32
      %dma_wait3A_339 = tpu.memref_slice %arg10[%dma_wait3A_338] : memref<38912xf32, #tpu.memory_space<vmem>> -> memref<2048xf32, #tpu.memory_space<vmem>>
      %dma_wait3A_340 = tpu.memref_slice %arg2[%add3A_166] : memref<39845888xf32, #tpu.memory_space<hbm>> -> memref<2048xf32, #tpu.memory_space<hbm>>
      tpu.wait_dma2 semaphore(%arg18 : memref<!tpu.dma_semaphore, #tpu.memory_space<semaphore_mem>>) src(%dma_wait3A_340 : memref<2048xf32, #tpu.memory_space<hbm>>) dst(%dma_wait3A_339 : memref<2048xf32, #tpu.memory_space<vmem>>)
      %dma_wait3A_341 = arith.constant 20480 : i32
      %dma_wait3A_342 = tpu.memref_slice %arg10[%dma_wait3A_341] : memref<38912xf32, #tpu.memory_space<vmem>> -> memref<2048xf32, #tpu.memory_space<vmem>>
      %dma_wait3A_343 = tpu.memref_slice %arg2[%add3A_177] : memref<39845888xf32, #tpu.memory_space<hbm>> -> memref<2048xf32, #tpu.memory_space<hbm>>
      %dma_wait3A_344 = arith.constant 20480 : i32
      %dma_wait3A_345 = tpu.memref_slice %arg10[%dma_wait3A_344] : memref<38912xf32, #tpu.memory_space<vmem>> -> memref<2048xf32, #tpu.memory_space<vmem>>
      %dma_wait3A_346 = tpu.memref_slice %arg2[%add3A_177] : memref<39845888xf32, #tpu.memory_space<hbm>> -> memref<2048xf32, #tpu.memory_space<hbm>>
      tpu.wait_dma2 semaphore(%arg18 : memref<!tpu.dma_semaphore, #tpu.memory_space<semaphore_mem>>) src(%dma_wait3A_346 : memref<2048xf32, #tpu.memory_space<hbm>>) dst(%dma_wait3A_345 : memref<2048xf32, #tpu.memory_space<vmem>>)
      %dma_wait3A_347 = arith.constant 22528 : i32
      %dma_wait3A_348 = tpu.memref_slice %arg10[%dma_wait3A_347] : memref<38912xf32, #tpu.memory_space<vmem>> -> memref<2048xf32, #tpu.memory_space<vmem>>
      %dma_wait3A_349 = tpu.memref_slice %arg2[%add3A_188] : memref<39845888xf32, #tpu.memory_space<hbm>> -> memref<2048xf32, #tpu.memory_space<hbm>>
      %dma_wait3A_350 = arith.constant 22528 : i32
      %dma_wait3A_351 = tpu.memref_slice %arg10[%dma_wait3A_350] : memref<38912xf32, #tpu.memory_space<vmem>> -> memref<2048xf32, #tpu.memory_space<vmem>>
      %dma_wait3A_352 = tpu.memref_slice %arg2[%add3A_188] : memref<39845888xf32, #tpu.memory_space<hbm>> -> memref<2048xf32, #tpu.memory_space<hbm>>
      tpu.wait_dma2 semaphore(%arg18 : memref<!tpu.dma_semaphore, #tpu.memory_space<semaphore_mem>>) src(%dma_wait3A_352 : memref<2048xf32, #tpu.memory_space<hbm>>) dst(%dma_wait3A_351 : memref<2048xf32, #tpu.memory_space<vmem>>)
      %dma_wait3A_353 = arith.constant 24576 : i32
      %dma_wait3A_354 = tpu.memref_slice %arg10[%dma_wait3A_353] : memref<38912xf32, #tpu.memory_space<vmem>> -> memref<2048xf32, #tpu.memory_space<vmem>>
      %dma_wait3A_355 = tpu.memref_slice %arg2[%add3A_199] : memref<39845888xf32, #tpu.memory_space<hbm>> -> memref<2048xf32, #tpu.memory_space<hbm>>
      %dma_wait3A_356 = arith.constant 24576 : i32
      %dma_wait3A_357 = tpu.memref_slice %arg10[%dma_wait3A_356] : memref<38912xf32, #tpu.memory_space<vmem>> -> memref<2048xf32, #tpu.memory_space<vmem>>
      %dma_wait3A_358 = tpu.memref_slice %arg2[%add3A_199] : memref<39845888xf32, #tpu.memory_space<hbm>> -> memref<2048xf32, #tpu.memory_space<hbm>>
      tpu.wait_dma2 semaphore(%arg18 : memref<!tpu.dma_semaphore, #tpu.memory_space<semaphore_mem>>) src(%dma_wait3A_358 : memref<2048xf32, #tpu.memory_space<hbm>>) dst(%dma_wait3A_357 : memref<2048xf32, #tpu.memory_space<vmem>>)
      %dma_wait3A_359 = arith.constant 26624 : i32
      %dma_wait3A_360 = tpu.memref_slice %arg10[%dma_wait3A_359] : memref<38912xf32, #tpu.memory_space<vmem>> -> memref<2048xf32, #tpu.memory_space<vmem>>
      %dma_wait3A_361 = tpu.memref_slice %arg2[%add3A_210] : memref<39845888xf32, #tpu.memory_space<hbm>> -> memref<2048xf32, #tpu.memory_space<hbm>>
      %dma_wait3A_362 = arith.constant 26624 : i32
      %dma_wait3A_363 = tpu.memref_slice %arg10[%dma_wait3A_362] : memref<38912xf32, #tpu.memory_space<vmem>> -> memref<2048xf32, #tpu.memory_space<vmem>>
      %dma_wait3A_364 = tpu.memref_slice %arg2[%add3A_210] : memref<39845888xf32, #tpu.memory_space<hbm>> -> memref<2048xf32, #tpu.memory_space<hbm>>
      tpu.wait_dma2 semaphore(%arg18 : memref<!tpu.dma_semaphore, #tpu.memory_space<semaphore_mem>>) src(%dma_wait3A_364 : memref<2048xf32, #tpu.memory_space<hbm>>) dst(%dma_wait3A_363 : memref<2048xf32, #tpu.memory_space<vmem>>)
      %dma_wait3A_365 = arith.constant 28672 : i32
      %dma_wait3A_366 = tpu.memref_slice %arg10[%dma_wait3A_365] : memref<38912xf32, #tpu.memory_space<vmem>> -> memref<2048xf32, #tpu.memory_space<vmem>>
      %dma_wait3A_367 = tpu.memref_slice %arg2[%add3A_221] : memref<39845888xf32, #tpu.memory_space<hbm>> -> memref<2048xf32, #tpu.memory_space<hbm>>
      %dma_wait3A_368 = arith.constant 28672 : i32
      %dma_wait3A_369 = tpu.memref_slice %arg10[%dma_wait3A_368] : memref<38912xf32, #tpu.memory_space<vmem>> -> memref<2048xf32, #tpu.memory_space<vmem>>
      %dma_wait3A_370 = tpu.memref_slice %arg2[%add3A_221] : memref<39845888xf32, #tpu.memory_space<hbm>> -> memref<2048xf32, #tpu.memory_space<hbm>>
      tpu.wait_dma2 semaphore(%arg18 : memref<!tpu.dma_semaphore, #tpu.memory_space<semaphore_mem>>) src(%dma_wait3A_370 : memref<2048xf32, #tpu.memory_space<hbm>>) dst(%dma_wait3A_369 : memref<2048xf32, #tpu.memory_space<vmem>>)
      %dma_wait3A_371 = arith.constant 30720 : i32
      %dma_wait3A_372 = tpu.memref_slice %arg10[%dma_wait3A_371] : memref<38912xf32, #tpu.memory_space<vmem>> -> memref<2048xf32, #tpu.memory_space<vmem>>
      %dma_wait3A_373 = tpu.memref_slice %arg2[%add3A_232] : memref<39845888xf32, #tpu.memory_space<hbm>> -> memref<2048xf32, #tpu.memory_space<hbm>>
      %dma_wait3A_374 = arith.constant 30720 : i32
      %dma_wait3A_375 = tpu.memref_slice %arg10[%dma_wait3A_374] : memref<38912xf32, #tpu.memory_space<vmem>> -> memref<2048xf32, #tpu.memory_space<vmem>>
      %dma_wait3A_376 = tpu.memref_slice %arg2[%add3A_232] : memref<39845888xf32, #tpu.memory_space<hbm>> -> memref<2048xf32, #tpu.memory_space<hbm>>
      tpu.wait_dma2 semaphore(%arg18 : memref<!tpu.dma_semaphore, #tpu.memory_space<semaphore_mem>>) src(%dma_wait3A_376 : memref<2048xf32, #tpu.memory_space<hbm>>) dst(%dma_wait3A_375 : memref<2048xf32, #tpu.memory_space<vmem>>)
      %dma_wait3A_377 = arith.constant 32768 : i32
      %dma_wait3A_378 = tpu.memref_slice %arg10[%dma_wait3A_377] : memref<38912xf32, #tpu.memory_space<vmem>> -> memref<2048xf32, #tpu.memory_space<vmem>>
      %dma_wait3A_379 = tpu.memref_slice %arg2[%add3A_243] : memref<39845888xf32, #tpu.memory_space<hbm>> -> memref<2048xf32, #tpu.memory_space<hbm>>
      %dma_wait3A_380 = arith.constant 32768 : i32
      %dma_wait3A_381 = tpu.memref_slice %arg10[%dma_wait3A_380] : memref<38912xf32, #tpu.memory_space<vmem>> -> memref<2048xf32, #tpu.memory_space<vmem>>
      %dma_wait3A_382 = tpu.memref_slice %arg2[%add3A_243] : memref<39845888xf32, #tpu.memory_space<hbm>> -> memref<2048xf32, #tpu.memory_space<hbm>>
      tpu.wait_dma2 semaphore(%arg18 : memref<!tpu.dma_semaphore, #tpu.memory_space<semaphore_mem>>) src(%dma_wait3A_382 : memref<2048xf32, #tpu.memory_space<hbm>>) dst(%dma_wait3A_381 : memref<2048xf32, #tpu.memory_space<vmem>>)
      %dma_wait3A_383 = arith.constant 34816 : i32
      %dma_wait3A_384 = tpu.memref_slice %arg10[%dma_wait3A_383] : memref<38912xf32, #tpu.memory_space<vmem>> -> memref<2048xf32, #tpu.memory_space<vmem>>
      %dma_wait3A_385 = tpu.memref_slice %arg2[%add3A_254] : memref<39845888xf32, #tpu.memory_space<hbm>> -> memref<2048xf32, #tpu.memory_space<hbm>>
      %dma_wait3A_386 = arith.constant 34816 : i32
      %dma_wait3A_387 = tpu.memref_slice %arg10[%dma_wait3A_386] : memref<38912xf32, #tpu.memory_space<vmem>> -> memref<2048xf32, #tpu.memory_space<vmem>>
      %dma_wait3A_388 = tpu.memref_slice %arg2[%add3A_254] : memref<39845888xf32, #tpu.memory_space<hbm>> -> memref<2048xf32, #tpu.memory_space<hbm>>
      tpu.wait_dma2 semaphore(%arg18 : memref<!tpu.dma_semaphore, #tpu.memory_space<semaphore_mem>>) src(%dma_wait3A_388 : memref<2048xf32, #tpu.memory_space<hbm>>) dst(%dma_wait3A_387 : memref<2048xf32, #tpu.memory_space<vmem>>)
      %dma_wait3A_389 = arith.constant 36864 : i32
      %dma_wait3A_390 = tpu.memref_slice %arg10[%dma_wait3A_389] : memref<38912xf32, #tpu.memory_space<vmem>> -> memref<2048xf32, #tpu.memory_space<vmem>>
      %dma_wait3A_391 = tpu.memref_slice %arg2[%add3A_265] : memref<39845888xf32, #tpu.memory_space<hbm>> -> memref<2048xf32, #tpu.memory_space<hbm>>
      %dma_wait3A_392 = arith.constant 36864 : i32
      %dma_wait3A_393 = tpu.memref_slice %arg10[%dma_wait3A_392] : memref<38912xf32, #tpu.memory_space<vmem>> -> memref<2048xf32, #tpu.memory_space<vmem>>
      %dma_wait3A_394 = tpu.memref_slice %arg2[%add3A_265] : memref<39845888xf32, #tpu.memory_space<hbm>> -> memref<2048xf32, #tpu.memory_space<hbm>>
      tpu.wait_dma2 semaphore(%arg18 : memref<!tpu.dma_semaphore, #tpu.memory_space<semaphore_mem>>) src(%dma_wait3A_394 : memref<2048xf32, #tpu.memory_space<hbm>>) dst(%dma_wait3A_393 : memref<2048xf32, #tpu.memory_space<vmem>>)
      %dma_wait3A_395 = tpu.memref_slice %arg3[%add3A_274] : memref<2097152xi32, #tpu.memory_space<hbm>> -> memref<2048xi32, #tpu.memory_space<hbm>>
      %dma_wait3A_396 = tpu.memref_slice %arg3[%add3A_274] : memref<2097152xi32, #tpu.memory_space<hbm>> -> memref<2048xi32, #tpu.memory_space<hbm>>
      tpu.wait_dma2 semaphore(%arg18 : memref<!tpu.dma_semaphore, #tpu.memory_space<semaphore_mem>>) src(%dma_wait3A_396 : memref<2048xi32, #tpu.memory_space<hbm>>) dst(%arg11 : memref<2048xi32, #tpu.memory_space<vmem>>)
      %dma_wait3A_397 = tpu.memref_slice %arg4[%add3A_279] : memref<2097152xf32, #tpu.memory_space<hbm>> -> memref<2048xf32, #tpu.memory_space<hbm>>
      %dma_wait3A_398 = tpu.memref_slice %arg4[%add3A_279] : memref<2097152xf32, #tpu.memory_space<hbm>> -> memref<2048xf32, #tpu.memory_space<hbm>>
      tpu.wait_dma2 semaphore(%arg18 : memref<!tpu.dma_semaphore, #tpu.memory_space<semaphore_mem>>) src(%dma_wait3A_398 : memref<2048xf32, #tpu.memory_space<hbm>>) dst(%arg12 : memref<2048xf32, #tpu.memory_space<vmem>>)
      %scan3A_399 = arith.constant 0 : i32
      %scan3A_400 = arith.constant 128 : i32
      %scan3A_401 = arith.addi %scan3A_399, %scan3A_400 : i32
      %scan3A_402 = arith.constant 1 : i32
      %scan3A_403:3 = scf.for %scan3A_405 = %scan3A_399 to %scan3A_401 step %scan3A_402 iter_args(%scan3A_406 = %scan3A_56, %scan3A_407 = %scan3A_57, %scan3A_408 = %scan3A_58) -> (vector<16xi32>, vector<16xi32>, vector<16xf32>)  : i32 {
        %mul3A_409 = arith.constant 16 : i32
        %mul3A_410 = arith.muli %scan3A_405, %mul3A_409 : i32
        %get3A_411 = arith.index_cast %mul3A_410 : i32 to index
        %get3A_412 = tpu.vector_load %arg11[%get3A_411] {strides = array<i32>} : memref<2048xi32, #tpu.memory_space<vmem>>, vector<16xi32>,
        %mul3A_413 = arith.constant 16 : i32
        %mul3A_414 = arith.muli %scan3A_405, %mul3A_413 : i32
        %get3A_415 = arith.index_cast %mul3A_414 : i32 to index
        %get3A_416 = tpu.vector_load %arg12[%get3A_415] {strides = array<i32>} : memref<2048xf32, #tpu.memory_space<vmem>>, vector<16xf32>,
        %ne3A_417 = arith.constant 255 : i32
        %ne3A_418 = vector.broadcast %ne3A_417 : i32 to vector<16xi32>
        %ne3A_419 = arith.cmpi ne, %get3A_412, %ne3A_418 : vector<16xi32>
        %jit3A_420 = arith.constant 0 : i32
        %broadcast_in_dim3A_421 = vector.broadcast %jit3A_420 : i32 to vector<16xi32>
        %select_n3A_422 = arith.select %ne3A_419, %get3A_412, %broadcast_in_dim3A_421 : vector<16xi1>, vector<16xi32>
        %mul3A_423 = arith.constant 16 : i32
        %mul3A_424 = arith.muli %scan3A_405, %mul3A_423 : i32
        %iota3A = tpu.iota {dimensions = array<i32: 0>} : vector<16xi32>
        %add3A_425 = vector.broadcast %mul3A_424 : i32 to vector<16xi32>
        %add3A_426 = arith.addi %add3A_425, %iota3A : vector<16xi32>
        %mul3A_427 = arith.constant 2048 : i32
        %mul3A_428 = vector.broadcast %mul3A_427 : i32 to vector<16xi32>
        %mul3A_429 = arith.muli %select_n3A_422, %mul3A_428 : vector<16xi32>
        %add3A_430 = arith.addi %mul3A_429, %add3A_426 : vector<16xi32>
        %gather3A = tpu.vector_load_idx %arg10[%add3A_430] : memref<38912xf32, #tpu.memory_space<vmem>>[vector<16xi32>], vector<16xf32>,
        %neg3A = arith.constant 0.000000e+00 : f32
        %neg3A_431 = vector.broadcast %neg3A : f32 to vector<16xf32>
        %neg3A_432 = arith.subf %neg3A_431, %gather3A : vector<16xf32>
        %mul3A_433 = arith.mulf %get3A_416, %neg3A_432 : vector<16xf32>
        %broadcast_in_dim3A_434 = arith.constant 0.000000e+00 : f32
        %broadcast_in_dim3A_435 = vector.broadcast %broadcast_in_dim3A_434 : f32 to vector<16xf32>
        %select_n3A_436 = arith.select %ne3A_419, %mul3A_433, %broadcast_in_dim3A_435 : vector<16xi1>, vector<16xf32>
        %bitcast3A = vector.bitcast %select_n3A_436 : vector<16xf32> to vector<16xi32>
        %shift_right_logical3A = arith.constant 31 : i32
        %shift_right_logical3A_437 = vector.broadcast %shift_right_logical3A : i32 to vector<16xi32>
        %shift_right_logical3A_438 = arith.shrui %bitcast3A, %shift_right_logical3A_437 : vector<16xi32>
        %broadcast_in_dim3A_439 = arith.constant 0 : i32
        %broadcast_in_dim3A_440 = vector.broadcast %broadcast_in_dim3A_439 : i32 to vector<16xi32>
        %sub3A_441 = arith.subi %broadcast_in_dim3A_440, %shift_right_logical3A_438 : vector<16xi32>
        %or3A = arith.constant -2147483648 : i32
        %or3A_442 = vector.broadcast %or3A : i32 to vector<16xi32>
        %or3A_443 = arith.ori %sub3A_441, %or3A_442 : vector<16xi32>
        %xor3A = arith.xori %bitcast3A, %or3A_443 : vector<16xi32>
        %ge3A = arith.cmpi uge, %xor3A, %get3A_31 : vector<16xi32>
        %broadcast_in_dim3A_444 = arith.constant 1 : i32
        %broadcast_in_dim3A_445 = vector.broadcast %broadcast_in_dim3A_444 : i32 to vector<16xi32>
        %broadcast_in_dim3A_446 = arith.constant 0 : i32
        %broadcast_in_dim3A_447 = vector.broadcast %broadcast_in_dim3A_446 : i32 to vector<16xi32>
        %select_n3A_448 = arith.select %ge3A, %broadcast_in_dim3A_445, %broadcast_in_dim3A_447 : vector<16xi1>, vector<16xi32>
        %add3A_449 = arith.addi %scan3A_406, %select_n3A_448 : vector<16xi32>
        %gt3A = arith.cmpf ogt, %select_n3A_436, %get3A_33 : vector<16xf32>
        %broadcast_in_dim3A_450 = arith.constant 1 : i32
        %broadcast_in_dim3A_451 = vector.broadcast %broadcast_in_dim3A_450 : i32 to vector<16xi32>
        %broadcast_in_dim3A_452 = arith.constant 0 : i32
        %broadcast_in_dim3A_453 = vector.broadcast %broadcast_in_dim3A_452 : i32 to vector<16xi32>
        %select_n3A_454 = arith.select %gt3A, %broadcast_in_dim3A_451, %broadcast_in_dim3A_453 : vector<16xi1>, vector<16xi32>
        %add3A_455 = arith.addi %scan3A_407, %select_n3A_454 : vector<16xi32>
        %broadcast_in_dim3A_456 = arith.constant 0.000000e+00 : f32
        %broadcast_in_dim3A_457 = vector.broadcast %broadcast_in_dim3A_456 : f32 to vector<16xf32>
        %select_n3A_458 = arith.select %gt3A, %select_n3A_436, %broadcast_in_dim3A_457 : vector<16xi1>, vector<16xf32>
        %add3A_459 = arith.addf %scan3A_408, %select_n3A_458 : vector<16xf32>
        scf.yield %add3A_449, %add3A_455, %add3A_459 : vector<16xi32>, vector<16xi32>, vector<16xf32>
      }
      %scan3A_404 = arith.constant 128 : i32
      scf.yield %scan3A_403#0, %scan3A_403#1, %scan3A_403#2 : vector<16xi32>, vector<16xi32>, vector<16xf32>
    }
    %scan3A_43 = arith.constant 32 : i32
    %swap3A = arith.constant 0 : index
    %swap3A_44 = tpu.vector_load %arg15[%swap3A] {strides = array<i32>} : memref<16xi32, #tpu.memory_space<vmem>>, vector<16xi32>,
    tpu.vector_store %arg15[%swap3A], %scan3A_42#0 {strides = array<i32>} : memref<16xi32, #tpu.memory_space<vmem>>, vector<16xi32>,
    %swap3A_45 = arith.constant 0 : index
    %swap3A_46 = tpu.vector_load %arg16[%swap3A_45] {strides = array<i32>} : memref<16xi32, #tpu.memory_space<vmem>>, vector<16xi32>,
    tpu.vector_store %arg16[%swap3A_45], %scan3A_42#1 {strides = array<i32>} : memref<16xi32, #tpu.memory_space<vmem>>, vector<16xi32>,
    %swap3A_47 = arith.constant 0 : index
    %swap3A_48 = tpu.vector_load %arg17[%swap3A_47] {strides = array<i32>} : memref<16xf32, #tpu.memory_space<vmem>>, vector<16xf32>,
    tpu.vector_store %arg17[%swap3A_47], %scan3A_42#2 {strides = array<i32>} : memref<16xf32, #tpu.memory_space<vmem>>, vector<16xf32>,
    %mul3A_49 = arith.constant 16 : i32
    %mul3A_50 = arith.muli %add3A, %mul3A_49 : i32
    "tpu.region"() ({
      %run_scoped3A = tpu.sem_alloc : memref<!tpu.dma_semaphore, #tpu.memory_space<semaphore_mem>>
      %dma_start3A = tpu.memref_slice %arg7[%mul3A_50] : memref<512xi32, #tpu.memory_space<hbm>> -> memref<16xi32, #tpu.memory_space<hbm>>
      %dma_start3A_55 = tpu.memref_slice %arg7[%mul3A_50] : memref<512xi32, #tpu.memory_space<hbm>> -> memref<16xi32, #tpu.memory_space<hbm>>
      tpu.enqueue_dma source(%arg15 : memref<16xi32, #tpu.memory_space<vmem>>) target(%dma_start3A_55 : memref<16xi32, #tpu.memory_space<hbm>>) target_semaphore(%run_scoped3A : memref<!tpu.dma_semaphore, #tpu.memory_space<semaphore_mem>>)
      %dma_wait3A = tpu.memref_slice %arg7[%mul3A_50] : memref<512xi32, #tpu.memory_space<hbm>> -> memref<16xi32, #tpu.memory_space<hbm>>
      %dma_wait3A_56 = tpu.memref_slice %arg7[%mul3A_50] : memref<512xi32, #tpu.memory_space<hbm>> -> memref<16xi32, #tpu.memory_space<hbm>>
      tpu.wait_dma2 semaphore(%run_scoped3A : memref<!tpu.dma_semaphore, #tpu.memory_space<semaphore_mem>>) src(%arg15 : memref<16xi32, #tpu.memory_space<vmem>>) dst(%dma_wait3A_56 : memref<16xi32, #tpu.memory_space<hbm>>)
      tpu.yield
    }) : () -> ()
    %mul3A_51 = arith.constant 16 : i32
    %mul3A_52 = arith.muli %add3A, %mul3A_51 : i32
    "tpu.region"() ({
      %run_scoped3A = tpu.sem_alloc : memref<!tpu.dma_semaphore, #tpu.memory_space<semaphore_mem>>
      %dma_start3A = tpu.memref_slice %arg8[%mul3A_52] : memref<512xi32, #tpu.memory_space<hbm>> -> memref<16xi32, #tpu.memory_space<hbm>>
      %dma_start3A_55 = tpu.memref_slice %arg8[%mul3A_52] : memref<512xi32, #tpu.memory_space<hbm>> -> memref<16xi32, #tpu.memory_space<hbm>>
      tpu.enqueue_dma source(%arg16 : memref<16xi32, #tpu.memory_space<vmem>>) target(%dma_start3A_55 : memref<16xi32, #tpu.memory_space<hbm>>) target_semaphore(%run_scoped3A : memref<!tpu.dma_semaphore, #tpu.memory_space<semaphore_mem>>)
      %dma_wait3A = tpu.memref_slice %arg8[%mul3A_52] : memref<512xi32, #tpu.memory_space<hbm>> -> memref<16xi32, #tpu.memory_space<hbm>>
      %dma_wait3A_56 = tpu.memref_slice %arg8[%mul3A_52] : memref<512xi32, #tpu.memory_space<hbm>> -> memref<16xi32, #tpu.memory_space<hbm>>
      tpu.wait_dma2 semaphore(%run_scoped3A : memref<!tpu.dma_semaphore, #tpu.memory_space<semaphore_mem>>) src(%arg16 : memref<16xi32, #tpu.memory_space<vmem>>) dst(%dma_wait3A_56 : memref<16xi32, #tpu.memory_space<hbm>>)
      tpu.yield
    }) : () -> ()
    %mul3A_53 = arith.constant 16 : i32
    %mul3A_54 = arith.muli %add3A, %mul3A_53 : i32
    "tpu.region"() ({
      %run_scoped3A = tpu.sem_alloc : memref<!tpu.dma_semaphore, #tpu.memory_space<semaphore_mem>>
      %dma_start3A = tpu.memref_slice %arg9[%mul3A_54] : memref<512xf32, #tpu.memory_space<hbm>> -> memref<16xf32, #tpu.memory_space<hbm>>
      %dma_start3A_55 = tpu.memref_slice %arg9[%mul3A_54] : memref<512xf32, #tpu.memory_space<hbm>> -> memref<16xf32, #tpu.memory_space<hbm>>
      tpu.enqueue_dma source(%arg17 : memref<16xf32, #tpu.memory_space<vmem>>) target(%dma_start3A_55 : memref<16xf32, #tpu.memory_space<hbm>>) target_semaphore(%run_scoped3A : memref<!tpu.dma_semaphore, #tpu.memory_space<semaphore_mem>>)
      %dma_wait3A = tpu.memref_slice %arg9[%mul3A_54] : memref<512xf32, #tpu.memory_space<hbm>> -> memref<16xf32, #tpu.memory_space<hbm>>
      %dma_wait3A_56 = tpu.memref_slice %arg9[%mul3A_54] : memref<512xf32, #tpu.memory_space<hbm>> -> memref<16xf32, #tpu.memory_space<hbm>>
      tpu.wait_dma2 semaphore(%run_scoped3A : memref<!tpu.dma_semaphore, #tpu.memory_space<semaphore_mem>>) src(%arg17 : memref<16xf32, #tpu.memory_space<vmem>>) dst(%dma_wait3A_56 : memref<16xf32, #tpu.memory_space<hbm>>)
      tpu.yield
    }) : () -> ()
    return
  }
}

#map = affine_map<(d0, d1) -> (0)>
module attributes {stable_mosaic.version = 14 : i64} {
  func.func @_stats_kernel(%arg0: i32, %arg1: i32, %arg2: memref<39845888xf32, #tpu.memory_space<hbm>>, %arg3: memref<2097152xi32, #tpu.memory_space<hbm>>, %arg4: memref<2097152xf32, #tpu.memory_space<hbm>>, %arg5: memref<16xi32, #tpu.memory_space<hbm>>, %arg6: memref<16xf32, #tpu.memory_space<hbm>>, %arg7: memref<512xi32, #tpu.memory_space<hbm>>, %arg8: memref<512xi32, #tpu.memory_space<hbm>>, %arg9: memref<512xf32, #tpu.memory_space<hbm>>, %arg10: memref<38912xf32, #tpu.memory_space<vmem>>, %arg11: memref<2048xi32, #tpu.memory_space<vmem>>, %arg12: memref<2048xf32, #tpu.memory_space<vmem>>, %arg13: memref<16xi32, #tpu.memory_space<vmem>>, %arg14: memref<16xf32, #tpu.memory_space<vmem>>, %arg15: memref<16xi32, #tpu.memory_space<vmem>>, %arg16: memref<16xi32, #tpu.memory_space<vmem>>, %arg17: memref<16xf32, #tpu.memory_space<vmem>>, %arg18: memref<!tpu.dma_semaphore, #tpu.memory_space<semaphore_mem>>) attributes {dimension_semantics = [#tpu.dimension_semantics<core_parallel>, #tpu.dimension_semantics<subcore_parallel>], iteration_bounds = array<i64: 2, 16>, scalar_prefetch = 0 : i64, scratch_operands = 9 : i64, tpu.core_type = #tpu.core_type<sc_vector_subcore>, window_params = [{transform_indices = #map}, {transform_indices = #map}, {transform_indices = #map}, {transform_indices = #map}, {transform_indices = #map}, {transform_indices = #map}, {transform_indices = #map}, {transform_indices = #map}]} {
    %mul3A = arith.constant 2 : i32
    %mul3A_0 = arith.muli %arg1, %mul3A : i32
    %add3A = arith.addi %mul3A_0, %arg0 : i32
    %jit3A = arith.constant 4 : i32
    %div3A = arith.divsi %add3A, %jit3A : i32
    %sign3A = arith.constant 0 : i32
    %sign3A_1 = arith.cmpi sgt, %add3A, %sign3A : i32
    %sign3A_2 = arith.extui %sign3A_1 : i1 to i32
    %sign3A_3 = arith.constant 0 : i32
    %sign3A_4 = arith.cmpi slt, %add3A, %sign3A_3 : i32
    %sign3A_5 = arith.extui %sign3A_4 : i1 to i32
    %sign3A_6 = arith.subi %sign3A_2, %sign3A_5 : i32
    %sign3A_7 = arith.constant 0 : i32
    %sign3A_8 = arith.cmpi sgt, %jit3A, %sign3A_7 : i32
    %sign3A_9 = arith.extui %sign3A_8 : i1 to i32
    %sign3A_10 = arith.constant 0 : i32
    %sign3A_11 = arith.cmpi slt, %jit3A, %sign3A_10 : i32
    %sign3A_12 = arith.extui %sign3A_11 : i1 to i32
    %sign3A_13 = arith.subi %sign3A_9, %sign3A_12 : i32
    %ne3A = arith.cmpi ne, %sign3A_6, %sign3A_13 : i32
    %rem3A = arith.remsi %add3A, %jit3A : i32
    %ne3A_14 = arith.constant 0 : i32
    %ne3A_15 = arith.cmpi ne, %rem3A, %ne3A_14 : i32
    %and3A = arith.andi %ne3A, %ne3A_15 : i1
    %sub3A = arith.constant 1 : i32
    %sub3A_16 = arith.subi %div3A, %sub3A : i32
    %select_n3A = arith.select %and3A, %sub3A_16, %div3A : i32
    %jit3A_17 = arith.constant 4 : i32
    %eq3A = arith.constant 0 : i32
    %eq3A_18 = arith.cmpi eq, %jit3A_17, %eq3A : i32
    %jit3A_19 = arith.constant 1 : i32
    %select_n3A_20 = arith.select %eq3A_18, %jit3A_19, %jit3A_17 : i32
    %rem3A_21 = arith.remsi %add3A, %select_n3A_20 : i32
    %ne3A_22 = arith.constant 0 : i32
    %ne3A_23 = arith.cmpi ne, %rem3A_21, %ne3A_22 : i32
    %lt3A = arith.constant 0 : i32
    %lt3A_24 = arith.cmpi slt, %rem3A_21, %lt3A : i32
    %lt3A_25 = arith.constant 0 : i32
    %lt3A_26 = arith.cmpi slt, %select_n3A_20, %lt3A_25 : i32
    %ne3A_27 = arith.xori %lt3A_24, %lt3A_26 : i1
    %and3A_28 = arith.andi %ne3A_27, %ne3A_23 : i1
    %add3A_29 = arith.addi %rem3A_21, %select_n3A_20 : i32
    %select_n3A_30 = arith.select %and3A_28, %add3A_29, %rem3A_21 : i32
    "tpu.region"() ({
      %run_scoped3A = tpu.sem_alloc : memref<!tpu.dma_semaphore, #tpu.memory_space<semaphore_mem>>
      tpu.enqueue_dma source(%arg5 : memref<16xi32, #tpu.memory_space<hbm>>) target(%arg13 : memref<16xi32, #tpu.memory_space<vmem>>) target_semaphore(%run_scoped3A : memref<!tpu.dma_semaphore, #tpu.memory_space<semaphore_mem>>)
      tpu.wait_dma2 semaphore(%run_scoped3A : memref<!tpu.dma_semaphore, #tpu.memory_space<semaphore_mem>>) src(%arg5 : memref<16xi32, #tpu.memory_space<hbm>>) dst(%arg13 : memref<16xi32, #tpu.memory_space<vmem>>)
      tpu.yield
    }) : () -> ()
    "tpu.region"() ({
      %run_scoped3A = tpu.sem_alloc : memref<!tpu.dma_semaphore, #tpu.memory_space<semaphore_mem>>
      tpu.enqueue_dma source(%arg6 : memref<16xf32, #tpu.memory_space<hbm>>) target(%arg14 : memref<16xf32, #tpu.memory_space<vmem>>) target_semaphore(%run_scoped3A : memref<!tpu.dma_semaphore, #tpu.memory_space<semaphore_mem>>)
      tpu.wait_dma2 semaphore(%run_scoped3A : memref<!tpu.dma_semaphore, #tpu.memory_space<semaphore_mem>>) src(%arg6 : memref<16xf32, #tpu.memory_space<hbm>>) dst(%arg14 : memref<16xf32, #tpu.memory_space<vmem>>)
      tpu.yield
    }) : () -> ()
    %get3A = arith.constant 0 : index
    %get3A_31 = tpu.vector_load %arg13[%get3A] {strides = array<i32>} : memref<16xi32, #tpu.memory_space<vmem>>, vector<16xi32>,
    %get3A_32 = arith.constant 0 : index
    %get3A_33 = tpu.vector_load %arg14[%get3A_32] {strides = array<i32>} : memref<16xf32, #tpu.memory_space<vmem>>, vector<16xf32>,
    %broadcast_in_dim3A = arith.constant 0 : i32
    %broadcast_in_dim3A_34 = vector.broadcast %broadcast_in_dim3A : i32 to vector<16xi32>
    %broadcast_in_dim3A_35 = arith.constant 0 : i32
    %broadcast_in_dim3A_36 = vector.broadcast %broadcast_in_dim3A_35 : i32 to vector<16xi32>
    %broadcast_in_dim3A_37 = arith.constant 0.000000e+00 : f32
    %broadcast_in_dim3A_38 = vector.broadcast %broadcast_in_dim3A_37 : f32 to vector<16xf32>
    %scan3A = arith.constant 0 : i32
    %scan3A_39 = arith.constant 32 : i32
    %scan3A_40 = arith.addi %scan3A, %scan3A_39 : i32
    %scan3A_41 = arith.constant 1 : i32
    %scan3A_42:3 = scf.for %scan3A_55 = %scan3A to %scan3A_40 step %scan3A_41 iter_args(%scan3A_56 = %broadcast_in_dim3A_34, %scan3A_57 = %broadcast_in_dim3A_36, %scan3A_58 = %broadcast_in_dim3A_38) -> (vector<16xi32>, vector<16xi32>, vector<16xf32>)  : i32 {
      %mul3A_59 = arith.constant 65536 : i32
      %mul3A_60 = arith.muli %select_n3A_30, %mul3A_59 : i32
      %mul3A_61 = arith.constant 2048 : i32
      %mul3A_62 = arith.muli %scan3A_55, %mul3A_61 : i32
      %add3A_63 = arith.addi %mul3A_60, %mul3A_62 : i32
      %mul3A_64 = arith.constant 4980736 : i32
      %mul3A_65 = arith.muli %select_n3A, %mul3A_64 : i32
      %add3A_66 = arith.constant 0 : i32
      %add3A_67 = arith.addi %mul3A_65, %add3A_66 : i32
      %add3A_68 = arith.addi %add3A_67, %add3A_63 : i32
      %dma_start3A = arith.constant 0 : i32
      %dma_start3A_69 = tpu.memref_slice %arg10[%dma_start3A] : memref<38912xf32, #tpu.memory_space<vmem>> -> memref<2048xf32, #tpu.memory_space<vmem>>
      %dma_start3A_70 = tpu.memref_slice %arg2[%add3A_68] : memref<39845888xf32, #tpu.memory_space<hbm>> -> memref<2048xf32, #tpu.memory_space<hbm>>
      %dma_start3A_71 = arith.constant 0 : i32
      %dma_start3A_72 = tpu.memref_slice %arg10[%dma_start3A_71] : memref<38912xf32, #tpu.memory_space<vmem>> -> memref<2048xf32, #tpu.memory_space<vmem>>
      %dma_start3A_73 = tpu.memref_slice %arg2[%add3A_68] : memref<39845888xf32, #tpu.memory_space<hbm>> -> memref<2048xf32, #tpu.memory_space<hbm>>
      tpu.enqueue_dma source(%dma_start3A_73 : memref<2048xf32, #tpu.memory_space<hbm>>) target(%dma_start3A_72 : memref<2048xf32, #tpu.memory_space<vmem>>) target_semaphore(%arg18 : memref<!tpu.dma_semaphore, #tpu.memory_space<semaphore_mem>>)
      %mul3A_74 = arith.constant 4980736 : i32
      %mul3A_75 = arith.muli %select_n3A, %mul3A_74 : i32
      %add3A_76 = arith.constant 262144 : i32
      %add3A_77 = arith.addi %mul3A_75, %add3A_76 : i32
      %add3A_78 = arith.addi %add3A_77, %add3A_63 : i32
      %dma_start3A_79 = arith.constant 2048 : i32
      %dma_start3A_80 = tpu.memref_slice %arg10[%dma_start3A_79] : memref<38912xf32, #tpu.memory_space<vmem>> -> memref<2048xf32, #tpu.memory_space<vmem>>
      %dma_start3A_81 = tpu.memref_slice %arg2[%add3A_78] : memref<39845888xf32, #tpu.memory_space<hbm>> -> memref<2048xf32, #tpu.memory_space<hbm>>
      %dma_start3A_82 = arith.constant 2048 : i32
      %dma_start3A_83 = tpu.memref_slice %arg10[%dma_start3A_82] : memref<38912xf32, #tpu.memory_space<vmem>> -> memref<2048xf32, #tpu.memory_space<vmem>>
      %dma_start3A_84 = tpu.memref_slice %arg2[%add3A_78] : memref<39845888xf32, #tpu.memory_space<hbm>> -> memref<2048xf32, #tpu.memory_space<hbm>>
      tpu.enqueue_dma source(%dma_start3A_84 : memref<2048xf32, #tpu.memory_space<hbm>>) target(%dma_start3A_83 : memref<2048xf32, #tpu.memory_space<vmem>>) target_semaphore(%arg18 : memref<!tpu.dma_semaphore, #tpu.memory_space<semaphore_mem>>)
      %mul3A_85 = arith.constant 4980736 : i32
      %mul3A_86 = arith.muli %select_n3A, %mul3A_85 : i32
      %add3A_87 = arith.constant 524288 : i32
      %add3A_88 = arith.addi %mul3A_86, %add3A_87 : i32
      %add3A_89 = arith.addi %add3A_88, %add3A_63 : i32
      %dma_start3A_90 = arith.constant 4096 : i32
      %dma_start3A_91 = tpu.memref_slice %arg10[%dma_start3A_90] : memref<38912xf32, #tpu.memory_space<vmem>> -> memref<2048xf32, #tpu.memory_space<vmem>>
      %dma_start3A_92 = tpu.memref_slice %arg2[%add3A_89] : memref<39845888xf32, #tpu.memory_space<hbm>> -> memref<2048xf32, #tpu.memory_space<hbm>>
      %dma_start3A_93 = arith.constant 4096 : i32
      %dma_start3A_94 = tpu.memref_slice %arg10[%dma_start3A_93] : memref<38912xf32, #tpu.memory_space<vmem>> -> memref<2048xf32, #tpu.memory_space<vmem>>
      %dma_start3A_95 = tpu.memref_slice %arg2[%add3A_89] : memref<39845888xf32, #tpu.memory_space<hbm>> -> memref<2048xf32, #tpu.memory_space<hbm>>
      tpu.enqueue_dma source(%dma_start3A_95 : memref<2048xf32, #tpu.memory_space<hbm>>) target(%dma_start3A_94 : memref<2048xf32, #tpu.memory_space<vmem>>) target_semaphore(%arg18 : memref<!tpu.dma_semaphore, #tpu.memory_space<semaphore_mem>>)
      %mul3A_96 = arith.constant 4980736 : i32
      %mul3A_97 = arith.muli %select_n3A, %mul3A_96 : i32
      %add3A_98 = arith.constant 786432 : i32
      %add3A_99 = arith.addi %mul3A_97, %add3A_98 : i32
      %add3A_100 = arith.addi %add3A_99, %add3A_63 : i32
      %dma_start3A_101 = arith.constant 6144 : i32
      %dma_start3A_102 = tpu.memref_slice %arg10[%dma_start3A_101] : memref<38912xf32, #tpu.memory_space<vmem>> -> memref<2048xf32, #tpu.memory_space<vmem>>
      %dma_start3A_103 = tpu.memref_slice %arg2[%add3A_100] : memref<39845888xf32, #tpu.memory_space<hbm>> -> memref<2048xf32, #tpu.memory_space<hbm>>
      %dma_start3A_104 = arith.constant 6144 : i32
      %dma_start3A_105 = tpu.memref_slice %arg10[%dma_start3A_104] : memref<38912xf32, #tpu.memory_space<vmem>> -> memref<2048xf32, #tpu.memory_space<vmem>>
      %dma_start3A_106 = tpu.memref_slice %arg2[%add3A_100] : memref<39845888xf32, #tpu.memory_space<hbm>> -> memref<2048xf32, #tpu.memory_space<hbm>>
      tpu.enqueue_dma source(%dma_start3A_106 : memref<2048xf32, #tpu.memory_space<hbm>>) target(%dma_start3A_105 : memref<2048xf32, #tpu.memory_space<vmem>>) target_semaphore(%arg18 : memref<!tpu.dma_semaphore, #tpu.memory_space<semaphore_mem>>)
      %mul3A_107 = arith.constant 4980736 : i32
      %mul3A_108 = arith.muli %select_n3A, %mul3A_107 : i32
      %add3A_109 = arith.constant 1048576 : i32
      %add3A_110 = arith.addi %mul3A_108, %add3A_109 : i32
      %add3A_111 = arith.addi %add3A_110, %add3A_63 : i32
      %dma_start3A_112 = arith.constant 8192 : i32
      %dma_start3A_113 = tpu.memref_slice %arg10[%dma_start3A_112] : memref<38912xf32, #tpu.memory_space<vmem>> -> memref<2048xf32, #tpu.memory_space<vmem>>
      %dma_start3A_114 = tpu.memref_slice %arg2[%add3A_111] : memref<39845888xf32, #tpu.memory_space<hbm>> -> memref<2048xf32, #tpu.memory_space<hbm>>
      %dma_start3A_115 = arith.constant 8192 : i32
      %dma_start3A_116 = tpu.memref_slice %arg10[%dma_start3A_115] : memref<38912xf32, #tpu.memory_space<vmem>> -> memref<2048xf32, #tpu.memory_space<vmem>>
      %dma_start3A_117 = tpu.memref_slice %arg2[%add3A_111] : memref<39845888xf32, #tpu.memory_space<hbm>> -> memref<2048xf32, #tpu.memory_space<hbm>>
      tpu.enqueue_dma source(%dma_start3A_117 : memref<2048xf32, #tpu.memory_space<hbm>>) target(%dma_start3A_116 : memref<2048xf32, #tpu.memory_space<vmem>>) target_semaphore(%arg18 : memref<!tpu.dma_semaphore, #tpu.memory_space<semaphore_mem>>)
      %mul3A_118 = arith.constant 4980736 : i32
      %mul3A_119 = arith.muli %select_n3A, %mul3A_118 : i32
      %add3A_120 = arith.constant 1310720 : i32
      %add3A_121 = arith.addi %mul3A_119, %add3A_120 : i32
      %add3A_122 = arith.addi %add3A_121, %add3A_63 : i32
      %dma_start3A_123 = arith.constant 10240 : i32
      %dma_start3A_124 = tpu.memref_slice %arg10[%dma_start3A_123] : memref<38912xf32, #tpu.memory_space<vmem>> -> memref<2048xf32, #tpu.memory_space<vmem>>
      %dma_start3A_125 = tpu.memref_slice %arg2[%add3A_122] : memref<39845888xf32, #tpu.memory_space<hbm>> -> memref<2048xf32, #tpu.memory_space<hbm>>
      %dma_start3A_126 = arith.constant 10240 : i32
      %dma_start3A_127 = tpu.memref_slice %arg10[%dma_start3A_126] : memref<38912xf32, #tpu.memory_space<vmem>> -> memref<2048xf32, #tpu.memory_space<vmem>>
      %dma_start3A_128 = tpu.memref_slice %arg2[%add3A_122] : memref<39845888xf32, #tpu.memory_space<hbm>> -> memref<2048xf32, #tpu.memory_space<hbm>>
      tpu.enqueue_dma source(%dma_start3A_128 : memref<2048xf32, #tpu.memory_space<hbm>>) target(%dma_start3A_127 : memref<2048xf32, #tpu.memory_space<vmem>>) target_semaphore(%arg18 : memref<!tpu.dma_semaphore, #tpu.memory_space<semaphore_mem>>)
      %mul3A_129 = arith.constant 4980736 : i32
      %mul3A_130 = arith.muli %select_n3A, %mul3A_129 : i32
      %add3A_131 = arith.constant 1572864 : i32
      %add3A_132 = arith.addi %mul3A_130, %add3A_131 : i32
      %add3A_133 = arith.addi %add3A_132, %add3A_63 : i32
      %dma_start3A_134 = arith.constant 12288 : i32
      %dma_start3A_135 = tpu.memref_slice %arg10[%dma_start3A_134] : memref<38912xf32, #tpu.memory_space<vmem>> -> memref<2048xf32, #tpu.memory_space<vmem>>
      %dma_start3A_136 = tpu.memref_slice %arg2[%add3A_133] : memref<39845888xf32, #tpu.memory_space<hbm>> -> memref<2048xf32, #tpu.memory_space<hbm>>
      %dma_start3A_137 = arith.constant 12288 : i32
      %dma_start3A_138 = tpu.memref_slice %arg10[%dma_start3A_137] : memref<38912xf32, #tpu.memory_space<vmem>> -> memref<2048xf32, #tpu.memory_space<vmem>>
      %dma_start3A_139 = tpu.memref_slice %arg2[%add3A_133] : memref<39845888xf32, #tpu.memory_space<hbm>> -> memref<2048xf32, #tpu.memory_space<hbm>>
      tpu.enqueue_dma source(%dma_start3A_139 : memref<2048xf32, #tpu.memory_space<hbm>>) target(%dma_start3A_138 : memref<2048xf32, #tpu.memory_space<vmem>>) target_semaphore(%arg18 : memref<!tpu.dma_semaphore, #tpu.memory_space<semaphore_mem>>)
      %mul3A_140 = arith.constant 4980736 : i32
      %mul3A_141 = arith.muli %select_n3A, %mul3A_140 : i32
      %add3A_142 = arith.constant 1835008 : i32
      %add3A_143 = arith.addi %mul3A_141, %add3A_142 : i32
      %add3A_144 = arith.addi %add3A_143, %add3A_63 : i32
      %dma_start3A_145 = arith.constant 14336 : i32
      %dma_start3A_146 = tpu.memref_slice %arg10[%dma_start3A_145] : memref<38912xf32, #tpu.memory_space<vmem>> -> memref<2048xf32, #tpu.memory_space<vmem>>
      %dma_start3A_147 = tpu.memref_slice %arg2[%add3A_144] : memref<39845888xf32, #tpu.memory_space<hbm>> -> memref<2048xf32, #tpu.memory_space<hbm>>
      %dma_start3A_148 = arith.constant 14336 : i32
      %dma_start3A_149 = tpu.memref_slice %arg10[%dma_start3A_148] : memref<38912xf32, #tpu.memory_space<vmem>> -> memref<2048xf32, #tpu.memory_space<vmem>>
      %dma_start3A_150 = tpu.memref_slice %arg2[%add3A_144] : memref<39845888xf32, #tpu.memory_space<hbm>> -> memref<2048xf32, #tpu.memory_space<hbm>>
      tpu.enqueue_dma source(%dma_start3A_150 : memref<2048xf32, #tpu.memory_space<hbm>>) target(%dma_start3A_149 : memref<2048xf32, #tpu.memory_space<vmem>>) target_semaphore(%arg18 : memref<!tpu.dma_semaphore, #tpu.memory_space<semaphore_mem>>)
      %mul3A_151 = arith.constant 4980736 : i32
      %mul3A_152 = arith.muli %select_n3A, %mul3A_151 : i32
      %add3A_153 = arith.constant 2097152 : i32
      %add3A_154 = arith.addi %mul3A_152, %add3A_153 : i32
      %add3A_155 = arith.addi %add3A_154, %add3A_63 : i32
      %dma_start3A_156 = arith.constant 16384 : i32
      %dma_start3A_157 = tpu.memref_slice %arg10[%dma_start3A_156] : memref<38912xf32, #tpu.memory_space<vmem>> -> memref<2048xf32, #tpu.memory_space<vmem>>
      %dma_start3A_158 = tpu.memref_slice %arg2[%add3A_155] : memref<39845888xf32, #tpu.memory_space<hbm>> -> memref<2048xf32, #tpu.memory_space<hbm>>
      %dma_start3A_159 = arith.constant 16384 : i32
      %dma_start3A_160 = tpu.memref_slice %arg10[%dma_start3A_159] : memref<38912xf32, #tpu.memory_space<vmem>> -> memref<2048xf32, #tpu.memory_space<vmem>>
      %dma_start3A_161 = tpu.memref_slice %arg2[%add3A_155] : memref<39845888xf32, #tpu.memory_space<hbm>> -> memref<2048xf32, #tpu.memory_space<hbm>>
      tpu.enqueue_dma source(%dma_start3A_161 : memref<2048xf32, #tpu.memory_space<hbm>>) target(%dma_start3A_160 : memref<2048xf32, #tpu.memory_space<vmem>>) target_semaphore(%arg18 : memref<!tpu.dma_semaphore, #tpu.memory_space<semaphore_mem>>)
      %mul3A_162 = arith.constant 4980736 : i32
      %mul3A_163 = arith.muli %select_n3A, %mul3A_162 : i32
      %add3A_164 = arith.constant 2359296 : i32
      %add3A_165 = arith.addi %mul3A_163, %add3A_164 : i32
      %add3A_166 = arith.addi %add3A_165, %add3A_63 : i32
      %dma_start3A_167 = arith.constant 18432 : i32
      %dma_start3A_168 = tpu.memref_slice %arg10[%dma_start3A_167] : memref<38912xf32, #tpu.memory_space<vmem>> -> memref<2048xf32, #tpu.memory_space<vmem>>
      %dma_start3A_169 = tpu.memref_slice %arg2[%add3A_166] : memref<39845888xf32, #tpu.memory_space<hbm>> -> memref<2048xf32, #tpu.memory_space<hbm>>
      %dma_start3A_170 = arith.constant 18432 : i32
      %dma_start3A_171 = tpu.memref_slice %arg10[%dma_start3A_170] : memref<38912xf32, #tpu.memory_space<vmem>> -> memref<2048xf32, #tpu.memory_space<vmem>>
      %dma_start3A_172 = tpu.memref_slice %arg2[%add3A_166] : memref<39845888xf32, #tpu.memory_space<hbm>> -> memref<2048xf32, #tpu.memory_space<hbm>>
      tpu.enqueue_dma source(%dma_start3A_172 : memref<2048xf32, #tpu.memory_space<hbm>>) target(%dma_start3A_171 : memref<2048xf32, #tpu.memory_space<vmem>>) target_semaphore(%arg18 : memref<!tpu.dma_semaphore, #tpu.memory_space<semaphore_mem>>)
      %mul3A_173 = arith.constant 4980736 : i32
      %mul3A_174 = arith.muli %select_n3A, %mul3A_173 : i32
      %add3A_175 = arith.constant 2621440 : i32
      %add3A_176 = arith.addi %mul3A_174, %add3A_175 : i32
      %add3A_177 = arith.addi %add3A_176, %add3A_63 : i32
      %dma_start3A_178 = arith.constant 20480 : i32
      %dma_start3A_179 = tpu.memref_slice %arg10[%dma_start3A_178] : memref<38912xf32, #tpu.memory_space<vmem>> -> memref<2048xf32, #tpu.memory_space<vmem>>
      %dma_start3A_180 = tpu.memref_slice %arg2[%add3A_177] : memref<39845888xf32, #tpu.memory_space<hbm>> -> memref<2048xf32, #tpu.memory_space<hbm>>
      %dma_start3A_181 = arith.constant 20480 : i32
      %dma_start3A_182 = tpu.memref_slice %arg10[%dma_start3A_181] : memref<38912xf32, #tpu.memory_space<vmem>> -> memref<2048xf32, #tpu.memory_space<vmem>>
      %dma_start3A_183 = tpu.memref_slice %arg2[%add3A_177] : memref<39845888xf32, #tpu.memory_space<hbm>> -> memref<2048xf32, #tpu.memory_space<hbm>>
      tpu.enqueue_dma source(%dma_start3A_183 : memref<2048xf32, #tpu.memory_space<hbm>>) target(%dma_start3A_182 : memref<2048xf32, #tpu.memory_space<vmem>>) target_semaphore(%arg18 : memref<!tpu.dma_semaphore, #tpu.memory_space<semaphore_mem>>)
      %mul3A_184 = arith.constant 4980736 : i32
      %mul3A_185 = arith.muli %select_n3A, %mul3A_184 : i32
      %add3A_186 = arith.constant 2883584 : i32
      %add3A_187 = arith.addi %mul3A_185, %add3A_186 : i32
      %add3A_188 = arith.addi %add3A_187, %add3A_63 : i32
      %dma_start3A_189 = arith.constant 22528 : i32
      %dma_start3A_190 = tpu.memref_slice %arg10[%dma_start3A_189] : memref<38912xf32, #tpu.memory_space<vmem>> -> memref<2048xf32, #tpu.memory_space<vmem>>
      %dma_start3A_191 = tpu.memref_slice %arg2[%add3A_188] : memref<39845888xf32, #tpu.memory_space<hbm>> -> memref<2048xf32, #tpu.memory_space<hbm>>
      %dma_start3A_192 = arith.constant 22528 : i32
      %dma_start3A_193 = tpu.memref_slice %arg10[%dma_start3A_192] : memref<38912xf32, #tpu.memory_space<vmem>> -> memref<2048xf32, #tpu.memory_space<vmem>>
      %dma_start3A_194 = tpu.memref_slice %arg2[%add3A_188] : memref<39845888xf32, #tpu.memory_space<hbm>> -> memref<2048xf32, #tpu.memory_space<hbm>>
      tpu.enqueue_dma source(%dma_start3A_194 : memref<2048xf32, #tpu.memory_space<hbm>>) target(%dma_start3A_193 : memref<2048xf32, #tpu.memory_space<vmem>>) target_semaphore(%arg18 : memref<!tpu.dma_semaphore, #tpu.memory_space<semaphore_mem>>)
      %mul3A_195 = arith.constant 4980736 : i32
      %mul3A_196 = arith.muli %select_n3A, %mul3A_195 : i32
      %add3A_197 = arith.constant 3145728 : i32
      %add3A_198 = arith.addi %mul3A_196, %add3A_197 : i32
      %add3A_199 = arith.addi %add3A_198, %add3A_63 : i32
      %dma_start3A_200 = arith.constant 24576 : i32
      %dma_start3A_201 = tpu.memref_slice %arg10[%dma_start3A_200] : memref<38912xf32, #tpu.memory_space<vmem>> -> memref<2048xf32, #tpu.memory_space<vmem>>
      %dma_start3A_202 = tpu.memref_slice %arg2[%add3A_199] : memref<39845888xf32, #tpu.memory_space<hbm>> -> memref<2048xf32, #tpu.memory_space<hbm>>
      %dma_start3A_203 = arith.constant 24576 : i32
      %dma_start3A_204 = tpu.memref_slice %arg10[%dma_start3A_203] : memref<38912xf32, #tpu.memory_space<vmem>> -> memref<2048xf32, #tpu.memory_space<vmem>>
      %dma_start3A_205 = tpu.memref_slice %arg2[%add3A_199] : memref<39845888xf32, #tpu.memory_space<hbm>> -> memref<2048xf32, #tpu.memory_space<hbm>>
      tpu.enqueue_dma source(%dma_start3A_205 : memref<2048xf32, #tpu.memory_space<hbm>>) target(%dma_start3A_204 : memref<2048xf32, #tpu.memory_space<vmem>>) target_semaphore(%arg18 : memref<!tpu.dma_semaphore, #tpu.memory_space<semaphore_mem>>)
      %mul3A_206 = arith.constant 4980736 : i32
      %mul3A_207 = arith.muli %select_n3A, %mul3A_206 : i32
      %add3A_208 = arith.constant 3407872 : i32
      %add3A_209 = arith.addi %mul3A_207, %add3A_208 : i32
      %add3A_210 = arith.addi %add3A_209, %add3A_63 : i32
      %dma_start3A_211 = arith.constant 26624 : i32
      %dma_start3A_212 = tpu.memref_slice %arg10[%dma_start3A_211] : memref<38912xf32, #tpu.memory_space<vmem>> -> memref<2048xf32, #tpu.memory_space<vmem>>
      %dma_start3A_213 = tpu.memref_slice %arg2[%add3A_210] : memref<39845888xf32, #tpu.memory_space<hbm>> -> memref<2048xf32, #tpu.memory_space<hbm>>
      %dma_start3A_214 = arith.constant 26624 : i32
      %dma_start3A_215 = tpu.memref_slice %arg10[%dma_start3A_214] : memref<38912xf32, #tpu.memory_space<vmem>> -> memref<2048xf32, #tpu.memory_space<vmem>>
      %dma_start3A_216 = tpu.memref_slice %arg2[%add3A_210] : memref<39845888xf32, #tpu.memory_space<hbm>> -> memref<2048xf32, #tpu.memory_space<hbm>>
      tpu.enqueue_dma source(%dma_start3A_216 : memref<2048xf32, #tpu.memory_space<hbm>>) target(%dma_start3A_215 : memref<2048xf32, #tpu.memory_space<vmem>>) target_semaphore(%arg18 : memref<!tpu.dma_semaphore, #tpu.memory_space<semaphore_mem>>)
      %mul3A_217 = arith.constant 4980736 : i32
      %mul3A_218 = arith.muli %select_n3A, %mul3A_217 : i32
      %add3A_219 = arith.constant 3670016 : i32
      %add3A_220 = arith.addi %mul3A_218, %add3A_219 : i32
      %add3A_221 = arith.addi %add3A_220, %add3A_63 : i32
      %dma_start3A_222 = arith.constant 28672 : i32
      %dma_start3A_223 = tpu.memref_slice %arg10[%dma_start3A_222] : memref<38912xf32, #tpu.memory_space<vmem>> -> memref<2048xf32, #tpu.memory_space<vmem>>
      %dma_start3A_224 = tpu.memref_slice %arg2[%add3A_221] : memref<39845888xf32, #tpu.memory_space<hbm>> -> memref<2048xf32, #tpu.memory_space<hbm>>
      %dma_start3A_225 = arith.constant 28672 : i32
      %dma_start3A_226 = tpu.memref_slice %arg10[%dma_start3A_225] : memref<38912xf32, #tpu.memory_space<vmem>> -> memref<2048xf32, #tpu.memory_space<vmem>>
      %dma_start3A_227 = tpu.memref_slice %arg2[%add3A_221] : memref<39845888xf32, #tpu.memory_space<hbm>> -> memref<2048xf32, #tpu.memory_space<hbm>>
      tpu.enqueue_dma source(%dma_start3A_227 : memref<2048xf32, #tpu.memory_space<hbm>>) target(%dma_start3A_226 : memref<2048xf32, #tpu.memory_space<vmem>>) target_semaphore(%arg18 : memref<!tpu.dma_semaphore, #tpu.memory_space<semaphore_mem>>)
      %mul3A_228 = arith.constant 4980736 : i32
      %mul3A_229 = arith.muli %select_n3A, %mul3A_228 : i32
      %add3A_230 = arith.constant 3932160 : i32
      %add3A_231 = arith.addi %mul3A_229, %add3A_230 : i32
      %add3A_232 = arith.addi %add3A_231, %add3A_63 : i32
      %dma_start3A_233 = arith.constant 30720 : i32
      %dma_start3A_234 = tpu.memref_slice %arg10[%dma_start3A_233] : memref<38912xf32, #tpu.memory_space<vmem>> -> memref<2048xf32, #tpu.memory_space<vmem>>
      %dma_start3A_235 = tpu.memref_slice %arg2[%add3A_232] : memref<39845888xf32, #tpu.memory_space<hbm>> -> memref<2048xf32, #tpu.memory_space<hbm>>
      %dma_start3A_236 = arith.constant 30720 : i32
      %dma_start3A_237 = tpu.memref_slice %arg10[%dma_start3A_236] : memref<38912xf32, #tpu.memory_space<vmem>> -> memref<2048xf32, #tpu.memory_space<vmem>>
      %dma_start3A_238 = tpu.memref_slice %arg2[%add3A_232] : memref<39845888xf32, #tpu.memory_space<hbm>> -> memref<2048xf32, #tpu.memory_space<hbm>>
      tpu.enqueue_dma source(%dma_start3A_238 : memref<2048xf32, #tpu.memory_space<hbm>>) target(%dma_start3A_237 : memref<2048xf32, #tpu.memory_space<vmem>>) target_semaphore(%arg18 : memref<!tpu.dma_semaphore, #tpu.memory_space<semaphore_mem>>)
      %mul3A_239 = arith.constant 4980736 : i32
      %mul3A_240 = arith.muli %select_n3A, %mul3A_239 : i32
      %add3A_241 = arith.constant 4194304 : i32
      %add3A_242 = arith.addi %mul3A_240, %add3A_241 : i32
      %add3A_243 = arith.addi %add3A_242, %add3A_63 : i32
      %dma_start3A_244 = arith.constant 32768 : i32
      %dma_start3A_245 = tpu.memref_slice %arg10[%dma_start3A_244] : memref<38912xf32, #tpu.memory_space<vmem>> -> memref<2048xf32, #tpu.memory_space<vmem>>
      %dma_start3A_246 = tpu.memref_slice %arg2[%add3A_243] : memref<39845888xf32, #tpu.memory_space<hbm>> -> memref<2048xf32, #tpu.memory_space<hbm>>
      %dma_start3A_247 = arith.constant 32768 : i32
      %dma_start3A_248 = tpu.memref_slice %arg10[%dma_start3A_247] : memref<38912xf32, #tpu.memory_space<vmem>> -> memref<2048xf32, #tpu.memory_space<vmem>>
      %dma_start3A_249 = tpu.memref_slice %arg2[%add3A_243] : memref<39845888xf32, #tpu.memory_space<hbm>> -> memref<2048xf32, #tpu.memory_space<hbm>>
      tpu.enqueue_dma source(%dma_start3A_249 : memref<2048xf32, #tpu.memory_space<hbm>>) target(%dma_start3A_248 : memref<2048xf32, #tpu.memory_space<vmem>>) target_semaphore(%arg18 : memref<!tpu.dma_semaphore, #tpu.memory_space<semaphore_mem>>)
      %mul3A_250 = arith.constant 4980736 : i32
      %mul3A_251 = arith.muli %select_n3A, %mul3A_250 : i32
      %add3A_252 = arith.constant 4456448 : i32
      %add3A_253 = arith.addi %mul3A_251, %add3A_252 : i32
      %add3A_254 = arith.addi %add3A_253, %add3A_63 : i32
      %dma_start3A_255 = arith.constant 34816 : i32
      %dma_start3A_256 = tpu.memref_slice %arg10[%dma_start3A_255] : memref<38912xf32, #tpu.memory_space<vmem>> -> memref<2048xf32, #tpu.memory_space<vmem>>
      %dma_start3A_257 = tpu.memref_slice %arg2[%add3A_254] : memref<39845888xf32, #tpu.memory_space<hbm>> -> memref<2048xf32, #tpu.memory_space<hbm>>
      %dma_start3A_258 = arith.constant 34816 : i32
      %dma_start3A_259 = tpu.memref_slice %arg10[%dma_start3A_258] : memref<38912xf32, #tpu.memory_space<vmem>> -> memref<2048xf32, #tpu.memory_space<vmem>>
      %dma_start3A_260 = tpu.memref_slice %arg2[%add3A_254] : memref<39845888xf32, #tpu.memory_space<hbm>> -> memref<2048xf32, #tpu.memory_space<hbm>>
      tpu.enqueue_dma source(%dma_start3A_260 : memref<2048xf32, #tpu.memory_space<hbm>>) target(%dma_start3A_259 : memref<2048xf32, #tpu.memory_space<vmem>>) target_semaphore(%arg18 : memref<!tpu.dma_semaphore, #tpu.memory_space<semaphore_mem>>)
      %mul3A_261 = arith.constant 4980736 : i32
      %mul3A_262 = arith.muli %select_n3A, %mul3A_261 : i32
      %add3A_263 = arith.constant 4718592 : i32
      %add3A_264 = arith.addi %mul3A_262, %add3A_263 : i32
      %add3A_265 = arith.addi %add3A_264, %add3A_63 : i32
      %dma_start3A_266 = arith.constant 36864 : i32
      %dma_start3A_267 = tpu.memref_slice %arg10[%dma_start3A_266] : memref<38912xf32, #tpu.memory_space<vmem>> -> memref<2048xf32, #tpu.memory_space<vmem>>
      %dma_start3A_268 = tpu.memref_slice %arg2[%add3A_265] : memref<39845888xf32, #tpu.memory_space<hbm>> -> memref<2048xf32, #tpu.memory_space<hbm>>
      %dma_start3A_269 = arith.constant 36864 : i32
      %dma_start3A_270 = tpu.memref_slice %arg10[%dma_start3A_269] : memref<38912xf32, #tpu.memory_space<vmem>> -> memref<2048xf32, #tpu.memory_space<vmem>>
      %dma_start3A_271 = tpu.memref_slice %arg2[%add3A_265] : memref<39845888xf32, #tpu.memory_space<hbm>> -> memref<2048xf32, #tpu.memory_space<hbm>>
      tpu.enqueue_dma source(%dma_start3A_271 : memref<2048xf32, #tpu.memory_space<hbm>>) target(%dma_start3A_270 : memref<2048xf32, #tpu.memory_space<vmem>>) target_semaphore(%arg18 : memref<!tpu.dma_semaphore, #tpu.memory_space<semaphore_mem>>)
      %mul3A_272 = arith.constant 262144 : i32
      %mul3A_273 = arith.muli %select_n3A, %mul3A_272 : i32
      %add3A_274 = arith.addi %mul3A_273, %add3A_63 : i32
      %dma_start3A_275 = tpu.memref_slice %arg3[%add3A_274] : memref<2097152xi32, #tpu.memory_space<hbm>> -> memref<2048xi32, #tpu.memory_space<hbm>>
      %dma_start3A_276 = tpu.memref_slice %arg3[%add3A_274] : memref<2097152xi32, #tpu.memory_space<hbm>> -> memref<2048xi32, #tpu.memory_space<hbm>>
      tpu.enqueue_dma source(%dma_start3A_276 : memref<2048xi32, #tpu.memory_space<hbm>>) target(%arg11 : memref<2048xi32, #tpu.memory_space<vmem>>) target_semaphore(%arg18 : memref<!tpu.dma_semaphore, #tpu.memory_space<semaphore_mem>>)
      %mul3A_277 = arith.constant 262144 : i32
      %mul3A_278 = arith.muli %select_n3A, %mul3A_277 : i32
      %add3A_279 = arith.addi %mul3A_278, %add3A_63 : i32
      %dma_start3A_280 = tpu.memref_slice %arg4[%add3A_279] : memref<2097152xf32, #tpu.memory_space<hbm>> -> memref<2048xf32, #tpu.memory_space<hbm>>
      %dma_start3A_281 = tpu.memref_slice %arg4[%add3A_279] : memref<2097152xf32, #tpu.memory_space<hbm>> -> memref<2048xf32, #tpu.memory_space<hbm>>
      tpu.enqueue_dma source(%dma_start3A_281 : memref<2048xf32, #tpu.memory_space<hbm>>) target(%arg12 : memref<2048xf32, #tpu.memory_space<vmem>>) target_semaphore(%arg18 : memref<!tpu.dma_semaphore, #tpu.memory_space<semaphore_mem>>)
      %dma_wait3A = arith.constant 0 : i32
      %dma_wait3A_282 = tpu.memref_slice %arg10[%dma_wait3A] : memref<38912xf32, #tpu.memory_space<vmem>> -> memref<2048xf32, #tpu.memory_space<vmem>>
      %dma_wait3A_283 = tpu.memref_slice %arg2[%add3A_68] : memref<39845888xf32, #tpu.memory_space<hbm>> -> memref<2048xf32, #tpu.memory_space<hbm>>
      %dma_wait3A_284 = arith.constant 0 : i32
      %dma_wait3A_285 = tpu.memref_slice %arg10[%dma_wait3A_284] : memref<38912xf32, #tpu.memory_space<vmem>> -> memref<2048xf32, #tpu.memory_space<vmem>>
      %dma_wait3A_286 = tpu.memref_slice %arg2[%add3A_68] : memref<39845888xf32, #tpu.memory_space<hbm>> -> memref<2048xf32, #tpu.memory_space<hbm>>
      tpu.wait_dma2 semaphore(%arg18 : memref<!tpu.dma_semaphore, #tpu.memory_space<semaphore_mem>>) src(%dma_wait3A_286 : memref<2048xf32, #tpu.memory_space<hbm>>) dst(%dma_wait3A_285 : memref<2048xf32, #tpu.memory_space<vmem>>)
      %dma_wait3A_287 = arith.constant 2048 : i32
      %dma_wait3A_288 = tpu.memref_slice %arg10[%dma_wait3A_287] : memref<38912xf32, #tpu.memory_space<vmem>> -> memref<2048xf32, #tpu.memory_space<vmem>>
      %dma_wait3A_289 = tpu.memref_slice %arg2[%add3A_78] : memref<39845888xf32, #tpu.memory_space<hbm>> -> memref<2048xf32, #tpu.memory_space<hbm>>
      %dma_wait3A_290 = arith.constant 2048 : i32
      %dma_wait3A_291 = tpu.memref_slice %arg10[%dma_wait3A_290] : memref<38912xf32, #tpu.memory_space<vmem>> -> memref<2048xf32, #tpu.memory_space<vmem>>
      %dma_wait3A_292 = tpu.memref_slice %arg2[%add3A_78] : memref<39845888xf32, #tpu.memory_space<hbm>> -> memref<2048xf32, #tpu.memory_space<hbm>>
      tpu.wait_dma2 semaphore(%arg18 : memref<!tpu.dma_semaphore, #tpu.memory_space<semaphore_mem>>) src(%dma_wait3A_292 : memref<2048xf32, #tpu.memory_space<hbm>>) dst(%dma_wait3A_291 : memref<2048xf32, #tpu.memory_space<vmem>>)
      %dma_wait3A_293 = arith.constant 4096 : i32
      %dma_wait3A_294 = tpu.memref_slice %arg10[%dma_wait3A_293] : memref<38912xf32, #tpu.memory_space<vmem>> -> memref<2048xf32, #tpu.memory_space<vmem>>
      %dma_wait3A_295 = tpu.memref_slice %arg2[%add3A_89] : memref<39845888xf32, #tpu.memory_space<hbm>> -> memref<2048xf32, #tpu.memory_space<hbm>>
      %dma_wait3A_296 = arith.constant 4096 : i32
      %dma_wait3A_297 = tpu.memref_slice %arg10[%dma_wait3A_296] : memref<38912xf32, #tpu.memory_space<vmem>> -> memref<2048xf32, #tpu.memory_space<vmem>>
      %dma_wait3A_298 = tpu.memref_slice %arg2[%add3A_89] : memref<39845888xf32, #tpu.memory_space<hbm>> -> memref<2048xf32, #tpu.memory_space<hbm>>
      tpu.wait_dma2 semaphore(%arg18 : memref<!tpu.dma_semaphore, #tpu.memory_space<semaphore_mem>>) src(%dma_wait3A_298 : memref<2048xf32, #tpu.memory_space<hbm>>) dst(%dma_wait3A_297 : memref<2048xf32, #tpu.memory_space<vmem>>)
      %dma_wait3A_299 = arith.constant 6144 : i32
      %dma_wait3A_300 = tpu.memref_slice %arg10[%dma_wait3A_299] : memref<38912xf32, #tpu.memory_space<vmem>> -> memref<2048xf32, #tpu.memory_space<vmem>>
      %dma_wait3A_301 = tpu.memref_slice %arg2[%add3A_100] : memref<39845888xf32, #tpu.memory_space<hbm>> -> memref<2048xf32, #tpu.memory_space<hbm>>
      %dma_wait3A_302 = arith.constant 6144 : i32
      %dma_wait3A_303 = tpu.memref_slice %arg10[%dma_wait3A_302] : memref<38912xf32, #tpu.memory_space<vmem>> -> memref<2048xf32, #tpu.memory_space<vmem>>
      %dma_wait3A_304 = tpu.memref_slice %arg2[%add3A_100] : memref<39845888xf32, #tpu.memory_space<hbm>> -> memref<2048xf32, #tpu.memory_space<hbm>>
      tpu.wait_dma2 semaphore(%arg18 : memref<!tpu.dma_semaphore, #tpu.memory_space<semaphore_mem>>) src(%dma_wait3A_304 : memref<2048xf32, #tpu.memory_space<hbm>>) dst(%dma_wait3A_303 : memref<2048xf32, #tpu.memory_space<vmem>>)
      %dma_wait3A_305 = arith.constant 8192 : i32
      %dma_wait3A_306 = tpu.memref_slice %arg10[%dma_wait3A_305] : memref<38912xf32, #tpu.memory_space<vmem>> -> memref<2048xf32, #tpu.memory_space<vmem>>
      %dma_wait3A_307 = tpu.memref_slice %arg2[%add3A_111] : memref<39845888xf32, #tpu.memory_space<hbm>> -> memref<2048xf32, #tpu.memory_space<hbm>>
      %dma_wait3A_308 = arith.constant 8192 : i32
      %dma_wait3A_309 = tpu.memref_slice %arg10[%dma_wait3A_308] : memref<38912xf32, #tpu.memory_space<vmem>> -> memref<2048xf32, #tpu.memory_space<vmem>>
      %dma_wait3A_310 = tpu.memref_slice %arg2[%add3A_111] : memref<39845888xf32, #tpu.memory_space<hbm>> -> memref<2048xf32, #tpu.memory_space<hbm>>
      tpu.wait_dma2 semaphore(%arg18 : memref<!tpu.dma_semaphore, #tpu.memory_space<semaphore_mem>>) src(%dma_wait3A_310 : memref<2048xf32, #tpu.memory_space<hbm>>) dst(%dma_wait3A_309 : memref<2048xf32, #tpu.memory_space<vmem>>)
      %dma_wait3A_311 = arith.constant 10240 : i32
      %dma_wait3A_312 = tpu.memref_slice %arg10[%dma_wait3A_311] : memref<38912xf32, #tpu.memory_space<vmem>> -> memref<2048xf32, #tpu.memory_space<vmem>>
      %dma_wait3A_313 = tpu.memref_slice %arg2[%add3A_122] : memref<39845888xf32, #tpu.memory_space<hbm>> -> memref<2048xf32, #tpu.memory_space<hbm>>
      %dma_wait3A_314 = arith.constant 10240 : i32
      %dma_wait3A_315 = tpu.memref_slice %arg10[%dma_wait3A_314] : memref<38912xf32, #tpu.memory_space<vmem>> -> memref<2048xf32, #tpu.memory_space<vmem>>
      %dma_wait3A_316 = tpu.memref_slice %arg2[%add3A_122] : memref<39845888xf32, #tpu.memory_space<hbm>> -> memref<2048xf32, #tpu.memory_space<hbm>>
      tpu.wait_dma2 semaphore(%arg18 : memref<!tpu.dma_semaphore, #tpu.memory_space<semaphore_mem>>) src(%dma_wait3A_316 : memref<2048xf32, #tpu.memory_space<hbm>>) dst(%dma_wait3A_315 : memref<2048xf32, #tpu.memory_space<vmem>>)
      %dma_wait3A_317 = arith.constant 12288 : i32
      %dma_wait3A_318 = tpu.memref_slice %arg10[%dma_wait3A_317] : memref<38912xf32, #tpu.memory_space<vmem>> -> memref<2048xf32, #tpu.memory_space<vmem>>
      %dma_wait3A_319 = tpu.memref_slice %arg2[%add3A_133] : memref<39845888xf32, #tpu.memory_space<hbm>> -> memref<2048xf32, #tpu.memory_space<hbm>>
      %dma_wait3A_320 = arith.constant 12288 : i32
      %dma_wait3A_321 = tpu.memref_slice %arg10[%dma_wait3A_320] : memref<38912xf32, #tpu.memory_space<vmem>> -> memref<2048xf32, #tpu.memory_space<vmem>>
      %dma_wait3A_322 = tpu.memref_slice %arg2[%add3A_133] : memref<39845888xf32, #tpu.memory_space<hbm>> -> memref<2048xf32, #tpu.memory_space<hbm>>
      tpu.wait_dma2 semaphore(%arg18 : memref<!tpu.dma_semaphore, #tpu.memory_space<semaphore_mem>>) src(%dma_wait3A_322 : memref<2048xf32, #tpu.memory_space<hbm>>) dst(%dma_wait3A_321 : memref<2048xf32, #tpu.memory_space<vmem>>)
      %dma_wait3A_323 = arith.constant 14336 : i32
      %dma_wait3A_324 = tpu.memref_slice %arg10[%dma_wait3A_323] : memref<38912xf32, #tpu.memory_space<vmem>> -> memref<2048xf32, #tpu.memory_space<vmem>>
      %dma_wait3A_325 = tpu.memref_slice %arg2[%add3A_144] : memref<39845888xf32, #tpu.memory_space<hbm>> -> memref<2048xf32, #tpu.memory_space<hbm>>
      %dma_wait3A_326 = arith.constant 14336 : i32
      %dma_wait3A_327 = tpu.memref_slice %arg10[%dma_wait3A_326] : memref<38912xf32, #tpu.memory_space<vmem>> -> memref<2048xf32, #tpu.memory_space<vmem>>
      %dma_wait3A_328 = tpu.memref_slice %arg2[%add3A_144] : memref<39845888xf32, #tpu.memory_space<hbm>> -> memref<2048xf32, #tpu.memory_space<hbm>>
      tpu.wait_dma2 semaphore(%arg18 : memref<!tpu.dma_semaphore, #tpu.memory_space<semaphore_mem>>) src(%dma_wait3A_328 : memref<2048xf32, #tpu.memory_space<hbm>>) dst(%dma_wait3A_327 : memref<2048xf32, #tpu.memory_space<vmem>>)
      %dma_wait3A_329 = arith.constant 16384 : i32
      %dma_wait3A_330 = tpu.memref_slice %arg10[%dma_wait3A_329] : memref<38912xf32, #tpu.memory_space<vmem>> -> memref<2048xf32, #tpu.memory_space<vmem>>
      %dma_wait3A_331 = tpu.memref_slice %arg2[%add3A_155] : memref<39845888xf32, #tpu.memory_space<hbm>> -> memref<2048xf32, #tpu.memory_space<hbm>>
      %dma_wait3A_332 = arith.constant 16384 : i32
      %dma_wait3A_333 = tpu.memref_slice %arg10[%dma_wait3A_332] : memref<38912xf32, #tpu.memory_space<vmem>> -> memref<2048xf32, #tpu.memory_space<vmem>>
      %dma_wait3A_334 = tpu.memref_slice %arg2[%add3A_155] : memref<39845888xf32, #tpu.memory_space<hbm>> -> memref<2048xf32, #tpu.memory_space<hbm>>
      tpu.wait_dma2 semaphore(%arg18 : memref<!tpu.dma_semaphore, #tpu.memory_space<semaphore_mem>>) src(%dma_wait3A_334 : memref<2048xf32, #tpu.memory_space<hbm>>) dst(%dma_wait3A_333 : memref<2048xf32, #tpu.memory_space<vmem>>)
      %dma_wait3A_335 = arith.constant 18432 : i32
      %dma_wait3A_336 = tpu.memref_slice %arg10[%dma_wait3A_335] : memref<38912xf32, #tpu.memory_space<vmem>> -> memref<2048xf32, #tpu.memory_space<vmem>>
      %dma_wait3A_337 = tpu.memref_slice %arg2[%add3A_166] : memref<39845888xf32, #tpu.memory_space<hbm>> -> memref<2048xf32, #tpu.memory_space<hbm>>
      %dma_wait3A_338 = arith.constant 18432 : i32
      %dma_wait3A_339 = tpu.memref_slice %arg10[%dma_wait3A_338] : memref<38912xf32, #tpu.memory_space<vmem>> -> memref<2048xf32, #tpu.memory_space<vmem>>
      %dma_wait3A_340 = tpu.memref_slice %arg2[%add3A_166] : memref<39845888xf32, #tpu.memory_space<hbm>> -> memref<2048xf32, #tpu.memory_space<hbm>>
      tpu.wait_dma2 semaphore(%arg18 : memref<!tpu.dma_semaphore, #tpu.memory_space<semaphore_mem>>) src(%dma_wait3A_340 : memref<2048xf32, #tpu.memory_space<hbm>>) dst(%dma_wait3A_339 : memref<2048xf32, #tpu.memory_space<vmem>>)
      %dma_wait3A_341 = arith.constant 20480 : i32
      %dma_wait3A_342 = tpu.memref_slice %arg10[%dma_wait3A_341] : memref<38912xf32, #tpu.memory_space<vmem>> -> memref<2048xf32, #tpu.memory_space<vmem>>
      %dma_wait3A_343 = tpu.memref_slice %arg2[%add3A_177] : memref<39845888xf32, #tpu.memory_space<hbm>> -> memref<2048xf32, #tpu.memory_space<hbm>>
      %dma_wait3A_344 = arith.constant 20480 : i32
      %dma_wait3A_345 = tpu.memref_slice %arg10[%dma_wait3A_344] : memref<38912xf32, #tpu.memory_space<vmem>> -> memref<2048xf32, #tpu.memory_space<vmem>>
      %dma_wait3A_346 = tpu.memref_slice %arg2[%add3A_177] : memref<39845888xf32, #tpu.memory_space<hbm>> -> memref<2048xf32, #tpu.memory_space<hbm>>
      tpu.wait_dma2 semaphore(%arg18 : memref<!tpu.dma_semaphore, #tpu.memory_space<semaphore_mem>>) src(%dma_wait3A_346 : memref<2048xf32, #tpu.memory_space<hbm>>) dst(%dma_wait3A_345 : memref<2048xf32, #tpu.memory_space<vmem>>)
      %dma_wait3A_347 = arith.constant 22528 : i32
      %dma_wait3A_348 = tpu.memref_slice %arg10[%dma_wait3A_347] : memref<38912xf32, #tpu.memory_space<vmem>> -> memref<2048xf32, #tpu.memory_space<vmem>>
      %dma_wait3A_349 = tpu.memref_slice %arg2[%add3A_188] : memref<39845888xf32, #tpu.memory_space<hbm>> -> memref<2048xf32, #tpu.memory_space<hbm>>
      %dma_wait3A_350 = arith.constant 22528 : i32
      %dma_wait3A_351 = tpu.memref_slice %arg10[%dma_wait3A_350] : memref<38912xf32, #tpu.memory_space<vmem>> -> memref<2048xf32, #tpu.memory_space<vmem>>
      %dma_wait3A_352 = tpu.memref_slice %arg2[%add3A_188] : memref<39845888xf32, #tpu.memory_space<hbm>> -> memref<2048xf32, #tpu.memory_space<hbm>>
      tpu.wait_dma2 semaphore(%arg18 : memref<!tpu.dma_semaphore, #tpu.memory_space<semaphore_mem>>) src(%dma_wait3A_352 : memref<2048xf32, #tpu.memory_space<hbm>>) dst(%dma_wait3A_351 : memref<2048xf32, #tpu.memory_space<vmem>>)
      %dma_wait3A_353 = arith.constant 24576 : i32
      %dma_wait3A_354 = tpu.memref_slice %arg10[%dma_wait3A_353] : memref<38912xf32, #tpu.memory_space<vmem>> -> memref<2048xf32, #tpu.memory_space<vmem>>
      %dma_wait3A_355 = tpu.memref_slice %arg2[%add3A_199] : memref<39845888xf32, #tpu.memory_space<hbm>> -> memref<2048xf32, #tpu.memory_space<hbm>>
      %dma_wait3A_356 = arith.constant 24576 : i32
      %dma_wait3A_357 = tpu.memref_slice %arg10[%dma_wait3A_356] : memref<38912xf32, #tpu.memory_space<vmem>> -> memref<2048xf32, #tpu.memory_space<vmem>>
      %dma_wait3A_358 = tpu.memref_slice %arg2[%add3A_199] : memref<39845888xf32, #tpu.memory_space<hbm>> -> memref<2048xf32, #tpu.memory_space<hbm>>
      tpu.wait_dma2 semaphore(%arg18 : memref<!tpu.dma_semaphore, #tpu.memory_space<semaphore_mem>>) src(%dma_wait3A_358 : memref<2048xf32, #tpu.memory_space<hbm>>) dst(%dma_wait3A_357 : memref<2048xf32, #tpu.memory_space<vmem>>)
      %dma_wait3A_359 = arith.constant 26624 : i32
      %dma_wait3A_360 = tpu.memref_slice %arg10[%dma_wait3A_359] : memref<38912xf32, #tpu.memory_space<vmem>> -> memref<2048xf32, #tpu.memory_space<vmem>>
      %dma_wait3A_361 = tpu.memref_slice %arg2[%add3A_210] : memref<39845888xf32, #tpu.memory_space<hbm>> -> memref<2048xf32, #tpu.memory_space<hbm>>
      %dma_wait3A_362 = arith.constant 26624 : i32
      %dma_wait3A_363 = tpu.memref_slice %arg10[%dma_wait3A_362] : memref<38912xf32, #tpu.memory_space<vmem>> -> memref<2048xf32, #tpu.memory_space<vmem>>
      %dma_wait3A_364 = tpu.memref_slice %arg2[%add3A_210] : memref<39845888xf32, #tpu.memory_space<hbm>> -> memref<2048xf32, #tpu.memory_space<hbm>>
      tpu.wait_dma2 semaphore(%arg18 : memref<!tpu.dma_semaphore, #tpu.memory_space<semaphore_mem>>) src(%dma_wait3A_364 : memref<2048xf32, #tpu.memory_space<hbm>>) dst(%dma_wait3A_363 : memref<2048xf32, #tpu.memory_space<vmem>>)
      %dma_wait3A_365 = arith.constant 28672 : i32
      %dma_wait3A_366 = tpu.memref_slice %arg10[%dma_wait3A_365] : memref<38912xf32, #tpu.memory_space<vmem>> -> memref<2048xf32, #tpu.memory_space<vmem>>
      %dma_wait3A_367 = tpu.memref_slice %arg2[%add3A_221] : memref<39845888xf32, #tpu.memory_space<hbm>> -> memref<2048xf32, #tpu.memory_space<hbm>>
      %dma_wait3A_368 = arith.constant 28672 : i32
      %dma_wait3A_369 = tpu.memref_slice %arg10[%dma_wait3A_368] : memref<38912xf32, #tpu.memory_space<vmem>> -> memref<2048xf32, #tpu.memory_space<vmem>>
      %dma_wait3A_370 = tpu.memref_slice %arg2[%add3A_221] : memref<39845888xf32, #tpu.memory_space<hbm>> -> memref<2048xf32, #tpu.memory_space<hbm>>
      tpu.wait_dma2 semaphore(%arg18 : memref<!tpu.dma_semaphore, #tpu.memory_space<semaphore_mem>>) src(%dma_wait3A_370 : memref<2048xf32, #tpu.memory_space<hbm>>) dst(%dma_wait3A_369 : memref<2048xf32, #tpu.memory_space<vmem>>)
      %dma_wait3A_371 = arith.constant 30720 : i32
      %dma_wait3A_372 = tpu.memref_slice %arg10[%dma_wait3A_371] : memref<38912xf32, #tpu.memory_space<vmem>> -> memref<2048xf32, #tpu.memory_space<vmem>>
      %dma_wait3A_373 = tpu.memref_slice %arg2[%add3A_232] : memref<39845888xf32, #tpu.memory_space<hbm>> -> memref<2048xf32, #tpu.memory_space<hbm>>
      %dma_wait3A_374 = arith.constant 30720 : i32
      %dma_wait3A_375 = tpu.memref_slice %arg10[%dma_wait3A_374] : memref<38912xf32, #tpu.memory_space<vmem>> -> memref<2048xf32, #tpu.memory_space<vmem>>
      %dma_wait3A_376 = tpu.memref_slice %arg2[%add3A_232] : memref<39845888xf32, #tpu.memory_space<hbm>> -> memref<2048xf32, #tpu.memory_space<hbm>>
      tpu.wait_dma2 semaphore(%arg18 : memref<!tpu.dma_semaphore, #tpu.memory_space<semaphore_mem>>) src(%dma_wait3A_376 : memref<2048xf32, #tpu.memory_space<hbm>>) dst(%dma_wait3A_375 : memref<2048xf32, #tpu.memory_space<vmem>>)
      %dma_wait3A_377 = arith.constant 32768 : i32
      %dma_wait3A_378 = tpu.memref_slice %arg10[%dma_wait3A_377] : memref<38912xf32, #tpu.memory_space<vmem>> -> memref<2048xf32, #tpu.memory_space<vmem>>
      %dma_wait3A_379 = tpu.memref_slice %arg2[%add3A_243] : memref<39845888xf32, #tpu.memory_space<hbm>> -> memref<2048xf32, #tpu.memory_space<hbm>>
      %dma_wait3A_380 = arith.constant 32768 : i32
      %dma_wait3A_381 = tpu.memref_slice %arg10[%dma_wait3A_380] : memref<38912xf32, #tpu.memory_space<vmem>> -> memref<2048xf32, #tpu.memory_space<vmem>>
      %dma_wait3A_382 = tpu.memref_slice %arg2[%add3A_243] : memref<39845888xf32, #tpu.memory_space<hbm>> -> memref<2048xf32, #tpu.memory_space<hbm>>
      tpu.wait_dma2 semaphore(%arg18 : memref<!tpu.dma_semaphore, #tpu.memory_space<semaphore_mem>>) src(%dma_wait3A_382 : memref<2048xf32, #tpu.memory_space<hbm>>) dst(%dma_wait3A_381 : memref<2048xf32, #tpu.memory_space<vmem>>)
      %dma_wait3A_383 = arith.constant 34816 : i32
      %dma_wait3A_384 = tpu.memref_slice %arg10[%dma_wait3A_383] : memref<38912xf32, #tpu.memory_space<vmem>> -> memref<2048xf32, #tpu.memory_space<vmem>>
      %dma_wait3A_385 = tpu.memref_slice %arg2[%add3A_254] : memref<39845888xf32, #tpu.memory_space<hbm>> -> memref<2048xf32, #tpu.memory_space<hbm>>
      %dma_wait3A_386 = arith.constant 34816 : i32
      %dma_wait3A_387 = tpu.memref_slice %arg10[%dma_wait3A_386] : memref<38912xf32, #tpu.memory_space<vmem>> -> memref<2048xf32, #tpu.memory_space<vmem>>
      %dma_wait3A_388 = tpu.memref_slice %arg2[%add3A_254] : memref<39845888xf32, #tpu.memory_space<hbm>> -> memref<2048xf32, #tpu.memory_space<hbm>>
      tpu.wait_dma2 semaphore(%arg18 : memref<!tpu.dma_semaphore, #tpu.memory_space<semaphore_mem>>) src(%dma_wait3A_388 : memref<2048xf32, #tpu.memory_space<hbm>>) dst(%dma_wait3A_387 : memref<2048xf32, #tpu.memory_space<vmem>>)
      %dma_wait3A_389 = arith.constant 36864 : i32
      %dma_wait3A_390 = tpu.memref_slice %arg10[%dma_wait3A_389] : memref<38912xf32, #tpu.memory_space<vmem>> -> memref<2048xf32, #tpu.memory_space<vmem>>
      %dma_wait3A_391 = tpu.memref_slice %arg2[%add3A_265] : memref<39845888xf32, #tpu.memory_space<hbm>> -> memref<2048xf32, #tpu.memory_space<hbm>>
      %dma_wait3A_392 = arith.constant 36864 : i32
      %dma_wait3A_393 = tpu.memref_slice %arg10[%dma_wait3A_392] : memref<38912xf32, #tpu.memory_space<vmem>> -> memref<2048xf32, #tpu.memory_space<vmem>>
      %dma_wait3A_394 = tpu.memref_slice %arg2[%add3A_265] : memref<39845888xf32, #tpu.memory_space<hbm>> -> memref<2048xf32, #tpu.memory_space<hbm>>
      tpu.wait_dma2 semaphore(%arg18 : memref<!tpu.dma_semaphore, #tpu.memory_space<semaphore_mem>>) src(%dma_wait3A_394 : memref<2048xf32, #tpu.memory_space<hbm>>) dst(%dma_wait3A_393 : memref<2048xf32, #tpu.memory_space<vmem>>)
      %dma_wait3A_395 = tpu.memref_slice %arg3[%add3A_274] : memref<2097152xi32, #tpu.memory_space<hbm>> -> memref<2048xi32, #tpu.memory_space<hbm>>
      %dma_wait3A_396 = tpu.memref_slice %arg3[%add3A_274] : memref<2097152xi32, #tpu.memory_space<hbm>> -> memref<2048xi32, #tpu.memory_space<hbm>>
      tpu.wait_dma2 semaphore(%arg18 : memref<!tpu.dma_semaphore, #tpu.memory_space<semaphore_mem>>) src(%dma_wait3A_396 : memref<2048xi32, #tpu.memory_space<hbm>>) dst(%arg11 : memref<2048xi32, #tpu.memory_space<vmem>>)
      %dma_wait3A_397 = tpu.memref_slice %arg4[%add3A_279] : memref<2097152xf32, #tpu.memory_space<hbm>> -> memref<2048xf32, #tpu.memory_space<hbm>>
      %dma_wait3A_398 = tpu.memref_slice %arg4[%add3A_279] : memref<2097152xf32, #tpu.memory_space<hbm>> -> memref<2048xf32, #tpu.memory_space<hbm>>
      tpu.wait_dma2 semaphore(%arg18 : memref<!tpu.dma_semaphore, #tpu.memory_space<semaphore_mem>>) src(%dma_wait3A_398 : memref<2048xf32, #tpu.memory_space<hbm>>) dst(%arg12 : memref<2048xf32, #tpu.memory_space<vmem>>)
      %scan3A_399 = arith.constant 0 : i32
      %scan3A_400 = arith.constant 128 : i32
      %scan3A_401 = arith.addi %scan3A_399, %scan3A_400 : i32
      %scan3A_402 = arith.constant 1 : i32
      %scan3A_403:3 = scf.for %scan3A_405 = %scan3A_399 to %scan3A_401 step %scan3A_402 iter_args(%scan3A_406 = %scan3A_56, %scan3A_407 = %scan3A_57, %scan3A_408 = %scan3A_58) -> (vector<16xi32>, vector<16xi32>, vector<16xf32>)  : i32 {
        %mul3A_409 = arith.constant 16 : i32
        %mul3A_410 = arith.muli %scan3A_405, %mul3A_409 : i32
        %get3A_411 = arith.index_cast %mul3A_410 : i32 to index
        %get3A_412 = tpu.vector_load %arg11[%get3A_411] {strides = array<i32>} : memref<2048xi32, #tpu.memory_space<vmem>>, vector<16xi32>,
        %mul3A_413 = arith.constant 16 : i32
        %mul3A_414 = arith.muli %scan3A_405, %mul3A_413 : i32
        %get3A_415 = arith.index_cast %mul3A_414 : i32 to index
        %get3A_416 = tpu.vector_load %arg12[%get3A_415] {strides = array<i32>} : memref<2048xf32, #tpu.memory_space<vmem>>, vector<16xf32>,
        %ne3A_417 = arith.constant 255 : i32
        %ne3A_418 = vector.broadcast %ne3A_417 : i32 to vector<16xi32>
        %ne3A_419 = arith.cmpi ne, %get3A_412, %ne3A_418 : vector<16xi32>
        %jit3A_420 = arith.constant 0 : i32
        %broadcast_in_dim3A_421 = vector.broadcast %jit3A_420 : i32 to vector<16xi32>
        %select_n3A_422 = arith.select %ne3A_419, %get3A_412, %broadcast_in_dim3A_421 : vector<16xi1>, vector<16xi32>
        %mul3A_423 = arith.constant 16 : i32
        %mul3A_424 = arith.muli %scan3A_405, %mul3A_423 : i32
        %iota3A = tpu.iota {dimensions = array<i32: 0>} : vector<16xi32>
        %add3A_425 = vector.broadcast %mul3A_424 : i32 to vector<16xi32>
        %add3A_426 = arith.addi %add3A_425, %iota3A : vector<16xi32>
        %mul3A_427 = arith.constant 2048 : i32
        %mul3A_428 = vector.broadcast %mul3A_427 : i32 to vector<16xi32>
        %mul3A_429 = arith.muli %select_n3A_422, %mul3A_428 : vector<16xi32>
        %add3A_430 = arith.addi %mul3A_429, %add3A_426 : vector<16xi32>
        %gather3A = tpu.vector_load_idx %arg10[%add3A_430] : memref<38912xf32, #tpu.memory_space<vmem>>[vector<16xi32>], vector<16xf32>,
        %neg3A = arith.constant 0.000000e+00 : f32
        %neg3A_431 = vector.broadcast %neg3A : f32 to vector<16xf32>
        %neg3A_432 = arith.subf %neg3A_431, %gather3A : vector<16xf32>
        %mul3A_433 = arith.mulf %get3A_416, %neg3A_432 : vector<16xf32>
        %broadcast_in_dim3A_434 = arith.constant 0.000000e+00 : f32
        %broadcast_in_dim3A_435 = vector.broadcast %broadcast_in_dim3A_434 : f32 to vector<16xf32>
        %select_n3A_436 = arith.select %ne3A_419, %mul3A_433, %broadcast_in_dim3A_435 : vector<16xi1>, vector<16xf32>
        %bitcast3A = vector.bitcast %select_n3A_436 : vector<16xf32> to vector<16xi32>
        %shift_right_logical3A = arith.constant 31 : i32
        %shift_right_logical3A_437 = vector.broadcast %shift_right_logical3A : i32 to vector<16xi32>
        %shift_right_logical3A_438 = arith.shrui %bitcast3A, %shift_right_logical3A_437 : vector<16xi32>
        %broadcast_in_dim3A_439 = arith.constant 0 : i32
        %broadcast_in_dim3A_440 = vector.broadcast %broadcast_in_dim3A_439 : i32 to vector<16xi32>
        %sub3A_441 = arith.subi %broadcast_in_dim3A_440, %shift_right_logical3A_438 : vector<16xi32>
        %or3A = arith.constant -2147483648 : i32
        %or3A_442 = vector.broadcast %or3A : i32 to vector<16xi32>
        %or3A_443 = arith.ori %sub3A_441, %or3A_442 : vector<16xi32>
        %xor3A = arith.xori %bitcast3A, %or3A_443 : vector<16xi32>
        %ge3A = arith.cmpi uge, %xor3A, %get3A_31 : vector<16xi32>
        %broadcast_in_dim3A_444 = arith.constant 1 : i32
        %broadcast_in_dim3A_445 = vector.broadcast %broadcast_in_dim3A_444 : i32 to vector<16xi32>
        %broadcast_in_dim3A_446 = arith.constant 0 : i32
        %broadcast_in_dim3A_447 = vector.broadcast %broadcast_in_dim3A_446 : i32 to vector<16xi32>
        %select_n3A_448 = arith.select %ge3A, %broadcast_in_dim3A_445, %broadcast_in_dim3A_447 : vector<16xi1>, vector<16xi32>
        %add3A_449 = arith.addi %scan3A_406, %select_n3A_448 : vector<16xi32>
        %gt3A = arith.cmpf ogt, %select_n3A_436, %get3A_33 : vector<16xf32>
        %broadcast_in_dim3A_450 = arith.constant 1 : i32
        %broadcast_in_dim3A_451 = vector.broadcast %broadcast_in_dim3A_450 : i32 to vector<16xi32>
        %broadcast_in_dim3A_452 = arith.constant 0 : i32
        %broadcast_in_dim3A_453 = vector.broadcast %broadcast_in_dim3A_452 : i32 to vector<16xi32>
        %select_n3A_454 = arith.select %gt3A, %broadcast_in_dim3A_451, %broadcast_in_dim3A_453 : vector<16xi1>, vector<16xi32>
        %add3A_455 = arith.addi %scan3A_407, %select_n3A_454 : vector<16xi32>
        %broadcast_in_dim3A_456 = arith.constant 0.000000e+00 : f32
        %broadcast_in_dim3A_457 = vector.broadcast %broadcast_in_dim3A_456 : f32 to vector<16xf32>
        %select_n3A_458 = arith.select %gt3A, %select_n3A_436, %broadcast_in_dim3A_457 : vector<16xi1>, vector<16xf32>
        %add3A_459 = arith.addf %scan3A_408, %select_n3A_458 : vector<16xf32>
        scf.yield %add3A_449, %add3A_455, %add3A_459 : vector<16xi32>, vector<16xi32>, vector<16xf32>
      }
      %scan3A_404 = arith.constant 128 : i32
      scf.yield %scan3A_403#0, %scan3A_403#1, %scan3A_403#2 : vector<16xi32>, vector<16xi32>, vector<16xf32>
    }
    %scan3A_43 = arith.constant 32 : i32
    %swap3A = arith.constant 0 : index
    %swap3A_44 = tpu.vector_load %arg15[%swap3A] {strides = array<i32>} : memref<16xi32, #tpu.memory_space<vmem>>, vector<16xi32>,
    tpu.vector_store %arg15[%swap3A], %scan3A_42#0 {strides = array<i32>} : memref<16xi32, #tpu.memory_space<vmem>>, vector<16xi32>,
    %swap3A_45 = arith.constant 0 : index
    %swap3A_46 = tpu.vector_load %arg16[%swap3A_45] {strides = array<i32>} : memref<16xi32, #tpu.memory_space<vmem>>, vector<16xi32>,
    tpu.vector_store %arg16[%swap3A_45], %scan3A_42#1 {strides = array<i32>} : memref<16xi32, #tpu.memory_space<vmem>>, vector<16xi32>,
    %swap3A_47 = arith.constant 0 : index
    %swap3A_48 = tpu.vector_load %arg17[%swap3A_47] {strides = array<i32>} : memref<16xf32, #tpu.memory_space<vmem>>, vector<16xf32>,
    tpu.vector_store %arg17[%swap3A_47], %scan3A_42#2 {strides = array<i32>} : memref<16xf32, #tpu.memory_space<vmem>>, vector<16xf32>,
    %mul3A_49 = arith.constant 16 : i32
    %mul3A_50 = arith.muli %add3A, %mul3A_49 : i32
    "tpu.region"() ({
      %run_scoped3A = tpu.sem_alloc : memref<!tpu.dma_semaphore, #tpu.memory_space<semaphore_mem>>
      %dma_start3A = tpu.memref_slice %arg7[%mul3A_50] : memref<512xi32, #tpu.memory_space<hbm>> -> memref<16xi32, #tpu.memory_space<hbm>>
      %dma_start3A_55 = tpu.memref_slice %arg7[%mul3A_50] : memref<512xi32, #tpu.memory_space<hbm>> -> memref<16xi32, #tpu.memory_space<hbm>>
      tpu.enqueue_dma source(%arg15 : memref<16xi32, #tpu.memory_space<vmem>>) target(%dma_start3A_55 : memref<16xi32, #tpu.memory_space<hbm>>) target_semaphore(%run_scoped3A : memref<!tpu.dma_semaphore, #tpu.memory_space<semaphore_mem>>)
      %dma_wait3A = tpu.memref_slice %arg7[%mul3A_50] : memref<512xi32, #tpu.memory_space<hbm>> -> memref<16xi32, #tpu.memory_space<hbm>>
      %dma_wait3A_56 = tpu.memref_slice %arg7[%mul3A_50] : memref<512xi32, #tpu.memory_space<hbm>> -> memref<16xi32, #tpu.memory_space<hbm>>
      tpu.wait_dma2 semaphore(%run_scoped3A : memref<!tpu.dma_semaphore, #tpu.memory_space<semaphore_mem>>) src(%arg15 : memref<16xi32, #tpu.memory_space<vmem>>) dst(%dma_wait3A_56 : memref<16xi32, #tpu.memory_space<hbm>>)
      tpu.yield
    }) : () -> ()
    %mul3A_51 = arith.constant 16 : i32
    %mul3A_52 = arith.muli %add3A, %mul3A_51 : i32
    "tpu.region"() ({
      %run_scoped3A = tpu.sem_alloc : memref<!tpu.dma_semaphore, #tpu.memory_space<semaphore_mem>>
      %dma_start3A = tpu.memref_slice %arg8[%mul3A_52] : memref<512xi32, #tpu.memory_space<hbm>> -> memref<16xi32, #tpu.memory_space<hbm>>
      %dma_start3A_55 = tpu.memref_slice %arg8[%mul3A_52] : memref<512xi32, #tpu.memory_space<hbm>> -> memref<16xi32, #tpu.memory_space<hbm>>
      tpu.enqueue_dma source(%arg16 : memref<16xi32, #tpu.memory_space<vmem>>) target(%dma_start3A_55 : memref<16xi32, #tpu.memory_space<hbm>>) target_semaphore(%run_scoped3A : memref<!tpu.dma_semaphore, #tpu.memory_space<semaphore_mem>>)
      %dma_wait3A = tpu.memref_slice %arg8[%mul3A_52] : memref<512xi32, #tpu.memory_space<hbm>> -> memref<16xi32, #tpu.memory_space<hbm>>
      %dma_wait3A_56 = tpu.memref_slice %arg8[%mul3A_52] : memref<512xi32, #tpu.memory_space<hbm>> -> memref<16xi32, #tpu.memory_space<hbm>>
      tpu.wait_dma2 semaphore(%run_scoped3A : memref<!tpu.dma_semaphore, #tpu.memory_space<semaphore_mem>>) src(%arg16 : memref<16xi32, #tpu.memory_space<vmem>>) dst(%dma_wait3A_56 : memref<16xi32, #tpu.memory_space<hbm>>)
      tpu.yield
    }) : () -> ()
    %mul3A_53 = arith.constant 16 : i32
    %mul3A_54 = arith.muli %add3A, %mul3A_53 : i32
    "tpu.region"() ({
      %run_scoped3A = tpu.sem_alloc : memref<!tpu.dma_semaphore, #tpu.memory_space<semaphore_mem>>
      %dma_start3A = tpu.memref_slice %arg9[%mul3A_54] : memref<512xf32, #tpu.memory_space<hbm>> -> memref<16xf32, #tpu.memory_space<hbm>>
      %dma_start3A_55 = tpu.memref_slice %arg9[%mul3A_54] : memref<512xf32, #tpu.memory_space<hbm>> -> memref<16xf32, #tpu.memory_space<hbm>>
      tpu.enqueue_dma source(%arg17 : memref<16xf32, #tpu.memory_space<vmem>>) target(%dma_start3A_55 : memref<16xf32, #tpu.memory_space<hbm>>) target_semaphore(%run_scoped3A : memref<!tpu.dma_semaphore, #tpu.memory_space<semaphore_mem>>)
      %dma_wait3A = tpu.memref_slice %arg9[%mul3A_54] : memref<512xf32, #tpu.memory_space<hbm>> -> memref<16xf32, #tpu.memory_space<hbm>>
      %dma_wait3A_56 = tpu.memref_slice %arg9[%mul3A_54] : memref<512xf32, #tpu.memory_space<hbm>> -> memref<16xf32, #tpu.memory_space<hbm>>
      tpu.wait_dma2 semaphore(%run_scoped3A : memref<!tpu.dma_semaphore, #tpu.memory_space<semaphore_mem>>) src(%arg17 : memref<16xf32, #tpu.memory_space<vmem>>) dst(%dma_wait3A_56 : memref<16xf32, #tpu.memory_space<hbm>>)
      tpu.yield
    }) : () -> ()
    return
  }
}

#map = affine_map<(d0, d1) -> (0)>
module attributes {stable_mosaic.version = 14 : i64} {
  func.func @_main_kernel(%arg0: i32, %arg1: i32, %arg2: memref<39845888xf32, #tpu.memory_space<hbm>>, %arg3: memref<2097152xi32, #tpu.memory_space<hbm>>, %arg4: memref<2097152xf32, #tpu.memory_space<hbm>>, %arg5: memref<512xf32, #tpu.memory_space<hbm>>, %arg6: memref<512xi32, #tpu.memory_space<hbm>>, %arg7: memref<512xi32, #tpu.memory_space<hbm>>, %arg8: memref<38912xf32, #tpu.memory_space<vmem>>, %arg9: memref<38912xf32, #tpu.memory_space<vmem>>, %arg10: memref<2048xi32, #tpu.memory_space<vmem>>, %arg11: memref<2048xi32, #tpu.memory_space<vmem>>, %arg12: memref<2048xf32, #tpu.memory_space<vmem>>, %arg13: memref<2048xf32, #tpu.memory_space<vmem>>, %arg14: memref<16xf32, #tpu.memory_space<vmem>>, %arg15: memref<16xi32, #tpu.memory_space<vmem>>, %arg16: memref<16xi32, #tpu.memory_space<vmem>>, %arg17: memref<!tpu.dma_semaphore, #tpu.memory_space<semaphore_mem>>, %arg18: memref<!tpu.dma_semaphore, #tpu.memory_space<semaphore_mem>>) attributes {dimension_semantics = [#tpu.dimension_semantics<core_parallel>, #tpu.dimension_semantics<subcore_parallel>], iteration_bounds = array<i64: 2, 16>, scalar_prefetch = 0 : i64, scratch_operands = 11 : i64, tpu.core_type = #tpu.core_type<sc_vector_subcore>, window_params = [{transform_indices = #map}, {transform_indices = #map}, {transform_indices = #map}, {transform_indices = #map}, {transform_indices = #map}, {transform_indices = #map}]} {
    %mul3A = arith.constant 2 : i32
    %mul3A_0 = arith.muli %arg1, %mul3A : i32
    %add3A = arith.addi %mul3A_0, %arg0 : i32
    %jit3A = arith.constant 4 : i32
    %div3A = arith.divsi %add3A, %jit3A : i32
    %sign3A = arith.constant 0 : i32
    %sign3A_1 = arith.cmpi sgt, %add3A, %sign3A : i32
    %sign3A_2 = arith.extui %sign3A_1 : i1 to i32
    %sign3A_3 = arith.constant 0 : i32
    %sign3A_4 = arith.cmpi slt, %add3A, %sign3A_3 : i32
    %sign3A_5 = arith.extui %sign3A_4 : i1 to i32
    %sign3A_6 = arith.subi %sign3A_2, %sign3A_5 : i32
    %sign3A_7 = arith.constant 0 : i32
    %sign3A_8 = arith.cmpi sgt, %jit3A, %sign3A_7 : i32
    %sign3A_9 = arith.extui %sign3A_8 : i1 to i32
    %sign3A_10 = arith.constant 0 : i32
    %sign3A_11 = arith.cmpi slt, %jit3A, %sign3A_10 : i32
    %sign3A_12 = arith.extui %sign3A_11 : i1 to i32
    %sign3A_13 = arith.subi %sign3A_9, %sign3A_12 : i32
    %ne3A = arith.cmpi ne, %sign3A_6, %sign3A_13 : i32
    %rem3A = arith.remsi %add3A, %jit3A : i32
    %ne3A_14 = arith.constant 0 : i32
    %ne3A_15 = arith.cmpi ne, %rem3A, %ne3A_14 : i32
    %and3A = arith.andi %ne3A, %ne3A_15 : i1
    %sub3A = arith.constant 1 : i32
    %sub3A_16 = arith.subi %div3A, %sub3A : i32
    %select_n3A = arith.select %and3A, %sub3A_16, %div3A : i32
    %jit3A_17 = arith.constant 4 : i32
    %eq3A = arith.constant 0 : i32
    %eq3A_18 = arith.cmpi eq, %jit3A_17, %eq3A : i32
    %jit3A_19 = arith.constant 1 : i32
    %select_n3A_20 = arith.select %eq3A_18, %jit3A_19, %jit3A_17 : i32
    %rem3A_21 = arith.remsi %add3A, %select_n3A_20 : i32
    %ne3A_22 = arith.constant 0 : i32
    %ne3A_23 = arith.cmpi ne, %rem3A_21, %ne3A_22 : i32
    %lt3A = arith.constant 0 : i32
    %lt3A_24 = arith.cmpi slt, %rem3A_21, %lt3A : i32
    %lt3A_25 = arith.constant 0 : i32
    %lt3A_26 = arith.cmpi slt, %select_n3A_20, %lt3A_25 : i32
    %ne3A_27 = arith.xori %lt3A_24, %lt3A_26 : i1
    %and3A_28 = arith.andi %ne3A_27, %ne3A_23 : i1
    %add3A_29 = arith.addi %rem3A_21, %select_n3A_20 : i32
    %select_n3A_30 = arith.select %and3A_28, %add3A_29, %rem3A_21 : i32
    %mul3A_31 = arith.constant 65536 : i32
    %mul3A_32 = arith.muli %select_n3A_30, %mul3A_31 : i32
    %add3A_33 = arith.constant 0 : i32
    %add3A_34 = arith.addi %mul3A_32, %add3A_33 : i32
    %mul3A_35 = arith.constant 4980736 : i32
    %mul3A_36 = arith.muli %select_n3A, %mul3A_35 : i32
    %add3A_37 = arith.constant 0 : i32
    %add3A_38 = arith.addi %mul3A_36, %add3A_37 : i32
    %add3A_39 = arith.addi %add3A_38, %add3A_34 : i32
    %dma_start3A = arith.constant 0 : i32
    %dma_start3A_40 = tpu.memref_slice %arg8[%dma_start3A] : memref<38912xf32, #tpu.memory_space<vmem>> -> memref<2048xf32, #tpu.memory_space<vmem>>
    %dma_start3A_41 = tpu.memref_slice %arg2[%add3A_39] : memref<39845888xf32, #tpu.memory_space<hbm>> -> memref<2048xf32, #tpu.memory_space<hbm>>
    %dma_start3A_42 = arith.constant 0 : i32
    %dma_start3A_43 = tpu.memref_slice %arg8[%dma_start3A_42] : memref<38912xf32, #tpu.memory_space<vmem>> -> memref<2048xf32, #tpu.memory_space<vmem>>
    %dma_start3A_44 = tpu.memref_slice %arg2[%add3A_39] : memref<39845888xf32, #tpu.memory_space<hbm>> -> memref<2048xf32, #tpu.memory_space<hbm>>
    tpu.enqueue_dma source(%dma_start3A_44 : memref<2048xf32, #tpu.memory_space<hbm>>) target(%dma_start3A_43 : memref<2048xf32, #tpu.memory_space<vmem>>) target_semaphore(%arg17 : memref<!tpu.dma_semaphore, #tpu.memory_space<semaphore_mem>>)
    %mul3A_45 = arith.constant 4980736 : i32
    %mul3A_46 = arith.muli %select_n3A, %mul3A_45 : i32
    %add3A_47 = arith.constant 262144 : i32
    %add3A_48 = arith.addi %mul3A_46, %add3A_47 : i32
    %add3A_49 = arith.addi %add3A_48, %add3A_34 : i32
    %dma_start3A_50 = arith.constant 2048 : i32
    %dma_start3A_51 = tpu.memref_slice %arg8[%dma_start3A_50] : memref<38912xf32, #tpu.memory_space<vmem>> -> memref<2048xf32, #tpu.memory_space<vmem>>
    %dma_start3A_52 = tpu.memref_slice %arg2[%add3A_49] : memref<39845888xf32, #tpu.memory_space<hbm>> -> memref<2048xf32, #tpu.memory_space<hbm>>
    %dma_start3A_53 = arith.constant 2048 : i32
    %dma_start3A_54 = tpu.memref_slice %arg8[%dma_start3A_53] : memref<38912xf32, #tpu.memory_space<vmem>> -> memref<2048xf32, #tpu.memory_space<vmem>>
    %dma_start3A_55 = tpu.memref_slice %arg2[%add3A_49] : memref<39845888xf32, #tpu.memory_space<hbm>> -> memref<2048xf32, #tpu.memory_space<hbm>>
    tpu.enqueue_dma source(%dma_start3A_55 : memref<2048xf32, #tpu.memory_space<hbm>>) target(%dma_start3A_54 : memref<2048xf32, #tpu.memory_space<vmem>>) target_semaphore(%arg17 : memref<!tpu.dma_semaphore, #tpu.memory_space<semaphore_mem>>)
    %mul3A_56 = arith.constant 4980736 : i32
    %mul3A_57 = arith.muli %select_n3A, %mul3A_56 : i32
    %add3A_58 = arith.constant 524288 : i32
    %add3A_59 = arith.addi %mul3A_57, %add3A_58 : i32
    %add3A_60 = arith.addi %add3A_59, %add3A_34 : i32
    %dma_start3A_61 = arith.constant 4096 : i32
    %dma_start3A_62 = tpu.memref_slice %arg8[%dma_start3A_61] : memref<38912xf32, #tpu.memory_space<vmem>> -> memref<2048xf32, #tpu.memory_space<vmem>>
    %dma_start3A_63 = tpu.memref_slice %arg2[%add3A_60] : memref<39845888xf32, #tpu.memory_space<hbm>> -> memref<2048xf32, #tpu.memory_space<hbm>>
    %dma_start3A_64 = arith.constant 4096 : i32
    %dma_start3A_65 = tpu.memref_slice %arg8[%dma_start3A_64] : memref<38912xf32, #tpu.memory_space<vmem>> -> memref<2048xf32, #tpu.memory_space<vmem>>
    %dma_start3A_66 = tpu.memref_slice %arg2[%add3A_60] : memref<39845888xf32, #tpu.memory_space<hbm>> -> memref<2048xf32, #tpu.memory_space<hbm>>
    tpu.enqueue_dma source(%dma_start3A_66 : memref<2048xf32, #tpu.memory_space<hbm>>) target(%dma_start3A_65 : memref<2048xf32, #tpu.memory_space<vmem>>) target_semaphore(%arg17 : memref<!tpu.dma_semaphore, #tpu.memory_space<semaphore_mem>>)
    %mul3A_67 = arith.constant 4980736 : i32
    %mul3A_68 = arith.muli %select_n3A, %mul3A_67 : i32
    %add3A_69 = arith.constant 786432 : i32
    %add3A_70 = arith.addi %mul3A_68, %add3A_69 : i32
    %add3A_71 = arith.addi %add3A_70, %add3A_34 : i32
    %dma_start3A_72 = arith.constant 6144 : i32
    %dma_start3A_73 = tpu.memref_slice %arg8[%dma_start3A_72] : memref<38912xf32, #tpu.memory_space<vmem>> -> memref<2048xf32, #tpu.memory_space<vmem>>
    %dma_start3A_74 = tpu.memref_slice %arg2[%add3A_71] : memref<39845888xf32, #tpu.memory_space<hbm>> -> memref<2048xf32, #tpu.memory_space<hbm>>
    %dma_start3A_75 = arith.constant 6144 : i32
    %dma_start3A_76 = tpu.memref_slice %arg8[%dma_start3A_75] : memref<38912xf32, #tpu.memory_space<vmem>> -> memref<2048xf32, #tpu.memory_space<vmem>>
    %dma_start3A_77 = tpu.memref_slice %arg2[%add3A_71] : memref<39845888xf32, #tpu.memory_space<hbm>> -> memref<2048xf32, #tpu.memory_space<hbm>>
    tpu.enqueue_dma source(%dma_start3A_77 : memref<2048xf32, #tpu.memory_space<hbm>>) target(%dma_start3A_76 : memref<2048xf32, #tpu.memory_space<vmem>>) target_semaphore(%arg17 : memref<!tpu.dma_semaphore, #tpu.memory_space<semaphore_mem>>)
    %mul3A_78 = arith.constant 4980736 : i32
    %mul3A_79 = arith.muli %select_n3A, %mul3A_78 : i32
    %add3A_80 = arith.constant 1048576 : i32
    %add3A_81 = arith.addi %mul3A_79, %add3A_80 : i32
    %add3A_82 = arith.addi %add3A_81, %add3A_34 : i32
    %dma_start3A_83 = arith.constant 8192 : i32
    %dma_start3A_84 = tpu.memref_slice %arg8[%dma_start3A_83] : memref<38912xf32, #tpu.memory_space<vmem>> -> memref<2048xf32, #tpu.memory_space<vmem>>
    %dma_start3A_85 = tpu.memref_slice %arg2[%add3A_82] : memref<39845888xf32, #tpu.memory_space<hbm>> -> memref<2048xf32, #tpu.memory_space<hbm>>
    %dma_start3A_86 = arith.constant 8192 : i32
    %dma_start3A_87 = tpu.memref_slice %arg8[%dma_start3A_86] : memref<38912xf32, #tpu.memory_space<vmem>> -> memref<2048xf32, #tpu.memory_space<vmem>>
    %dma_start3A_88 = tpu.memref_slice %arg2[%add3A_82] : memref<39845888xf32, #tpu.memory_space<hbm>> -> memref<2048xf32, #tpu.memory_space<hbm>>
    tpu.enqueue_dma source(%dma_start3A_88 : memref<2048xf32, #tpu.memory_space<hbm>>) target(%dma_start3A_87 : memref<2048xf32, #tpu.memory_space<vmem>>) target_semaphore(%arg17 : memref<!tpu.dma_semaphore, #tpu.memory_space<semaphore_mem>>)
    %mul3A_89 = arith.constant 4980736 : i32
    %mul3A_90 = arith.muli %select_n3A, %mul3A_89 : i32
    %add3A_91 = arith.constant 1310720 : i32
    %add3A_92 = arith.addi %mul3A_90, %add3A_91 : i32
    %add3A_93 = arith.addi %add3A_92, %add3A_34 : i32
    %dma_start3A_94 = arith.constant 10240 : i32
    %dma_start3A_95 = tpu.memref_slice %arg8[%dma_start3A_94] : memref<38912xf32, #tpu.memory_space<vmem>> -> memref<2048xf32, #tpu.memory_space<vmem>>
    %dma_start3A_96 = tpu.memref_slice %arg2[%add3A_93] : memref<39845888xf32, #tpu.memory_space<hbm>> -> memref<2048xf32, #tpu.memory_space<hbm>>
    %dma_start3A_97 = arith.constant 10240 : i32
    %dma_start3A_98 = tpu.memref_slice %arg8[%dma_start3A_97] : memref<38912xf32, #tpu.memory_space<vmem>> -> memref<2048xf32, #tpu.memory_space<vmem>>
    %dma_start3A_99 = tpu.memref_slice %arg2[%add3A_93] : memref<39845888xf32, #tpu.memory_space<hbm>> -> memref<2048xf32, #tpu.memory_space<hbm>>
    tpu.enqueue_dma source(%dma_start3A_99 : memref<2048xf32, #tpu.memory_space<hbm>>) target(%dma_start3A_98 : memref<2048xf32, #tpu.memory_space<vmem>>) target_semaphore(%arg17 : memref<!tpu.dma_semaphore, #tpu.memory_space<semaphore_mem>>)
    %mul3A_100 = arith.constant 4980736 : i32
    %mul3A_101 = arith.muli %select_n3A, %mul3A_100 : i32
    %add3A_102 = arith.constant 1572864 : i32
    %add3A_103 = arith.addi %mul3A_101, %add3A_102 : i32
    %add3A_104 = arith.addi %add3A_103, %add3A_34 : i32
    %dma_start3A_105 = arith.constant 12288 : i32
    %dma_start3A_106 = tpu.memref_slice %arg8[%dma_start3A_105] : memref<38912xf32, #tpu.memory_space<vmem>> -> memref<2048xf32, #tpu.memory_space<vmem>>
    %dma_start3A_107 = tpu.memref_slice %arg2[%add3A_104] : memref<39845888xf32, #tpu.memory_space<hbm>> -> memref<2048xf32, #tpu.memory_space<hbm>>
    %dma_start3A_108 = arith.constant 12288 : i32
    %dma_start3A_109 = tpu.memref_slice %arg8[%dma_start3A_108] : memref<38912xf32, #tpu.memory_space<vmem>> -> memref<2048xf32, #tpu.memory_space<vmem>>
    %dma_start3A_110 = tpu.memref_slice %arg2[%add3A_104] : memref<39845888xf32, #tpu.memory_space<hbm>> -> memref<2048xf32, #tpu.memory_space<hbm>>
    tpu.enqueue_dma source(%dma_start3A_110 : memref<2048xf32, #tpu.memory_space<hbm>>) target(%dma_start3A_109 : memref<2048xf32, #tpu.memory_space<vmem>>) target_semaphore(%arg17 : memref<!tpu.dma_semaphore, #tpu.memory_space<semaphore_mem>>)
    %mul3A_111 = arith.constant 4980736 : i32
    %mul3A_112 = arith.muli %select_n3A, %mul3A_111 : i32
    %add3A_113 = arith.constant 1835008 : i32
    %add3A_114 = arith.addi %mul3A_112, %add3A_113 : i32
    %add3A_115 = arith.addi %add3A_114, %add3A_34 : i32
    %dma_start3A_116 = arith.constant 14336 : i32
    %dma_start3A_117 = tpu.memref_slice %arg8[%dma_start3A_116] : memref<38912xf32, #tpu.memory_space<vmem>> -> memref<2048xf32, #tpu.memory_space<vmem>>
    %dma_start3A_118 = tpu.memref_slice %arg2[%add3A_115] : memref<39845888xf32, #tpu.memory_space<hbm>> -> memref<2048xf32, #tpu.memory_space<hbm>>
    %dma_start3A_119 = arith.constant 14336 : i32
    %dma_start3A_120 = tpu.memref_slice %arg8[%dma_start3A_119] : memref<38912xf32, #tpu.memory_space<vmem>> -> memref<2048xf32, #tpu.memory_space<vmem>>
    %dma_start3A_121 = tpu.memref_slice %arg2[%add3A_115] : memref<39845888xf32, #tpu.memory_space<hbm>> -> memref<2048xf32, #tpu.memory_space<hbm>>
    tpu.enqueue_dma source(%dma_start3A_121 : memref<2048xf32, #tpu.memory_space<hbm>>) target(%dma_start3A_120 : memref<2048xf32, #tpu.memory_space<vmem>>) target_semaphore(%arg17 : memref<!tpu.dma_semaphore, #tpu.memory_space<semaphore_mem>>)
    %mul3A_122 = arith.constant 4980736 : i32
    %mul3A_123 = arith.muli %select_n3A, %mul3A_122 : i32
    %add3A_124 = arith.constant 2097152 : i32
    %add3A_125 = arith.addi %mul3A_123, %add3A_124 : i32
    %add3A_126 = arith.addi %add3A_125, %add3A_34 : i32
    %dma_start3A_127 = arith.constant 16384 : i32
    %dma_start3A_128 = tpu.memref_slice %arg8[%dma_start3A_127] : memref<38912xf32, #tpu.memory_space<vmem>> -> memref<2048xf32, #tpu.memory_space<vmem>>
    %dma_start3A_129 = tpu.memref_slice %arg2[%add3A_126] : memref<39845888xf32, #tpu.memory_space<hbm>> -> memref<2048xf32, #tpu.memory_space<hbm>>
    %dma_start3A_130 = arith.constant 16384 : i32
    %dma_start3A_131 = tpu.memref_slice %arg8[%dma_start3A_130] : memref<38912xf32, #tpu.memory_space<vmem>> -> memref<2048xf32, #tpu.memory_space<vmem>>
    %dma_start3A_132 = tpu.memref_slice %arg2[%add3A_126] : memref<39845888xf32, #tpu.memory_space<hbm>> -> memref<2048xf32, #tpu.memory_space<hbm>>
    tpu.enqueue_dma source(%dma_start3A_132 : memref<2048xf32, #tpu.memory_space<hbm>>) target(%dma_start3A_131 : memref<2048xf32, #tpu.memory_space<vmem>>) target_semaphore(%arg17 : memref<!tpu.dma_semaphore, #tpu.memory_space<semaphore_mem>>)
    %mul3A_133 = arith.constant 4980736 : i32
    %mul3A_134 = arith.muli %select_n3A, %mul3A_133 : i32
    %add3A_135 = arith.constant 2359296 : i32
    %add3A_136 = arith.addi %mul3A_134, %add3A_135 : i32
    %add3A_137 = arith.addi %add3A_136, %add3A_34 : i32
    %dma_start3A_138 = arith.constant 18432 : i32
    %dma_start3A_139 = tpu.memref_slice %arg8[%dma_start3A_138] : memref<38912xf32, #tpu.memory_space<vmem>> -> memref<2048xf32, #tpu.memory_space<vmem>>
    %dma_start3A_140 = tpu.memref_slice %arg2[%add3A_137] : memref<39845888xf32, #tpu.memory_space<hbm>> -> memref<2048xf32, #tpu.memory_space<hbm>>
    %dma_start3A_141 = arith.constant 18432 : i32
    %dma_start3A_142 = tpu.memref_slice %arg8[%dma_start3A_141] : memref<38912xf32, #tpu.memory_space<vmem>> -> memref<2048xf32, #tpu.memory_space<vmem>>
    %dma_start3A_143 = tpu.memref_slice %arg2[%add3A_137] : memref<39845888xf32, #tpu.memory_space<hbm>> -> memref<2048xf32, #tpu.memory_space<hbm>>
    tpu.enqueue_dma source(%dma_start3A_143 : memref<2048xf32, #tpu.memory_space<hbm>>) target(%dma_start3A_142 : memref<2048xf32, #tpu.memory_space<vmem>>) target_semaphore(%arg17 : memref<!tpu.dma_semaphore, #tpu.memory_space<semaphore_mem>>)
    %mul3A_144 = arith.constant 4980736 : i32
    %mul3A_145 = arith.muli %select_n3A, %mul3A_144 : i32
    %add3A_146 = arith.constant 2621440 : i32
    %add3A_147 = arith.addi %mul3A_145, %add3A_146 : i32
    %add3A_148 = arith.addi %add3A_147, %add3A_34 : i32
    %dma_start3A_149 = arith.constant 20480 : i32
    %dma_start3A_150 = tpu.memref_slice %arg8[%dma_start3A_149] : memref<38912xf32, #tpu.memory_space<vmem>> -> memref<2048xf32, #tpu.memory_space<vmem>>
    %dma_start3A_151 = tpu.memref_slice %arg2[%add3A_148] : memref<39845888xf32, #tpu.memory_space<hbm>> -> memref<2048xf32, #tpu.memory_space<hbm>>
    %dma_start3A_152 = arith.constant 20480 : i32
    %dma_start3A_153 = tpu.memref_slice %arg8[%dma_start3A_152] : memref<38912xf32, #tpu.memory_space<vmem>> -> memref<2048xf32, #tpu.memory_space<vmem>>
    %dma_start3A_154 = tpu.memref_slice %arg2[%add3A_148] : memref<39845888xf32, #tpu.memory_space<hbm>> -> memref<2048xf32, #tpu.memory_space<hbm>>
    tpu.enqueue_dma source(%dma_start3A_154 : memref<2048xf32, #tpu.memory_space<hbm>>) target(%dma_start3A_153 : memref<2048xf32, #tpu.memory_space<vmem>>) target_semaphore(%arg17 : memref<!tpu.dma_semaphore, #tpu.memory_space<semaphore_mem>>)
    %mul3A_155 = arith.constant 4980736 : i32
    %mul3A_156 = arith.muli %select_n3A, %mul3A_155 : i32
    %add3A_157 = arith.constant 2883584 : i32
    %add3A_158 = arith.addi %mul3A_156, %add3A_157 : i32
    %add3A_159 = arith.addi %add3A_158, %add3A_34 : i32
    %dma_start3A_160 = arith.constant 22528 : i32
    %dma_start3A_161 = tpu.memref_slice %arg8[%dma_start3A_160] : memref<38912xf32, #tpu.memory_space<vmem>> -> memref<2048xf32, #tpu.memory_space<vmem>>
    %dma_start3A_162 = tpu.memref_slice %arg2[%add3A_159] : memref<39845888xf32, #tpu.memory_space<hbm>> -> memref<2048xf32, #tpu.memory_space<hbm>>
    %dma_start3A_163 = arith.constant 22528 : i32
    %dma_start3A_164 = tpu.memref_slice %arg8[%dma_start3A_163] : memref<38912xf32, #tpu.memory_space<vmem>> -> memref<2048xf32, #tpu.memory_space<vmem>>
    %dma_start3A_165 = tpu.memref_slice %arg2[%add3A_159] : memref<39845888xf32, #tpu.memory_space<hbm>> -> memref<2048xf32, #tpu.memory_space<hbm>>
    tpu.enqueue_dma source(%dma_start3A_165 : memref<2048xf32, #tpu.memory_space<hbm>>) target(%dma_start3A_164 : memref<2048xf32, #tpu.memory_space<vmem>>) target_semaphore(%arg17 : memref<!tpu.dma_semaphore, #tpu.memory_space<semaphore_mem>>)
    %mul3A_166 = arith.constant 4980736 : i32
    %mul3A_167 = arith.muli %select_n3A, %mul3A_166 : i32
    %add3A_168 = arith.constant 3145728 : i32
    %add3A_169 = arith.addi %mul3A_167, %add3A_168 : i32
    %add3A_170 = arith.addi %add3A_169, %add3A_34 : i32
    %dma_start3A_171 = arith.constant 24576 : i32
    %dma_start3A_172 = tpu.memref_slice %arg8[%dma_start3A_171] : memref<38912xf32, #tpu.memory_space<vmem>> -> memref<2048xf32, #tpu.memory_space<vmem>>
    %dma_start3A_173 = tpu.memref_slice %arg2[%add3A_170] : memref<39845888xf32, #tpu.memory_space<hbm>> -> memref<2048xf32, #tpu.memory_space<hbm>>
    %dma_start3A_174 = arith.constant 24576 : i32
    %dma_start3A_175 = tpu.memref_slice %arg8[%dma_start3A_174] : memref<38912xf32, #tpu.memory_space<vmem>> -> memref<2048xf32, #tpu.memory_space<vmem>>
    %dma_start3A_176 = tpu.memref_slice %arg2[%add3A_170] : memref<39845888xf32, #tpu.memory_space<hbm>> -> memref<2048xf32, #tpu.memory_space<hbm>>
    tpu.enqueue_dma source(%dma_start3A_176 : memref<2048xf32, #tpu.memory_space<hbm>>) target(%dma_start3A_175 : memref<2048xf32, #tpu.memory_space<vmem>>) target_semaphore(%arg17 : memref<!tpu.dma_semaphore, #tpu.memory_space<semaphore_mem>>)
    %mul3A_177 = arith.constant 4980736 : i32
    %mul3A_178 = arith.muli %select_n3A, %mul3A_177 : i32
    %add3A_179 = arith.constant 3407872 : i32
    %add3A_180 = arith.addi %mul3A_178, %add3A_179 : i32
    %add3A_181 = arith.addi %add3A_180, %add3A_34 : i32
    %dma_start3A_182 = arith.constant 26624 : i32
    %dma_start3A_183 = tpu.memref_slice %arg8[%dma_start3A_182] : memref<38912xf32, #tpu.memory_space<vmem>> -> memref<2048xf32, #tpu.memory_space<vmem>>
    %dma_start3A_184 = tpu.memref_slice %arg2[%add3A_181] : memref<39845888xf32, #tpu.memory_space<hbm>> -> memref<2048xf32, #tpu.memory_space<hbm>>
    %dma_start3A_185 = arith.constant 26624 : i32
    %dma_start3A_186 = tpu.memref_slice %arg8[%dma_start3A_185] : memref<38912xf32, #tpu.memory_space<vmem>> -> memref<2048xf32, #tpu.memory_space<vmem>>
    %dma_start3A_187 = tpu.memref_slice %arg2[%add3A_181] : memref<39845888xf32, #tpu.memory_space<hbm>> -> memref<2048xf32, #tpu.memory_space<hbm>>
    tpu.enqueue_dma source(%dma_start3A_187 : memref<2048xf32, #tpu.memory_space<hbm>>) target(%dma_start3A_186 : memref<2048xf32, #tpu.memory_space<vmem>>) target_semaphore(%arg17 : memref<!tpu.dma_semaphore, #tpu.memory_space<semaphore_mem>>)
    %mul3A_188 = arith.constant 4980736 : i32
    %mul3A_189 = arith.muli %select_n3A, %mul3A_188 : i32
    %add3A_190 = arith.constant 3670016 : i32
    %add3A_191 = arith.addi %mul3A_189, %add3A_190 : i32
    %add3A_192 = arith.addi %add3A_191, %add3A_34 : i32
    %dma_start3A_193 = arith.constant 28672 : i32
    %dma_start3A_194 = tpu.memref_slice %arg8[%dma_start3A_193] : memref<38912xf32, #tpu.memory_space<vmem>> -> memref<2048xf32, #tpu.memory_space<vmem>>
    %dma_start3A_195 = tpu.memref_slice %arg2[%add3A_192] : memref<39845888xf32, #tpu.memory_space<hbm>> -> memref<2048xf32, #tpu.memory_space<hbm>>
    %dma_start3A_196 = arith.constant 28672 : i32
    %dma_start3A_197 = tpu.memref_slice %arg8[%dma_start3A_196] : memref<38912xf32, #tpu.memory_space<vmem>> -> memref<2048xf32, #tpu.memory_space<vmem>>
    %dma_start3A_198 = tpu.memref_slice %arg2[%add3A_192] : memref<39845888xf32, #tpu.memory_space<hbm>> -> memref<2048xf32, #tpu.memory_space<hbm>>
    tpu.enqueue_dma source(%dma_start3A_198 : memref<2048xf32, #tpu.memory_space<hbm>>) target(%dma_start3A_197 : memref<2048xf32, #tpu.memory_space<vmem>>) target_semaphore(%arg17 : memref<!tpu.dma_semaphore, #tpu.memory_space<semaphore_mem>>)
    %mul3A_199 = arith.constant 4980736 : i32
    %mul3A_200 = arith.muli %select_n3A, %mul3A_199 : i32
    %add3A_201 = arith.constant 3932160 : i32
    %add3A_202 = arith.addi %mul3A_200, %add3A_201 : i32
    %add3A_203 = arith.addi %add3A_202, %add3A_34 : i32
    %dma_start3A_204 = arith.constant 30720 : i32
    %dma_start3A_205 = tpu.memref_slice %arg8[%dma_start3A_204] : memref<38912xf32, #tpu.memory_space<vmem>> -> memref<2048xf32, #tpu.memory_space<vmem>>
    %dma_start3A_206 = tpu.memref_slice %arg2[%add3A_203] : memref<39845888xf32, #tpu.memory_space<hbm>> -> memref<2048xf32, #tpu.memory_space<hbm>>
    %dma_start3A_207 = arith.constant 30720 : i32
    %dma_start3A_208 = tpu.memref_slice %arg8[%dma_start3A_207] : memref<38912xf32, #tpu.memory_space<vmem>> -> memref<2048xf32, #tpu.memory_space<vmem>>
    %dma_start3A_209 = tpu.memref_slice %arg2[%add3A_203] : memref<39845888xf32, #tpu.memory_space<hbm>> -> memref<2048xf32, #tpu.memory_space<hbm>>
    tpu.enqueue_dma source(%dma_start3A_209 : memref<2048xf32, #tpu.memory_space<hbm>>) target(%dma_start3A_208 : memref<2048xf32, #tpu.memory_space<vmem>>) target_semaphore(%arg17 : memref<!tpu.dma_semaphore, #tpu.memory_space<semaphore_mem>>)
    %mul3A_210 = arith.constant 4980736 : i32
    %mul3A_211 = arith.muli %select_n3A, %mul3A_210 : i32
    %add3A_212 = arith.constant 4194304 : i32
    %add3A_213 = arith.addi %mul3A_211, %add3A_212 : i32
    %add3A_214 = arith.addi %add3A_213, %add3A_34 : i32
    %dma_start3A_215 = arith.constant 32768 : i32
    %dma_start3A_216 = tpu.memref_slice %arg8[%dma_start3A_215] : memref<38912xf32, #tpu.memory_space<vmem>> -> memref<2048xf32, #tpu.memory_space<vmem>>
    %dma_start3A_217 = tpu.memref_slice %arg2[%add3A_214] : memref<39845888xf32, #tpu.memory_space<hbm>> -> memref<2048xf32, #tpu.memory_space<hbm>>
    %dma_start3A_218 = arith.constant 32768 : i32
    %dma_start3A_219 = tpu.memref_slice %arg8[%dma_start3A_218] : memref<38912xf32, #tpu.memory_space<vmem>> -> memref<2048xf32, #tpu.memory_space<vmem>>
    %dma_start3A_220 = tpu.memref_slice %arg2[%add3A_214] : memref<39845888xf32, #tpu.memory_space<hbm>> -> memref<2048xf32, #tpu.memory_space<hbm>>
    tpu.enqueue_dma source(%dma_start3A_220 : memref<2048xf32, #tpu.memory_space<hbm>>) target(%dma_start3A_219 : memref<2048xf32, #tpu.memory_space<vmem>>) target_semaphore(%arg17 : memref<!tpu.dma_semaphore, #tpu.memory_space<semaphore_mem>>)
    %mul3A_221 = arith.constant 4980736 : i32
    %mul3A_222 = arith.muli %select_n3A, %mul3A_221 : i32
    %add3A_223 = arith.constant 4456448 : i32
    %add3A_224 = arith.addi %mul3A_222, %add3A_223 : i32
    %add3A_225 = arith.addi %add3A_224, %add3A_34 : i32
    %dma_start3A_226 = arith.constant 34816 : i32
    %dma_start3A_227 = tpu.memref_slice %arg8[%dma_start3A_226] : memref<38912xf32, #tpu.memory_space<vmem>> -> memref<2048xf32, #tpu.memory_space<vmem>>
    %dma_start3A_228 = tpu.memref_slice %arg2[%add3A_225] : memref<39845888xf32, #tpu.memory_space<hbm>> -> memref<2048xf32, #tpu.memory_space<hbm>>
    %dma_start3A_229 = arith.constant 34816 : i32
    %dma_start3A_230 = tpu.memref_slice %arg8[%dma_start3A_229] : memref<38912xf32, #tpu.memory_space<vmem>> -> memref<2048xf32, #tpu.memory_space<vmem>>
    %dma_start3A_231 = tpu.memref_slice %arg2[%add3A_225] : memref<39845888xf32, #tpu.memory_space<hbm>> -> memref<2048xf32, #tpu.memory_space<hbm>>
    tpu.enqueue_dma source(%dma_start3A_231 : memref<2048xf32, #tpu.memory_space<hbm>>) target(%dma_start3A_230 : memref<2048xf32, #tpu.memory_space<vmem>>) target_semaphore(%arg17 : memref<!tpu.dma_semaphore, #tpu.memory_space<semaphore_mem>>)
    %mul3A_232 = arith.constant 4980736 : i32
    %mul3A_233 = arith.muli %select_n3A, %mul3A_232 : i32
    %add3A_234 = arith.constant 4718592 : i32
    %add3A_235 = arith.addi %mul3A_233, %add3A_234 : i32
    %add3A_236 = arith.addi %add3A_235, %add3A_34 : i32
    %dma_start3A_237 = arith.constant 36864 : i32
    %dma_start3A_238 = tpu.memref_slice %arg8[%dma_start3A_237] : memref<38912xf32, #tpu.memory_space<vmem>> -> memref<2048xf32, #tpu.memory_space<vmem>>
    %dma_start3A_239 = tpu.memref_slice %arg2[%add3A_236] : memref<39845888xf32, #tpu.memory_space<hbm>> -> memref<2048xf32, #tpu.memory_space<hbm>>
    %dma_start3A_240 = arith.constant 36864 : i32
    %dma_start3A_241 = tpu.memref_slice %arg8[%dma_start3A_240] : memref<38912xf32, #tpu.memory_space<vmem>> -> memref<2048xf32, #tpu.memory_space<vmem>>
    %dma_start3A_242 = tpu.memref_slice %arg2[%add3A_236] : memref<39845888xf32, #tpu.memory_space<hbm>> -> memref<2048xf32, #tpu.memory_space<hbm>>
    tpu.enqueue_dma source(%dma_start3A_242 : memref<2048xf32, #tpu.memory_space<hbm>>) target(%dma_start3A_241 : memref<2048xf32, #tpu.memory_space<vmem>>) target_semaphore(%arg17 : memref<!tpu.dma_semaphore, #tpu.memory_space<semaphore_mem>>)
    %mul3A_243 = arith.constant 262144 : i32
    %mul3A_244 = arith.muli %select_n3A, %mul3A_243 : i32
    %add3A_245 = arith.addi %mul3A_244, %add3A_34 : i32
    %dma_start3A_246 = tpu.memref_slice %arg3[%add3A_245] : memref<2097152xi32, #tpu.memory_space<hbm>> -> memref<2048xi32, #tpu.memory_space<hbm>>
    %dma_start3A_247 = tpu.memref_slice %arg3[%add3A_245] : memref<2097152xi32, #tpu.memory_space<hbm>> -> memref<2048xi32, #tpu.memory_space<hbm>>
    tpu.enqueue_dma source(%dma_start3A_247 : memref<2048xi32, #tpu.memory_space<hbm>>) target(%arg10 : memref<2048xi32, #tpu.memory_space<vmem>>) target_semaphore(%arg17 : memref<!tpu.dma_semaphore, #tpu.memory_space<semaphore_mem>>)
    %mul3A_248 = arith.constant 262144 : i32
    %mul3A_249 = arith.muli %select_n3A, %mul3A_248 : i32
    %add3A_250 = arith.addi %mul3A_249, %add3A_34 : i32
    %dma_start3A_251 = tpu.memref_slice %arg4[%add3A_250] : memref<2097152xf32, #tpu.memory_space<hbm>> -> memref<2048xf32, #tpu.memory_space<hbm>>
    %dma_start3A_252 = tpu.memref_slice %arg4[%add3A_250] : memref<2097152xf32, #tpu.memory_space<hbm>> -> memref<2048xf32, #tpu.memory_space<hbm>>
    tpu.enqueue_dma source(%dma_start3A_252 : memref<2048xf32, #tpu.memory_space<hbm>>) target(%arg12 : memref<2048xf32, #tpu.memory_space<vmem>>) target_semaphore(%arg17 : memref<!tpu.dma_semaphore, #tpu.memory_space<semaphore_mem>>)
    %broadcast_in_dim3A = arith.constant 0.000000e+00 : f32
    %broadcast_in_dim3A_253 = vector.broadcast %broadcast_in_dim3A : f32 to vector<16xf32>
    %broadcast_in_dim3A_254 = arith.constant 0 : i32
    %broadcast_in_dim3A_255 = vector.broadcast %broadcast_in_dim3A_254 : i32 to vector<16xi32>
    %broadcast_in_dim3A_256 = arith.constant 0 : i32
    %broadcast_in_dim3A_257 = vector.broadcast %broadcast_in_dim3A_256 : i32 to vector<16xi32>
    %scan3A = arith.constant 0 : i32
    %scan3A_258 = arith.constant 16 : i32
    %scan3A_259 = arith.addi %scan3A, %scan3A_258 : i32
    %scan3A_260 = arith.constant 1 : i32
    %scan3A_261:3 = scf.for %scan3A_285 = %scan3A to %scan3A_259 step %scan3A_260 iter_args(%scan3A_286 = %broadcast_in_dim3A_253, %scan3A_287 = %broadcast_in_dim3A_255, %scan3A_288 = %broadcast_in_dim3A_257) -> (vector<16xf32>, vector<16xi32>, vector<16xi32>)  : i32 {
      %mul3A_289 = arith.constant 2 : i32
      %mul3A_290 = arith.muli %mul3A_289, %scan3A_285 : i32
      %add3A_291 = arith.constant 1 : i32
      %add3A_292 = arith.addi %mul3A_290, %add3A_291 : i32
      %mul3A_293 = arith.constant 65536 : i32
      %mul3A_294 = arith.muli %select_n3A_30, %mul3A_293 : i32
      %mul3A_295 = arith.constant 2048 : i32
      %mul3A_296 = arith.muli %add3A_292, %mul3A_295 : i32
      %add3A_297 = arith.addi %mul3A_294, %mul3A_296 : i32
      %mul3A_298 = arith.constant 4980736 : i32
      %mul3A_299 = arith.muli %select_n3A, %mul3A_298 : i32
      %add3A_300 = arith.constant 0 : i32
      %add3A_301 = arith.addi %mul3A_299, %add3A_300 : i32
      %add3A_302 = arith.addi %add3A_301, %add3A_297 : i32
      %dma_start3A_303 = arith.constant 0 : i32
      %dma_start3A_304 = tpu.memref_slice %arg9[%dma_start3A_303] : memref<38912xf32, #tpu.memory_space<vmem>> -> memref<2048xf32, #tpu.memory_space<vmem>>
      %dma_start3A_305 = tpu.memref_slice %arg2[%add3A_302] : memref<39845888xf32, #tpu.memory_space<hbm>> -> memref<2048xf32, #tpu.memory_space<hbm>>
      %dma_start3A_306 = arith.constant 0 : i32
      %dma_start3A_307 = tpu.memref_slice %arg9[%dma_start3A_306] : memref<38912xf32, #tpu.memory_space<vmem>> -> memref<2048xf32, #tpu.memory_space<vmem>>
      %dma_start3A_308 = tpu.memref_slice %arg2[%add3A_302] : memref<39845888xf32, #tpu.memory_space<hbm>> -> memref<2048xf32, #tpu.memory_space<hbm>>
      tpu.enqueue_dma source(%dma_start3A_308 : memref<2048xf32, #tpu.memory_space<hbm>>) target(%dma_start3A_307 : memref<2048xf32, #tpu.memory_space<vmem>>) target_semaphore(%arg18 : memref<!tpu.dma_semaphore, #tpu.memory_space<semaphore_mem>>)
      %mul3A_309 = arith.constant 4980736 : i32
      %mul3A_310 = arith.muli %select_n3A, %mul3A_309 : i32
      %add3A_311 = arith.constant 262144 : i32
      %add3A_312 = arith.addi %mul3A_310, %add3A_311 : i32
      %add3A_313 = arith.addi %add3A_312, %add3A_297 : i32
      %dma_start3A_314 = arith.constant 2048 : i32
      %dma_start3A_315 = tpu.memref_slice %arg9[%dma_start3A_314] : memref<38912xf32, #tpu.memory_space<vmem>> -> memref<2048xf32, #tpu.memory_space<vmem>>
      %dma_start3A_316 = tpu.memref_slice %arg2[%add3A_313] : memref<39845888xf32, #tpu.memory_space<hbm>> -> memref<2048xf32, #tpu.memory_space<hbm>>
      %dma_start3A_317 = arith.constant 2048 : i32
      %dma_start3A_318 = tpu.memref_slice %arg9[%dma_start3A_317] : memref<38912xf32, #tpu.memory_space<vmem>> -> memref<2048xf32, #tpu.memory_space<vmem>>
      %dma_start3A_319 = tpu.memref_slice %arg2[%add3A_313] : memref<39845888xf32, #tpu.memory_space<hbm>> -> memref<2048xf32, #tpu.memory_space<hbm>>
      tpu.enqueue_dma source(%dma_start3A_319 : memref<2048xf32, #tpu.memory_space<hbm>>) target(%dma_start3A_318 : memref<2048xf32, #tpu.memory_space<vmem>>) target_semaphore(%arg18 : memref<!tpu.dma_semaphore, #tpu.memory_space<semaphore_mem>>)
      %mul3A_320 = arith.constant 4980736 : i32
      %mul3A_321 = arith.muli %select_n3A, %mul3A_320 : i32
      %add3A_322 = arith.constant 524288 : i32
      %add3A_323 = arith.addi %mul3A_321, %add3A_322 : i32
      %add3A_324 = arith.addi %add3A_323, %add3A_297 : i32
      %dma_start3A_325 = arith.constant 4096 : i32
      %dma_start3A_326 = tpu.memref_slice %arg9[%dma_start3A_325] : memref<38912xf32, #tpu.memory_space<vmem>> -> memref<2048xf32, #tpu.memory_space<vmem>>
      %dma_start3A_327 = tpu.memref_slice %arg2[%add3A_324] : memref<39845888xf32, #tpu.memory_space<hbm>> -> memref<2048xf32, #tpu.memory_space<hbm>>
      %dma_start3A_328 = arith.constant 4096 : i32
      %dma_start3A_329 = tpu.memref_slice %arg9[%dma_start3A_328] : memref<38912xf32, #tpu.memory_space<vmem>> -> memref<2048xf32, #tpu.memory_space<vmem>>
      %dma_start3A_330 = tpu.memref_slice %arg2[%add3A_324] : memref<39845888xf32, #tpu.memory_space<hbm>> -> memref<2048xf32, #tpu.memory_space<hbm>>
      tpu.enqueue_dma source(%dma_start3A_330 : memref<2048xf32, #tpu.memory_space<hbm>>) target(%dma_start3A_329 : memref<2048xf32, #tpu.memory_space<vmem>>) target_semaphore(%arg18 : memref<!tpu.dma_semaphore, #tpu.memory_space<semaphore_mem>>)
      %mul3A_331 = arith.constant 4980736 : i32
      %mul3A_332 = arith.muli %select_n3A, %mul3A_331 : i32
      %add3A_333 = arith.constant 786432 : i32
      %add3A_334 = arith.addi %mul3A_332, %add3A_333 : i32
      %add3A_335 = arith.addi %add3A_334, %add3A_297 : i32
      %dma_start3A_336 = arith.constant 6144 : i32
      %dma_start3A_337 = tpu.memref_slice %arg9[%dma_start3A_336] : memref<38912xf32, #tpu.memory_space<vmem>> -> memref<2048xf32, #tpu.memory_space<vmem>>
      %dma_start3A_338 = tpu.memref_slice %arg2[%add3A_335] : memref<39845888xf32, #tpu.memory_space<hbm>> -> memref<2048xf32, #tpu.memory_space<hbm>>
      %dma_start3A_339 = arith.constant 6144 : i32
      %dma_start3A_340 = tpu.memref_slice %arg9[%dma_start3A_339] : memref<38912xf32, #tpu.memory_space<vmem>> -> memref<2048xf32, #tpu.memory_space<vmem>>
      %dma_start3A_341 = tpu.memref_slice %arg2[%add3A_335] : memref<39845888xf32, #tpu.memory_space<hbm>> -> memref<2048xf32, #tpu.memory_space<hbm>>
      tpu.enqueue_dma source(%dma_start3A_341 : memref<2048xf32, #tpu.memory_space<hbm>>) target(%dma_start3A_340 : memref<2048xf32, #tpu.memory_space<vmem>>) target_semaphore(%arg18 : memref<!tpu.dma_semaphore, #tpu.memory_space<semaphore_mem>>)
      %mul3A_342 = arith.constant 4980736 : i32
      %mul3A_343 = arith.muli %select_n3A, %mul3A_342 : i32
      %add3A_344 = arith.constant 1048576 : i32
      %add3A_345 = arith.addi %mul3A_343, %add3A_344 : i32
      %add3A_346 = arith.addi %add3A_345, %add3A_297 : i32
      %dma_start3A_347 = arith.constant 8192 : i32
      %dma_start3A_348 = tpu.memref_slice %arg9[%dma_start3A_347] : memref<38912xf32, #tpu.memory_space<vmem>> -> memref<2048xf32, #tpu.memory_space<vmem>>
      %dma_start3A_349 = tpu.memref_slice %arg2[%add3A_346] : memref<39845888xf32, #tpu.memory_space<hbm>> -> memref<2048xf32, #tpu.memory_space<hbm>>
      %dma_start3A_350 = arith.constant 8192 : i32
      %dma_start3A_351 = tpu.memref_slice %arg9[%dma_start3A_350] : memref<38912xf32, #tpu.memory_space<vmem>> -> memref<2048xf32, #tpu.memory_space<vmem>>
      %dma_start3A_352 = tpu.memref_slice %arg2[%add3A_346] : memref<39845888xf32, #tpu.memory_space<hbm>> -> memref<2048xf32, #tpu.memory_space<hbm>>
      tpu.enqueue_dma source(%dma_start3A_352 : memref<2048xf32, #tpu.memory_space<hbm>>) target(%dma_start3A_351 : memref<2048xf32, #tpu.memory_space<vmem>>) target_semaphore(%arg18 : memref<!tpu.dma_semaphore, #tpu.memory_space<semaphore_mem>>)
      %mul3A_353 = arith.constant 4980736 : i32
      %mul3A_354 = arith.muli %select_n3A, %mul3A_353 : i32
      %add3A_355 = arith.constant 1310720 : i32
      %add3A_356 = arith.addi %mul3A_354, %add3A_355 : i32
      %add3A_357 = arith.addi %add3A_356, %add3A_297 : i32
      %dma_start3A_358 = arith.constant 10240 : i32
      %dma_start3A_359 = tpu.memref_slice %arg9[%dma_start3A_358] : memref<38912xf32, #tpu.memory_space<vmem>> -> memref<2048xf32, #tpu.memory_space<vmem>>
      %dma_start3A_360 = tpu.memref_slice %arg2[%add3A_357] : memref<39845888xf32, #tpu.memory_space<hbm>> -> memref<2048xf32, #tpu.memory_space<hbm>>
      %dma_start3A_361 = arith.constant 10240 : i32
      %dma_start3A_362 = tpu.memref_slice %arg9[%dma_start3A_361] : memref<38912xf32, #tpu.memory_space<vmem>> -> memref<2048xf32, #tpu.memory_space<vmem>>
      %dma_start3A_363 = tpu.memref_slice %arg2[%add3A_357] : memref<39845888xf32, #tpu.memory_space<hbm>> -> memref<2048xf32, #tpu.memory_space<hbm>>
      tpu.enqueue_dma source(%dma_start3A_363 : memref<2048xf32, #tpu.memory_space<hbm>>) target(%dma_start3A_362 : memref<2048xf32, #tpu.memory_space<vmem>>) target_semaphore(%arg18 : memref<!tpu.dma_semaphore, #tpu.memory_space<semaphore_mem>>)
      %mul3A_364 = arith.constant 4980736 : i32
      %mul3A_365 = arith.muli %select_n3A, %mul3A_364 : i32
      %add3A_366 = arith.constant 1572864 : i32
      %add3A_367 = arith.addi %mul3A_365, %add3A_366 : i32
      %add3A_368 = arith.addi %add3A_367, %add3A_297 : i32
      %dma_start3A_369 = arith.constant 12288 : i32
      %dma_start3A_370 = tpu.memref_slice %arg9[%dma_start3A_369] : memref<38912xf32, #tpu.memory_space<vmem>> -> memref<2048xf32, #tpu.memory_space<vmem>>
      %dma_start3A_371 = tpu.memref_slice %arg2[%add3A_368] : memref<39845888xf32, #tpu.memory_space<hbm>> -> memref<2048xf32, #tpu.memory_space<hbm>>
      %dma_start3A_372 = arith.constant 12288 : i32
      %dma_start3A_373 = tpu.memref_slice %arg9[%dma_start3A_372] : memref<38912xf32, #tpu.memory_space<vmem>> -> memref<2048xf32, #tpu.memory_space<vmem>>
      %dma_start3A_374 = tpu.memref_slice %arg2[%add3A_368] : memref<39845888xf32, #tpu.memory_space<hbm>> -> memref<2048xf32, #tpu.memory_space<hbm>>
      tpu.enqueue_dma source(%dma_start3A_374 : memref<2048xf32, #tpu.memory_space<hbm>>) target(%dma_start3A_373 : memref<2048xf32, #tpu.memory_space<vmem>>) target_semaphore(%arg18 : memref<!tpu.dma_semaphore, #tpu.memory_space<semaphore_mem>>)
      %mul3A_375 = arith.constant 4980736 : i32
      %mul3A_376 = arith.muli %select_n3A, %mul3A_375 : i32
      %add3A_377 = arith.constant 1835008 : i32
      %add3A_378 = arith.addi %mul3A_376, %add3A_377 : i32
      %add3A_379 = arith.addi %add3A_378, %add3A_297 : i32
      %dma_start3A_380 = arith.constant 14336 : i32
      %dma_start3A_381 = tpu.memref_slice %arg9[%dma_start3A_380] : memref<38912xf32, #tpu.memory_space<vmem>> -> memref<2048xf32, #tpu.memory_space<vmem>>
      %dma_start3A_382 = tpu.memref_slice %arg2[%add3A_379] : memref<39845888xf32, #tpu.memory_space<hbm>> -> memref<2048xf32, #tpu.memory_space<hbm>>
      %dma_start3A_383 = arith.constant 14336 : i32
      %dma_start3A_384 = tpu.memref_slice %arg9[%dma_start3A_383] : memref<38912xf32, #tpu.memory_space<vmem>> -> memref<2048xf32, #tpu.memory_space<vmem>>
      %dma_start3A_385 = tpu.memref_slice %arg2[%add3A_379] : memref<39845888xf32, #tpu.memory_space<hbm>> -> memref<2048xf32, #tpu.memory_space<hbm>>
      tpu.enqueue_dma source(%dma_start3A_385 : memref<2048xf32, #tpu.memory_space<hbm>>) target(%dma_start3A_384 : memref<2048xf32, #tpu.memory_space<vmem>>) target_semaphore(%arg18 : memref<!tpu.dma_semaphore, #tpu.memory_space<semaphore_mem>>)
      %mul3A_386 = arith.constant 4980736 : i32
      %mul3A_387 = arith.muli %select_n3A, %mul3A_386 : i32
      %add3A_388 = arith.constant 2097152 : i32
      %add3A_389 = arith.addi %mul3A_387, %add3A_388 : i32
      %add3A_390 = arith.addi %add3A_389, %add3A_297 : i32
      %dma_start3A_391 = arith.constant 16384 : i32
      %dma_start3A_392 = tpu.memref_slice %arg9[%dma_start3A_391] : memref<38912xf32, #tpu.memory_space<vmem>> -> memref<2048xf32, #tpu.memory_space<vmem>>
      %dma_start3A_393 = tpu.memref_slice %arg2[%add3A_390] : memref<39845888xf32, #tpu.memory_space<hbm>> -> memref<2048xf32, #tpu.memory_space<hbm>>
      %dma_start3A_394 = arith.constant 16384 : i32
      %dma_start3A_395 = tpu.memref_slice %arg9[%dma_start3A_394] : memref<38912xf32, #tpu.memory_space<vmem>> -> memref<2048xf32, #tpu.memory_space<vmem>>
      %dma_start3A_396 = tpu.memref_slice %arg2[%add3A_390] : memref<39845888xf32, #tpu.memory_space<hbm>> -> memref<2048xf32, #tpu.memory_space<hbm>>
      tpu.enqueue_dma source(%dma_start3A_396 : memref<2048xf32, #tpu.memory_space<hbm>>) target(%dma_start3A_395 : memref<2048xf32, #tpu.memory_space<vmem>>) target_semaphore(%arg18 : memref<!tpu.dma_semaphore, #tpu.memory_space<semaphore_mem>>)
      %mul3A_397 = arith.constant 4980736 : i32
      %mul3A_398 = arith.muli %select_n3A, %mul3A_397 : i32
      %add3A_399 = arith.constant 2359296 : i32
      %add3A_400 = arith.addi %mul3A_398, %add3A_399 : i32
      %add3A_401 = arith.addi %add3A_400, %add3A_297 : i32
      %dma_start3A_402 = arith.constant 18432 : i32
      %dma_start3A_403 = tpu.memref_slice %arg9[%dma_start3A_402] : memref<38912xf32, #tpu.memory_space<vmem>> -> memref<2048xf32, #tpu.memory_space<vmem>>
      %dma_start3A_404 = tpu.memref_slice %arg2[%add3A_401] : memref<39845888xf32, #tpu.memory_space<hbm>> -> memref<2048xf32, #tpu.memory_space<hbm>>
      %dma_start3A_405 = arith.constant 18432 : i32
      %dma_start3A_406 = tpu.memref_slice %arg9[%dma_start3A_405] : memref<38912xf32, #tpu.memory_space<vmem>> -> memref<2048xf32, #tpu.memory_space<vmem>>
      %dma_start3A_407 = tpu.memref_slice %arg2[%add3A_401] : memref<39845888xf32, #tpu.memory_space<hbm>> -> memref<2048xf32, #tpu.memory_space<hbm>>
      tpu.enqueue_dma source(%dma_start3A_407 : memref<2048xf32, #tpu.memory_space<hbm>>) target(%dma_start3A_406 : memref<2048xf32, #tpu.memory_space<vmem>>) target_semaphore(%arg18 : memref<!tpu.dma_semaphore, #tpu.memory_space<semaphore_mem>>)
      %mul3A_408 = arith.constant 4980736 : i32
      %mul3A_409 = arith.muli %select_n3A, %mul3A_408 : i32
      %add3A_410 = arith.constant 2621440 : i32
      %add3A_411 = arith.addi %mul3A_409, %add3A_410 : i32
      %add3A_412 = arith.addi %add3A_411, %add3A_297 : i32
      %dma_start3A_413 = arith.constant 20480 : i32
      %dma_start3A_414 = tpu.memref_slice %arg9[%dma_start3A_413] : memref<38912xf32, #tpu.memory_space<vmem>> -> memref<2048xf32, #tpu.memory_space<vmem>>
      %dma_start3A_415 = tpu.memref_slice %arg2[%add3A_412] : memref<39845888xf32, #tpu.memory_space<hbm>> -> memref<2048xf32, #tpu.memory_space<hbm>>
      %dma_start3A_416 = arith.constant 20480 : i32
      %dma_start3A_417 = tpu.memref_slice %arg9[%dma_start3A_416] : memref<38912xf32, #tpu.memory_space<vmem>> -> memref<2048xf32, #tpu.memory_space<vmem>>
      %dma_start3A_418 = tpu.memref_slice %arg2[%add3A_412] : memref<39845888xf32, #tpu.memory_space<hbm>> -> memref<2048xf32, #tpu.memory_space<hbm>>
      tpu.enqueue_dma source(%dma_start3A_418 : memref<2048xf32, #tpu.memory_space<hbm>>) target(%dma_start3A_417 : memref<2048xf32, #tpu.memory_space<vmem>>) target_semaphore(%arg18 : memref<!tpu.dma_semaphore, #tpu.memory_space<semaphore_mem>>)
      %mul3A_419 = arith.constant 4980736 : i32
      %mul3A_420 = arith.muli %select_n3A, %mul3A_419 : i32
      %add3A_421 = arith.constant 2883584 : i32
      %add3A_422 = arith.addi %mul3A_420, %add3A_421 : i32
      %add3A_423 = arith.addi %add3A_422, %add3A_297 : i32
      %dma_start3A_424 = arith.constant 22528 : i32
      %dma_start3A_425 = tpu.memref_slice %arg9[%dma_start3A_424] : memref<38912xf32, #tpu.memory_space<vmem>> -> memref<2048xf32, #tpu.memory_space<vmem>>
      %dma_start3A_426 = tpu.memref_slice %arg2[%add3A_423] : memref<39845888xf32, #tpu.memory_space<hbm>> -> memref<2048xf32, #tpu.memory_space<hbm>>
      %dma_start3A_427 = arith.constant 22528 : i32
      %dma_start3A_428 = tpu.memref_slice %arg9[%dma_start3A_427] : memref<38912xf32, #tpu.memory_space<vmem>> -> memref<2048xf32, #tpu.memory_space<vmem>>
      %dma_start3A_429 = tpu.memref_slice %arg2[%add3A_423] : memref<39845888xf32, #tpu.memory_space<hbm>> -> memref<2048xf32, #tpu.memory_space<hbm>>
      tpu.enqueue_dma source(%dma_start3A_429 : memref<2048xf32, #tpu.memory_space<hbm>>) target(%dma_start3A_428 : memref<2048xf32, #tpu.memory_space<vmem>>) target_semaphore(%arg18 : memref<!tpu.dma_semaphore, #tpu.memory_space<semaphore_mem>>)
      %mul3A_430 = arith.constant 4980736 : i32
      %mul3A_431 = arith.muli %select_n3A, %mul3A_430 : i32
      %add3A_432 = arith.constant 3145728 : i32
      %add3A_433 = arith.addi %mul3A_431, %add3A_432 : i32
      %add3A_434 = arith.addi %add3A_433, %add3A_297 : i32
      %dma_start3A_435 = arith.constant 24576 : i32
      %dma_start3A_436 = tpu.memref_slice %arg9[%dma_start3A_435] : memref<38912xf32, #tpu.memory_space<vmem>> -> memref<2048xf32, #tpu.memory_space<vmem>>
      %dma_start3A_437 = tpu.memref_slice %arg2[%add3A_434] : memref<39845888xf32, #tpu.memory_space<hbm>> -> memref<2048xf32, #tpu.memory_space<hbm>>
      %dma_start3A_438 = arith.constant 24576 : i32
      %dma_start3A_439 = tpu.memref_slice %arg9[%dma_start3A_438] : memref<38912xf32, #tpu.memory_space<vmem>> -> memref<2048xf32, #tpu.memory_space<vmem>>
      %dma_start3A_440 = tpu.memref_slice %arg2[%add3A_434] : memref<39845888xf32, #tpu.memory_space<hbm>> -> memref<2048xf32, #tpu.memory_space<hbm>>
      tpu.enqueue_dma source(%dma_start3A_440 : memref<2048xf32, #tpu.memory_space<hbm>>) target(%dma_start3A_439 : memref<2048xf32, #tpu.memory_space<vmem>>) target_semaphore(%arg18 : memref<!tpu.dma_semaphore, #tpu.memory_space<semaphore_mem>>)
      %mul3A_441 = arith.constant 4980736 : i32
      %mul3A_442 = arith.muli %select_n3A, %mul3A_441 : i32
      %add3A_443 = arith.constant 3407872 : i32
      %add3A_444 = arith.addi %mul3A_442, %add3A_443 : i32
      %add3A_445 = arith.addi %add3A_444, %add3A_297 : i32
      %dma_start3A_446 = arith.constant 26624 : i32
      %dma_start3A_447 = tpu.memref_slice %arg9[%dma_start3A_446] : memref<38912xf32, #tpu.memory_space<vmem>> -> memref<2048xf32, #tpu.memory_space<vmem>>
      %dma_start3A_448 = tpu.memref_slice %arg2[%add3A_445] : memref<39845888xf32, #tpu.memory_space<hbm>> -> memref<2048xf32, #tpu.memory_space<hbm>>
      %dma_start3A_449 = arith.constant 26624 : i32
      %dma_start3A_450 = tpu.memref_slice %arg9[%dma_start3A_449] : memref<38912xf32, #tpu.memory_space<vmem>> -> memref<2048xf32, #tpu.memory_space<vmem>>
      %dma_start3A_451 = tpu.memref_slice %arg2[%add3A_445] : memref<39845888xf32, #tpu.memory_space<hbm>> -> memref<2048xf32, #tpu.memory_space<hbm>>
      tpu.enqueue_dma source(%dma_start3A_451 : memref<2048xf32, #tpu.memory_space<hbm>>) target(%dma_start3A_450 : memref<2048xf32, #tpu.memory_space<vmem>>) target_semaphore(%arg18 : memref<!tpu.dma_semaphore, #tpu.memory_space<semaphore_mem>>)
      %mul3A_452 = arith.constant 4980736 : i32
      %mul3A_453 = arith.muli %select_n3A, %mul3A_452 : i32
      %add3A_454 = arith.constant 3670016 : i32
      %add3A_455 = arith.addi %mul3A_453, %add3A_454 : i32
      %add3A_456 = arith.addi %add3A_455, %add3A_297 : i32
      %dma_start3A_457 = arith.constant 28672 : i32
      %dma_start3A_458 = tpu.memref_slice %arg9[%dma_start3A_457] : memref<38912xf32, #tpu.memory_space<vmem>> -> memref<2048xf32, #tpu.memory_space<vmem>>
      %dma_start3A_459 = tpu.memref_slice %arg2[%add3A_456] : memref<39845888xf32, #tpu.memory_space<hbm>> -> memref<2048xf32, #tpu.memory_space<hbm>>
      %dma_start3A_460 = arith.constant 28672 : i32
      %dma_start3A_461 = tpu.memref_slice %arg9[%dma_start3A_460] : memref<38912xf32, #tpu.memory_space<vmem>> -> memref<2048xf32, #tpu.memory_space<vmem>>
      %dma_start3A_462 = tpu.memref_slice %arg2[%add3A_456] : memref<39845888xf32, #tpu.memory_space<hbm>> -> memref<2048xf32, #tpu.memory_space<hbm>>
      tpu.enqueue_dma source(%dma_start3A_462 : memref<2048xf32, #tpu.memory_space<hbm>>) target(%dma_start3A_461 : memref<2048xf32, #tpu.memory_space<vmem>>) target_semaphore(%arg18 : memref<!tpu.dma_semaphore, #tpu.memory_space<semaphore_mem>>)
      %mul3A_463 = arith.constant 4980736 : i32
      %mul3A_464 = arith.muli %select_n3A, %mul3A_463 : i32
      %add3A_465 = arith.constant 3932160 : i32
      %add3A_466 = arith.addi %mul3A_464, %add3A_465 : i32
      %add3A_467 = arith.addi %add3A_466, %add3A_297 : i32
      %dma_start3A_468 = arith.constant 30720 : i32
      %dma_start3A_469 = tpu.memref_slice %arg9[%dma_start3A_468] : memref<38912xf32, #tpu.memory_space<vmem>> -> memref<2048xf32, #tpu.memory_space<vmem>>
      %dma_start3A_470 = tpu.memref_slice %arg2[%add3A_467] : memref<39845888xf32, #tpu.memory_space<hbm>> -> memref<2048xf32, #tpu.memory_space<hbm>>
      %dma_start3A_471 = arith.constant 30720 : i32
      %dma_start3A_472 = tpu.memref_slice %arg9[%dma_start3A_471] : memref<38912xf32, #tpu.memory_space<vmem>> -> memref<2048xf32, #tpu.memory_space<vmem>>
      %dma_start3A_473 = tpu.memref_slice %arg2[%add3A_467] : memref<39845888xf32, #tpu.memory_space<hbm>> -> memref<2048xf32, #tpu.memory_space<hbm>>
      tpu.enqueue_dma source(%dma_start3A_473 : memref<2048xf32, #tpu.memory_space<hbm>>) target(%dma_start3A_472 : memref<2048xf32, #tpu.memory_space<vmem>>) target_semaphore(%arg18 : memref<!tpu.dma_semaphore, #tpu.memory_space<semaphore_mem>>)
      %mul3A_474 = arith.constant 4980736 : i32
      %mul3A_475 = arith.muli %select_n3A, %mul3A_474 : i32
      %add3A_476 = arith.constant 4194304 : i32
      %add3A_477 = arith.addi %mul3A_475, %add3A_476 : i32
      %add3A_478 = arith.addi %add3A_477, %add3A_297 : i32
      %dma_start3A_479 = arith.constant 32768 : i32
      %dma_start3A_480 = tpu.memref_slice %arg9[%dma_start3A_479] : memref<38912xf32, #tpu.memory_space<vmem>> -> memref<2048xf32, #tpu.memory_space<vmem>>
      %dma_start3A_481 = tpu.memref_slice %arg2[%add3A_478] : memref<39845888xf32, #tpu.memory_space<hbm>> -> memref<2048xf32, #tpu.memory_space<hbm>>
      %dma_start3A_482 = arith.constant 32768 : i32
      %dma_start3A_483 = tpu.memref_slice %arg9[%dma_start3A_482] : memref<38912xf32, #tpu.memory_space<vmem>> -> memref<2048xf32, #tpu.memory_space<vmem>>
      %dma_start3A_484 = tpu.memref_slice %arg2[%add3A_478] : memref<39845888xf32, #tpu.memory_space<hbm>> -> memref<2048xf32, #tpu.memory_space<hbm>>
      tpu.enqueue_dma source(%dma_start3A_484 : memref<2048xf32, #tpu.memory_space<hbm>>) target(%dma_start3A_483 : memref<2048xf32, #tpu.memory_space<vmem>>) target_semaphore(%arg18 : memref<!tpu.dma_semaphore, #tpu.memory_space<semaphore_mem>>)
      %mul3A_485 = arith.constant 4980736 : i32
      %mul3A_486 = arith.muli %select_n3A, %mul3A_485 : i32
      %add3A_487 = arith.constant 4456448 : i32
      %add3A_488 = arith.addi %mul3A_486, %add3A_487 : i32
      %add3A_489 = arith.addi %add3A_488, %add3A_297 : i32
      %dma_start3A_490 = arith.constant 34816 : i32
      %dma_start3A_491 = tpu.memref_slice %arg9[%dma_start3A_490] : memref<38912xf32, #tpu.memory_space<vmem>> -> memref<2048xf32, #tpu.memory_space<vmem>>
      %dma_start3A_492 = tpu.memref_slice %arg2[%add3A_489] : memref<39845888xf32, #tpu.memory_space<hbm>> -> memref<2048xf32, #tpu.memory_space<hbm>>
      %dma_start3A_493 = arith.constant 34816 : i32
      %dma_start3A_494 = tpu.memref_slice %arg9[%dma_start3A_493] : memref<38912xf32, #tpu.memory_space<vmem>> -> memref<2048xf32, #tpu.memory_space<vmem>>
      %dma_start3A_495 = tpu.memref_slice %arg2[%add3A_489] : memref<39845888xf32, #tpu.memory_space<hbm>> -> memref<2048xf32, #tpu.memory_space<hbm>>
      tpu.enqueue_dma source(%dma_start3A_495 : memref<2048xf32, #tpu.memory_space<hbm>>) target(%dma_start3A_494 : memref<2048xf32, #tpu.memory_space<vmem>>) target_semaphore(%arg18 : memref<!tpu.dma_semaphore, #tpu.memory_space<semaphore_mem>>)
      %mul3A_496 = arith.constant 4980736 : i32
      %mul3A_497 = arith.muli %select_n3A, %mul3A_496 : i32
      %add3A_498 = arith.constant 4718592 : i32
      %add3A_499 = arith.addi %mul3A_497, %add3A_498 : i32
      %add3A_500 = arith.addi %add3A_499, %add3A_297 : i32
      %dma_start3A_501 = arith.constant 36864 : i32
      %dma_start3A_502 = tpu.memref_slice %arg9[%dma_start3A_501] : memref<38912xf32, #tpu.memory_space<vmem>> -> memref<2048xf32, #tpu.memory_space<vmem>>
      %dma_start3A_503 = tpu.memref_slice %arg2[%add3A_500] : memref<39845888xf32, #tpu.memory_space<hbm>> -> memref<2048xf32, #tpu.memory_space<hbm>>
      %dma_start3A_504 = arith.constant 36864 : i32
      %dma_start3A_505 = tpu.memref_slice %arg9[%dma_start3A_504] : memref<38912xf32, #tpu.memory_space<vmem>> -> memref<2048xf32, #tpu.memory_space<vmem>>
      %dma_start3A_506 = tpu.memref_slice %arg2[%add3A_500] : memref<39845888xf32, #tpu.memory_space<hbm>> -> memref<2048xf32, #tpu.memory_space<hbm>>
      tpu.enqueue_dma source(%dma_start3A_506 : memref<2048xf32, #tpu.memory_space<hbm>>) target(%dma_start3A_505 : memref<2048xf32, #tpu.memory_space<vmem>>) target_semaphore(%arg18 : memref<!tpu.dma_semaphore, #tpu.memory_space<semaphore_mem>>)
      %mul3A_507 = arith.constant 262144 : i32
      %mul3A_508 = arith.muli %select_n3A, %mul3A_507 : i32
      %add3A_509 = arith.addi %mul3A_508, %add3A_297 : i32
      %dma_start3A_510 = tpu.memref_slice %arg3[%add3A_509] : memref<2097152xi32, #tpu.memory_space<hbm>> -> memref<2048xi32, #tpu.memory_space<hbm>>
      %dma_start3A_511 = tpu.memref_slice %arg3[%add3A_509] : memref<2097152xi32, #tpu.memory_space<hbm>> -> memref<2048xi32, #tpu.memory_space<hbm>>
      tpu.enqueue_dma source(%dma_start3A_511 : memref<2048xi32, #tpu.memory_space<hbm>>) target(%arg11 : memref<2048xi32, #tpu.memory_space<vmem>>) target_semaphore(%arg18 : memref<!tpu.dma_semaphore, #tpu.memory_space<semaphore_mem>>)
      %mul3A_512 = arith.constant 262144 : i32
      %mul3A_513 = arith.muli %select_n3A, %mul3A_512 : i32
      %add3A_514 = arith.addi %mul3A_513, %add3A_297 : i32
      %dma_start3A_515 = tpu.memref_slice %arg4[%add3A_514] : memref<2097152xf32, #tpu.memory_space<hbm>> -> memref<2048xf32, #tpu.memory_space<hbm>>
      %dma_start3A_516 = tpu.memref_slice %arg4[%add3A_514] : memref<2097152xf32, #tpu.memory_space<hbm>> -> memref<2048xf32, #tpu.memory_space<hbm>>
      tpu.enqueue_dma source(%dma_start3A_516 : memref<2048xf32, #tpu.memory_space<hbm>>) target(%arg13 : memref<2048xf32, #tpu.memory_space<vmem>>) target_semaphore(%arg18 : memref<!tpu.dma_semaphore, #tpu.memory_space<semaphore_mem>>)
      %dma_wait3A_517 = arith.constant 0 : i32
      %dma_wait3A_518 = tpu.memref_slice %arg2[%dma_wait3A_517] : memref<39845888xf32, #tpu.memory_space<hbm>> -> memref<38912xf32, #tpu.memory_space<hbm>>
      %dma_wait3A_519 = arith.constant 0 : i32
      %dma_wait3A_520 = tpu.memref_slice %arg2[%dma_wait3A_519] : memref<39845888xf32, #tpu.memory_space<hbm>> -> memref<38912xf32, #tpu.memory_space<hbm>>
      tpu.wait_dma2 semaphore(%arg17 : memref<!tpu.dma_semaphore, #tpu.memory_space<semaphore_mem>>) src(%dma_wait3A_520 : memref<38912xf32, #tpu.memory_space<hbm>>) dst(%arg8 : memref<38912xf32, #tpu.memory_space<vmem>>)
      %dma_wait3A_521 = arith.constant 0 : i32
      %dma_wait3A_522 = tpu.memref_slice %arg3[%dma_wait3A_521] : memref<2097152xi32, #tpu.memory_space<hbm>> -> memref<2048xi32, #tpu.memory_space<hbm>>
      %dma_wait3A_523 = arith.constant 0 : i32
      %dma_wait3A_524 = tpu.memref_slice %arg3[%dma_wait3A_523] : memref<2097152xi32, #tpu.memory_space<hbm>> -> memref<2048xi32, #tpu.memory_space<hbm>>
      tpu.wait_dma2 semaphore(%arg17 : memref<!tpu.dma_semaphore, #tpu.memory_space<semaphore_mem>>) src(%dma_wait3A_524 : memref<2048xi32, #tpu.memory_space<hbm>>) dst(%arg10 : memref<2048xi32, #tpu.memory_space<vmem>>)
      %dma_wait3A_525 = arith.constant 0 : i32
      %dma_wait3A_526 = tpu.memref_slice %arg4[%dma_wait3A_525] : memref<2097152xf32, #tpu.memory_space<hbm>> -> memref<2048xf32, #tpu.memory_space<hbm>>
      %dma_wait3A_527 = arith.constant 0 : i32
      %dma_wait3A_528 = tpu.memref_slice %arg4[%dma_wait3A_527] : memref<2097152xf32, #tpu.memory_space<hbm>> -> memref<2048xf32, #tpu.memory_space<hbm>>
      tpu.wait_dma2 semaphore(%arg17 : memref<!tpu.dma_semaphore, #tpu.memory_space<semaphore_mem>>) src(%dma_wait3A_528 : memref<2048xf32, #tpu.memory_space<hbm>>) dst(%arg12 : memref<2048xf32, #tpu.memory_space<vmem>>)
      %scan3A_529 = arith.constant 0 : i32
      %scan3A_530 = arith.constant 128 : i32
      %scan3A_531 = arith.addi %scan3A_529, %scan3A_530 : i32
      %scan3A_532 = arith.constant 8 : i32
      %scan3A_533:3 = scf.for %scan3A_782 = %scan3A_529 to %scan3A_531 step %scan3A_532 iter_args(%scan3A_783 = %scan3A_286, %scan3A_784 = %scan3A_287, %scan3A_785 = %scan3A_288) -> (vector<16xf32>, vector<16xi32>, vector<16xi32>)  : i32 {
        %mul3A_786 = arith.constant 16 : i32
        %mul3A_787 = arith.muli %scan3A_782, %mul3A_786 : i32
        %get3A = arith.index_cast %mul3A_787 : i32 to index
        %get3A_788 = tpu.vector_load %arg10[%get3A] {strides = array<i32>} : memref<2048xi32, #tpu.memory_space<vmem>>, vector<16xi32>,
        %mul3A_789 = arith.constant 16 : i32
        %mul3A_790 = arith.muli %scan3A_782, %mul3A_789 : i32
        %get3A_791 = arith.index_cast %mul3A_790 : i32 to index
        %get3A_792 = tpu.vector_load %arg12[%get3A_791] {strides = array<i32>} : memref<2048xf32, #tpu.memory_space<vmem>>, vector<16xf32>,
        %ne3A_793 = arith.constant 255 : i32
        %ne3A_794 = vector.broadcast %ne3A_793 : i32 to vector<16xi32>
        %ne3A_795 = arith.cmpi ne, %get3A_788, %ne3A_794 : vector<16xi32>
        %jit3A_796 = arith.constant 0 : i32
        %broadcast_in_dim3A_797 = vector.broadcast %jit3A_796 : i32 to vector<16xi32>
        %select_n3A_798 = arith.select %ne3A_795, %get3A_788, %broadcast_in_dim3A_797 : vector<16xi1>, vector<16xi32>
        %mul3A_799 = arith.constant 16 : i32
        %mul3A_800 = arith.muli %scan3A_782, %mul3A_799 : i32
        %iota3A = tpu.iota {dimensions = array<i32: 0>} : vector<16xi32>
        %add3A_801 = vector.broadcast %mul3A_800 : i32 to vector<16xi32>
        %add3A_802 = arith.addi %add3A_801, %iota3A : vector<16xi32>
        %mul3A_803 = arith.constant 2048 : i32
        %mul3A_804 = vector.broadcast %mul3A_803 : i32 to vector<16xi32>
        %mul3A_805 = arith.muli %select_n3A_798, %mul3A_804 : vector<16xi32>
        %add3A_806 = arith.addi %mul3A_805, %add3A_802 : vector<16xi32>
        %gather3A = tpu.vector_load_idx %arg8[%add3A_806] : memref<38912xf32, #tpu.memory_space<vmem>>[vector<16xi32>], vector<16xf32>,
        %neg3A = arith.constant 0.000000e+00 : f32
        %neg3A_807 = vector.broadcast %neg3A : f32 to vector<16xf32>
        %neg3A_808 = arith.subf %neg3A_807, %gather3A : vector<16xf32>
        %mul3A_809 = arith.mulf %get3A_792, %neg3A_808 : vector<16xf32>
        %broadcast_in_dim3A_810 = arith.constant 0.000000e+00 : f32
        %broadcast_in_dim3A_811 = vector.broadcast %broadcast_in_dim3A_810 : f32 to vector<16xf32>
        %select_n3A_812 = arith.select %ne3A_795, %mul3A_809, %broadcast_in_dim3A_811 : vector<16xi1>, vector<16xf32>
        %gt3A = arith.constant 0.356674939 : f32
        %gt3A_813 = vector.broadcast %gt3A : f32 to vector<16xf32>
        %gt3A_814 = arith.cmpf ogt, %select_n3A_812, %gt3A_813 : vector<16xf32>
        %broadcast_in_dim3A_815 = arith.constant 0.000000e+00 : f32
        %broadcast_in_dim3A_816 = vector.broadcast %broadcast_in_dim3A_815 : f32 to vector<16xf32>
        %select_n3A_817 = arith.select %gt3A_814, %select_n3A_812, %broadcast_in_dim3A_816 : vector<16xi1>, vector<16xf32>
        %add3A_818 = arith.addf %scan3A_783, %select_n3A_817 : vector<16xf32>
        %convert_element_type3A = arith.extui %gt3A_814 : vector<16xi1> to vector<16xi32>
        %add3A_819 = arith.addi %scan3A_784, %convert_element_type3A : vector<16xi32>
        %convert_element_type3A_820 = arith.extui %ne3A_795 : vector<16xi1> to vector<16xi32>
        %add3A_821 = arith.addi %scan3A_785, %convert_element_type3A_820 : vector<16xi32>
        %scan3A_822 = arith.constant 1 : i32
        %scan3A_823 = arith.addi %scan3A_782, %scan3A_822 : i32
        %mul3A_824 = arith.constant 16 : i32
        %mul3A_825 = arith.muli %scan3A_823, %mul3A_824 : i32
        %get3A_826 = arith.index_cast %mul3A_825 : i32 to index
        %get3A_827 = tpu.vector_load %arg10[%get3A_826] {strides = array<i32>} : memref<2048xi32, #tpu.memory_space<vmem>>, vector<16xi32>,
        %mul3A_828 = arith.constant 16 : i32
        %mul3A_829 = arith.muli %scan3A_823, %mul3A_828 : i32
        %get3A_830 = arith.index_cast %mul3A_829 : i32 to index
        %get3A_831 = tpu.vector_load %arg12[%get3A_830] {strides = array<i32>} : memref<2048xf32, #tpu.memory_space<vmem>>, vector<16xf32>,
        %ne3A_832 = arith.constant 255 : i32
        %ne3A_833 = vector.broadcast %ne3A_832 : i32 to vector<16xi32>
        %ne3A_834 = arith.cmpi ne, %get3A_827, %ne3A_833 : vector<16xi32>
        %jit3A_835 = arith.constant 0 : i32
        %broadcast_in_dim3A_836 = vector.broadcast %jit3A_835 : i32 to vector<16xi32>
        %select_n3A_837 = arith.select %ne3A_834, %get3A_827, %broadcast_in_dim3A_836 : vector<16xi1>, vector<16xi32>
        %mul3A_838 = arith.constant 16 : i32
        %mul3A_839 = arith.muli %scan3A_823, %mul3A_838 : i32
        %iota3A_840 = tpu.iota {dimensions = array<i32: 0>} : vector<16xi32>
        %add3A_841 = vector.broadcast %mul3A_839 : i32 to vector<16xi32>
        %add3A_842 = arith.addi %add3A_841, %iota3A_840 : vector<16xi32>
        %mul3A_843 = arith.constant 2048 : i32
        %mul3A_844 = vector.broadcast %mul3A_843 : i32 to vector<16xi32>
        %mul3A_845 = arith.muli %select_n3A_837, %mul3A_844 : vector<16xi32>
        %add3A_846 = arith.addi %mul3A_845, %add3A_842 : vector<16xi32>
        %gather3A_847 = tpu.vector_load_idx %arg8[%add3A_846] : memref<38912xf32, #tpu.memory_space<vmem>>[vector<16xi32>], vector<16xf32>,
        %neg3A_848 = arith.constant 0.000000e+00 : f32
        %neg3A_849 = vector.broadcast %neg3A_848 : f32 to vector<16xf32>
        %neg3A_850 = arith.subf %neg3A_849, %gather3A_847 : vector<16xf32>
        %mul3A_851 = arith.mulf %get3A_831, %neg3A_850 : vector<16xf32>
        %broadcast_in_dim3A_852 = arith.constant 0.000000e+00 : f32
        %broadcast_in_dim3A_853 = vector.broadcast %broadcast_in_dim3A_852 : f32 to vector<16xf32>
        %select_n3A_854 = arith.select %ne3A_834, %mul3A_851, %broadcast_in_dim3A_853 : vector<16xi1>, vector<16xf32>
        %gt3A_855 = arith.constant 0.356674939 : f32
        %gt3A_856 = vector.broadcast %gt3A_855 : f32 to vector<16xf32>
        %gt3A_857 = arith.cmpf ogt, %select_n3A_854, %gt3A_856 : vector<16xf32>
        %broadcast_in_dim3A_858 = arith.constant 0.000000e+00 : f32
        %broadcast_in_dim3A_859 = vector.broadcast %broadcast_in_dim3A_858 : f32 to vector<16xf32>
        %select_n3A_860 = arith.select %gt3A_857, %select_n3A_854, %broadcast_in_dim3A_859 : vector<16xi1>, vector<16xf32>
        %add3A_861 = arith.addf %add3A_818, %select_n3A_860 : vector<16xf32>
        %convert_element_type3A_862 = arith.extui %gt3A_857 : vector<16xi1> to vector<16xi32>
        %add3A_863 = arith.addi %add3A_819, %convert_element_type3A_862 : vector<16xi32>
        %convert_element_type3A_864 = arith.extui %ne3A_834 : vector<16xi1> to vector<16xi32>
        %add3A_865 = arith.addi %add3A_821, %convert_element_type3A_864 : vector<16xi32>
        %scan3A_866 = arith.constant 2 : i32
        %scan3A_867 = arith.addi %scan3A_782, %scan3A_866 : i32
        %mul3A_868 = arith.constant 16 : i32
        %mul3A_869 = arith.muli %scan3A_867, %mul3A_868 : i32
        %get3A_870 = arith.index_cast %mul3A_869 : i32 to index
        %get3A_871 = tpu.vector_load %arg10[%get3A_870] {strides = array<i32>} : memref<2048xi32, #tpu.memory_space<vmem>>, vector<16xi32>,
        %mul3A_872 = arith.constant 16 : i32
        %mul3A_873 = arith.muli %scan3A_867, %mul3A_872 : i32
        %get3A_874 = arith.index_cast %mul3A_873 : i32 to index
        %get3A_875 = tpu.vector_load %arg12[%get3A_874] {strides = array<i32>} : memref<2048xf32, #tpu.memory_space<vmem>>, vector<16xf32>,
        %ne3A_876 = arith.constant 255 : i32
        %ne3A_877 = vector.broadcast %ne3A_876 : i32 to vector<16xi32>
        %ne3A_878 = arith.cmpi ne, %get3A_871, %ne3A_877 : vector<16xi32>
        %jit3A_879 = arith.constant 0 : i32
        %broadcast_in_dim3A_880 = vector.broadcast %jit3A_879 : i32 to vector<16xi32>
        %select_n3A_881 = arith.select %ne3A_878, %get3A_871, %broadcast_in_dim3A_880 : vector<16xi1>, vector<16xi32>
        %mul3A_882 = arith.constant 16 : i32
        %mul3A_883 = arith.muli %scan3A_867, %mul3A_882 : i32
        %iota3A_884 = tpu.iota {dimensions = array<i32: 0>} : vector<16xi32>
        %add3A_885 = vector.broadcast %mul3A_883 : i32 to vector<16xi32>
        %add3A_886 = arith.addi %add3A_885, %iota3A_884 : vector<16xi32>
        %mul3A_887 = arith.constant 2048 : i32
        %mul3A_888 = vector.broadcast %mul3A_887 : i32 to vector<16xi32>
        %mul3A_889 = arith.muli %select_n3A_881, %mul3A_888 : vector<16xi32>
        %add3A_890 = arith.addi %mul3A_889, %add3A_886 : vector<16xi32>
        %gather3A_891 = tpu.vector_load_idx %arg8[%add3A_890] : memref<38912xf32, #tpu.memory_space<vmem>>[vector<16xi32>], vector<16xf32>,
        %neg3A_892 = arith.constant 0.000000e+00 : f32
        %neg3A_893 = vector.broadcast %neg3A_892 : f32 to vector<16xf32>
        %neg3A_894 = arith.subf %neg3A_893, %gather3A_891 : vector<16xf32>
        %mul3A_895 = arith.mulf %get3A_875, %neg3A_894 : vector<16xf32>
        %broadcast_in_dim3A_896 = arith.constant 0.000000e+00 : f32
        %broadcast_in_dim3A_897 = vector.broadcast %broadcast_in_dim3A_896 : f32 to vector<16xf32>
        %select_n3A_898 = arith.select %ne3A_878, %mul3A_895, %broadcast_in_dim3A_897 : vector<16xi1>, vector<16xf32>
        %gt3A_899 = arith.constant 0.356674939 : f32
        %gt3A_900 = vector.broadcast %gt3A_899 : f32 to vector<16xf32>
        %gt3A_901 = arith.cmpf ogt, %select_n3A_898, %gt3A_900 : vector<16xf32>
        %broadcast_in_dim3A_902 = arith.constant 0.000000e+00 : f32
        %broadcast_in_dim3A_903 = vector.broadcast %broadcast_in_dim3A_902 : f32 to vector<16xf32>
        %select_n3A_904 = arith.select %gt3A_901, %select_n3A_898, %broadcast_in_dim3A_903 : vector<16xi1>, vector<16xf32>
        %add3A_905 = arith.addf %add3A_861, %select_n3A_904 : vector<16xf32>
        %convert_element_type3A_906 = arith.extui %gt3A_901 : vector<16xi1> to vector<16xi32>
        %add3A_907 = arith.addi %add3A_863, %convert_element_type3A_906 : vector<16xi32>
        %convert_element_type3A_908 = arith.extui %ne3A_878 : vector<16xi1> to vector<16xi32>
        %add3A_909 = arith.addi %add3A_865, %convert_element_type3A_908 : vector<16xi32>
        %scan3A_910 = arith.constant 3 : i32
        %scan3A_911 = arith.addi %scan3A_782, %scan3A_910 : i32
        %mul3A_912 = arith.constant 16 : i32
        %mul3A_913 = arith.muli %scan3A_911, %mul3A_912 : i32
        %get3A_914 = arith.index_cast %mul3A_913 : i32 to index
        %get3A_915 = tpu.vector_load %arg10[%get3A_914] {strides = array<i32>} : memref<2048xi32, #tpu.memory_space<vmem>>, vector<16xi32>,
        %mul3A_916 = arith.constant 16 : i32
        %mul3A_917 = arith.muli %scan3A_911, %mul3A_916 : i32
        %get3A_918 = arith.index_cast %mul3A_917 : i32 to index
        %get3A_919 = tpu.vector_load %arg12[%get3A_918] {strides = array<i32>} : memref<2048xf32, #tpu.memory_space<vmem>>, vector<16xf32>,
        %ne3A_920 = arith.constant 255 : i32
        %ne3A_921 = vector.broadcast %ne3A_920 : i32 to vector<16xi32>
        %ne3A_922 = arith.cmpi ne, %get3A_915, %ne3A_921 : vector<16xi32>
        %jit3A_923 = arith.constant 0 : i32
        %broadcast_in_dim3A_924 = vector.broadcast %jit3A_923 : i32 to vector<16xi32>
        %select_n3A_925 = arith.select %ne3A_922, %get3A_915, %broadcast_in_dim3A_924 : vector<16xi1>, vector<16xi32>
        %mul3A_926 = arith.constant 16 : i32
        %mul3A_927 = arith.muli %scan3A_911, %mul3A_926 : i32
        %iota3A_928 = tpu.iota {dimensions = array<i32: 0>} : vector<16xi32>
        %add3A_929 = vector.broadcast %mul3A_927 : i32 to vector<16xi32>
        %add3A_930 = arith.addi %add3A_929, %iota3A_928 : vector<16xi32>
        %mul3A_931 = arith.constant 2048 : i32
        %mul3A_932 = vector.broadcast %mul3A_931 : i32 to vector<16xi32>
        %mul3A_933 = arith.muli %select_n3A_925, %mul3A_932 : vector<16xi32>
        %add3A_934 = arith.addi %mul3A_933, %add3A_930 : vector<16xi32>
        %gather3A_935 = tpu.vector_load_idx %arg8[%add3A_934] : memref<38912xf32, #tpu.memory_space<vmem>>[vector<16xi32>], vector<16xf32>,
        %neg3A_936 = arith.constant 0.000000e+00 : f32
        %neg3A_937 = vector.broadcast %neg3A_936 : f32 to vector<16xf32>
        %neg3A_938 = arith.subf %neg3A_937, %gather3A_935 : vector<16xf32>
        %mul3A_939 = arith.mulf %get3A_919, %neg3A_938 : vector<16xf32>
        %broadcast_in_dim3A_940 = arith.constant 0.000000e+00 : f32
        %broadcast_in_dim3A_941 = vector.broadcast %broadcast_in_dim3A_940 : f32 to vector<16xf32>
        %select_n3A_942 = arith.select %ne3A_922, %mul3A_939, %broadcast_in_dim3A_941 : vector<16xi1>, vector<16xf32>
        %gt3A_943 = arith.constant 0.356674939 : f32
        %gt3A_944 = vector.broadcast %gt3A_943 : f32 to vector<16xf32>
        %gt3A_945 = arith.cmpf ogt, %select_n3A_942, %gt3A_944 : vector<16xf32>
        %broadcast_in_dim3A_946 = arith.constant 0.000000e+00 : f32
        %broadcast_in_dim3A_947 = vector.broadcast %broadcast_in_dim3A_946 : f32 to vector<16xf32>
        %select_n3A_948 = arith.select %gt3A_945, %select_n3A_942, %broadcast_in_dim3A_947 : vector<16xi1>, vector<16xf32>
        %add3A_949 = arith.addf %add3A_905, %select_n3A_948 : vector<16xf32>
        %convert_element_type3A_950 = arith.extui %gt3A_945 : vector<16xi1> to vector<16xi32>
        %add3A_951 = arith.addi %add3A_907, %convert_element_type3A_950 : vector<16xi32>
        %convert_element_type3A_952 = arith.extui %ne3A_922 : vector<16xi1> to vector<16xi32>
        %add3A_953 = arith.addi %add3A_909, %convert_element_type3A_952 : vector<16xi32>
        %scan3A_954 = arith.constant 4 : i32
        %scan3A_955 = arith.addi %scan3A_782, %scan3A_954 : i32
        %mul3A_956 = arith.constant 16 : i32
        %mul3A_957 = arith.muli %scan3A_955, %mul3A_956 : i32
        %get3A_958 = arith.index_cast %mul3A_957 : i32 to index
        %get3A_959 = tpu.vector_load %arg10[%get3A_958] {strides = array<i32>} : memref<2048xi32, #tpu.memory_space<vmem>>, vector<16xi32>,
        %mul3A_960 = arith.constant 16 : i32
        %mul3A_961 = arith.muli %scan3A_955, %mul3A_960 : i32
        %get3A_962 = arith.index_cast %mul3A_961 : i32 to index
        %get3A_963 = tpu.vector_load %arg12[%get3A_962] {strides = array<i32>} : memref<2048xf32, #tpu.memory_space<vmem>>, vector<16xf32>,
        %ne3A_964 = arith.constant 255 : i32
        %ne3A_965 = vector.broadcast %ne3A_964 : i32 to vector<16xi32>
        %ne3A_966 = arith.cmpi ne, %get3A_959, %ne3A_965 : vector<16xi32>
        %jit3A_967 = arith.constant 0 : i32
        %broadcast_in_dim3A_968 = vector.broadcast %jit3A_967 : i32 to vector<16xi32>
        %select_n3A_969 = arith.select %ne3A_966, %get3A_959, %broadcast_in_dim3A_968 : vector<16xi1>, vector<16xi32>
        %mul3A_970 = arith.constant 16 : i32
        %mul3A_971 = arith.muli %scan3A_955, %mul3A_970 : i32
        %iota3A_972 = tpu.iota {dimensions = array<i32: 0>} : vector<16xi32>
        %add3A_973 = vector.broadcast %mul3A_971 : i32 to vector<16xi32>
        %add3A_974 = arith.addi %add3A_973, %iota3A_972 : vector<16xi32>
        %mul3A_975 = arith.constant 2048 : i32
        %mul3A_976 = vector.broadcast %mul3A_975 : i32 to vector<16xi32>
        %mul3A_977 = arith.muli %select_n3A_969, %mul3A_976 : vector<16xi32>
        %add3A_978 = arith.addi %mul3A_977, %add3A_974 : vector<16xi32>
        %gather3A_979 = tpu.vector_load_idx %arg8[%add3A_978] : memref<38912xf32, #tpu.memory_space<vmem>>[vector<16xi32>], vector<16xf32>,
        %neg3A_980 = arith.constant 0.000000e+00 : f32
        %neg3A_981 = vector.broadcast %neg3A_980 : f32 to vector<16xf32>
        %neg3A_982 = arith.subf %neg3A_981, %gather3A_979 : vector<16xf32>
        %mul3A_983 = arith.mulf %get3A_963, %neg3A_982 : vector<16xf32>
        %broadcast_in_dim3A_984 = arith.constant 0.000000e+00 : f32
        %broadcast_in_dim3A_985 = vector.broadcast %broadcast_in_dim3A_984 : f32 to vector<16xf32>
        %select_n3A_986 = arith.select %ne3A_966, %mul3A_983, %broadcast_in_dim3A_985 : vector<16xi1>, vector<16xf32>
        %gt3A_987 = arith.constant 0.356674939 : f32
        %gt3A_988 = vector.broadcast %gt3A_987 : f32 to vector<16xf32>
        %gt3A_989 = arith.cmpf ogt, %select_n3A_986, %gt3A_988 : vector<16xf32>
        %broadcast_in_dim3A_990 = arith.constant 0.000000e+00 : f32
        %broadcast_in_dim3A_991 = vector.broadcast %broadcast_in_dim3A_990 : f32 to vector<16xf32>
        %select_n3A_992 = arith.select %gt3A_989, %select_n3A_986, %broadcast_in_dim3A_991 : vector<16xi1>, vector<16xf32>
        %add3A_993 = arith.addf %add3A_949, %select_n3A_992 : vector<16xf32>
        %convert_element_type3A_994 = arith.extui %gt3A_989 : vector<16xi1> to vector<16xi32>
        %add3A_995 = arith.addi %add3A_951, %convert_element_type3A_994 : vector<16xi32>
        %convert_element_type3A_996 = arith.extui %ne3A_966 : vector<16xi1> to vector<16xi32>
        %add3A_997 = arith.addi %add3A_953, %convert_element_type3A_996 : vector<16xi32>
        %scan3A_998 = arith.constant 5 : i32
        %scan3A_999 = arith.addi %scan3A_782, %scan3A_998 : i32
        %mul3A_1000 = arith.constant 16 : i32
        %mul3A_1001 = arith.muli %scan3A_999, %mul3A_1000 : i32
        %get3A_1002 = arith.index_cast %mul3A_1001 : i32 to index
        %get3A_1003 = tpu.vector_load %arg10[%get3A_1002] {strides = array<i32>} : memref<2048xi32, #tpu.memory_space<vmem>>, vector<16xi32>,
        %mul3A_1004 = arith.constant 16 : i32
        %mul3A_1005 = arith.muli %scan3A_999, %mul3A_1004 : i32
        %get3A_1006 = arith.index_cast %mul3A_1005 : i32 to index
        %get3A_1007 = tpu.vector_load %arg12[%get3A_1006] {strides = array<i32>} : memref<2048xf32, #tpu.memory_space<vmem>>, vector<16xf32>,
        %ne3A_1008 = arith.constant 255 : i32
        %ne3A_1009 = vector.broadcast %ne3A_1008 : i32 to vector<16xi32>
        %ne3A_1010 = arith.cmpi ne, %get3A_1003, %ne3A_1009 : vector<16xi32>
        %jit3A_1011 = arith.constant 0 : i32
        %broadcast_in_dim3A_1012 = vector.broadcast %jit3A_1011 : i32 to vector<16xi32>
        %select_n3A_1013 = arith.select %ne3A_1010, %get3A_1003, %broadcast_in_dim3A_1012 : vector<16xi1>, vector<16xi32>
        %mul3A_1014 = arith.constant 16 : i32
        %mul3A_1015 = arith.muli %scan3A_999, %mul3A_1014 : i32
        %iota3A_1016 = tpu.iota {dimensions = array<i32: 0>} : vector<16xi32>
        %add3A_1017 = vector.broadcast %mul3A_1015 : i32 to vector<16xi32>
        %add3A_1018 = arith.addi %add3A_1017, %iota3A_1016 : vector<16xi32>
        %mul3A_1019 = arith.constant 2048 : i32
        %mul3A_1020 = vector.broadcast %mul3A_1019 : i32 to vector<16xi32>
        %mul3A_1021 = arith.muli %select_n3A_1013, %mul3A_1020 : vector<16xi32>
        %add3A_1022 = arith.addi %mul3A_1021, %add3A_1018 : vector<16xi32>
        %gather3A_1023 = tpu.vector_load_idx %arg8[%add3A_1022] : memref<38912xf32, #tpu.memory_space<vmem>>[vector<16xi32>], vector<16xf32>,
        %neg3A_1024 = arith.constant 0.000000e+00 : f32
        %neg3A_1025 = vector.broadcast %neg3A_1024 : f32 to vector<16xf32>
        %neg3A_1026 = arith.subf %neg3A_1025, %gather3A_1023 : vector<16xf32>
        %mul3A_1027 = arith.mulf %get3A_1007, %neg3A_1026 : vector<16xf32>
        %broadcast_in_dim3A_1028 = arith.constant 0.000000e+00 : f32
        %broadcast_in_dim3A_1029 = vector.broadcast %broadcast_in_dim3A_1028 : f32 to vector<16xf32>
        %select_n3A_1030 = arith.select %ne3A_1010, %mul3A_1027, %broadcast_in_dim3A_1029 : vector<16xi1>, vector<16xf32>
        %gt3A_1031 = arith.constant 0.356674939 : f32
        %gt3A_1032 = vector.broadcast %gt3A_1031 : f32 to vector<16xf32>
        %gt3A_1033 = arith.cmpf ogt, %select_n3A_1030, %gt3A_1032 : vector<16xf32>
        %broadcast_in_dim3A_1034 = arith.constant 0.000000e+00 : f32
        %broadcast_in_dim3A_1035 = vector.broadcast %broadcast_in_dim3A_1034 : f32 to vector<16xf32>
        %select_n3A_1036 = arith.select %gt3A_1033, %select_n3A_1030, %broadcast_in_dim3A_1035 : vector<16xi1>, vector<16xf32>
        %add3A_1037 = arith.addf %add3A_993, %select_n3A_1036 : vector<16xf32>
        %convert_element_type3A_1038 = arith.extui %gt3A_1033 : vector<16xi1> to vector<16xi32>
        %add3A_1039 = arith.addi %add3A_995, %convert_element_type3A_1038 : vector<16xi32>
        %convert_element_type3A_1040 = arith.extui %ne3A_1010 : vector<16xi1> to vector<16xi32>
        %add3A_1041 = arith.addi %add3A_997, %convert_element_type3A_1040 : vector<16xi32>
        %scan3A_1042 = arith.constant 6 : i32
        %scan3A_1043 = arith.addi %scan3A_782, %scan3A_1042 : i32
        %mul3A_1044 = arith.constant 16 : i32
        %mul3A_1045 = arith.muli %scan3A_1043, %mul3A_1044 : i32
        %get3A_1046 = arith.index_cast %mul3A_1045 : i32 to index
        %get3A_1047 = tpu.vector_load %arg10[%get3A_1046] {strides = array<i32>} : memref<2048xi32, #tpu.memory_space<vmem>>, vector<16xi32>,
        %mul3A_1048 = arith.constant 16 : i32
        %mul3A_1049 = arith.muli %scan3A_1043, %mul3A_1048 : i32
        %get3A_1050 = arith.index_cast %mul3A_1049 : i32 to index
        %get3A_1051 = tpu.vector_load %arg12[%get3A_1050] {strides = array<i32>} : memref<2048xf32, #tpu.memory_space<vmem>>, vector<16xf32>,
        %ne3A_1052 = arith.constant 255 : i32
        %ne3A_1053 = vector.broadcast %ne3A_1052 : i32 to vector<16xi32>
        %ne3A_1054 = arith.cmpi ne, %get3A_1047, %ne3A_1053 : vector<16xi32>
        %jit3A_1055 = arith.constant 0 : i32
        %broadcast_in_dim3A_1056 = vector.broadcast %jit3A_1055 : i32 to vector<16xi32>
        %select_n3A_1057 = arith.select %ne3A_1054, %get3A_1047, %broadcast_in_dim3A_1056 : vector<16xi1>, vector<16xi32>
        %mul3A_1058 = arith.constant 16 : i32
        %mul3A_1059 = arith.muli %scan3A_1043, %mul3A_1058 : i32
        %iota3A_1060 = tpu.iota {dimensions = array<i32: 0>} : vector<16xi32>
        %add3A_1061 = vector.broadcast %mul3A_1059 : i32 to vector<16xi32>
        %add3A_1062 = arith.addi %add3A_1061, %iota3A_1060 : vector<16xi32>
        %mul3A_1063 = arith.constant 2048 : i32
        %mul3A_1064 = vector.broadcast %mul3A_1063 : i32 to vector<16xi32>
        %mul3A_1065 = arith.muli %select_n3A_1057, %mul3A_1064 : vector<16xi32>
        %add3A_1066 = arith.addi %mul3A_1065, %add3A_1062 : vector<16xi32>
        %gather3A_1067 = tpu.vector_load_idx %arg8[%add3A_1066] : memref<38912xf32, #tpu.memory_space<vmem>>[vector<16xi32>], vector<16xf32>,
        %neg3A_1068 = arith.constant 0.000000e+00 : f32
        %neg3A_1069 = vector.broadcast %neg3A_1068 : f32 to vector<16xf32>
        %neg3A_1070 = arith.subf %neg3A_1069, %gather3A_1067 : vector<16xf32>
        %mul3A_1071 = arith.mulf %get3A_1051, %neg3A_1070 : vector<16xf32>
        %broadcast_in_dim3A_1072 = arith.constant 0.000000e+00 : f32
        %broadcast_in_dim3A_1073 = vector.broadcast %broadcast_in_dim3A_1072 : f32 to vector<16xf32>
        %select_n3A_1074 = arith.select %ne3A_1054, %mul3A_1071, %broadcast_in_dim3A_1073 : vector<16xi1>, vector<16xf32>
        %gt3A_1075 = arith.constant 0.356674939 : f32
        %gt3A_1076 = vector.broadcast %gt3A_1075 : f32 to vector<16xf32>
        %gt3A_1077 = arith.cmpf ogt, %select_n3A_1074, %gt3A_1076 : vector<16xf32>
        %broadcast_in_dim3A_1078 = arith.constant 0.000000e+00 : f32
        %broadcast_in_dim3A_1079 = vector.broadcast %broadcast_in_dim3A_1078 : f32 to vector<16xf32>
        %select_n3A_1080 = arith.select %gt3A_1077, %select_n3A_1074, %broadcast_in_dim3A_1079 : vector<16xi1>, vector<16xf32>
        %add3A_1081 = arith.addf %add3A_1037, %select_n3A_1080 : vector<16xf32>
        %convert_element_type3A_1082 = arith.extui %gt3A_1077 : vector<16xi1> to vector<16xi32>
        %add3A_1083 = arith.addi %add3A_1039, %convert_element_type3A_1082 : vector<16xi32>
        %convert_element_type3A_1084 = arith.extui %ne3A_1054 : vector<16xi1> to vector<16xi32>
        %add3A_1085 = arith.addi %add3A_1041, %convert_element_type3A_1084 : vector<16xi32>
        %scan3A_1086 = arith.constant 7 : i32
        %scan3A_1087 = arith.addi %scan3A_782, %scan3A_1086 : i32
        %mul3A_1088 = arith.constant 16 : i32
        %mul3A_1089 = arith.muli %scan3A_1087, %mul3A_1088 : i32
        %get3A_1090 = arith.index_cast %mul3A_1089 : i32 to index
        %get3A_1091 = tpu.vector_load %arg10[%get3A_1090] {strides = array<i32>} : memref<2048xi32, #tpu.memory_space<vmem>>, vector<16xi32>,
        %mul3A_1092 = arith.constant 16 : i32
        %mul3A_1093 = arith.muli %scan3A_1087, %mul3A_1092 : i32
        %get3A_1094 = arith.index_cast %mul3A_1093 : i32 to index
        %get3A_1095 = tpu.vector_load %arg12[%get3A_1094] {strides = array<i32>} : memref<2048xf32, #tpu.memory_space<vmem>>, vector<16xf32>,
        %ne3A_1096 = arith.constant 255 : i32
        %ne3A_1097 = vector.broadcast %ne3A_1096 : i32 to vector<16xi32>
        %ne3A_1098 = arith.cmpi ne, %get3A_1091, %ne3A_1097 : vector<16xi32>
        %jit3A_1099 = arith.constant 0 : i32
        %broadcast_in_dim3A_1100 = vector.broadcast %jit3A_1099 : i32 to vector<16xi32>
        %select_n3A_1101 = arith.select %ne3A_1098, %get3A_1091, %broadcast_in_dim3A_1100 : vector<16xi1>, vector<16xi32>
        %mul3A_1102 = arith.constant 16 : i32
        %mul3A_1103 = arith.muli %scan3A_1087, %mul3A_1102 : i32
        %iota3A_1104 = tpu.iota {dimensions = array<i32: 0>} : vector<16xi32>
        %add3A_1105 = vector.broadcast %mul3A_1103 : i32 to vector<16xi32>
        %add3A_1106 = arith.addi %add3A_1105, %iota3A_1104 : vector<16xi32>
        %mul3A_1107 = arith.constant 2048 : i32
        %mul3A_1108 = vector.broadcast %mul3A_1107 : i32 to vector<16xi32>
        %mul3A_1109 = arith.muli %select_n3A_1101, %mul3A_1108 : vector<16xi32>
        %add3A_1110 = arith.addi %mul3A_1109, %add3A_1106 : vector<16xi32>
        %gather3A_1111 = tpu.vector_load_idx %arg8[%add3A_1110] : memref<38912xf32, #tpu.memory_space<vmem>>[vector<16xi32>], vector<16xf32>,
        %neg3A_1112 = arith.constant 0.000000e+00 : f32
        %neg3A_1113 = vector.broadcast %neg3A_1112 : f32 to vector<16xf32>
        %neg3A_1114 = arith.subf %neg3A_1113, %gather3A_1111 : vector<16xf32>
        %mul3A_1115 = arith.mulf %get3A_1095, %neg3A_1114 : vector<16xf32>
        %broadcast_in_dim3A_1116 = arith.constant 0.000000e+00 : f32
        %broadcast_in_dim3A_1117 = vector.broadcast %broadcast_in_dim3A_1116 : f32 to vector<16xf32>
        %select_n3A_1118 = arith.select %ne3A_1098, %mul3A_1115, %broadcast_in_dim3A_1117 : vector<16xi1>, vector<16xf32>
        %gt3A_1119 = arith.constant 0.356674939 : f32
        %gt3A_1120 = vector.broadcast %gt3A_1119 : f32 to vector<16xf32>
        %gt3A_1121 = arith.cmpf ogt, %select_n3A_1118, %gt3A_1120 : vector<16xf32>
        %broadcast_in_dim3A_1122 = arith.constant 0.000000e+00 : f32
        %broadcast_in_dim3A_1123 = vector.broadcast %broadcast_in_dim3A_1122 : f32 to vector<16xf32>
        %select_n3A_1124 = arith.select %gt3A_1121, %select_n3A_1118, %broadcast_in_dim3A_1123 : vector<16xi1>, vector<16xf32>
        %add3A_1125 = arith.addf %add3A_1081, %select_n3A_1124 : vector<16xf32>
        %convert_element_type3A_1126 = arith.extui %gt3A_1121 : vector<16xi1> to vector<16xi32>
        %add3A_1127 = arith.addi %add3A_1083, %convert_element_type3A_1126 : vector<16xi32>
        %convert_element_type3A_1128 = arith.extui %ne3A_1098 : vector<16xi1> to vector<16xi32>
        %add3A_1129 = arith.addi %add3A_1085, %convert_element_type3A_1128 : vector<16xi32>
        scf.yield %add3A_1125, %add3A_1127, %add3A_1129 : vector<16xf32>, vector<16xi32>, vector<16xi32>
      }
      %scan3A_534 = arith.constant 128 : i32
      %mul3A_535 = arith.constant 2 : i32
      %mul3A_536 = arith.muli %mul3A_535, %scan3A_285 : i32
      %add3A_537 = arith.constant 2 : i32
      %add3A_538 = arith.addi %mul3A_536, %add3A_537 : i32
      %min3A = arith.constant 31 : i32
      %min3A_539 = arith.minsi %add3A_538, %min3A : i32
      %mul3A_540 = arith.constant 65536 : i32
      %mul3A_541 = arith.muli %select_n3A_30, %mul3A_540 : i32
      %mul3A_542 = arith.constant 2048 : i32
      %mul3A_543 = arith.muli %min3A_539, %mul3A_542 : i32
      %add3A_544 = arith.addi %mul3A_541, %mul3A_543 : i32
      %mul3A_545 = arith.constant 4980736 : i32
      %mul3A_546 = arith.muli %select_n3A, %mul3A_545 : i32
      %add3A_547 = arith.constant 0 : i32
      %add3A_548 = arith.addi %mul3A_546, %add3A_547 : i32
      %add3A_549 = arith.addi %add3A_548, %add3A_544 : i32
      %dma_start3A_550 = arith.constant 0 : i32
      %dma_start3A_551 = tpu.memref_slice %arg8[%dma_start3A_550] : memref<38912xf32, #tpu.memory_space<vmem>> -> memref<2048xf32, #tpu.memory_space<vmem>>
      %dma_start3A_552 = tpu.memref_slice %arg2[%add3A_549] : memref<39845888xf32, #tpu.memory_space<hbm>> -> memref<2048xf32, #tpu.memory_space<hbm>>
      %dma_start3A_553 = arith.constant 0 : i32
      %dma_start3A_554 = tpu.memref_slice %arg8[%dma_start3A_553] : memref<38912xf32, #tpu.memory_space<vmem>> -> memref<2048xf32, #tpu.memory_space<vmem>>
      %dma_start3A_555 = tpu.memref_slice %arg2[%add3A_549] : memref<39845888xf32, #tpu.memory_space<hbm>> -> memref<2048xf32, #tpu.memory_space<hbm>>
      tpu.enqueue_dma source(%dma_start3A_555 : memref<2048xf32, #tpu.memory_space<hbm>>) target(%dma_start3A_554 : memref<2048xf32, #tpu.memory_space<vmem>>) target_semaphore(%arg17 : memref<!tpu.dma_semaphore, #tpu.memory_space<semaphore_mem>>)
      %mul3A_556 = arith.constant 4980736 : i32
      %mul3A_557 = arith.muli %select_n3A, %mul3A_556 : i32
      %add3A_558 = arith.constant 262144 : i32
      %add3A_559 = arith.addi %mul3A_557, %add3A_558 : i32
      %add3A_560 = arith.addi %add3A_559, %add3A_544 : i32
      %dma_start3A_561 = arith.constant 2048 : i32
      %dma_start3A_562 = tpu.memref_slice %arg8[%dma_start3A_561] : memref<38912xf32, #tpu.memory_space<vmem>> -> memref<2048xf32, #tpu.memory_space<vmem>>
      %dma_start3A_563 = tpu.memref_slice %arg2[%add3A_560] : memref<39845888xf32, #tpu.memory_space<hbm>> -> memref<2048xf32, #tpu.memory_space<hbm>>
      %dma_start3A_564 = arith.constant 2048 : i32
      %dma_start3A_565 = tpu.memref_slice %arg8[%dma_start3A_564] : memref<38912xf32, #tpu.memory_space<vmem>> -> memref<2048xf32, #tpu.memory_space<vmem>>
      %dma_start3A_566 = tpu.memref_slice %arg2[%add3A_560] : memref<39845888xf32, #tpu.memory_space<hbm>> -> memref<2048xf32, #tpu.memory_space<hbm>>
      tpu.enqueue_dma source(%dma_start3A_566 : memref<2048xf32, #tpu.memory_space<hbm>>) target(%dma_start3A_565 : memref<2048xf32, #tpu.memory_space<vmem>>) target_semaphore(%arg17 : memref<!tpu.dma_semaphore, #tpu.memory_space<semaphore_mem>>)
      %mul3A_567 = arith.constant 4980736 : i32
      %mul3A_568 = arith.muli %select_n3A, %mul3A_567 : i32
      %add3A_569 = arith.constant 524288 : i32
      %add3A_570 = arith.addi %mul3A_568, %add3A_569 : i32
      %add3A_571 = arith.addi %add3A_570, %add3A_544 : i32
      %dma_start3A_572 = arith.constant 4096 : i32
      %dma_start3A_573 = tpu.memref_slice %arg8[%dma_start3A_572] : memref<38912xf32, #tpu.memory_space<vmem>> -> memref<2048xf32, #tpu.memory_space<vmem>>
      %dma_start3A_574 = tpu.memref_slice %arg2[%add3A_571] : memref<39845888xf32, #tpu.memory_space<hbm>> -> memref<2048xf32, #tpu.memory_space<hbm>>
      %dma_start3A_575 = arith.constant 4096 : i32
      %dma_start3A_576 = tpu.memref_slice %arg8[%dma_start3A_575] : memref<38912xf32, #tpu.memory_space<vmem>> -> memref<2048xf32, #tpu.memory_space<vmem>>
      %dma_start3A_577 = tpu.memref_slice %arg2[%add3A_571] : memref<39845888xf32, #tpu.memory_space<hbm>> -> memref<2048xf32, #tpu.memory_space<hbm>>
      tpu.enqueue_dma source(%dma_start3A_577 : memref<2048xf32, #tpu.memory_space<hbm>>) target(%dma_start3A_576 : memref<2048xf32, #tpu.memory_space<vmem>>) target_semaphore(%arg17 : memref<!tpu.dma_semaphore, #tpu.memory_space<semaphore_mem>>)
      %mul3A_578 = arith.constant 4980736 : i32
      %mul3A_579 = arith.muli %select_n3A, %mul3A_578 : i32
      %add3A_580 = arith.constant 786432 : i32
      %add3A_581 = arith.addi %mul3A_579, %add3A_580 : i32
      %add3A_582 = arith.addi %add3A_581, %add3A_544 : i32
      %dma_start3A_583 = arith.constant 6144 : i32
      %dma_start3A_584 = tpu.memref_slice %arg8[%dma_start3A_583] : memref<38912xf32, #tpu.memory_space<vmem>> -> memref<2048xf32, #tpu.memory_space<vmem>>
      %dma_start3A_585 = tpu.memref_slice %arg2[%add3A_582] : memref<39845888xf32, #tpu.memory_space<hbm>> -> memref<2048xf32, #tpu.memory_space<hbm>>
      %dma_start3A_586 = arith.constant 6144 : i32
      %dma_start3A_587 = tpu.memref_slice %arg8[%dma_start3A_586] : memref<38912xf32, #tpu.memory_space<vmem>> -> memref<2048xf32, #tpu.memory_space<vmem>>
      %dma_start3A_588 = tpu.memref_slice %arg2[%add3A_582] : memref<39845888xf32, #tpu.memory_space<hbm>> -> memref<2048xf32, #tpu.memory_space<hbm>>
      tpu.enqueue_dma source(%dma_start3A_588 : memref<2048xf32, #tpu.memory_space<hbm>>) target(%dma_start3A_587 : memref<2048xf32, #tpu.memory_space<vmem>>) target_semaphore(%arg17 : memref<!tpu.dma_semaphore, #tpu.memory_space<semaphore_mem>>)
      %mul3A_589 = arith.constant 4980736 : i32
      %mul3A_590 = arith.muli %select_n3A, %mul3A_589 : i32
      %add3A_591 = arith.constant 1048576 : i32
      %add3A_592 = arith.addi %mul3A_590, %add3A_591 : i32
      %add3A_593 = arith.addi %add3A_592, %add3A_544 : i32
      %dma_start3A_594 = arith.constant 8192 : i32
      %dma_start3A_595 = tpu.memref_slice %arg8[%dma_start3A_594] : memref<38912xf32, #tpu.memory_space<vmem>> -> memref<2048xf32, #tpu.memory_space<vmem>>
      %dma_start3A_596 = tpu.memref_slice %arg2[%add3A_593] : memref<39845888xf32, #tpu.memory_space<hbm>> -> memref<2048xf32, #tpu.memory_space<hbm>>
      %dma_start3A_597 = arith.constant 8192 : i32
      %dma_start3A_598 = tpu.memref_slice %arg8[%dma_start3A_597] : memref<38912xf32, #tpu.memory_space<vmem>> -> memref<2048xf32, #tpu.memory_space<vmem>>
      %dma_start3A_599 = tpu.memref_slice %arg2[%add3A_593] : memref<39845888xf32, #tpu.memory_space<hbm>> -> memref<2048xf32, #tpu.memory_space<hbm>>
      tpu.enqueue_dma source(%dma_start3A_599 : memref<2048xf32, #tpu.memory_space<hbm>>) target(%dma_start3A_598 : memref<2048xf32, #tpu.memory_space<vmem>>) target_semaphore(%arg17 : memref<!tpu.dma_semaphore, #tpu.memory_space<semaphore_mem>>)
      %mul3A_600 = arith.constant 4980736 : i32
      %mul3A_601 = arith.muli %select_n3A, %mul3A_600 : i32
      %add3A_602 = arith.constant 1310720 : i32
      %add3A_603 = arith.addi %mul3A_601, %add3A_602 : i32
      %add3A_604 = arith.addi %add3A_603, %add3A_544 : i32
      %dma_start3A_605 = arith.constant 10240 : i32
      %dma_start3A_606 = tpu.memref_slice %arg8[%dma_start3A_605] : memref<38912xf32, #tpu.memory_space<vmem>> -> memref<2048xf32, #tpu.memory_space<vmem>>
      %dma_start3A_607 = tpu.memref_slice %arg2[%add3A_604] : memref<39845888xf32, #tpu.memory_space<hbm>> -> memref<2048xf32, #tpu.memory_space<hbm>>
      %dma_start3A_608 = arith.constant 10240 : i32
      %dma_start3A_609 = tpu.memref_slice %arg8[%dma_start3A_608] : memref<38912xf32, #tpu.memory_space<vmem>> -> memref<2048xf32, #tpu.memory_space<vmem>>
      %dma_start3A_610 = tpu.memref_slice %arg2[%add3A_604] : memref<39845888xf32, #tpu.memory_space<hbm>> -> memref<2048xf32, #tpu.memory_space<hbm>>
      tpu.enqueue_dma source(%dma_start3A_610 : memref<2048xf32, #tpu.memory_space<hbm>>) target(%dma_start3A_609 : memref<2048xf32, #tpu.memory_space<vmem>>) target_semaphore(%arg17 : memref<!tpu.dma_semaphore, #tpu.memory_space<semaphore_mem>>)
      %mul3A_611 = arith.constant 4980736 : i32
      %mul3A_612 = arith.muli %select_n3A, %mul3A_611 : i32
      %add3A_613 = arith.constant 1572864 : i32
      %add3A_614 = arith.addi %mul3A_612, %add3A_613 : i32
      %add3A_615 = arith.addi %add3A_614, %add3A_544 : i32
      %dma_start3A_616 = arith.constant 12288 : i32
      %dma_start3A_617 = tpu.memref_slice %arg8[%dma_start3A_616] : memref<38912xf32, #tpu.memory_space<vmem>> -> memref<2048xf32, #tpu.memory_space<vmem>>
      %dma_start3A_618 = tpu.memref_slice %arg2[%add3A_615] : memref<39845888xf32, #tpu.memory_space<hbm>> -> memref<2048xf32, #tpu.memory_space<hbm>>
      %dma_start3A_619 = arith.constant 12288 : i32
      %dma_start3A_620 = tpu.memref_slice %arg8[%dma_start3A_619] : memref<38912xf32, #tpu.memory_space<vmem>> -> memref<2048xf32, #tpu.memory_space<vmem>>
      %dma_start3A_621 = tpu.memref_slice %arg2[%add3A_615] : memref<39845888xf32, #tpu.memory_space<hbm>> -> memref<2048xf32, #tpu.memory_space<hbm>>
      tpu.enqueue_dma source(%dma_start3A_621 : memref<2048xf32, #tpu.memory_space<hbm>>) target(%dma_start3A_620 : memref<2048xf32, #tpu.memory_space<vmem>>) target_semaphore(%arg17 : memref<!tpu.dma_semaphore, #tpu.memory_space<semaphore_mem>>)
      %mul3A_622 = arith.constant 4980736 : i32
      %mul3A_623 = arith.muli %select_n3A, %mul3A_622 : i32
      %add3A_624 = arith.constant 1835008 : i32
      %add3A_625 = arith.addi %mul3A_623, %add3A_624 : i32
      %add3A_626 = arith.addi %add3A_625, %add3A_544 : i32
      %dma_start3A_627 = arith.constant 14336 : i32
      %dma_start3A_628 = tpu.memref_slice %arg8[%dma_start3A_627] : memref<38912xf32, #tpu.memory_space<vmem>> -> memref<2048xf32, #tpu.memory_space<vmem>>
      %dma_start3A_629 = tpu.memref_slice %arg2[%add3A_626] : memref<39845888xf32, #tpu.memory_space<hbm>> -> memref<2048xf32, #tpu.memory_space<hbm>>
      %dma_start3A_630 = arith.constant 14336 : i32
      %dma_start3A_631 = tpu.memref_slice %arg8[%dma_start3A_630] : memref<38912xf32, #tpu.memory_space<vmem>> -> memref<2048xf32, #tpu.memory_space<vmem>>
      %dma_start3A_632 = tpu.memref_slice %arg2[%add3A_626] : memref<39845888xf32, #tpu.memory_space<hbm>> -> memref<2048xf32, #tpu.memory_space<hbm>>
      tpu.enqueue_dma source(%dma_start3A_632 : memref<2048xf32, #tpu.memory_space<hbm>>) target(%dma_start3A_631 : memref<2048xf32, #tpu.memory_space<vmem>>) target_semaphore(%arg17 : memref<!tpu.dma_semaphore, #tpu.memory_space<semaphore_mem>>)
      %mul3A_633 = arith.constant 4980736 : i32
      %mul3A_634 = arith.muli %select_n3A, %mul3A_633 : i32
      %add3A_635 = arith.constant 2097152 : i32
      %add3A_636 = arith.addi %mul3A_634, %add3A_635 : i32
      %add3A_637 = arith.addi %add3A_636, %add3A_544 : i32
      %dma_start3A_638 = arith.constant 16384 : i32
      %dma_start3A_639 = tpu.memref_slice %arg8[%dma_start3A_638] : memref<38912xf32, #tpu.memory_space<vmem>> -> memref<2048xf32, #tpu.memory_space<vmem>>
      %dma_start3A_640 = tpu.memref_slice %arg2[%add3A_637] : memref<39845888xf32, #tpu.memory_space<hbm>> -> memref<2048xf32, #tpu.memory_space<hbm>>
      %dma_start3A_641 = arith.constant 16384 : i32
      %dma_start3A_642 = tpu.memref_slice %arg8[%dma_start3A_641] : memref<38912xf32, #tpu.memory_space<vmem>> -> memref<2048xf32, #tpu.memory_space<vmem>>
      %dma_start3A_643 = tpu.memref_slice %arg2[%add3A_637] : memref<39845888xf32, #tpu.memory_space<hbm>> -> memref<2048xf32, #tpu.memory_space<hbm>>
      tpu.enqueue_dma source(%dma_start3A_643 : memref<2048xf32, #tpu.memory_space<hbm>>) target(%dma_start3A_642 : memref<2048xf32, #tpu.memory_space<vmem>>) target_semaphore(%arg17 : memref<!tpu.dma_semaphore, #tpu.memory_space<semaphore_mem>>)
      %mul3A_644 = arith.constant 4980736 : i32
      %mul3A_645 = arith.muli %select_n3A, %mul3A_644 : i32
      %add3A_646 = arith.constant 2359296 : i32
      %add3A_647 = arith.addi %mul3A_645, %add3A_646 : i32
      %add3A_648 = arith.addi %add3A_647, %add3A_544 : i32
      %dma_start3A_649 = arith.constant 18432 : i32
      %dma_start3A_650 = tpu.memref_slice %arg8[%dma_start3A_649] : memref<38912xf32, #tpu.memory_space<vmem>> -> memref<2048xf32, #tpu.memory_space<vmem>>
      %dma_start3A_651 = tpu.memref_slice %arg2[%add3A_648] : memref<39845888xf32, #tpu.memory_space<hbm>> -> memref<2048xf32, #tpu.memory_space<hbm>>
      %dma_start3A_652 = arith.constant 18432 : i32
      %dma_start3A_653 = tpu.memref_slice %arg8[%dma_start3A_652] : memref<38912xf32, #tpu.memory_space<vmem>> -> memref<2048xf32, #tpu.memory_space<vmem>>
      %dma_start3A_654 = tpu.memref_slice %arg2[%add3A_648] : memref<39845888xf32, #tpu.memory_space<hbm>> -> memref<2048xf32, #tpu.memory_space<hbm>>
      tpu.enqueue_dma source(%dma_start3A_654 : memref<2048xf32, #tpu.memory_space<hbm>>) target(%dma_start3A_653 : memref<2048xf32, #tpu.memory_space<vmem>>) target_semaphore(%arg17 : memref<!tpu.dma_semaphore, #tpu.memory_space<semaphore_mem>>)
      %mul3A_655 = arith.constant 4980736 : i32
      %mul3A_656 = arith.muli %select_n3A, %mul3A_655 : i32
      %add3A_657 = arith.constant 2621440 : i32
      %add3A_658 = arith.addi %mul3A_656, %add3A_657 : i32
      %add3A_659 = arith.addi %add3A_658, %add3A_544 : i32
      %dma_start3A_660 = arith.constant 20480 : i32
      %dma_start3A_661 = tpu.memref_slice %arg8[%dma_start3A_660] : memref<38912xf32, #tpu.memory_space<vmem>> -> memref<2048xf32, #tpu.memory_space<vmem>>
      %dma_start3A_662 = tpu.memref_slice %arg2[%add3A_659] : memref<39845888xf32, #tpu.memory_space<hbm>> -> memref<2048xf32, #tpu.memory_space<hbm>>
      %dma_start3A_663 = arith.constant 20480 : i32
      %dma_start3A_664 = tpu.memref_slice %arg8[%dma_start3A_663] : memref<38912xf32, #tpu.memory_space<vmem>> -> memref<2048xf32, #tpu.memory_space<vmem>>
      %dma_start3A_665 = tpu.memref_slice %arg2[%add3A_659] : memref<39845888xf32, #tpu.memory_space<hbm>> -> memref<2048xf32, #tpu.memory_space<hbm>>
      tpu.enqueue_dma source(%dma_start3A_665 : memref<2048xf32, #tpu.memory_space<hbm>>) target(%dma_start3A_664 : memref<2048xf32, #tpu.memory_space<vmem>>) target_semaphore(%arg17 : memref<!tpu.dma_semaphore, #tpu.memory_space<semaphore_mem>>)
      %mul3A_666 = arith.constant 4980736 : i32
      %mul3A_667 = arith.muli %select_n3A, %mul3A_666 : i32
      %add3A_668 = arith.constant 2883584 : i32
      %add3A_669 = arith.addi %mul3A_667, %add3A_668 : i32
      %add3A_670 = arith.addi %add3A_669, %add3A_544 : i32
      %dma_start3A_671 = arith.constant 22528 : i32
      %dma_start3A_672 = tpu.memref_slice %arg8[%dma_start3A_671] : memref<38912xf32, #tpu.memory_space<vmem>> -> memref<2048xf32, #tpu.memory_space<vmem>>
      %dma_start3A_673 = tpu.memref_slice %arg2[%add3A_670] : memref<39845888xf32, #tpu.memory_space<hbm>> -> memref<2048xf32, #tpu.memory_space<hbm>>
      %dma_start3A_674 = arith.constant 22528 : i32
      %dma_start3A_675 = tpu.memref_slice %arg8[%dma_start3A_674] : memref<38912xf32, #tpu.memory_space<vmem>> -> memref<2048xf32, #tpu.memory_space<vmem>>
      %dma_start3A_676 = tpu.memref_slice %arg2[%add3A_670] : memref<39845888xf32, #tpu.memory_space<hbm>> -> memref<2048xf32, #tpu.memory_space<hbm>>
      tpu.enqueue_dma source(%dma_start3A_676 : memref<2048xf32, #tpu.memory_space<hbm>>) target(%dma_start3A_675 : memref<2048xf32, #tpu.memory_space<vmem>>) target_semaphore(%arg17 : memref<!tpu.dma_semaphore, #tpu.memory_space<semaphore_mem>>)
      %mul3A_677 = arith.constant 4980736 : i32
      %mul3A_678 = arith.muli %select_n3A, %mul3A_677 : i32
      %add3A_679 = arith.constant 3145728 : i32
      %add3A_680 = arith.addi %mul3A_678, %add3A_679 : i32
      %add3A_681 = arith.addi %add3A_680, %add3A_544 : i32
      %dma_start3A_682 = arith.constant 24576 : i32
      %dma_start3A_683 = tpu.memref_slice %arg8[%dma_start3A_682] : memref<38912xf32, #tpu.memory_space<vmem>> -> memref<2048xf32, #tpu.memory_space<vmem>>
      %dma_start3A_684 = tpu.memref_slice %arg2[%add3A_681] : memref<39845888xf32, #tpu.memory_space<hbm>> -> memref<2048xf32, #tpu.memory_space<hbm>>
      %dma_start3A_685 = arith.constant 24576 : i32
      %dma_start3A_686 = tpu.memref_slice %arg8[%dma_start3A_685] : memref<38912xf32, #tpu.memory_space<vmem>> -> memref<2048xf32, #tpu.memory_space<vmem>>
      %dma_start3A_687 = tpu.memref_slice %arg2[%add3A_681] : memref<39845888xf32, #tpu.memory_space<hbm>> -> memref<2048xf32, #tpu.memory_space<hbm>>
      tpu.enqueue_dma source(%dma_start3A_687 : memref<2048xf32, #tpu.memory_space<hbm>>) target(%dma_start3A_686 : memref<2048xf32, #tpu.memory_space<vmem>>) target_semaphore(%arg17 : memref<!tpu.dma_semaphore, #tpu.memory_space<semaphore_mem>>)
      %mul3A_688 = arith.constant 4980736 : i32
      %mul3A_689 = arith.muli %select_n3A, %mul3A_688 : i32
      %add3A_690 = arith.constant 3407872 : i32
      %add3A_691 = arith.addi %mul3A_689, %add3A_690 : i32
      %add3A_692 = arith.addi %add3A_691, %add3A_544 : i32
      %dma_start3A_693 = arith.constant 26624 : i32
      %dma_start3A_694 = tpu.memref_slice %arg8[%dma_start3A_693] : memref<38912xf32, #tpu.memory_space<vmem>> -> memref<2048xf32, #tpu.memory_space<vmem>>
      %dma_start3A_695 = tpu.memref_slice %arg2[%add3A_692] : memref<39845888xf32, #tpu.memory_space<hbm>> -> memref<2048xf32, #tpu.memory_space<hbm>>
      %dma_start3A_696 = arith.constant 26624 : i32
      %dma_start3A_697 = tpu.memref_slice %arg8[%dma_start3A_696] : memref<38912xf32, #tpu.memory_space<vmem>> -> memref<2048xf32, #tpu.memory_space<vmem>>
      %dma_start3A_698 = tpu.memref_slice %arg2[%add3A_692] : memref<39845888xf32, #tpu.memory_space<hbm>> -> memref<2048xf32, #tpu.memory_space<hbm>>
      tpu.enqueue_dma source(%dma_start3A_698 : memref<2048xf32, #tpu.memory_space<hbm>>) target(%dma_start3A_697 : memref<2048xf32, #tpu.memory_space<vmem>>) target_semaphore(%arg17 : memref<!tpu.dma_semaphore, #tpu.memory_space<semaphore_mem>>)
      %mul3A_699 = arith.constant 4980736 : i32
      %mul3A_700 = arith.muli %select_n3A, %mul3A_699 : i32
      %add3A_701 = arith.constant 3670016 : i32
      %add3A_702 = arith.addi %mul3A_700, %add3A_701 : i32
      %add3A_703 = arith.addi %add3A_702, %add3A_544 : i32
      %dma_start3A_704 = arith.constant 28672 : i32
      %dma_start3A_705 = tpu.memref_slice %arg8[%dma_start3A_704] : memref<38912xf32, #tpu.memory_space<vmem>> -> memref<2048xf32, #tpu.memory_space<vmem>>
      %dma_start3A_706 = tpu.memref_slice %arg2[%add3A_703] : memref<39845888xf32, #tpu.memory_space<hbm>> -> memref<2048xf32, #tpu.memory_space<hbm>>
      %dma_start3A_707 = arith.constant 28672 : i32
      %dma_start3A_708 = tpu.memref_slice %arg8[%dma_start3A_707] : memref<38912xf32, #tpu.memory_space<vmem>> -> memref<2048xf32, #tpu.memory_space<vmem>>
      %dma_start3A_709 = tpu.memref_slice %arg2[%add3A_703] : memref<39845888xf32, #tpu.memory_space<hbm>> -> memref<2048xf32, #tpu.memory_space<hbm>>
      tpu.enqueue_dma source(%dma_start3A_709 : memref<2048xf32, #tpu.memory_space<hbm>>) target(%dma_start3A_708 : memref<2048xf32, #tpu.memory_space<vmem>>) target_semaphore(%arg17 : memref<!tpu.dma_semaphore, #tpu.memory_space<semaphore_mem>>)
      %mul3A_710 = arith.constant 4980736 : i32
      %mul3A_711 = arith.muli %select_n3A, %mul3A_710 : i32
      %add3A_712 = arith.constant 3932160 : i32
      %add3A_713 = arith.addi %mul3A_711, %add3A_712 : i32
      %add3A_714 = arith.addi %add3A_713, %add3A_544 : i32
      %dma_start3A_715 = arith.constant 30720 : i32
      %dma_start3A_716 = tpu.memref_slice %arg8[%dma_start3A_715] : memref<38912xf32, #tpu.memory_space<vmem>> -> memref<2048xf32, #tpu.memory_space<vmem>>
      %dma_start3A_717 = tpu.memref_slice %arg2[%add3A_714] : memref<39845888xf32, #tpu.memory_space<hbm>> -> memref<2048xf32, #tpu.memory_space<hbm>>
      %dma_start3A_718 = arith.constant 30720 : i32
      %dma_start3A_719 = tpu.memref_slice %arg8[%dma_start3A_718] : memref<38912xf32, #tpu.memory_space<vmem>> -> memref<2048xf32, #tpu.memory_space<vmem>>
      %dma_start3A_720 = tpu.memref_slice %arg2[%add3A_714] : memref<39845888xf32, #tpu.memory_space<hbm>> -> memref<2048xf32, #tpu.memory_space<hbm>>
      tpu.enqueue_dma source(%dma_start3A_720 : memref<2048xf32, #tpu.memory_space<hbm>>) target(%dma_start3A_719 : memref<2048xf32, #tpu.memory_space<vmem>>) target_semaphore(%arg17 : memref<!tpu.dma_semaphore, #tpu.memory_space<semaphore_mem>>)
      %mul3A_721 = arith.constant 4980736 : i32
      %mul3A_722 = arith.muli %select_n3A, %mul3A_721 : i32
      %add3A_723 = arith.constant 4194304 : i32
      %add3A_724 = arith.addi %mul3A_722, %add3A_723 : i32
      %add3A_725 = arith.addi %add3A_724, %add3A_544 : i32
      %dma_start3A_726 = arith.constant 32768 : i32
      %dma_start3A_727 = tpu.memref_slice %arg8[%dma_start3A_726] : memref<38912xf32, #tpu.memory_space<vmem>> -> memref<2048xf32, #tpu.memory_space<vmem>>
      %dma_start3A_728 = tpu.memref_slice %arg2[%add3A_725] : memref<39845888xf32, #tpu.memory_space<hbm>> -> memref<2048xf32, #tpu.memory_space<hbm>>
      %dma_start3A_729 = arith.constant 32768 : i32
      %dma_start3A_730 = tpu.memref_slice %arg8[%dma_start3A_729] : memref<38912xf32, #tpu.memory_space<vmem>> -> memref<2048xf32, #tpu.memory_space<vmem>>
      %dma_start3A_731 = tpu.memref_slice %arg2[%add3A_725] : memref<39845888xf32, #tpu.memory_space<hbm>> -> memref<2048xf32, #tpu.memory_space<hbm>>
      tpu.enqueue_dma source(%dma_start3A_731 : memref<2048xf32, #tpu.memory_space<hbm>>) target(%dma_start3A_730 : memref<2048xf32, #tpu.memory_space<vmem>>) target_semaphore(%arg17 : memref<!tpu.dma_semaphore, #tpu.memory_space<semaphore_mem>>)
      %mul3A_732 = arith.constant 4980736 : i32
      %mul3A_733 = arith.muli %select_n3A, %mul3A_732 : i32
      %add3A_734 = arith.constant 4456448 : i32
      %add3A_735 = arith.addi %mul3A_733, %add3A_734 : i32
      %add3A_736 = arith.addi %add3A_735, %add3A_544 : i32
      %dma_start3A_737 = arith.constant 34816 : i32
      %dma_start3A_738 = tpu.memref_slice %arg8[%dma_start3A_737] : memref<38912xf32, #tpu.memory_space<vmem>> -> memref<2048xf32, #tpu.memory_space<vmem>>
      %dma_start3A_739 = tpu.memref_slice %arg2[%add3A_736] : memref<39845888xf32, #tpu.memory_space<hbm>> -> memref<2048xf32, #tpu.memory_space<hbm>>
      %dma_start3A_740 = arith.constant 34816 : i32
      %dma_start3A_741 = tpu.memref_slice %arg8[%dma_start3A_740] : memref<38912xf32, #tpu.memory_space<vmem>> -> memref<2048xf32, #tpu.memory_space<vmem>>
      %dma_start3A_742 = tpu.memref_slice %arg2[%add3A_736] : memref<39845888xf32, #tpu.memory_space<hbm>> -> memref<2048xf32, #tpu.memory_space<hbm>>
      tpu.enqueue_dma source(%dma_start3A_742 : memref<2048xf32, #tpu.memory_space<hbm>>) target(%dma_start3A_741 : memref<2048xf32, #tpu.memory_space<vmem>>) target_semaphore(%arg17 : memref<!tpu.dma_semaphore, #tpu.memory_space<semaphore_mem>>)
      %mul3A_743 = arith.constant 4980736 : i32
      %mul3A_744 = arith.muli %select_n3A, %mul3A_743 : i32
      %add3A_745 = arith.constant 4718592 : i32
      %add3A_746 = arith.addi %mul3A_744, %add3A_745 : i32
      %add3A_747 = arith.addi %add3A_746, %add3A_544 : i32
      %dma_start3A_748 = arith.constant 36864 : i32
      %dma_start3A_749 = tpu.memref_slice %arg8[%dma_start3A_748] : memref<38912xf32, #tpu.memory_space<vmem>> -> memref<2048xf32, #tpu.memory_space<vmem>>
      %dma_start3A_750 = tpu.memref_slice %arg2[%add3A_747] : memref<39845888xf32, #tpu.memory_space<hbm>> -> memref<2048xf32, #tpu.memory_space<hbm>>
      %dma_start3A_751 = arith.constant 36864 : i32
      %dma_start3A_752 = tpu.memref_slice %arg8[%dma_start3A_751] : memref<38912xf32, #tpu.memory_space<vmem>> -> memref<2048xf32, #tpu.memory_space<vmem>>
      %dma_start3A_753 = tpu.memref_slice %arg2[%add3A_747] : memref<39845888xf32, #tpu.memory_space<hbm>> -> memref<2048xf32, #tpu.memory_space<hbm>>
      tpu.enqueue_dma source(%dma_start3A_753 : memref<2048xf32, #tpu.memory_space<hbm>>) target(%dma_start3A_752 : memref<2048xf32, #tpu.memory_space<vmem>>) target_semaphore(%arg17 : memref<!tpu.dma_semaphore, #tpu.memory_space<semaphore_mem>>)
      %mul3A_754 = arith.constant 262144 : i32
      %mul3A_755 = arith.muli %select_n3A, %mul3A_754 : i32
      %add3A_756 = arith.addi %mul3A_755, %add3A_544 : i32
      %dma_start3A_757 = tpu.memref_slice %arg3[%add3A_756] : memref<2097152xi32, #tpu.memory_space<hbm>> -> memref<2048xi32, #tpu.memory_space<hbm>>
      %dma_start3A_758 = tpu.memref_slice %arg3[%add3A_756] : memref<2097152xi32, #tpu.memory_space<hbm>> -> memref<2048xi32, #tpu.memory_space<hbm>>
      tpu.enqueue_dma source(%dma_start3A_758 : memref<2048xi32, #tpu.memory_space<hbm>>) target(%arg10 : memref<2048xi32, #tpu.memory_space<vmem>>) target_semaphore(%arg17 : memref<!tpu.dma_semaphore, #tpu.memory_space<semaphore_mem>>)
      %mul3A_759 = arith.constant 262144 : i32
      %mul3A_760 = arith.muli %select_n3A, %mul3A_759 : i32
      %add3A_761 = arith.addi %mul3A_760, %add3A_544 : i32
      %dma_start3A_762 = tpu.memref_slice %arg4[%add3A_761] : memref<2097152xf32, #tpu.memory_space<hbm>> -> memref<2048xf32, #tpu.memory_space<hbm>>
      %dma_start3A_763 = tpu.memref_slice %arg4[%add3A_761] : memref<2097152xf32, #tpu.memory_space<hbm>> -> memref<2048xf32, #tpu.memory_space<hbm>>
      tpu.enqueue_dma source(%dma_start3A_763 : memref<2048xf32, #tpu.memory_space<hbm>>) target(%arg12 : memref<2048xf32, #tpu.memory_space<vmem>>) target_semaphore(%arg17 : memref<!tpu.dma_semaphore, #tpu.memory_space<semaphore_mem>>)
      %dma_wait3A_764 = arith.constant 0 : i32
      %dma_wait3A_765 = tpu.memref_slice %arg2[%dma_wait3A_764] : memref<39845888xf32, #tpu.memory_space<hbm>> -> memref<38912xf32, #tpu.memory_space<hbm>>
      %dma_wait3A_766 = arith.constant 0 : i32
      %dma_wait3A_767 = tpu.memref_slice %arg2[%dma_wait3A_766] : memref<39845888xf32, #tpu.memory_space<hbm>> -> memref<38912xf32, #tpu.memory_space<hbm>>
      tpu.wait_dma2 semaphore(%arg18 : memref<!tpu.dma_semaphore, #tpu.memory_space<semaphore_mem>>) src(%dma_wait3A_767 : memref<38912xf32, #tpu.memory_space<hbm>>) dst(%arg9 : memref<38912xf32, #tpu.memory_space<vmem>>)
      %dma_wait3A_768 = arith.constant 0 : i32
      %dma_wait3A_769 = tpu.memref_slice %arg3[%dma_wait3A_768] : memref<2097152xi32, #tpu.memory_space<hbm>> -> memref<2048xi32, #tpu.memory_space<hbm>>
      %dma_wait3A_770 = arith.constant 0 : i32
      %dma_wait3A_771 = tpu.memref_slice %arg3[%dma_wait3A_770] : memref<2097152xi32, #tpu.memory_space<hbm>> -> memref<2048xi32, #tpu.memory_space<hbm>>
      tpu.wait_dma2 semaphore(%arg18 : memref<!tpu.dma_semaphore, #tpu.memory_space<semaphore_mem>>) src(%dma_wait3A_771 : memref<2048xi32, #tpu.memory_space<hbm>>) dst(%arg11 : memref<2048xi32, #tpu.memory_space<vmem>>)
      %dma_wait3A_772 = arith.constant 0 : i32
      %dma_wait3A_773 = tpu.memref_slice %arg4[%dma_wait3A_772] : memref<2097152xf32, #tpu.memory_space<hbm>> -> memref<2048xf32, #tpu.memory_space<hbm>>
      %dma_wait3A_774 = arith.constant 0 : i32
      %dma_wait3A_775 = tpu.memref_slice %arg4[%dma_wait3A_774] : memref<2097152xf32, #tpu.memory_space<hbm>> -> memref<2048xf32, #tpu.memory_space<hbm>>
      tpu.wait_dma2 semaphore(%arg18 : memref<!tpu.dma_semaphore, #tpu.memory_space<semaphore_mem>>) src(%dma_wait3A_775 : memref<2048xf32, #tpu.memory_space<hbm>>) dst(%arg13 : memref<2048xf32, #tpu.memory_space<vmem>>)
      %scan3A_776 = arith.constant 0 : i32
      %scan3A_777 = arith.constant 128 : i32
      %scan3A_778 = arith.addi %scan3A_776, %scan3A_777 : i32
      %scan3A_779 = arith.constant 8 : i32
      %scan3A_780:3 = scf.for %scan3A_782 = %scan3A_776 to %scan3A_778 step %scan3A_779 iter_args(%scan3A_783 = %scan3A_533#0, %scan3A_784 = %scan3A_533#1, %scan3A_785 = %scan3A_533#2) -> (vector<16xf32>, vector<16xi32>, vector<16xi32>)  : i32 {
        %mul3A_786 = arith.constant 16 : i32
        %mul3A_787 = arith.muli %scan3A_782, %mul3A_786 : i32
        %get3A = arith.index_cast %mul3A_787 : i32 to index
        %get3A_788 = tpu.vector_load %arg11[%get3A] {strides = array<i32>} : memref<2048xi32, #tpu.memory_space<vmem>>, vector<16xi32>,
        %mul3A_789 = arith.constant 16 : i32
        %mul3A_790 = arith.muli %scan3A_782, %mul3A_789 : i32
        %get3A_791 = arith.index_cast %mul3A_790 : i32 to index
        %get3A_792 = tpu.vector_load %arg13[%get3A_791] {strides = array<i32>} : memref<2048xf32, #tpu.memory_space<vmem>>, vector<16xf32>,
        %ne3A_793 = arith.constant 255 : i32
        %ne3A_794 = vector.broadcast %ne3A_793 : i32 to vector<16xi32>
        %ne3A_795 = arith.cmpi ne, %get3A_788, %ne3A_794 : vector<16xi32>
        %jit3A_796 = arith.constant 0 : i32
        %broadcast_in_dim3A_797 = vector.broadcast %jit3A_796 : i32 to vector<16xi32>
        %select_n3A_798 = arith.select %ne3A_795, %get3A_788, %broadcast_in_dim3A_797 : vector<16xi1>, vector<16xi32>
        %mul3A_799 = arith.constant 16 : i32
        %mul3A_800 = arith.muli %scan3A_782, %mul3A_799 : i32
        %iota3A = tpu.iota {dimensions = array<i32: 0>} : vector<16xi32>
        %add3A_801 = vector.broadcast %mul3A_800 : i32 to vector<16xi32>
        %add3A_802 = arith.addi %add3A_801, %iota3A : vector<16xi32>
        %mul3A_803 = arith.constant 2048 : i32
        %mul3A_804 = vector.broadcast %mul3A_803 : i32 to vector<16xi32>
        %mul3A_805 = arith.muli %select_n3A_798, %mul3A_804 : vector<16xi32>
        %add3A_806 = arith.addi %mul3A_805, %add3A_802 : vector<16xi32>
        %gather3A = tpu.vector_load_idx %arg9[%add3A_806] : memref<38912xf32, #tpu.memory_space<vmem>>[vector<16xi32>], vector<16xf32>,
        %neg3A = arith.constant 0.000000e+00 : f32
        %neg3A_807 = vector.broadcast %neg3A : f32 to vector<16xf32>
        %neg3A_808 = arith.subf %neg3A_807, %gather3A : vector<16xf32>
        %mul3A_809 = arith.mulf %get3A_792, %neg3A_808 : vector<16xf32>
        %broadcast_in_dim3A_810 = arith.constant 0.000000e+00 : f32
        %broadcast_in_dim3A_811 = vector.broadcast %broadcast_in_dim3A_810 : f32 to vector<16xf32>
        %select_n3A_812 = arith.select %ne3A_795, %mul3A_809, %broadcast_in_dim3A_811 : vector<16xi1>, vector<16xf32>
        %gt3A = arith.constant 0.356674939 : f32
        %gt3A_813 = vector.broadcast %gt3A : f32 to vector<16xf32>
        %gt3A_814 = arith.cmpf ogt, %select_n3A_812, %gt3A_813 : vector<16xf32>
        %broadcast_in_dim3A_815 = arith.constant 0.000000e+00 : f32
        %broadcast_in_dim3A_816 = vector.broadcast %broadcast_in_dim3A_815 : f32 to vector<16xf32>
        %select_n3A_817 = arith.select %gt3A_814, %select_n3A_812, %broadcast_in_dim3A_816 : vector<16xi1>, vector<16xf32>
        %add3A_818 = arith.addf %scan3A_783, %select_n3A_817 : vector<16xf32>
        %convert_element_type3A = arith.extui %gt3A_814 : vector<16xi1> to vector<16xi32>
        %add3A_819 = arith.addi %scan3A_784, %convert_element_type3A : vector<16xi32>
        %convert_element_type3A_820 = arith.extui %ne3A_795 : vector<16xi1> to vector<16xi32>
        %add3A_821 = arith.addi %scan3A_785, %convert_element_type3A_820 : vector<16xi32>
        %scan3A_822 = arith.constant 1 : i32
        %scan3A_823 = arith.addi %scan3A_782, %scan3A_822 : i32
        %mul3A_824 = arith.constant 16 : i32
        %mul3A_825 = arith.muli %scan3A_823, %mul3A_824 : i32
        %get3A_826 = arith.index_cast %mul3A_825 : i32 to index
        %get3A_827 = tpu.vector_load %arg11[%get3A_826] {strides = array<i32>} : memref<2048xi32, #tpu.memory_space<vmem>>, vector<16xi32>,
        %mul3A_828 = arith.constant 16 : i32
        %mul3A_829 = arith.muli %scan3A_823, %mul3A_828 : i32
        %get3A_830 = arith.index_cast %mul3A_829 : i32 to index
        %get3A_831 = tpu.vector_load %arg13[%get3A_830] {strides = array<i32>} : memref<2048xf32, #tpu.memory_space<vmem>>, vector<16xf32>,
        %ne3A_832 = arith.constant 255 : i32
        %ne3A_833 = vector.broadcast %ne3A_832 : i32 to vector<16xi32>
        %ne3A_834 = arith.cmpi ne, %get3A_827, %ne3A_833 : vector<16xi32>
        %jit3A_835 = arith.constant 0 : i32
        %broadcast_in_dim3A_836 = vector.broadcast %jit3A_835 : i32 to vector<16xi32>
        %select_n3A_837 = arith.select %ne3A_834, %get3A_827, %broadcast_in_dim3A_836 : vector<16xi1>, vector<16xi32>
        %mul3A_838 = arith.constant 16 : i32
        %mul3A_839 = arith.muli %scan3A_823, %mul3A_838 : i32
        %iota3A_840 = tpu.iota {dimensions = array<i32: 0>} : vector<16xi32>
        %add3A_841 = vector.broadcast %mul3A_839 : i32 to vector<16xi32>
        %add3A_842 = arith.addi %add3A_841, %iota3A_840 : vector<16xi32>
        %mul3A_843 = arith.constant 2048 : i32
        %mul3A_844 = vector.broadcast %mul3A_843 : i32 to vector<16xi32>
        %mul3A_845 = arith.muli %select_n3A_837, %mul3A_844 : vector<16xi32>
        %add3A_846 = arith.addi %mul3A_845, %add3A_842 : vector<16xi32>
        %gather3A_847 = tpu.vector_load_idx %arg9[%add3A_846] : memref<38912xf32, #tpu.memory_space<vmem>>[vector<16xi32>], vector<16xf32>,
        %neg3A_848 = arith.constant 0.000000e+00 : f32
        %neg3A_849 = vector.broadcast %neg3A_848 : f32 to vector<16xf32>
        %neg3A_850 = arith.subf %neg3A_849, %gather3A_847 : vector<16xf32>
        %mul3A_851 = arith.mulf %get3A_831, %neg3A_850 : vector<16xf32>
        %broadcast_in_dim3A_852 = arith.constant 0.000000e+00 : f32
        %broadcast_in_dim3A_853 = vector.broadcast %broadcast_in_dim3A_852 : f32 to vector<16xf32>
        %select_n3A_854 = arith.select %ne3A_834, %mul3A_851, %broadcast_in_dim3A_853 : vector<16xi1>, vector<16xf32>
        %gt3A_855 = arith.constant 0.356674939 : f32
        %gt3A_856 = vector.broadcast %gt3A_855 : f32 to vector<16xf32>
        %gt3A_857 = arith.cmpf ogt, %select_n3A_854, %gt3A_856 : vector<16xf32>
        %broadcast_in_dim3A_858 = arith.constant 0.000000e+00 : f32
        %broadcast_in_dim3A_859 = vector.broadcast %broadcast_in_dim3A_858 : f32 to vector<16xf32>
        %select_n3A_860 = arith.select %gt3A_857, %select_n3A_854, %broadcast_in_dim3A_859 : vector<16xi1>, vector<16xf32>
        %add3A_861 = arith.addf %add3A_818, %select_n3A_860 : vector<16xf32>
        %convert_element_type3A_862 = arith.extui %gt3A_857 : vector<16xi1> to vector<16xi32>
        %add3A_863 = arith.addi %add3A_819, %convert_element_type3A_862 : vector<16xi32>
        %convert_element_type3A_864 = arith.extui %ne3A_834 : vector<16xi1> to vector<16xi32>
        %add3A_865 = arith.addi %add3A_821, %convert_element_type3A_864 : vector<16xi32>
        %scan3A_866 = arith.constant 2 : i32
        %scan3A_867 = arith.addi %scan3A_782, %scan3A_866 : i32
        %mul3A_868 = arith.constant 16 : i32
        %mul3A_869 = arith.muli %scan3A_867, %mul3A_868 : i32
        %get3A_870 = arith.index_cast %mul3A_869 : i32 to index
        %get3A_871 = tpu.vector_load %arg11[%get3A_870] {strides = array<i32>} : memref<2048xi32, #tpu.memory_space<vmem>>, vector<16xi32>,
        %mul3A_872 = arith.constant 16 : i32
        %mul3A_873 = arith.muli %scan3A_867, %mul3A_872 : i32
        %get3A_874 = arith.index_cast %mul3A_873 : i32 to index
        %get3A_875 = tpu.vector_load %arg13[%get3A_874] {strides = array<i32>} : memref<2048xf32, #tpu.memory_space<vmem>>, vector<16xf32>,
        %ne3A_876 = arith.constant 255 : i32
        %ne3A_877 = vector.broadcast %ne3A_876 : i32 to vector<16xi32>
        %ne3A_878 = arith.cmpi ne, %get3A_871, %ne3A_877 : vector<16xi32>
        %jit3A_879 = arith.constant 0 : i32
        %broadcast_in_dim3A_880 = vector.broadcast %jit3A_879 : i32 to vector<16xi32>
        %select_n3A_881 = arith.select %ne3A_878, %get3A_871, %broadcast_in_dim3A_880 : vector<16xi1>, vector<16xi32>
        %mul3A_882 = arith.constant 16 : i32
        %mul3A_883 = arith.muli %scan3A_867, %mul3A_882 : i32
        %iota3A_884 = tpu.iota {dimensions = array<i32: 0>} : vector<16xi32>
        %add3A_885 = vector.broadcast %mul3A_883 : i32 to vector<16xi32>
        %add3A_886 = arith.addi %add3A_885, %iota3A_884 : vector<16xi32>
        %mul3A_887 = arith.constant 2048 : i32
        %mul3A_888 = vector.broadcast %mul3A_887 : i32 to vector<16xi32>
        %mul3A_889 = arith.muli %select_n3A_881, %mul3A_888 : vector<16xi32>
        %add3A_890 = arith.addi %mul3A_889, %add3A_886 : vector<16xi32>
        %gather3A_891 = tpu.vector_load_idx %arg9[%add3A_890] : memref<38912xf32, #tpu.memory_space<vmem>>[vector<16xi32>], vector<16xf32>,
        %neg3A_892 = arith.constant 0.000000e+00 : f32
        %neg3A_893 = vector.broadcast %neg3A_892 : f32 to vector<16xf32>
        %neg3A_894 = arith.subf %neg3A_893, %gather3A_891 : vector<16xf32>
        %mul3A_895 = arith.mulf %get3A_875, %neg3A_894 : vector<16xf32>
        %broadcast_in_dim3A_896 = arith.constant 0.000000e+00 : f32
        %broadcast_in_dim3A_897 = vector.broadcast %broadcast_in_dim3A_896 : f32 to vector<16xf32>
        %select_n3A_898 = arith.select %ne3A_878, %mul3A_895, %broadcast_in_dim3A_897 : vector<16xi1>, vector<16xf32>
        %gt3A_899 = arith.constant 0.356674939 : f32
        %gt3A_900 = vector.broadcast %gt3A_899 : f32 to vector<16xf32>
        %gt3A_901 = arith.cmpf ogt, %select_n3A_898, %gt3A_900 : vector<16xf32>
        %broadcast_in_dim3A_902 = arith.constant 0.000000e+00 : f32
        %broadcast_in_dim3A_903 = vector.broadcast %broadcast_in_dim3A_902 : f32 to vector<16xf32>
        %select_n3A_904 = arith.select %gt3A_901, %select_n3A_898, %broadcast_in_dim3A_903 : vector<16xi1>, vector<16xf32>
        %add3A_905 = arith.addf %add3A_861, %select_n3A_904 : vector<16xf32>
        %convert_element_type3A_906 = arith.extui %gt3A_901 : vector<16xi1> to vector<16xi32>
        %add3A_907 = arith.addi %add3A_863, %convert_element_type3A_906 : vector<16xi32>
        %convert_element_type3A_908 = arith.extui %ne3A_878 : vector<16xi1> to vector<16xi32>
        %add3A_909 = arith.addi %add3A_865, %convert_element_type3A_908 : vector<16xi32>
        %scan3A_910 = arith.constant 3 : i32
        %scan3A_911 = arith.addi %scan3A_782, %scan3A_910 : i32
        %mul3A_912 = arith.constant 16 : i32
        %mul3A_913 = arith.muli %scan3A_911, %mul3A_912 : i32
        %get3A_914 = arith.index_cast %mul3A_913 : i32 to index
        %get3A_915 = tpu.vector_load %arg11[%get3A_914] {strides = array<i32>} : memref<2048xi32, #tpu.memory_space<vmem>>, vector<16xi32>,
        %mul3A_916 = arith.constant 16 : i32
        %mul3A_917 = arith.muli %scan3A_911, %mul3A_916 : i32
        %get3A_918 = arith.index_cast %mul3A_917 : i32 to index
        %get3A_919 = tpu.vector_load %arg13[%get3A_918] {strides = array<i32>} : memref<2048xf32, #tpu.memory_space<vmem>>, vector<16xf32>,
        %ne3A_920 = arith.constant 255 : i32
        %ne3A_921 = vector.broadcast %ne3A_920 : i32 to vector<16xi32>
        %ne3A_922 = arith.cmpi ne, %get3A_915, %ne3A_921 : vector<16xi32>
        %jit3A_923 = arith.constant 0 : i32
        %broadcast_in_dim3A_924 = vector.broadcast %jit3A_923 : i32 to vector<16xi32>
        %select_n3A_925 = arith.select %ne3A_922, %get3A_915, %broadcast_in_dim3A_924 : vector<16xi1>, vector<16xi32>
        %mul3A_926 = arith.constant 16 : i32
        %mul3A_927 = arith.muli %scan3A_911, %mul3A_926 : i32
        %iota3A_928 = tpu.iota {dimensions = array<i32: 0>} : vector<16xi32>
        %add3A_929 = vector.broadcast %mul3A_927 : i32 to vector<16xi32>
        %add3A_930 = arith.addi %add3A_929, %iota3A_928 : vector<16xi32>
        %mul3A_931 = arith.constant 2048 : i32
        %mul3A_932 = vector.broadcast %mul3A_931 : i32 to vector<16xi32>
        %mul3A_933 = arith.muli %select_n3A_925, %mul3A_932 : vector<16xi32>
        %add3A_934 = arith.addi %mul3A_933, %add3A_930 : vector<16xi32>
        %gather3A_935 = tpu.vector_load_idx %arg9[%add3A_934] : memref<38912xf32, #tpu.memory_space<vmem>>[vector<16xi32>], vector<16xf32>,
        %neg3A_936 = arith.constant 0.000000e+00 : f32
        %neg3A_937 = vector.broadcast %neg3A_936 : f32 to vector<16xf32>
        %neg3A_938 = arith.subf %neg3A_937, %gather3A_935 : vector<16xf32>
        %mul3A_939 = arith.mulf %get3A_919, %neg3A_938 : vector<16xf32>
        %broadcast_in_dim3A_940 = arith.constant 0.000000e+00 : f32
        %broadcast_in_dim3A_941 = vector.broadcast %broadcast_in_dim3A_940 : f32 to vector<16xf32>
        %select_n3A_942 = arith.select %ne3A_922, %mul3A_939, %broadcast_in_dim3A_941 : vector<16xi1>, vector<16xf32>
        %gt3A_943 = arith.constant 0.356674939 : f32
        %gt3A_944 = vector.broadcast %gt3A_943 : f32 to vector<16xf32>
        %gt3A_945 = arith.cmpf ogt, %select_n3A_942, %gt3A_944 : vector<16xf32>
        %broadcast_in_dim3A_946 = arith.constant 0.000000e+00 : f32
        %broadcast_in_dim3A_947 = vector.broadcast %broadcast_in_dim3A_946 : f32 to vector<16xf32>
        %select_n3A_948 = arith.select %gt3A_945, %select_n3A_942, %broadcast_in_dim3A_947 : vector<16xi1>, vector<16xf32>
        %add3A_949 = arith.addf %add3A_905, %select_n3A_948 : vector<16xf32>
        %convert_element_type3A_950 = arith.extui %gt3A_945 : vector<16xi1> to vector<16xi32>
        %add3A_951 = arith.addi %add3A_907, %convert_element_type3A_950 : vector<16xi32>
        %convert_element_type3A_952 = arith.extui %ne3A_922 : vector<16xi1> to vector<16xi32>
        %add3A_953 = arith.addi %add3A_909, %convert_element_type3A_952 : vector<16xi32>
        %scan3A_954 = arith.constant 4 : i32
        %scan3A_955 = arith.addi %scan3A_782, %scan3A_954 : i32
        %mul3A_956 = arith.constant 16 : i32
        %mul3A_957 = arith.muli %scan3A_955, %mul3A_956 : i32
        %get3A_958 = arith.index_cast %mul3A_957 : i32 to index
        %get3A_959 = tpu.vector_load %arg11[%get3A_958] {strides = array<i32>} : memref<2048xi32, #tpu.memory_space<vmem>>, vector<16xi32>,
        %mul3A_960 = arith.constant 16 : i32
        %mul3A_961 = arith.muli %scan3A_955, %mul3A_960 : i32
        %get3A_962 = arith.index_cast %mul3A_961 : i32 to index
        %get3A_963 = tpu.vector_load %arg13[%get3A_962] {strides = array<i32>} : memref<2048xf32, #tpu.memory_space<vmem>>, vector<16xf32>,
        %ne3A_964 = arith.constant 255 : i32
        %ne3A_965 = vector.broadcast %ne3A_964 : i32 to vector<16xi32>
        %ne3A_966 = arith.cmpi ne, %get3A_959, %ne3A_965 : vector<16xi32>
        %jit3A_967 = arith.constant 0 : i32
        %broadcast_in_dim3A_968 = vector.broadcast %jit3A_967 : i32 to vector<16xi32>
        %select_n3A_969 = arith.select %ne3A_966, %get3A_959, %broadcast_in_dim3A_968 : vector<16xi1>, vector<16xi32>
        %mul3A_970 = arith.constant 16 : i32
        %mul3A_971 = arith.muli %scan3A_955, %mul3A_970 : i32
        %iota3A_972 = tpu.iota {dimensions = array<i32: 0>} : vector<16xi32>
        %add3A_973 = vector.broadcast %mul3A_971 : i32 to vector<16xi32>
        %add3A_974 = arith.addi %add3A_973, %iota3A_972 : vector<16xi32>
        %mul3A_975 = arith.constant 2048 : i32
        %mul3A_976 = vector.broadcast %mul3A_975 : i32 to vector<16xi32>
        %mul3A_977 = arith.muli %select_n3A_969, %mul3A_976 : vector<16xi32>
        %add3A_978 = arith.addi %mul3A_977, %add3A_974 : vector<16xi32>
        %gather3A_979 = tpu.vector_load_idx %arg9[%add3A_978] : memref<38912xf32, #tpu.memory_space<vmem>>[vector<16xi32>], vector<16xf32>,
        %neg3A_980 = arith.constant 0.000000e+00 : f32
        %neg3A_981 = vector.broadcast %neg3A_980 : f32 to vector<16xf32>
        %neg3A_982 = arith.subf %neg3A_981, %gather3A_979 : vector<16xf32>
        %mul3A_983 = arith.mulf %get3A_963, %neg3A_982 : vector<16xf32>
        %broadcast_in_dim3A_984 = arith.constant 0.000000e+00 : f32
        %broadcast_in_dim3A_985 = vector.broadcast %broadcast_in_dim3A_984 : f32 to vector<16xf32>
        %select_n3A_986 = arith.select %ne3A_966, %mul3A_983, %broadcast_in_dim3A_985 : vector<16xi1>, vector<16xf32>
        %gt3A_987 = arith.constant 0.356674939 : f32
        %gt3A_988 = vector.broadcast %gt3A_987 : f32 to vector<16xf32>
        %gt3A_989 = arith.cmpf ogt, %select_n3A_986, %gt3A_988 : vector<16xf32>
        %broadcast_in_dim3A_990 = arith.constant 0.000000e+00 : f32
        %broadcast_in_dim3A_991 = vector.broadcast %broadcast_in_dim3A_990 : f32 to vector<16xf32>
        %select_n3A_992 = arith.select %gt3A_989, %select_n3A_986, %broadcast_in_dim3A_991 : vector<16xi1>, vector<16xf32>
        %add3A_993 = arith.addf %add3A_949, %select_n3A_992 : vector<16xf32>
        %convert_element_type3A_994 = arith.extui %gt3A_989 : vector<16xi1> to vector<16xi32>
        %add3A_995 = arith.addi %add3A_951, %convert_element_type3A_994 : vector<16xi32>
        %convert_element_type3A_996 = arith.extui %ne3A_966 : vector<16xi1> to vector<16xi32>
        %add3A_997 = arith.addi %add3A_953, %convert_element_type3A_996 : vector<16xi32>
        %scan3A_998 = arith.constant 5 : i32
        %scan3A_999 = arith.addi %scan3A_782, %scan3A_998 : i32
        %mul3A_1000 = arith.constant 16 : i32
        %mul3A_1001 = arith.muli %scan3A_999, %mul3A_1000 : i32
        %get3A_1002 = arith.index_cast %mul3A_1001 : i32 to index
        %get3A_1003 = tpu.vector_load %arg11[%get3A_1002] {strides = array<i32>} : memref<2048xi32, #tpu.memory_space<vmem>>, vector<16xi32>,
        %mul3A_1004 = arith.constant 16 : i32
        %mul3A_1005 = arith.muli %scan3A_999, %mul3A_1004 : i32
        %get3A_1006 = arith.index_cast %mul3A_1005 : i32 to index
        %get3A_1007 = tpu.vector_load %arg13[%get3A_1006] {strides = array<i32>} : memref<2048xf32, #tpu.memory_space<vmem>>, vector<16xf32>,
        %ne3A_1008 = arith.constant 255 : i32
        %ne3A_1009 = vector.broadcast %ne3A_1008 : i32 to vector<16xi32>
        %ne3A_1010 = arith.cmpi ne, %get3A_1003, %ne3A_1009 : vector<16xi32>
        %jit3A_1011 = arith.constant 0 : i32
        %broadcast_in_dim3A_1012 = vector.broadcast %jit3A_1011 : i32 to vector<16xi32>
        %select_n3A_1013 = arith.select %ne3A_1010, %get3A_1003, %broadcast_in_dim3A_1012 : vector<16xi1>, vector<16xi32>
        %mul3A_1014 = arith.constant 16 : i32
        %mul3A_1015 = arith.muli %scan3A_999, %mul3A_1014 : i32
        %iota3A_1016 = tpu.iota {dimensions = array<i32: 0>} : vector<16xi32>
        %add3A_1017 = vector.broadcast %mul3A_1015 : i32 to vector<16xi32>
        %add3A_1018 = arith.addi %add3A_1017, %iota3A_1016 : vector<16xi32>
        %mul3A_1019 = arith.constant 2048 : i32
        %mul3A_1020 = vector.broadcast %mul3A_1019 : i32 to vector<16xi32>
        %mul3A_1021 = arith.muli %select_n3A_1013, %mul3A_1020 : vector<16xi32>
        %add3A_1022 = arith.addi %mul3A_1021, %add3A_1018 : vector<16xi32>
        %gather3A_1023 = tpu.vector_load_idx %arg9[%add3A_1022] : memref<38912xf32, #tpu.memory_space<vmem>>[vector<16xi32>], vector<16xf32>,
        %neg3A_1024 = arith.constant 0.000000e+00 : f32
        %neg3A_1025 = vector.broadcast %neg3A_1024 : f32 to vector<16xf32>
        %neg3A_1026 = arith.subf %neg3A_1025, %gather3A_1023 : vector<16xf32>
        %mul3A_1027 = arith.mulf %get3A_1007, %neg3A_1026 : vector<16xf32>
        %broadcast_in_dim3A_1028 = arith.constant 0.000000e+00 : f32
        %broadcast_in_dim3A_1029 = vector.broadcast %broadcast_in_dim3A_1028 : f32 to vector<16xf32>
        %select_n3A_1030 = arith.select %ne3A_1010, %mul3A_1027, %broadcast_in_dim3A_1029 : vector<16xi1>, vector<16xf32>
        %gt3A_1031 = arith.constant 0.356674939 : f32
        %gt3A_1032 = vector.broadcast %gt3A_1031 : f32 to vector<16xf32>
        %gt3A_1033 = arith.cmpf ogt, %select_n3A_1030, %gt3A_1032 : vector<16xf32>
        %broadcast_in_dim3A_1034 = arith.constant 0.000000e+00 : f32
        %broadcast_in_dim3A_1035 = vector.broadcast %broadcast_in_dim3A_1034 : f32 to vector<16xf32>
        %select_n3A_1036 = arith.select %gt3A_1033, %select_n3A_1030, %broadcast_in_dim3A_1035 : vector<16xi1>, vector<16xf32>
        %add3A_1037 = arith.addf %add3A_993, %select_n3A_1036 : vector<16xf32>
        %convert_element_type3A_1038 = arith.extui %gt3A_1033 : vector<16xi1> to vector<16xi32>
        %add3A_1039 = arith.addi %add3A_995, %convert_element_type3A_1038 : vector<16xi32>
        %convert_element_type3A_1040 = arith.extui %ne3A_1010 : vector<16xi1> to vector<16xi32>
        %add3A_1041 = arith.addi %add3A_997, %convert_element_type3A_1040 : vector<16xi32>
        %scan3A_1042 = arith.constant 6 : i32
        %scan3A_1043 = arith.addi %scan3A_782, %scan3A_1042 : i32
        %mul3A_1044 = arith.constant 16 : i32
        %mul3A_1045 = arith.muli %scan3A_1043, %mul3A_1044 : i32
        %get3A_1046 = arith.index_cast %mul3A_1045 : i32 to index
        %get3A_1047 = tpu.vector_load %arg11[%get3A_1046] {strides = array<i32>} : memref<2048xi32, #tpu.memory_space<vmem>>, vector<16xi32>,
        %mul3A_1048 = arith.constant 16 : i32
        %mul3A_1049 = arith.muli %scan3A_1043, %mul3A_1048 : i32
        %get3A_1050 = arith.index_cast %mul3A_1049 : i32 to index
        %get3A_1051 = tpu.vector_load %arg13[%get3A_1050] {strides = array<i32>} : memref<2048xf32, #tpu.memory_space<vmem>>, vector<16xf32>,
        %ne3A_1052 = arith.constant 255 : i32
        %ne3A_1053 = vector.broadcast %ne3A_1052 : i32 to vector<16xi32>
        %ne3A_1054 = arith.cmpi ne, %get3A_1047, %ne3A_1053 : vector<16xi32>
        %jit3A_1055 = arith.constant 0 : i32
        %broadcast_in_dim3A_1056 = vector.broadcast %jit3A_1055 : i32 to vector<16xi32>
        %select_n3A_1057 = arith.select %ne3A_1054, %get3A_1047, %broadcast_in_dim3A_1056 : vector<16xi1>, vector<16xi32>
        %mul3A_1058 = arith.constant 16 : i32
        %mul3A_1059 = arith.muli %scan3A_1043, %mul3A_1058 : i32
        %iota3A_1060 = tpu.iota {dimensions = array<i32: 0>} : vector<16xi32>
        %add3A_1061 = vector.broadcast %mul3A_1059 : i32 to vector<16xi32>
        %add3A_1062 = arith.addi %add3A_1061, %iota3A_1060 : vector<16xi32>
        %mul3A_1063 = arith.constant 2048 : i32
        %mul3A_1064 = vector.broadcast %mul3A_1063 : i32 to vector<16xi32>
        %mul3A_1065 = arith.muli %select_n3A_1057, %mul3A_1064 : vector<16xi32>
        %add3A_1066 = arith.addi %mul3A_1065, %add3A_1062 : vector<16xi32>
        %gather3A_1067 = tpu.vector_load_idx %arg9[%add3A_1066] : memref<38912xf32, #tpu.memory_space<vmem>>[vector<16xi32>], vector<16xf32>,
        %neg3A_1068 = arith.constant 0.000000e+00 : f32
        %neg3A_1069 = vector.broadcast %neg3A_1068 : f32 to vector<16xf32>
        %neg3A_1070 = arith.subf %neg3A_1069, %gather3A_1067 : vector<16xf32>
        %mul3A_1071 = arith.mulf %get3A_1051, %neg3A_1070 : vector<16xf32>
        %broadcast_in_dim3A_1072 = arith.constant 0.000000e+00 : f32
        %broadcast_in_dim3A_1073 = vector.broadcast %broadcast_in_dim3A_1072 : f32 to vector<16xf32>
        %select_n3A_1074 = arith.select %ne3A_1054, %mul3A_1071, %broadcast_in_dim3A_1073 : vector<16xi1>, vector<16xf32>
        %gt3A_1075 = arith.constant 0.356674939 : f32
        %gt3A_1076 = vector.broadcast %gt3A_1075 : f32 to vector<16xf32>
        %gt3A_1077 = arith.cmpf ogt, %select_n3A_1074, %gt3A_1076 : vector<16xf32>
        %broadcast_in_dim3A_1078 = arith.constant 0.000000e+00 : f32
        %broadcast_in_dim3A_1079 = vector.broadcast %broadcast_in_dim3A_1078 : f32 to vector<16xf32>
        %select_n3A_1080 = arith.select %gt3A_1077, %select_n3A_1074, %broadcast_in_dim3A_1079 : vector<16xi1>, vector<16xf32>
        %add3A_1081 = arith.addf %add3A_1037, %select_n3A_1080 : vector<16xf32>
        %convert_element_type3A_1082 = arith.extui %gt3A_1077 : vector<16xi1> to vector<16xi32>
        %add3A_1083 = arith.addi %add3A_1039, %convert_element_type3A_1082 : vector<16xi32>
        %convert_element_type3A_1084 = arith.extui %ne3A_1054 : vector<16xi1> to vector<16xi32>
        %add3A_1085 = arith.addi %add3A_1041, %convert_element_type3A_1084 : vector<16xi32>
        %scan3A_1086 = arith.constant 7 : i32
        %scan3A_1087 = arith.addi %scan3A_782, %scan3A_1086 : i32
        %mul3A_1088 = arith.constant 16 : i32
        %mul3A_1089 = arith.muli %scan3A_1087, %mul3A_1088 : i32
        %get3A_1090 = arith.index_cast %mul3A_1089 : i32 to index
        %get3A_1091 = tpu.vector_load %arg11[%get3A_1090] {strides = array<i32>} : memref<2048xi32, #tpu.memory_space<vmem>>, vector<16xi32>,
        %mul3A_1092 = arith.constant 16 : i32
        %mul3A_1093 = arith.muli %scan3A_1087, %mul3A_1092 : i32
        %get3A_1094 = arith.index_cast %mul3A_1093 : i32 to index
        %get3A_1095 = tpu.vector_load %arg13[%get3A_1094] {strides = array<i32>} : memref<2048xf32, #tpu.memory_space<vmem>>, vector<16xf32>,
        %ne3A_1096 = arith.constant 255 : i32
        %ne3A_1097 = vector.broadcast %ne3A_1096 : i32 to vector<16xi32>
        %ne3A_1098 = arith.cmpi ne, %get3A_1091, %ne3A_1097 : vector<16xi32>
        %jit3A_1099 = arith.constant 0 : i32
        %broadcast_in_dim3A_1100 = vector.broadcast %jit3A_1099 : i32 to vector<16xi32>
        %select_n3A_1101 = arith.select %ne3A_1098, %get3A_1091, %broadcast_in_dim3A_1100 : vector<16xi1>, vector<16xi32>
        %mul3A_1102 = arith.constant 16 : i32
        %mul3A_1103 = arith.muli %scan3A_1087, %mul3A_1102 : i32
        %iota3A_1104 = tpu.iota {dimensions = array<i32: 0>} : vector<16xi32>
        %add3A_1105 = vector.broadcast %mul3A_1103 : i32 to vector<16xi32>
        %add3A_1106 = arith.addi %add3A_1105, %iota3A_1104 : vector<16xi32>
        %mul3A_1107 = arith.constant 2048 : i32
        %mul3A_1108 = vector.broadcast %mul3A_1107 : i32 to vector<16xi32>
        %mul3A_1109 = arith.muli %select_n3A_1101, %mul3A_1108 : vector<16xi32>
        %add3A_1110 = arith.addi %mul3A_1109, %add3A_1106 : vector<16xi32>
        %gather3A_1111 = tpu.vector_load_idx %arg9[%add3A_1110] : memref<38912xf32, #tpu.memory_space<vmem>>[vector<16xi32>], vector<16xf32>,
        %neg3A_1112 = arith.constant 0.000000e+00 : f32
        %neg3A_1113 = vector.broadcast %neg3A_1112 : f32 to vector<16xf32>
        %neg3A_1114 = arith.subf %neg3A_1113, %gather3A_1111 : vector<16xf32>
        %mul3A_1115 = arith.mulf %get3A_1095, %neg3A_1114 : vector<16xf32>
        %broadcast_in_dim3A_1116 = arith.constant 0.000000e+00 : f32
        %broadcast_in_dim3A_1117 = vector.broadcast %broadcast_in_dim3A_1116 : f32 to vector<16xf32>
        %select_n3A_1118 = arith.select %ne3A_1098, %mul3A_1115, %broadcast_in_dim3A_1117 : vector<16xi1>, vector<16xf32>
        %gt3A_1119 = arith.constant 0.356674939 : f32
        %gt3A_1120 = vector.broadcast %gt3A_1119 : f32 to vector<16xf32>
        %gt3A_1121 = arith.cmpf ogt, %select_n3A_1118, %gt3A_1120 : vector<16xf32>
        %broadcast_in_dim3A_1122 = arith.constant 0.000000e+00 : f32
        %broadcast_in_dim3A_1123 = vector.broadcast %broadcast_in_dim3A_1122 : f32 to vector<16xf32>
        %select_n3A_1124 = arith.select %gt3A_1121, %select_n3A_1118, %broadcast_in_dim3A_1123 : vector<16xi1>, vector<16xf32>
        %add3A_1125 = arith.addf %add3A_1081, %select_n3A_1124 : vector<16xf32>
        %convert_element_type3A_1126 = arith.extui %gt3A_1121 : vector<16xi1> to vector<16xi32>
        %add3A_1127 = arith.addi %add3A_1083, %convert_element_type3A_1126 : vector<16xi32>
        %convert_element_type3A_1128 = arith.extui %ne3A_1098 : vector<16xi1> to vector<16xi32>
        %add3A_1129 = arith.addi %add3A_1085, %convert_element_type3A_1128 : vector<16xi32>
        scf.yield %add3A_1125, %add3A_1127, %add3A_1129 : vector<16xf32>, vector<16xi32>, vector<16xi32>
      }
      %scan3A_781 = arith.constant 128 : i32
      scf.yield %scan3A_780#0, %scan3A_780#1, %scan3A_780#2 : vector<16xf32>, vector<16xi32>, vector<16xi32>
    }
    %scan3A_262 = arith.constant 16 : i32
    %dma_wait3A = arith.constant 0 : i32
    %dma_wait3A_263 = tpu.memref_slice %arg2[%dma_wait3A] : memref<39845888xf32, #tpu.memory_space<hbm>> -> memref<38912xf32, #tpu.memory_space<hbm>>
    %dma_wait3A_264 = arith.constant 0 : i32
    %dma_wait3A_265 = tpu.memref_slice %arg2[%dma_wait3A_264] : memref<39845888xf32, #tpu.memory_space<hbm>> -> memref<38912xf32, #tpu.memory_space<hbm>>
    tpu.wait_dma2 semaphore(%arg17 : memref<!tpu.dma_semaphore, #tpu.memory_space<semaphore_mem>>) src(%dma_wait3A_265 : memref<38912xf32, #tpu.memory_space<hbm>>) dst(%arg8 : memref<38912xf32, #tpu.memory_space<vmem>>)
    %dma_wait3A_266 = arith.constant 0 : i32
    %dma_wait3A_267 = tpu.memref_slice %arg3[%dma_wait3A_266] : memref<2097152xi32, #tpu.memory_space<hbm>> -> memref<2048xi32, #tpu.memory_space<hbm>>
    %dma_wait3A_268 = arith.constant 0 : i32
    %dma_wait3A_269 = tpu.memref_slice %arg3[%dma_wait3A_268] : memref<2097152xi32, #tpu.memory_space<hbm>> -> memref<2048xi32, #tpu.memory_space<hbm>>
    tpu.wait_dma2 semaphore(%arg17 : memref<!tpu.dma_semaphore, #tpu.memory_space<semaphore_mem>>) src(%dma_wait3A_269 : memref<2048xi32, #tpu.memory_space<hbm>>) dst(%arg10 : memref<2048xi32, #tpu.memory_space<vmem>>)
    %dma_wait3A_270 = arith.constant 0 : i32
    %dma_wait3A_271 = tpu.memref_slice %arg4[%dma_wait3A_270] : memref<2097152xf32, #tpu.memory_space<hbm>> -> memref<2048xf32, #tpu.memory_space<hbm>>
    %dma_wait3A_272 = arith.constant 0 : i32
    %dma_wait3A_273 = tpu.memref_slice %arg4[%dma_wait3A_272] : memref<2097152xf32, #tpu.memory_space<hbm>> -> memref<2048xf32, #tpu.memory_space<hbm>>
    tpu.wait_dma2 semaphore(%arg17 : memref<!tpu.dma_semaphore, #tpu.memory_space<semaphore_mem>>) src(%dma_wait3A_273 : memref<2048xf32, #tpu.memory_space<hbm>>) dst(%arg12 : memref<2048xf32, #tpu.memory_space<vmem>>)
    %swap3A = arith.constant 0 : index
    %swap3A_274 = tpu.vector_load %arg14[%swap3A] {strides = array<i32>} : memref<16xf32, #tpu.memory_space<vmem>>, vector<16xf32>,
    tpu.vector_store %arg14[%swap3A], %scan3A_261#0 {strides = array<i32>} : memref<16xf32, #tpu.memory_space<vmem>>, vector<16xf32>,
    %swap3A_275 = arith.constant 0 : index
    %swap3A_276 = tpu.vector_load %arg15[%swap3A_275] {strides = array<i32>} : memref<16xi32, #tpu.memory_space<vmem>>, vector<16xi32>,
    tpu.vector_store %arg15[%swap3A_275], %scan3A_261#1 {strides = array<i32>} : memref<16xi32, #tpu.memory_space<vmem>>, vector<16xi32>,
    %swap3A_277 = arith.constant 0 : index
    %swap3A_278 = tpu.vector_load %arg16[%swap3A_277] {strides = array<i32>} : memref<16xi32, #tpu.memory_space<vmem>>, vector<16xi32>,
    tpu.vector_store %arg16[%swap3A_277], %scan3A_261#2 {strides = array<i32>} : memref<16xi32, #tpu.memory_space<vmem>>, vector<16xi32>,
    %mul3A_279 = arith.constant 16 : i32
    %mul3A_280 = arith.muli %add3A, %mul3A_279 : i32
    "tpu.region"() ({
      %run_scoped3A = tpu.sem_alloc : memref<!tpu.dma_semaphore, #tpu.memory_space<semaphore_mem>>
      %dma_start3A_285 = tpu.memref_slice %arg5[%mul3A_280] : memref<512xf32, #tpu.memory_space<hbm>> -> memref<16xf32, #tpu.memory_space<hbm>>
      %dma_start3A_286 = tpu.memref_slice %arg5[%mul3A_280] : memref<512xf32, #tpu.memory_space<hbm>> -> memref<16xf32, #tpu.memory_space<hbm>>
      tpu.enqueue_dma source(%arg14 : memref<16xf32, #tpu.memory_space<vmem>>) target(%dma_start3A_286 : memref<16xf32, #tpu.memory_space<hbm>>) target_semaphore(%run_scoped3A : memref<!tpu.dma_semaphore, #tpu.memory_space<semaphore_mem>>)
      %dma_wait3A_287 = tpu.memref_slice %arg5[%mul3A_280] : memref<512xf32, #tpu.memory_space<hbm>> -> memref<16xf32, #tpu.memory_space<hbm>>
      %dma_wait3A_288 = tpu.memref_slice %arg5[%mul3A_280] : memref<512xf32, #tpu.memory_space<hbm>> -> memref<16xf32, #tpu.memory_space<hbm>>
      tpu.wait_dma2 semaphore(%run_scoped3A : memref<!tpu.dma_semaphore, #tpu.memory_space<semaphore_mem>>) src(%arg14 : memref<16xf32, #tpu.memory_space<vmem>>) dst(%dma_wait3A_288 : memref<16xf32, #tpu.memory_space<hbm>>)
      tpu.yield
    }) : () -> ()
    %mul3A_281 = arith.constant 16 : i32
    %mul3A_282 = arith.muli %add3A, %mul3A_281 : i32
    "tpu.region"() ({
      %run_scoped3A = tpu.sem_alloc : memref<!tpu.dma_semaphore, #tpu.memory_space<semaphore_mem>>
      %dma_start3A_285 = tpu.memref_slice %arg6[%mul3A_282] : memref<512xi32, #tpu.memory_space<hbm>> -> memref<16xi32, #tpu.memory_space<hbm>>
      %dma_start3A_286 = tpu.memref_slice %arg6[%mul3A_282] : memref<512xi32, #tpu.memory_space<hbm>> -> memref<16xi32, #tpu.memory_space<hbm>>
      tpu.enqueue_dma source(%arg15 : memref<16xi32, #tpu.memory_space<vmem>>) target(%dma_start3A_286 : memref<16xi32, #tpu.memory_space<hbm>>) target_semaphore(%run_scoped3A : memref<!tpu.dma_semaphore, #tpu.memory_space<semaphore_mem>>)
      %dma_wait3A_287 = tpu.memref_slice %arg6[%mul3A_282] : memref<512xi32, #tpu.memory_space<hbm>> -> memref<16xi32, #tpu.memory_space<hbm>>
      %dma_wait3A_288 = tpu.memref_slice %arg6[%mul3A_282] : memref<512xi32, #tpu.memory_space<hbm>> -> memref<16xi32, #tpu.memory_space<hbm>>
      tpu.wait_dma2 semaphore(%run_scoped3A : memref<!tpu.dma_semaphore, #tpu.memory_space<semaphore_mem>>) src(%arg15 : memref<16xi32, #tpu.memory_space<vmem>>) dst(%dma_wait3A_288 : memref<16xi32, #tpu.memory_space<hbm>>)
      tpu.yield
    }) : () -> ()
    %mul3A_283 = arith.constant 16 : i32
    %mul3A_284 = arith.muli %add3A, %mul3A_283 : i32
    "tpu.region"() ({
      %run_scoped3A = tpu.sem_alloc : memref<!tpu.dma_semaphore, #tpu.memory_space<semaphore_mem>>
      %dma_start3A_285 = tpu.memref_slice %arg7[%mul3A_284] : memref<512xi32, #tpu.memory_space<hbm>> -> memref<16xi32, #tpu.memory_space<hbm>>
      %dma_start3A_286 = tpu.memref_slice %arg7[%mul3A_284] : memref<512xi32, #tpu.memory_space<hbm>> -> memref<16xi32, #tpu.memory_space<hbm>>
      tpu.enqueue_dma source(%arg16 : memref<16xi32, #tpu.memory_space<vmem>>) target(%dma_start3A_286 : memref<16xi32, #tpu.memory_space<hbm>>) target_semaphore(%run_scoped3A : memref<!tpu.dma_semaphore, #tpu.memory_space<semaphore_mem>>)
      %dma_wait3A_287 = tpu.memref_slice %arg7[%mul3A_284] : memref<512xi32, #tpu.memory_space<hbm>> -> memref<16xi32, #tpu.memory_space<hbm>>
      %dma_wait3A_288 = tpu.memref_slice %arg7[%mul3A_284] : memref<512xi32, #tpu.memory_space<hbm>> -> memref<16xi32, #tpu.memory_space<hbm>>
      tpu.wait_dma2 semaphore(%run_scoped3A : memref<!tpu.dma_semaphore, #tpu.memory_space<semaphore_mem>>) src(%arg16 : memref<16xi32, #tpu.memory_space<vmem>>) dst(%dma_wait3A_288 : memref<16xi32, #tpu.memory_space<hbm>>)
      tpu.yield
    }) : () -> ()
    return
  }
}

</mosaic_0001>

<sc_bundles>
// kernel: branch_0_fun.3.cloned.1.call-start
scs
__scs_entry_jumppad:
0x0: {  	(pc) =	sbr.rel $0x88, $3  }
0x1: {  	(tag) =	ssettag $0x0;
	lr =	simm.s32 $0x1  }
0x2: {  	[smem:$0x3F9E] =	sst lr;
	_ =	strace $0xD0000000  }
0x3: {  	_ = 	snop  }
0x4: {  	_ = 	snop  }
0x5: {  	_ = 	snop  }
0x6: {  	_ = 	snop  }
0x7: {  	_ = 	snop  }
__scs_overlays_trampoline_lowered:
0x8: {  	[smem:$0x3FAD] =	sst s0  }
0x9: {  	[smem:$0x3FAE] =	sst s1  }
0xa: {  	[smem:$0x3FAF] =	sst s2  }
0xb: {  	[smem:$0x3FB0] =	sst s3  }
0xc: {  	[smem:$0x3FB1] =	sst s4  }
0xd: {  	[smem:$0x3FB2] =	sst s5  }
0xe: {  	[smem:$0x3FB3] =	sst s6  }
0xf: {  	[smem:$0x3FB4] =	sst s7  }
0x10: {  	[smem:$0x3FB5] =	sst s8  }
0x11: {  	[smem:$0x3FB6] =	sst s9;
	s0 =	simm.s32 @!p0 $0x0  }
0x12: {  	s1 =	sld [smem:$0x3F9C];
	s0 =	simm.s32 @p0 $0x1  }
0x13: {  	[smem:$0x3FB7] =	sst s0;
	s0 =	simm.s32 @!p1 $0x0  }
0x14: {  	s2 =	sld [smem:$0x3F9B];
	s0 =	simm.s32 @p1 $0x1  }
0x15: {  	[smem:$0x3FB8] =	sst s0;
	s0 =	simm.s32 @!p2 $0x0  }
0x16: {  	s3 =	sld [smem:$0x3FDB];
	s0 =	simm.s32 @p2 $0x1  }
0x17: {  	s4 =	simm.s32 $0x1BF5;
	[smem:$0x3FBA] =	sst s0  }
0x18: {  	s0 =	sld [smem:$0x3F9D];
	_ =	swait.ge [sflag:s4], $0x0  }
0x19: {  	s7 =	sld [smem:$0x3F9E]  }
0x1a: {  	s8 =	sadd.s32 $0xFFFFE003, lr  }
0x1b: {  	s9 =	sadd.s32 $0xFFFFFEF7, lr;
	s5 =	simm.s32 $0xFFFFFFFF;
	p2 =	slt.u32 s8, $0xFFFFF086  }
0x1c: {  	p1 =	slt.u32 s9, $0xF7A;
	s5 =	simm.s32 @!p2 $0x0  }
0x1d: {  	s5 =	simm.s32 @p1 $0x1;
	p0 =	seq.s32 s7, s2  }
0x1e: {  	s7 =	smul.u32 @!p0 $0xF7A, s2;
	p2 =	seq.s32 @!p0 s5, $0x0  }
0x1f: {  	s9 =	smul.u32 $0xF7A, s1;
	s8 =	simm.s32 @!p0 $0x1BF5;
	p2 =	por !p2, p0  }
0x20: {  	[sflag:s8] =	ssyncset.s32 @!p0 $0xFFFFF086;
	s6 =	sadd.s32 @!p0 s3, s7;
	s7 =	simm.s32 @!p0 $0x108  }
0x21: {  	s3 =	sadd.s32 s3, s9;
	s6 =	sadd.s32 @!p0 $0x88, s6;
	s7 =	simm.s32 @p2 $0x1082  }
0x22: {  	[simem:s7], [sflag:s8] =	dma.local @!p0 [hbm:s6], $0xF7A  }
0x23: {  	s9 =	sor.u32 $0xD0000000, s2;
	s6 =	simm.s32 $0x108;
	_ =	swait.ge @!p0 [sflag:s8], $0x0  }
0x24: {  	s3 =	sadd.s32 $0x88, s3;
	s6 =	simm.s32 @!p1 $0x1082;
	[sflag:s4] =	ssyncset.s32 $0xFFFFF086  }
0x25: {  	[simem:s6], [sflag:s4] =	dma.local [hbm:s3], $0xF7A  }
0x26: {  	[smem:$0x3F9E] =	sst s1;
	(tag) =	ssettag s2;
	_ =	strace s9  }
0x27: {  	s1 =	sld [smem:$0x3FAE]  }
0x28: {  	s2 =	sld [smem:$0x3FAF]  }
0x29: {  	s4 =	sld [smem:$0x3FB1]  }
0x2a: {  	p0 =	seq.s32 s5, $0x0;
	s5 =	sld [smem:$0x3FB2]  }
0x2b: {  	s6 =	sld [smem:$0x3FB3]  }
0x2c: {  	s7 =	sld [smem:$0x3FB4]  }
0x2d: {  	s3 =	simm.s32 $0x108;
	s8 =	sld [smem:$0x3FB5]  }
0x2e: {  	s3 =	simm.s32 @!p0 $0x1082;
	s9 =	sld [smem:$0x3FB6]  }
0x2f: {  	lr =	sadd.s32 s0, s3;
	s0 =	sld [smem:$0x3FAD]  }
0x30: {  	s3 =	sld [smem:$0x3FB0]  }
0x31: {  	[smem:$0x3FB9] =	sst s10  }
0x32: {  	s10 =	sld [smem:$0x3FB7];
	_ =	sdelay $0x3  }
0x33: {  	p0 =	seq.s32 s10, $0x1;
	s10 =	sld [smem:$0x3FB9];
	_ =	sdelay $0x3  }
0x34: {  	[smem:$0x3FB9] =	sst s10  }
0x35: {  	s10 =	sld [smem:$0x3FB8];
	_ =	sdelay $0x3  }
0x36: {  	p1 =	seq.s32 s10, $0x1;
	s10 =	sld [smem:$0x3FB9];
	_ =	sdelay $0x3  }
0x37: {  	[smem:$0x3FB9] =	sst s10  }
0x38: {  	s10 =	sld [smem:$0x3FBA]  }
0x39: {  	_ = 	snop;
	(pc) =	sbr.ind lr, $3  }
0x3a: {  	_ = 	snop  }
0x3b: {  	_ = 	snop  }
0x3c: {  	p2 =	seq.s32 s10, $0x1;
	s10 =	sld [smem:$0x3FB9]  }
0x3d: {  	_ =	shalt  }
0x3e: {  	_ =	shalt  }
0x3f: {  	_ =	shalt  }
0x40: {  	_ =	shalt  }
0x41: {  	_ =	shalt  }
0x42: {  	_ =	shalt  }
0x43: {  	_ =	shalt  }
0x44: {  	_ =	shalt  }
0x45: {  	_ =	shalt  }
0x46: {  	_ =	shalt  }
0x47: {  	_ =	shalt  }
0x48: {  	_ =	shalt  }
0x49: {  	_ =	shalt  }
0x4a: {  	_ =	shalt  }
0x4b: {  	_ =	shalt  }
0x4c: {  	_ =	shalt  }
0x4d: {  	_ =	shalt  }
0x4e: {  	_ =	shalt  }
0x4f: {  	_ =	shalt  }
0x50: {  	_ =	shalt  }
0x51: {  	_ =	shalt  }
0x52: {  	_ =	shalt  }
0x53: {  	_ =	shalt  }
0x54: {  	_ =	shalt  }
0x55: {  	_ =	shalt  }
0x56: {  	_ =	shalt  }
0x57: {  	_ =	shalt  }
0x58: {  	_ =	shalt  }
0x59: {  	_ =	shalt  }
0x5a: {  	_ =	shalt  }
0x5b: {  	_ =	shalt  }
0x5c: {  	_ =	shalt  }
0x5d: {  	_ =	shalt  }
0x5e: {  	_ =	shalt  }
0x5f: {  	_ =	shalt  }
0x60: {  	_ =	shalt  }
0x61: {  	_ =	shalt  }
0x62: {  	_ =	shalt  }
0x63: {  	_ =	shalt  }
0x64: {  	_ =	shalt  }
0x65: {  	_ =	shalt  }
0x66: {  	_ =	shalt  }
0x67: {  	_ =	shalt  }
0x68: {  	_ =	shalt  }
0x69: {  	_ =	shalt  }
0x6a: {  	_ =	shalt  }
0x6b: {  	_ =	shalt  }
0x6c: {  	_ =	shalt  }
0x6d: {  	_ =	shalt  }
0x6e: {  	_ =	shalt  }
0x6f: {  	_ =	shalt  }
0x70: {  	_ =	shalt  }
0x71: {  	_ =	shalt  }
0x72: {  	_ =	shalt  }
0x73: {  	_ =	shalt  }
0x74: {  	_ =	shalt  }
0x75: {  	_ =	shalt  }
0x76: {  	_ =	shalt  }
0x77: {  	_ =	shalt  }
0x78: {  	_ =	shalt  }
0x79: {  	_ =	shalt  }
0x7a: {  	_ =	shalt  }
0x7b: {  	_ =	shalt  }
0x7c: {  	_ =	shalt  }
0x7d: {  	_ =	shalt  }
0x7e: {  	_ =	shalt  }
0x7f: {  	_ =	shalt  }
0x80: {  	_ =	shalt  }
0x81: {  	_ =	shalt  }
0x82: {  	_ =	shalt  }
0x83: {  	_ =	shalt  }
0x84: {  	_ =	shalt  }
0x85: {  	_ =	shalt  }
0x86: {  	_ =	shalt  }
0x87: {  	_ =	shalt  }
.Lfunc_end0:
.L_simem_size_0:
called_computation.2_lowered:
.L_overlay_start_0:
0x88: {  	s2 =	sld [smem:$0x3FD9]  }
0x89: {  	s3 =	sld [smem:$0x3FFE];
	_ =	sdelay $0x1  }
0x8a: {  	s1 =	srdreg.scid  }
0x8b: {  	s0 =	sand.u32 $0x1, s1  }
0x8c: {  	s17 =	sshll.u32 s0, $0xA;
	s2 =	sadd.s32 s3, s2  }
0x8d: {  	s2 =	sadd.s32 s2, s17  }
0x8e: {  	[smem:$0x3FC5] =	sst s2  }
0x8f: {  	_ = 	snop  }
0x90: {  	s2 =	sld [smem:$0x3FD0];
	(tm) =	ssettm $0x1  }
0x91: {  	s18 =	sld [smem:$0x3FFB];
	_ =	sdelay $0x3  }
0x92: {  	_ =	strace s18  }
0x93: {  	s3 =	sld [smem:$0x3FFC];
	_ =	sdelay $0x3  }
0x94: {  	_ =	strace s3  }
0x95: {  	s3 =	sld [smem:$0x3FFD];
	_ =	sdelay $0x3  }
0x96: {  	_ =	strace s3  }
0x97: {  	_ =	strace $0x8FFFFFFF  }
0x98: {  	s19 =	sld [smem:$0x3FDB];
	_ =	sdelay $0x1  }
0x99: {  	s4 =	simm.s32 $_scs_section_size  }
0x9a: {  	s5 =	simm.s32 $_size__tile_overlayer_lowered;
	s6 =	simm.s32 $_tile_overlayer_lowered  }
0x9b: {  	s22 =	simm.s32 $0x1BFF;
	s21 =	sshll.u32 s6, $0x1;
	s3 =	sadd.s32 s4, s19  }
0x9c: {  	s7 =	simm.s32 $0x0;
	s20 =	sshll.u32 s5, $0x1;
	s5 =	sadd.s32 s21, s3  }
0x9d: {  	[timem:s7], [sflag:s22] =	dma.local [hbm:s5], s20  }
0x9e: {  	_ =	swait.ge [sflag:s22], s20  }
0x9f: {  	s4 =	ssub.s32 $0x0, s20;
	[sflag:s22] =	ssyncset.done $0x0  }
0xa0: {  	[sflag:s22] =	ssyncadd.s32 s4;
	_ =	sdelay $0x1  }
0xa1: {  	s23 =	simm.s32 $0x1B8B  }
0xa2: {  	_ =	swait.ge [sflag:s23], $0x1  }
0xa3: {  	[sflag:s23] =	ssyncset.done $0x0  }
0xa4: {  	s25 =	simm.s32 $0x1B8E;
	s24 =	sld [smem:$0x3FFE];
	[sflag:s23] =	ssyncadd.s32 $0xFFFFFFFF  }
0xa5: {  	s26 =	simm.s32 $execute0_lowered;
	[smem:$0x3FD2] =	sst s25  }
0xa6: {  	s5 =	sshll.u32 s26, $0x1;
	_ =	strace $0x80000046;
	[dreg:$0x1] =	wrdreg $0xFFFFFFFF  }
0xa7: {  	s28 =	simm.s32 $_size_execute0_lowered;
	s3 =	sadd.s32 s3, s5;
	[dreg:$0x0] =	wrdreg $0x0  }
0xa8: {  	s5 =	sshll.u32 s28, $0x1;
	[dreg:$0x2] =	wrdreg s3  }
0xa9: {  	[dreg:$0x3] =	wrdreg s5  }
0xaa: {  	[dreg:$0x4] =	wrdreg $0xC0  }
0xab: {  	_ =	task [dreg:s7], $0x5FFFF  }
0xac: {  	[dreg:$0x1] =	wrdreg $0xFFFFFFFF  }
0xad: {  	[dreg:$0x0] =	wrdreg $0x60  }
0xae: {  	[dreg:$0x2] =	wrdreg s24  }
0xaf: {  	[dreg:$0x3] =	wrdreg s2  }
0xb0: {  	[dreg:$0x4] =	wrdreg $0x9  }
0xb1: {  	_ =	task.clear_ibuf [dreg:s7], $0x5FFFF;
	_ =	strace $0x90000046  }
0xb2: {  	s29 =	simm.s32 $0x9;
	_ =	strace $0x80000048  }
0xb3: {  	_ =	swait.ge [sflag:s29], $0x1  }
0xb4: {  	[sflag:s29] =	ssyncadd.s32 $0xFFFFFFFF  }
0xb5: {  	_ =	strace $0x90000048  }
0xb6: {  	_ =	sfence  }
0xb7: {  	s30 =	sld [smem:$0x0];
	_ =	sdelay $0x2  }
0xb8: {  	s31 =	sshll.u32 s1, $0xD;
	s1 =	sshrl.u32 s1, $0x2  }
0xb9: {  	s3 =	sand.u32 $0x4000, s31;
	s1 =	sadd.s32 s1, s30  }
0xba: {  	s0 =	sor.u32 s3, s0;
	s1 =	sshll.u32 s1, $0x11  }
0xbb: {  	s0 =	sor.u32 s1, s0  }
0xbc: {  	s0 =	sadd.s32 $0x8F2B, s0  }
0xbd: {  	[sflag:s0] =	ssyncadd.remote.s32 $0x1  }
0xbe: {  	_ =	sfence.sel $0xFFFF  }
0xbf: {  	[dreg:$0x0] =	wrdreg $0xFFFFFFFF;
	(pc) =	sbr.abs _section_cstart, $3  }
0xc0: {  	[dreg:$0x1] =	wrdreg $0xFFFFFFFF  }
0xc1: {  	_ =	task.clear_ibuf [dreg:s7], $0x2FFFF;
	_ =	strace $0x9FFFFFFF  }
0xc2: {  	(tm) =	ssettm $0x7FFFFFFF  }
0xc3: {  	_ =	shalt  }
tec
execute0_lowered:
.L_overlay_start_1:
0x0: {  	(tag) =	ssettag $0x1  }
0x1: {  	s0 =	rddreg [dreg:$0x0];
	s2 =	simm.s32 $0x0  }
0x2: {  	s1 =	srdreg.scid;
	s7 =	stileid.u32;
	s22 =	simm.s32 $0x0  }
0x3: {  	[smem:$0x7FF] =	sst s2;
	s4 =	sadd.s32 $0x600, s0;
	s5 =	sadd.s32 $0x500600, s0  }
0x4: {  	s6 =	sadd.s32 $0x4C0600, s0;
	s1 =	sand.u32 $0x1, s1;
	s3 =	sshll.u32 s7, $0x1  }
0x5: {  	s8 =	sadd.s32 $0x541000, s0;
	s7 =	sshrl.u32 s7, $0x1;
	_ =	strace $0x80000047  }
0x6: {  	[dreg:$0x3] =	wrdreg s8;
	s3 =	sor.u32 s1, s3;
	s1 =	ssub.s32 $0x2, s1  }
0x7: {  	s8 =	smul.u32 $0x4C0000, s7;
	s21 =	sshll.u32 s7, $0x12;
	s7 =	simm.s32 $0x1  }
0x8: {  	s9 =	sshll.u32 s3, $0x1;
	s23 =	sshrl.u32 s1, $0x1;
	s3 =	sshll.u32 s3, $0x10  }
0x9: {  	s0 =	sadd.s32 s9, s0;
	s1 =	ssub.s32 s1, s23;
	s9 =	sand.u32 $0x30000, s3  }
0xa: {  	s10 =	sadd.s32 $0x40000, s8;
	s11 =	sadd.s32 $0x80000, s8;
	s12 =	sadd.s32 $0xC0000, s8  }
0xb: {  	s13 =	sadd.s32 $0x100000, s8;
	s14 =	sadd.s32 $0x140000, s8;
	s15 =	sadd.s32 $0x180000, s8  }
0xc: {  	s16 =	sadd.s32 $0x1C0000, s8;
	s17 =	sadd.s32 $0x200000, s8;
	s18 =	sadd.s32 $0x240000, s8  }
0xd: {  	s19 =	sadd.s32 $0x280000, s8;
	s20 =	sadd.s32 $0x2C0000, s8;
	s28 =	sadd.s32 $0x340000, s8  }
0xe: {  	s29 =	sadd.s32 $0x380000, s8;
	s30 =	sadd.s32 $0x3C0000, s8;
	s24 =	sadd.s32 $0x541200, s0  }
0xf: {  	s31 =	sadd.s32 $0x400000, s8;
	s25 =	sadd.s32 $0x541400, s0;
	[dreg:$0x4] =	wrdreg s24  }
0x10: {  	s3 =	sadd.s32 $0x480000, s8;
	s0 =	sadd.s32 $0x541600, s0;
	[dreg:$0x5] =	wrdreg s25  }
0x11: {  	s23 =	simm.s32 $0x2;
	s26 =	smax.u32 s1, $0x1;
	[dreg:$0x6] =	wrdreg s0  }
0x12: {  	v0 =	vlaneseq.u32;
	v1 =	vimm.s32 $0x0;
	[dreg:$0x7] =	wrdreg s26;
	s26 =	sadd.s32 $0x300000, s8;
	s0 =	sadd.s32 $0x440000, s8  }
.LBB2_1:
0x13: {  	[dreg:$0x8] =	wrdreg s22  }
0x14: {  	s1 =	rddreg [dreg:$0x1];
	s25 =	simm.s32 $0xA800  }
0x15: {  	[tilespmem:s25], [sflag:$0x2] =	stream.linear.gather [hbm4b:s1+s2], $0x10, $0x38;
	[tilespmem:$0xA850] =	vst v63  }
0x16: {  	_ =	swait.ge [sflag:s23], $0x10  }
0x17: {  	[sflag:s23] =	ssyncset.done $0x0  }
0x18: {  	s25 =	simm.s32 $0xA810;
	s24 =	rddreg [dreg:$0x3];
	[sflag:s23] =	ssyncadd.s32 $0xFFFFFFF0  }
0x19: {  	[tilespmem:s25], [sflag:$0x2] =	stream.linear.gather [hbm4b:s24+s2], $0x10, $0x38;
	[tilespmem:$0xA850] =	vst v63  }
0x1a: {  	_ =	swait.ge [sflag:s23], $0x10  }
0x1b: {  	[sflag:s23] =	ssyncset.done $0x0  }
0x1c: {  	[sflag:s23] =	ssyncadd.s32 $0xFFFFFFF0  }
0x1d: {  	v3 =	vld [tilespmem:$0xA810];
	_ =	sdelay $0x1  }
0x1e: {  	v4 =	vimm.f32 $0.0e+00;
	v5 =	vimm.s32 $0x0;
	v6 =	vimm.s32 $0x0;
	s22 =	simm.s32 $0x0;
	v2 =	vld [tilespmem:$0xA800]  }
.LBB2_2:
0x1f: {  	s1 =	sshll.u32 s22, $0xB  }
0x20: {  	s24 =	sadd.s32 s9, s1  }
0x21: {  	s1 =	sor.u32 s8, s24  }
0x22: {  	s1 =	sshrl.u32 s1, $0x3  }
0x23: {  	s23 =	simm.s32 $0x0;
	s25 =	sadd.s32 s10, s24;
	s1 =	sadd.s32 s4, s1  }
0x24: {  	[tilespmem:s23], [sflag:$0x1] =	stream.linear.gather [hbm4b:s1+s23], $0x800, $0x38;
	[tilespmem:$0xA850] =	vst v63  }
0x25: {  	s1 =	sshrl.u32 s25, $0x3  }
0x26: {  	s25 =	simm.s32 $0x800;
	s1 =	sadd.s32 s4, s1  }
0x27: {  	[tilespmem:s25], [sflag:$0x1] =	stream.linear.gather [hbm4b:s1+s23], $0x800, $0x38;
	[tilespmem:$0xA850] =	vst v63  }
0x28: {  	s25 =	sadd.s32 s11, s24  }
0x29: {  	s1 =	sshrl.u32 s25, $0x3  }
0x2a: {  	s25 =	simm.s32 $0x1000;
	s1 =	sadd.s32 s4, s1  }
0x2b: {  	[tilespmem:s25], [sflag:$0x1] =	stream.linear.gather [hbm4b:s1+s23], $0x800, $0x38;
	[tilespmem:$0xA850] =	vst v63  }
0x2c: {  	s25 =	sadd.s32 s12, s24  }
0x2d: {  	s1 =	sshrl.u32 s25, $0x3  }
0x2e: {  	s25 =	simm.s32 $0x1800;
	s1 =	sadd.s32 s4, s1  }
0x2f: {  	[tilespmem:s25], [sflag:$0x1] =	stream.linear.gather [hbm4b:s1+s23], $0x800, $0x38;
	[tilespmem:$0xA850] =	vst v63  }
0x30: {  	s25 =	sadd.s32 s13, s24  }
0x31: {  	s1 =	sshrl.u32 s25, $0x3  }
0x32: {  	s25 =	simm.s32 $0x2000;
	s1 =	sadd.s32 s4, s1  }
0x33: {  	[tilespmem:s25], [sflag:$0x1] =	stream.linear.gather [hbm4b:s1+s23], $0x800, $0x38;
	[tilespmem:$0xA850] =	vst v63  }
0x34: {  	s25 =	sadd.s32 s14, s24  }
0x35: {  	s1 =	sshrl.u32 s25, $0x3  }
0x36: {  	s25 =	simm.s32 $0x2800;
	s1 =	sadd.s32 s4, s1  }
0x37: {  	[tilespmem:s25], [sflag:$0x1] =	stream.linear.gather [hbm4b:s1+s23], $0x800, $0x38;
	[tilespmem:$0xA850] =	vst v63  }
0x38: {  	s25 =	sadd.s32 s15, s24  }
0x39: {  	s1 =	sshrl.u32 s25, $0x3  }
0x3a: {  	s25 =	simm.s32 $0x3000;
	s1 =	sadd.s32 s4, s1  }
0x3b: {  	[tilespmem:s25], [sflag:$0x1] =	stream.linear.gather [hbm4b:s1+s23], $0x800, $0x38;
	[tilespmem:$0xA850] =	vst v63  }
0x3c: {  	s25 =	sadd.s32 s16, s24  }
0x3d: {  	s1 =	sshrl.u32 s25, $0x3  }
0x3e: {  	s25 =	simm.s32 $0x3800;
	s1 =	sadd.s32 s4, s1  }
0x3f: {  	[tilespmem:s25], [sflag:$0x1] =	stream.linear.gather [hbm4b:s1+s23], $0x800, $0x38;
	[tilespmem:$0xA850] =	vst v63  }
0x40: {  	s25 =	sadd.s32 s17, s24  }
0x41: {  	s1 =	sshrl.u32 s25, $0x3  }
0x42: {  	s25 =	simm.s32 $0x4000;
	s1 =	sadd.s32 s4, s1  }
0x43: {  	[tilespmem:s25], [sflag:$0x1] =	stream.linear.gather [hbm4b:s1+s23], $0x800, $0x38;
	[tilespmem:$0xA850] =	vst v63  }
0x44: {  	s25 =	sadd.s32 s18, s24  }
0x45: {  	s1 =	sshrl.u32 s25, $0x3  }
0x46: {  	s25 =	simm.s32 $0x4800;
	s1 =	sadd.s32 s4, s1  }
0x47: {  	[tilespmem:s25], [sflag:$0x1] =	stream.linear.gather [hbm4b:s1+s23], $0x800, $0x38;
	[tilespmem:$0xA850] =	vst v63  }
0x48: {  	s25 =	sadd.s32 s19, s24  }
0x49: {  	s1 =	sshrl.u32 s25, $0x3  }
0x4a: {  	s25 =	simm.s32 $0x5000;
	s1 =	sadd.s32 s4, s1  }
0x4b: {  	[tilespmem:s25], [sflag:$0x1] =	stream.linear.gather [hbm4b:s1+s23], $0x800, $0x38;
	[tilespmem:$0xA850] =	vst v63  }
0x4c: {  	s25 =	sadd.s32 s20, s24  }
0x4d: {  	s1 =	sshrl.u32 s25, $0x3  }
0x4e: {  	s25 =	simm.s32 $0x5800;
	s1 =	sadd.s32 s4, s1  }
0x4f: {  	[tilespmem:s25], [sflag:$0x1] =	stream.linear.gather [hbm4b:s1+s23], $0x800, $0x38;
	[tilespmem:$0xA850] =	vst v63  }
0x50: {  	s25 =	sadd.s32 s26, s24  }
0x51: {  	s1 =	sshrl.u32 s25, $0x3  }
0x52: {  	s25 =	simm.s32 $0x6000;
	s1 =	sadd.s32 s4, s1  }
0x53: {  	[tilespmem:s25], [sflag:$0x1] =	stream.linear.gather [hbm4b:s1+s23], $0x800, $0x38;
	[tilespmem:$0xA850] =	vst v63  }
0x54: {  	s25 =	sadd.s32 s28, s24  }
0x55: {  	s1 =	sshrl.u32 s25, $0x3  }
0x56: {  	s25 =	simm.s32 $0x6800;
	s1 =	sadd.s32 s4, s1  }
0x57: {  	[tilespmem:s25], [sflag:$0x1] =	stream.linear.gather [hbm4b:s1+s23], $0x800, $0x38;
	[tilespmem:$0xA850] =	vst v63  }
0x58: {  	s25 =	sadd.s32 s29, s24  }
0x59: {  	s1 =	sshrl.u32 s25, $0x3  }
0x5a: {  	s25 =	simm.s32 $0x7000;
	s1 =	sadd.s32 s4, s1  }
0x5b: {  	[tilespmem:s25], [sflag:$0x1] =	stream.linear.gather [hbm4b:s1+s23], $0x800, $0x38;
	[tilespmem:$0xA850] =	vst v63  }
0x5c: {  	s25 =	sadd.s32 s30, s24  }
0x5d: {  	s1 =	sshrl.u32 s25, $0x3  }
0x5e: {  	s25 =	simm.s32 $0x7800;
	s1 =	sadd.s32 s4, s1  }
0x5f: {  	[tilespmem:s25], [sflag:$0x1] =	stream.linear.gather [hbm4b:s1+s23], $0x800, $0x38;
	[tilespmem:$0xA850] =	vst v63  }
0x60: {  	s25 =	sadd.s32 s31, s24  }
0x61: {  	s1 =	sshrl.u32 s25, $0x3  }
0x62: {  	s25 =	simm.s32 $0x8000;
	s1 =	sadd.s32 s4, s1  }
0x63: {  	[tilespmem:s25], [sflag:$0x1] =	stream.linear.gather [hbm4b:s1+s23], $0x800, $0x38;
	[tilespmem:$0xA850] =	vst v63  }
0x64: {  	s25 =	sadd.s32 s0, s24  }
0x65: {  	s1 =	sshrl.u32 s25, $0x3  }
0x66: {  	s25 =	simm.s32 $0x8800;
	s1 =	sadd.s32 s4, s1  }
0x67: {  	[tilespmem:s25], [sflag:$0x1] =	stream.linear.gather [hbm4b:s1+s23], $0x800, $0x38;
	[tilespmem:$0xA850] =	vst v63  }
0x68: {  	s25 =	sadd.s32 s3, s24  }
0x69: {  	s1 =	sshrl.u32 s25, $0x3  }
0x6a: {  	s24 =	sadd.s32 s21, s24;
	s25 =	simm.s32 $0x9000;
	s1 =	sadd.s32 s4, s1  }
0x6b: {  	[tilespmem:s25], [sflag:$0x1] =	stream.linear.gather [hbm4b:s1+s23], $0x800, $0x38;
	[tilespmem:$0xA850] =	vst v63  }
0x6c: {  	s1 =	sshrl.u32 s24, $0x3  }
0x6d: {  	s25 =	simm.s32 $0x9800;
	s24 =	sadd.s32 s5, s1  }
0x6e: {  	[tilespmem:s25], [sflag:$0x1] =	stream.linear.gather [hbm4b:s24+s23], $0x800, $0x38;
	[tilespmem:$0xA850] =	vst v63  }
0x6f: {  	s1 =	sadd.s32 s6, s1;
	s24 =	simm.s32 $0xA000  }
0x70: {  	[tilespmem:s24], [sflag:$0x1] =	stream.linear.gather [hbm4b:s1+s23], $0x800, $0x38;
	[tilespmem:$0xA850] =	vst v63  }
0x71: {  	_ =	swait.ge [sflag:s7], $0x800  }
0x72: {  	[sflag:s7] =	ssyncset.done $0x0  }
0x73: {  	[sflag:s7] =	ssyncadd.s32 $0xFFFFF800  }
0x74: {  	_ =	swait.ge [sflag:s7], $0x800  }
0x75: {  	[sflag:s7] =	ssyncset.done $0x0  }
0x76: {  	[sflag:s7] =	ssyncadd.s32 $0xFFFFF800  }
0x77: {  	_ =	swait.ge [sflag:s7], $0x800  }
0x78: {  	[sflag:s7] =	ssyncset.done $0x0  }
0x79: {  	[sflag:s7] =	ssyncadd.s32 $0xFFFFF800  }
0x7a: {  	_ =	swait.ge [sflag:s7], $0x800  }
0x7b: {  	[sflag:s7] =	ssyncset.done $0x0  }
0x7c: {  	[sflag:s7] =	ssyncadd.s32 $0xFFFFF800  }
0x7d: {  	_ =	swait.ge [sflag:s7], $0x800  }
0x7e: {  	[sflag:s7] =	ssyncset.done $0x0  }
0x7f: {  	[sflag:s7] =	ssyncadd.s32 $0xFFFFF800  }
0x80: {  	_ =	swait.ge [sflag:s7], $0x800  }
0x81: {  	[sflag:s7] =	ssyncset.done $0x0  }
0x82: {  	[sflag:s7] =	ssyncadd.s32 $0xFFFFF800  }
0x83: {  	_ =	swait.ge [sflag:s7], $0x800  }
0x84: {  	[sflag:s7] =	ssyncset.done $0x0  }
0x85: {  	[sflag:s7] =	ssyncadd.s32 $0xFFFFF800  }
0x86: {  	_ =	swait.ge [sflag:s7], $0x800  }
0x87: {  	[sflag:s7] =	ssyncset.done $0x0  }
0x88: {  	[sflag:s7] =	ssyncadd.s32 $0xFFFFF800  }
0x89: {  	_ =	swait.ge [sflag:s7], $0x800  }
0x8a: {  	[sflag:s7] =	ssyncset.done $0x0  }
0x8b: {  	[sflag:s7] =	ssyncadd.s32 $0xFFFFF800  }
0x8c: {  	_ =	swait.ge [sflag:s7], $0x800  }
0x8d: {  	[sflag:s7] =	ssyncset.done $0x0  }
0x8e: {  	[sflag:s7] =	ssyncadd.s32 $0xFFFFF800  }
0x8f: {  	_ =	swait.ge [sflag:s7], $0x800  }
0x90: {  	[sflag:s7] =	ssyncset.done $0x0  }
0x91: {  	[sflag:s7] =	ssyncadd.s32 $0xFFFFF800  }
0x92: {  	_ =	swait.ge [sflag:s7], $0x800  }
0x93: {  	[sflag:s7] =	ssyncset.done $0x0  }
0x94: {  	[sflag:s7] =	ssyncadd.s32 $0xFFFFF800  }
0x95: {  	_ =	swait.ge [sflag:s7], $0x800  }
0x96: {  	[sflag:s7] =	ssyncset.done $0x0  }
0x97: {  	[sflag:s7] =	ssyncadd.s32 $0xFFFFF800  }
0x98: {  	_ =	swait.ge [sflag:s7], $0x800  }
0x99: {  	[sflag:s7] =	ssyncset.done $0x0  }
0x9a: {  	[sflag:s7] =	ssyncadd.s32 $0xFFFFF800  }
0x9b: {  	_ =	swait.ge [sflag:s7], $0x800  }
0x9c: {  	[sflag:s7] =	ssyncset.done $0x0  }
0x9d: {  	[sflag:s7] =	ssyncadd.s32 $0xFFFFF800  }
0x9e: {  	_ =	swait.ge [sflag:s7], $0x800  }
0x9f: {  	[sflag:s7] =	ssyncset.done $0x0  }
0xa0: {  	[sflag:s7] =	ssyncadd.s32 $0xFFFFF800  }
0xa1: {  	_ =	swait.ge [sflag:s7], $0x800  }
0xa2: {  	[sflag:s7] =	ssyncset.done $0x0  }
0xa3: {  	[sflag:s7] =	ssyncadd.s32 $0xFFFFF800  }
0xa4: {  	_ =	swait.ge [sflag:s7], $0x800  }
0xa5: {  	[sflag:s7] =	ssyncset.done $0x0  }
0xa6: {  	[sflag:s7] =	ssyncadd.s32 $0xFFFFF800  }
0xa7: {  	_ =	swait.ge [sflag:s7], $0x800  }
0xa8: {  	[sflag:s7] =	ssyncset.done $0x0  }
0xa9: {  	[sflag:s7] =	ssyncadd.s32 $0xFFFFF800  }
0xaa: {  	_ =	swait.ge [sflag:s7], $0x800  }
0xab: {  	[sflag:s7] =	ssyncset.done $0x0  }
0xac: {  	[sflag:s7] =	ssyncadd.s32 $0xFFFFF800  }
0xad: {  	_ =	swait.ge [sflag:s7], $0x800  }
0xae: {  	[sflag:s7] =	ssyncset.done $0x0  }
0xaf: {  	[sflag:s7] =	ssyncadd.s32 $0xFFFFF800  }
0xb0: {  	v7 =	vld [tilespmem:s25+$0x0];
	_ =	sdelay $0x4  }
0xb1: {  	s25 =	simm.s32 $0x9810;
	vm0 =	veq.s32 v7, $0xFF;
	v7 =	vshll.u32 v7, $0xB  }
0xb2: {  	v8 =	vld [tilespmem:s25+$0x0];
	v7 =	vsel vm0, $0x0, v7  }
0xb3: {  	v7 =	vor.u32 s23, v7  }
0xb4: {  	v7 =	vor.u32 v0, v7;
	_ =	sdelay $0x2  }
0xb5: {  	vm1 =	veq.s32 v8, $0xFF;
	v8 =	vshll.u32 v8, $0xB  }
0xb6: {  	s1 =	simm.s32 $0x10;
	v8 =	vsel vm1, $0x0, v8  }
0xb7: {  	s25 =	simm.s32 $0x9820;
	v8 =	vor.u32 s1, v8;
	v7 =	vld.idx.msk [tilespmem:v7+s2+$0x0], $0xffff  }
0xb8: {  	v9 =	vld [tilespmem:s25+$0x0];
	v8 =	vor.u32 v0, v8  }
0xb9: {  	v10 =	vld [tilespmem:s24+$0x0];
	_ =	sdelay $0x1  }
0xba: {  	s24 =	simm.s32 $0x9830  }
0xbb: {  	v11 =	vld [tilespmem:s24+$0x0];
	v7 =	vsub.f32 $0.0e+00, v7  }
0xbc: {  	vm3 =	veq.s32 v9, $0xFF;
	v9 =	vshll.u32 v9, $0xB;
	v12 =	vld.idx.msk [tilespmem:v8+s2+$0x0], $0xffff  }
0xbd: {  	s25 =	simm.s32 $0x20;
	vm0 =	vmmov vm0;
	v9 =	vsel vm3, $0x0, v9;
	v7 =	vmul.f32 v7, v10  }
0xbe: {  	vm0 =	vmmov vm0;
	vm1 =	vmmov vm1;
	s23 =	simm.s32 $0xA010;
	v8 =	vor.u32 s25, v9  }
0xbf: {  	v14 =	vld [tilespmem:s23+$0x0];
	vm2 =	vmmov vm1;
	v13 =	vor.u32 v0, v8;
	v7 =	vsel vm0, $0x0, v7  }
0xc0: {  	vm1 =	vmmov vm3;
	v10 =	vshll.u32 v11, $0xB;
	v8 =	vshra.s32 v7, $0x1F  }
0xc1: {  	vm0 =	veq.s32 v11, $0xFF;
	v11 =	vsub.f32 $0.0e+00, v12;
	v9 =	vor.u32 $0x80000000, v8  }
0xc2: {  	s24 =	simm.s32 $0x9840;
	vm4 =	vgt.f32 v7, v3;
	v15 =	vsel vm0, $0x0, v10;
	v12 =	vxor.u32 v7, v9  }
0xc3: {  	s1 =	simm.s32 $0x30;
	v8 =	vsel vm4, $0x1, v1;
	v10 =	vnsel vm4, $0x0, v7;
	v9 =	vld [tilespmem:s24+$0x0];
	vm3 =	vge.u32 v12, v2  }
0xc4: {  	s25 =	simm.s32 $0x40;
	v11 =	vmul.f32 v11, v14;
	v7 =	vld.idx.msk [tilespmem:v13+s2+$0x0], $0xffff;
	v13 =	vor.u32 s1, v15;
	s1 =	simm.s32 $0x50;
	v12 =	vsel vm3, $0x1, v1  }
.LBB2_3:
0xc5: {  	p0 =	sne.s32 s1, $0x7F0;
	v13 =	vor.u32 v0, v13;
	s23 =	sadd.s32 $0x10, s23;
	v6 =	vadd.s32 v12, v6;
	v5 =	vadd.s32 v8, v5  }
0xc6: {  	v4 =	vadd.f32 v10, v4;
	v12 =	vld [tilespmem:s23+$0x0];
	v11 =	vsel vm2, $0x0, v11;
	vm2 =	vmmov vm1  }
.Ltmp0:
0xc7: {  	vm1 =	vmmov vm0;
	v8 =	vshra.s32 v11, $0x1F;
	vm3 =	vgt.f32 v11, v3;
	(pc) =	sbr.rel @p0 .LBB2_3-.Ltmp0, $4  }
0xc8: {  	s24 =	sadd.s32 $0x10, s24;
	vm0 =	veq.s32 v9, $0xFF;
	v10 =	vor.u32 $0x80000000, v8;
	v8 =	vsel vm3, $0x1, v1  }
0xc9: {  	v14 =	vshll.u32 v9, $0xB;
	v15 =	vsub.f32 $0.0e+00, v7;
	v9 =	vld [tilespmem:s24+$0x0];
	v10 =	vxor.u32 v11, v10  }
0xca: {  	v14 =	vsel vm0, $0x0, v14;
	v7 =	vld.idx.msk [tilespmem:v13+s2+$0x0], $0xffff;
	vm4 =	vge.u32 v10, v2;
	v10 =	vnsel vm3, $0x0, v11  }
0xcb: {  	v13 =	vor.u32 s25, v14;
	s25 =	smov.u32 s1;
	s1 =	sadd.s32 $0x10, s1;
	v11 =	vmul.f32 v15, v12;
	v12 =	vsel vm4, $0x1, v1  }
0xcc: {  	_ =	sdelay $0x1  }
0xcd: {  	v13 =	vor.u32 v0, v13;
	vm3 =	veq.s32 v9, $0xFF;
	v52 =	vshll.u32 v9, $0xB  }
0xce: {  	v9 =	vsel vm3, $0x0, v52  }
0xcf: {  	s1 =	sadd.s32 $0x10, s23;
	v9 =	vor.u32 s25, v9  }
0xd0: {  	v6 =	vadd.s32 v12, v6;
	v14 =	vld [tilespmem:s1+$0x0];
	v11 =	vsel vm2, $0x0, v11;
	v9 =	vor.u32 v0, v9  }
0xd1: {  	v5 =	vadd.s32 v8, v5;
	v4 =	vadd.f32 v10, v4;
	v8 =	vshra.s32 v11, $0x1F  }
0xd2: {  	vm1 =	vmmov vm1;
	vm0 =	vmmov vm0;
	v8 =	vor.u32 $0x80000000, v8;
	v53 =	vld.idx.msk [tilespmem:v13+s2+$0x0], $0xffff  }
0xd3: {  	s1 =	sadd.s32 $0x10, s1;
	vm2 =	vgt.f32 v11, v3;
	v7 =	vsub.f32 $0.0e+00, v7;
	v8 =	vxor.u32 v11, v8  }
0xd4: {  	vm0 =	vmmov vm0;
	v54 =	vsel vm2, $0x1, v1;
	vm4 =	vge.u32 v8, v2;
	v8 =	vld [tilespmem:s1+$0x0]  }
0xd5: {  	vm9 =	vmmov vm3;
	v11 =	vnsel vm2, $0x0, v11;
	v7 =	vmul.f32 v7, v14;
	v9 =	vld.idx.msk [tilespmem:v9+s2+$0x0], $0xffff  }
0xd6: {  	v5 =	vadd.s32 v54, v5;
	vm11 =	vmmov vm9;
	s1 =	sadd.s32 $0x10, s1;
	v4 =	vadd.f32 v11, v4  }
0xd7: {  	v55 =	vsel vm4, $0x1, v1;
	v58 =	vld [tilespmem:s1+$0x0];
	v7 =	vsel vm1, $0x0, v7;
	v10 =	vsub.f32 $0.0e+00, v53  }
0xd8: {  	v6 =	vadd.s32 v55, v6;
	v56 =	vshra.s32 v7, $0x1F;
	vm1 =	vgt.f32 v7, v3  }
0xd9: {  	v57 =	vor.u32 $0x80000000, v56;
	v59 =	vsel vm1, $0x1, v1;
	v8 =	vmul.f32 v10, v8  }
0xda: {  	v11 =	vxor.u32 v7, v57;
	v7 =	vnsel vm1, $0x0, v7;
	v9 =	vsub.f32 $0.0e+00, v9  }
0xdb: {  	v5 =	vadd.s32 v59, v5;
	vm10 =	vge.u32 v11, v2;
	v8 =	vsel vm0, $0x0, v8  }
0xdc: {  	v11 =	vsel vm10, $0x1, v1;
	v60 =	vshra.s32 v8, $0x1F;
	v9 =	vmul.f32 v9, v58  }
0xdd: {  	v4 =	vadd.f32 v7, v4;
	v6 =	vadd.s32 v11, v6;
	v7 =	vor.u32 $0x80000000, v60  }
0xde: {  	s22 =	sadd.s32 $0x1, s22;
	vm12 =	vgt.f32 v8, v3;
	v7 =	vxor.u32 v8, v7;
	v9 =	vsel vm11, $0x0, v9  }
0xdf: {  	p0 =	sne.s32 s22, $0x20;
	v61 =	vsel vm12, $0x1, v1;
	vm13 =	vge.u32 v7, v2;
	v7 =	vshra.s32 v9, $0x1F  }
.Ltmp1:
0xe0: {  	v8 =	vnsel vm12, $0x0, v8;
	v5 =	vadd.s32 v61, v5;
	v7 =	vor.u32 $0x80000000, v7;
	(pc) =	sbr.rel @p0 .LBB2_2-.Ltmp1, $4  }
0xe1: {  	v4 =	vadd.f32 v8, v4;
	v62 =	vsel vm13, $0x1, v1;
	v7 =	vxor.u32 v9, v7  }
0xe2: {  	v6 =	vadd.s32 v62, v6;
	vm14 =	vgt.f32 v9, v3;
	vm15 =	vge.u32 v7, v2  }
0xe3: {  	v8 =	vnsel vm14, $0x0, v9;
	v7 =	vsel vm14, $0x1, v1;
	v63 =	vsel vm15, $0x1, v1  }
0xe4: {  	v4 =	vadd.f32 v8, v4;
	v5 =	vadd.s32 v7, v5;
	v6 =	vadd.s32 v63, v6  }
0xe5: {  	[tilespmem:$0xA820] =	vst v6  }
0xe6: {  	[tilespmem:$0xA830] =	vst v5  }
0xe7: {  	s1 =	rddreg [dreg:$0x4];
	s22 =	simm.s32 $0xA820;
	s23 =	simm.s32 $0x2;
	[tilespmem:$0xA840] =	vst v4  }
0xe8: {  	[hbm4b:s1+s2] =	stream.linear.scatter [tilespmem:s22], [sflag:$0x2], $0x10, $0x38;
	[tilespmem:$0xA850] =	vst v63  }
0xe9: {  	_ =	swait.ge [sflag:s23], $0x10  }
0xea: {  	[sflag:s23] =	ssyncset.done $0x0  }
0xeb: {  	s25 =	simm.s32 $0xA830;
	s24 =	rddreg [dreg:$0x5];
	[sflag:s23] =	ssyncadd.s32 $0xFFFFFFF0  }
0xec: {  	[hbm4b:s24+s2] =	stream.linear.scatter [tilespmem:s25], [sflag:$0x2], $0x10, $0x38;
	[tilespmem:$0xA850] =	vst v63  }
0xed: {  	_ =	swait.ge [sflag:s23], $0x10  }
0xee: {  	[sflag:s23] =	ssyncset.done $0x0  }
0xef: {  	s25 =	simm.s32 $0xA840;
	s24 =	rddreg [dreg:$0x6];
	[sflag:s23] =	ssyncadd.s32 $0xFFFFFFF0  }
0xf0: {  	[hbm4b:s24+s2] =	stream.linear.scatter [tilespmem:s25], [sflag:$0x2], $0x10, $0x38;
	[tilespmem:$0xA850] =	vst v63  }
0xf1: {  	_ =	swait.ge [sflag:s23], $0x10  }
0xf2: {  	s24 =	rddreg [dreg:$0x8]  }
0xf3: {  	s25 =	rddreg [dreg:$0x7];
	s22 =	sadd.s32 $0x1, s24  }
0xf4: {  	p0 =	sne.s32 s22, s25  }
.Ltmp2:
0xf5: {  	_ = 	snop;
	(pc) =	sbr.rel @p0 .LBB2_1-.Ltmp2, $3  }
0xf6: {  	_ =	sdelay $0x1  }
0xf7: {  	[sflag:s23] =	ssyncset.done $0x0  }
0xf8: {  	[sflag:s23] =	ssyncadd.s32 $0xFFFFFFF0  }
0xf9: {  	_ =	sfence.sel $0x180000  }
0xfa: {  	[bflag:$0x0] =	sbarrier.arrive $0xFFFF  }
0xfb: {  	_ =	strace $0x90000047  }
0xfc: {  	s0 =	stileid.u32;
	[bflag:$0x2] =	sbarrier.arrive $0xFFFF  }
0xfd: {  	p0 =	sne.s32 s0, $0x0;
	s0 =	rddreg [dreg:$0x2]  }
0xfe: {  	s0 =	sadd.s32 @!p0 $0x100000, s0  }
0xff: {  	[sflag:s0] =	ssyncadd.tile.s32 @!p0 $0x1;
	_ =	shalt  }
.Lfunc_end2:
_tile_overlayer_lowered:
.L_overlay_start_2:
0x100: {  	(tag) =	ssettag $0x2  }
0x101: {  	s0 =	rddreg [dreg:$0x0];
	s2 =	stileid.u32  }
0x102: {  	s1 =	rddreg [dreg:$0x1];
	p0 =	sne.s32 s2, $0x0  }
0x103: {  	s3 =	rddreg [dreg:$0x2];
	[bflag:$0x3] =	sbarrier.arrive $0xFFFF;
	s2 =	simm.s32 @!p0 $0x1C02  }
0x104: {  	[timem:s3], [sflag:s2] =	dma.local @!p0 [hbm:s0], s1  }
0x105: {  	s0 =	simm.s32 @!p0 $0x2  }
0x106: {  	_ =	swait.ge @!p0 [sflag:s0], s1  }
0x107: {  	s1 =	ssub.s32 @!p0 $0x0, s1;
	[sflag:s0] =	ssyncset.done @!p0 $0x0  }
0x108: {  	[sflag:s0] =	ssyncadd.s32 @!p0 s1  }
0x109: {  	[bflag:$0x3] =	sbarrier.arrive $0xFFFF  }
0x10a: {  	_ =	shalt  }

// kernel: closed_call.12.cloned.1.call-start
scs
__scs_entry_jumppad:
0x0: {  	(pc) =	sbr.rel $0x88, $3  }
0x1: {  	(tag) =	ssettag $0x0;
	lr =	simm.s32 $0x1  }
0x2: {  	[smem:$0x3F9E] =	sst lr;
	_ =	strace $0xD0000000  }
0x3: {  	_ = 	snop  }
0x4: {  	_ = 	snop  }
0x5: {  	_ = 	snop  }
0x6: {  	_ = 	snop  }
0x7: {  	_ = 	snop  }
__scs_overlays_trampoline_lowered:
0x8: {  	[smem:$0x3FAD] =	sst s0  }
0x9: {  	[smem:$0x3FAE] =	sst s1  }
0xa: {  	[smem:$0x3FAF] =	sst s2  }
0xb: {  	[smem:$0x3FB0] =	sst s3  }
0xc: {  	[smem:$0x3FB1] =	sst s4  }
0xd: {  	[smem:$0x3FB2] =	sst s5  }
0xe: {  	[smem:$0x3FB3] =	sst s6  }
0xf: {  	[smem:$0x3FB4] =	sst s7  }
0x10: {  	[smem:$0x3FB5] =	sst s8  }
0x11: {  	[smem:$0x3FB6] =	sst s9;
	s0 =	simm.s32 @!p0 $0x0  }
0x12: {  	s1 =	sld [smem:$0x3F9C];
	s0 =	simm.s32 @p0 $0x1  }
0x13: {  	[smem:$0x3FB7] =	sst s0;
	s0 =	simm.s32 @!p1 $0x0  }
0x14: {  	s2 =	sld [smem:$0x3F9B];
	s0 =	simm.s32 @p1 $0x1  }
0x15: {  	[smem:$0x3FB8] =	sst s0;
	s0 =	simm.s32 @!p2 $0x0  }
0x16: {  	s3 =	sld [smem:$0x3FDB];
	s0 =	simm.s32 @p2 $0x1  }
0x17: {  	s4 =	simm.s32 $0x1BF5;
	[smem:$0x3FBA] =	sst s0  }
0x18: {  	s0 =	sld [smem:$0x3F9D];
	_ =	swait.ge [sflag:s4], $0x0  }
0x19: {  	s7 =	sld [smem:$0x3F9E]  }
0x1a: {  	s8 =	sadd.s32 $0xFFFFE003, lr  }
0x1b: {  	s9 =	sadd.s32 $0xFFFFFEF7, lr;
	s5 =	simm.s32 $0xFFFFFFFF;
	p2 =	slt.u32 s8, $0xFFFFF086  }
0x1c: {  	p1 =	slt.u32 s9, $0xF7A;
	s5 =	simm.s32 @!p2 $0x0  }
0x1d: {  	s5 =	simm.s32 @p1 $0x1;
	p0 =	seq.s32 s7, s2  }
0x1e: {  	s7 =	smul.u32 @!p0 $0xF7A, s2;
	p2 =	seq.s32 @!p0 s5, $0x0  }
0x1f: {  	s9 =	smul.u32 $0xF7A, s1;
	s8 =	simm.s32 @!p0 $0x1BF5;
	p2 =	por !p2, p0  }
0x20: {  	[sflag:s8] =	ssyncset.s32 @!p0 $0xFFFFF086;
	s6 =	sadd.s32 @!p0 s3, s7;
	s7 =	simm.s32 @!p0 $0x108  }
0x21: {  	s3 =	sadd.s32 s3, s9;
	s6 =	sadd.s32 @!p0 $0x88, s6;
	s7 =	simm.s32 @p2 $0x1082  }
0x22: {  	[simem:s7], [sflag:s8] =	dma.local @!p0 [hbm:s6], $0xF7A  }
0x23: {  	s9 =	sor.u32 $0xD0000000, s2;
	s6 =	simm.s32 $0x108;
	_ =	swait.ge @!p0 [sflag:s8], $0x0  }
0x24: {  	s3 =	sadd.s32 $0x88, s3;
	s6 =	simm.s32 @!p1 $0x1082;
	[sflag:s4] =	ssyncset.s32 $0xFFFFF086  }
0x25: {  	[simem:s6], [sflag:s4] =	dma.local [hbm:s3], $0xF7A  }
0x26: {  	[smem:$0x3F9E] =	sst s1;
	(tag) =	ssettag s2;
	_ =	strace s9  }
0x27: {  	s1 =	sld [smem:$0x3FAE]  }
0x28: {  	s2 =	sld [smem:$0x3FAF]  }
0x29: {  	s4 =	sld [smem:$0x3FB1]  }
0x2a: {  	p0 =	seq.s32 s5, $0x0;
	s5 =	sld [smem:$0x3FB2]  }
0x2b: {  	s6 =	sld [smem:$0x3FB3]  }
0x2c: {  	s7 =	sld [smem:$0x3FB4]  }
0x2d: {  	s3 =	simm.s32 $0x108;
	s8 =	sld [smem:$0x3FB5]  }
0x2e: {  	s3 =	simm.s32 @!p0 $0x1082;
	s9 =	sld [smem:$0x3FB6]  }
0x2f: {  	lr =	sadd.s32 s0, s3;
	s0 =	sld [smem:$0x3FAD]  }
0x30: {  	s3 =	sld [smem:$0x3FB0]  }
0x31: {  	[smem:$0x3FB9] =	sst s10  }
0x32: {  	s10 =	sld [smem:$0x3FB7];
	_ =	sdelay $0x3  }
0x33: {  	p0 =	seq.s32 s10, $0x1;
	s10 =	sld [smem:$0x3FB9];
	_ =	sdelay $0x3  }
0x34: {  	[smem:$0x3FB9] =	sst s10  }
0x35: {  	s10 =	sld [smem:$0x3FB8];
	_ =	sdelay $0x3  }
0x36: {  	p1 =	seq.s32 s10, $0x1;
	s10 =	sld [smem:$0x3FB9];
	_ =	sdelay $0x3  }
0x37: {  	[smem:$0x3FB9] =	sst s10  }
0x38: {  	s10 =	sld [smem:$0x3FBA]  }
0x39: {  	_ = 	snop;
	(pc) =	sbr.ind lr, $3  }
0x3a: {  	_ = 	snop  }
0x3b: {  	_ = 	snop  }
0x3c: {  	p2 =	seq.s32 s10, $0x1;
	s10 =	sld [smem:$0x3FB9]  }
0x3d: {  	_ =	shalt  }
0x3e: {  	_ =	shalt  }
0x3f: {  	_ =	shalt  }
0x40: {  	_ =	shalt  }
0x41: {  	_ =	shalt  }
0x42: {  	_ =	shalt  }
0x43: {  	_ =	shalt  }
0x44: {  	_ =	shalt  }
0x45: {  	_ =	shalt  }
0x46: {  	_ =	shalt  }
0x47: {  	_ =	shalt  }
0x48: {  	_ =	shalt  }
0x49: {  	_ =	shalt  }
0x4a: {  	_ =	shalt  }
0x4b: {  	_ =	shalt  }
0x4c: {  	_ =	shalt  }
0x4d: {  	_ =	shalt  }
0x4e: {  	_ =	shalt  }
0x4f: {  	_ =	shalt  }
0x50: {  	_ =	shalt  }
0x51: {  	_ =	shalt  }
0x52: {  	_ =	shalt  }
0x53: {  	_ =	shalt  }
0x54: {  	_ =	shalt  }
0x55: {  	_ =	shalt  }
0x56: {  	_ =	shalt  }
0x57: {  	_ =	shalt  }
0x58: {  	_ =	shalt  }
0x59: {  	_ =	shalt  }
0x5a: {  	_ =	shalt  }
0x5b: {  	_ =	shalt  }
0x5c: {  	_ =	shalt  }
0x5d: {  	_ =	shalt  }
0x5e: {  	_ =	shalt  }
0x5f: {  	_ =	shalt  }
0x60: {  	_ =	shalt  }
0x61: {  	_ =	shalt  }
0x62: {  	_ =	shalt  }
0x63: {  	_ =	shalt  }
0x64: {  	_ =	shalt  }
0x65: {  	_ =	shalt  }
0x66: {  	_ =	shalt  }
0x67: {  	_ =	shalt  }
0x68: {  	_ =	shalt  }
0x69: {  	_ =	shalt  }
0x6a: {  	_ =	shalt  }
0x6b: {  	_ =	shalt  }
0x6c: {  	_ =	shalt  }
0x6d: {  	_ =	shalt  }
0x6e: {  	_ =	shalt  }
0x6f: {  	_ =	shalt  }
0x70: {  	_ =	shalt  }
0x71: {  	_ =	shalt  }
0x72: {  	_ =	shalt  }
0x73: {  	_ =	shalt  }
0x74: {  	_ =	shalt  }
0x75: {  	_ =	shalt  }
0x76: {  	_ =	shalt  }
0x77: {  	_ =	shalt  }
0x78: {  	_ =	shalt  }
0x79: {  	_ =	shalt  }
0x7a: {  	_ =	shalt  }
0x7b: {  	_ =	shalt  }
0x7c: {  	_ =	shalt  }
0x7d: {  	_ =	shalt  }
0x7e: {  	_ =	shalt  }
0x7f: {  	_ =	shalt  }
0x80: {  	_ =	shalt  }
0x81: {  	_ =	shalt  }
0x82: {  	_ =	shalt  }
0x83: {  	_ =	shalt  }
0x84: {  	_ =	shalt  }
0x85: {  	_ =	shalt  }
0x86: {  	_ =	shalt  }
0x87: {  	_ =	shalt  }
.Lfunc_end0:
.L_simem_size_0:
called_computation.1_lowered:
.L_overlay_start_0:
0x88: {  	s2 =	sld [smem:$0x3FD9]  }
0x89: {  	s3 =	sld [smem:$0x3FFE];
	_ =	sdelay $0x1  }
0x8a: {  	s1 =	srdreg.scid  }
0x8b: {  	s0 =	sand.u32 $0x1, s1  }
0x8c: {  	s16 =	sshll.u32 s0, $0xA;
	s2 =	sadd.s32 s3, s2  }
0x8d: {  	s2 =	sadd.s32 s2, s16  }
0x8e: {  	[smem:$0x3FC5] =	sst s2  }
0x8f: {  	_ = 	snop  }
0x90: {  	(tm) =	ssettm $0x1  }
0x91: {  	s17 =	sld [smem:$0x3FFB];
	_ =	sdelay $0x3  }
0x92: {  	_ =	strace s17  }
0x93: {  	s2 =	sld [smem:$0x3FFC];
	_ =	sdelay $0x3  }
0x94: {  	_ =	strace s2  }
0x95: {  	s2 =	sld [smem:$0x3FFD];
	_ =	sdelay $0x3  }
0x96: {  	_ =	strace s2  }
0x97: {  	_ =	strace $0x8FFFFFFF  }
0x98: {  	s18 =	sld [smem:$0x3FDB];
	_ =	sdelay $0x1  }
0x99: {  	s19 =	simm.s32 $_scs_section_size  }
0x9a: {  	s4 =	simm.s32 $_size__tile_overlayer_lowered;
	s5 =	simm.s32 $_tile_overlayer_lowered  }
0x9b: {  	s22 =	simm.s32 $0x1BFF;
	s21 =	sshll.u32 s5, $0x1;
	s2 =	sadd.s32 s19, s18  }
0x9c: {  	s6 =	simm.s32 $0x0;
	s20 =	sshll.u32 s4, $0x1;
	s4 =	sadd.s32 s21, s2  }
0x9d: {  	[timem:s6], [sflag:s22] =	dma.local [hbm:s4], s20  }
0x9e: {  	_ =	swait.ge [sflag:s22], s20  }
0x9f: {  	s3 =	ssub.s32 $0x0, s20;
	[sflag:s22] =	ssyncset.done $0x0  }
0xa0: {  	[sflag:s22] =	ssyncadd.s32 s3;
	_ =	sdelay $0x1  }
0xa1: {  	s23 =	simm.s32 $0x1B8B  }
0xa2: {  	_ =	swait.ge [sflag:s23], $0x1  }
0xa3: {  	[sflag:s23] =	ssyncset.done $0x0  }
0xa4: {  	s25 =	simm.s32 $0x1B8E;
	s24 =	sld [smem:$0x3FFE];
	[sflag:s23] =	ssyncadd.s32 $0xFFFFFFFF  }
0xa5: {  	s26 =	simm.s32 $execute0_lowered;
	[smem:$0x3FD2] =	sst s25  }
0xa6: {  	s4 =	sshll.u32 s26, $0x1;
	_ =	strace $0x8000004F;
	[dreg:$0x1] =	wrdreg $0xFFFFFFFF  }
0xa7: {  	s28 =	simm.s32 $_size_execute0_lowered;
	s2 =	sadd.s32 s2, s4;
	[dreg:$0x0] =	wrdreg $0x0  }
0xa8: {  	s4 =	sshll.u32 s28, $0x1;
	[dreg:$0x2] =	wrdreg s2  }
0xa9: {  	[dreg:$0x3] =	wrdreg s4  }
0xaa: {  	[dreg:$0x4] =	wrdreg $0xC0  }
0xab: {  	_ =	task [dreg:s6], $0x5FFFF  }
0xac: {  	[dreg:$0x1] =	wrdreg $0xFFFFFFFF  }
0xad: {  	[dreg:$0x0] =	wrdreg $0x60  }
0xae: {  	[dreg:$0x2] =	wrdreg s24  }
0xaf: {  	[dreg:$0x3] =	wrdreg $0x9  }
0xb0: {  	_ =	task.clear_ibuf [dreg:s6], $0x4FFFF;
	_ =	strace $0x9000004F  }
0xb1: {  	s29 =	simm.s32 $0x9;
	_ =	strace $0x80000051  }
0xb2: {  	_ =	swait.ge [sflag:s29], $0x1  }
0xb3: {  	[sflag:s29] =	ssyncadd.s32 $0xFFFFFFFF  }
0xb4: {  	_ =	strace $0x90000051  }
0xb5: {  	_ =	sfence  }
0xb6: {  	s30 =	sld [smem:$0x0];
	_ =	sdelay $0x2  }
0xb7: {  	s31 =	sshll.u32 s1, $0xD;
	s1 =	sshrl.u32 s1, $0x2  }
0xb8: {  	s3 =	sand.u32 $0x4000, s31;
	s1 =	sadd.s32 s1, s30  }
0xb9: {  	s0 =	sor.u32 s3, s0;
	s1 =	sshll.u32 s1, $0x11  }
0xba: {  	s0 =	sor.u32 s1, s0  }
0xbb: {  	s0 =	sadd.s32 $0x8F2B, s0  }
0xbc: {  	[sflag:s0] =	ssyncadd.remote.s32 $0x1  }
0xbd: {  	_ =	sfence.sel $0xFFFF  }
0xbe: {  	[dreg:$0x0] =	wrdreg $0xFFFFFFFF;
	(pc) =	sbr.abs _section_cstart, $3  }
0xbf: {  	[dreg:$0x1] =	wrdreg $0xFFFFFFFF  }
0xc0: {  	_ =	task.clear_ibuf [dreg:s6], $0x2FFFF;
	_ =	strace $0x9FFFFFFF  }
0xc1: {  	(tm) =	ssettm $0x7FFFFFFF  }
tec
execute0_lowered:
.L_overlay_start_1:
0x0: {  	(tag) =	ssettag $0x1  }
0x1: {  	s0 =	rddreg [dreg:$0x0]  }
0x2: {  	s1 =	simm.s32 $0x0;
	s2 =	srdreg.scid;
	s7 =	stileid.u32  }
0x3: {  	[smem:$0x7FF] =	sst s1;
	s3 =	sadd.s32 $0x600, s0;
	s4 =	sadd.s32 $0x500600, s0  }
0x4: {  	s5 =	sadd.s32 $0x4C0600, s0;
	s6 =	sadd.s32 $0x541000, s0;
	s2 =	sand.u32 $0x1, s2  }
0x5: {  	s8 =	sadd.s32 $0x541200, s0;
	_ =	strace $0x80000050;
	[dreg:$0x2] =	wrdreg s6  }
0x6: {  	s22 =	sshll.u32 s7, $0x1;
	s7 =	sshrl.u32 s7, $0x1;
	[dreg:$0x3] =	wrdreg s8  }
0x7: {  	s6 =	sor.u32 s2, s22;
	s2 =	ssub.s32 $0x2, s2;
	s8 =	smul.u32 $0x4C0000, s7  }
0x8: {  	s21 =	sshll.u32 s7, $0x12;
	s7 =	simm.s32 $0x1;
	s22 =	simm.s32 $0x0  }
0x9: {  	s9 =	sshll.u32 s6, $0x1;
	s23 =	sshrl.u32 s2, $0x1;
	s6 =	sshll.u32 s6, $0x10  }
0xa: {  	s0 =	sadd.s32 s9, s0;
	s2 =	ssub.s32 s2, s23;
	s9 =	sand.u32 $0x30000, s6  }
0xb: {  	s10 =	sadd.s32 $0x40000, s8;
	s11 =	sadd.s32 $0x80000, s8;
	s12 =	sadd.s32 $0xC0000, s8  }
0xc: {  	s13 =	sadd.s32 $0x100000, s8;
	s14 =	sadd.s32 $0x140000, s8;
	s15 =	sadd.s32 $0x180000, s8  }
0xd: {  	s16 =	sadd.s32 $0x1C0000, s8;
	s17 =	sadd.s32 $0x200000, s8;
	s18 =	sadd.s32 $0x240000, s8  }
0xe: {  	s19 =	sadd.s32 $0x280000, s8;
	s20 =	sadd.s32 $0x2C0000, s8;
	s28 =	sadd.s32 $0x340000, s8  }
0xf: {  	s29 =	sadd.s32 $0x380000, s8;
	s30 =	sadd.s32 $0x3C0000, s8;
	s24 =	sadd.s32 $0x541800, s0  }
0x10: {  	s31 =	sadd.s32 $0x400000, s8;
	s25 =	sadd.s32 $0x541400, s0;
	[dreg:$0x4] =	wrdreg s24  }
0x11: {  	s23 =	simm.s32 $0x2;
	s0 =	sadd.s32 $0x541600, s0;
	[dreg:$0x5] =	wrdreg s25  }
0x12: {  	s26 =	smax.u32 s2, $0x1;
	s2 =	sadd.s32 $0x480000, s8;
	[dreg:$0x6] =	wrdreg s0  }
0x13: {  	v0 =	vlaneseq.u32;
	v1 =	vimm.s32 $0x0;
	[dreg:$0x7] =	wrdreg s26;
	s26 =	sadd.s32 $0x300000, s8;
	s0 =	sadd.s32 $0x440000, s8  }
.LBB2_1:
0x14: {  	[dreg:$0x8] =	wrdreg s22  }
0x15: {  	s6 =	rddreg [dreg:$0x2];
	s25 =	simm.s32 $0xA800  }
0x16: {  	[tilespmem:s25], [sflag:$0x2] =	stream.linear.gather [hbm4b:s6+s1], $0x10, $0x38;
	[tilespmem:$0xA850] =	vst v63  }
0x17: {  	_ =	swait.ge [sflag:s23], $0x10  }
0x18: {  	[sflag:s23] =	ssyncset.done $0x0  }
0x19: {  	s25 =	simm.s32 $0xA810;
	s24 =	rddreg [dreg:$0x3];
	[sflag:s23] =	ssyncadd.s32 $0xFFFFFFF0  }
0x1a: {  	[tilespmem:s25], [sflag:$0x2] =	stream.linear.gather [hbm4b:s24+s1], $0x10, $0x38;
	[tilespmem:$0xA850] =	vst v63  }
0x1b: {  	_ =	swait.ge [sflag:s23], $0x10  }
0x1c: {  	[sflag:s23] =	ssyncset.done $0x0  }
0x1d: {  	[sflag:s23] =	ssyncadd.s32 $0xFFFFFFF0  }
0x1e: {  	v3 =	vld [tilespmem:$0xA810];
	_ =	sdelay $0x1  }
0x1f: {  	v4 =	vimm.f32 $0.0e+00;
	v5 =	vimm.s32 $0x0;
	v6 =	vimm.s32 $0x0;
	s22 =	simm.s32 $0x0;
	v2 =	vld [tilespmem:$0xA800]  }
.LBB2_2:
0x20: {  	s6 =	sshll.u32 s22, $0xB  }
0x21: {  	s24 =	sadd.s32 s9, s6  }
0x22: {  	s6 =	sor.u32 s8, s24  }
0x23: {  	s6 =	sshrl.u32 s6, $0x3  }
0x24: {  	s23 =	simm.s32 $0x0;
	s25 =	sadd.s32 s10, s24;
	s6 =	sadd.s32 s3, s6  }
0x25: {  	[tilespmem:s23], [sflag:$0x1] =	stream.linear.gather [hbm4b:s6+s23], $0x800, $0x38;
	[tilespmem:$0xA850] =	vst v63  }
0x26: {  	s6 =	sshrl.u32 s25, $0x3  }
0x27: {  	s25 =	simm.s32 $0x800;
	s6 =	sadd.s32 s3, s6  }
0x28: {  	[tilespmem:s25], [sflag:$0x1] =	stream.linear.gather [hbm4b:s6+s23], $0x800, $0x38;
	[tilespmem:$0xA850] =	vst v63  }
0x29: {  	s25 =	sadd.s32 s11, s24  }
0x2a: {  	s6 =	sshrl.u32 s25, $0x3  }
0x2b: {  	s25 =	simm.s32 $0x1000;
	s6 =	sadd.s32 s3, s6  }
0x2c: {  	[tilespmem:s25], [sflag:$0x1] =	stream.linear.gather [hbm4b:s6+s23], $0x800, $0x38;
	[tilespmem:$0xA850] =	vst v63  }
0x2d: {  	s25 =	sadd.s32 s12, s24  }
0x2e: {  	s6 =	sshrl.u32 s25, $0x3  }
0x2f: {  	s25 =	simm.s32 $0x1800;
	s6 =	sadd.s32 s3, s6  }
0x30: {  	[tilespmem:s25], [sflag:$0x1] =	stream.linear.gather [hbm4b:s6+s23], $0x800, $0x38;
	[tilespmem:$0xA850] =	vst v63  }
0x31: {  	s25 =	sadd.s32 s13, s24  }
0x32: {  	s6 =	sshrl.u32 s25, $0x3  }
0x33: {  	s25 =	simm.s32 $0x2000;
	s6 =	sadd.s32 s3, s6  }
0x34: {  	[tilespmem:s25], [sflag:$0x1] =	stream.linear.gather [hbm4b:s6+s23], $0x800, $0x38;
	[tilespmem:$0xA850] =	vst v63  }
0x35: {  	s25 =	sadd.s32 s14, s24  }
0x36: {  	s6 =	sshrl.u32 s25, $0x3  }
0x37: {  	s25 =	simm.s32 $0x2800;
	s6 =	sadd.s32 s3, s6  }
0x38: {  	[tilespmem:s25], [sflag:$0x1] =	stream.linear.gather [hbm4b:s6+s23], $0x800, $0x38;
	[tilespmem:$0xA850] =	vst v63  }
0x39: {  	s25 =	sadd.s32 s15, s24  }
0x3a: {  	s6 =	sshrl.u32 s25, $0x3  }
0x3b: {  	s25 =	simm.s32 $0x3000;
	s6 =	sadd.s32 s3, s6  }
0x3c: {  	[tilespmem:s25], [sflag:$0x1] =	stream.linear.gather [hbm4b:s6+s23], $0x800, $0x38;
	[tilespmem:$0xA850] =	vst v63  }
0x3d: {  	s25 =	sadd.s32 s16, s24  }
0x3e: {  	s6 =	sshrl.u32 s25, $0x3  }
0x3f: {  	s25 =	simm.s32 $0x3800;
	s6 =	sadd.s32 s3, s6  }
0x40: {  	[tilespmem:s25], [sflag:$0x1] =	stream.linear.gather [hbm4b:s6+s23], $0x800, $0x38;
	[tilespmem:$0xA850] =	vst v63  }
0x41: {  	s25 =	sadd.s32 s17, s24  }
0x42: {  	s6 =	sshrl.u32 s25, $0x3  }
0x43: {  	s25 =	simm.s32 $0x4000;
	s6 =	sadd.s32 s3, s6  }
0x44: {  	[tilespmem:s25], [sflag:$0x1] =	stream.linear.gather [hbm4b:s6+s23], $0x800, $0x38;
	[tilespmem:$0xA850] =	vst v63  }
0x45: {  	s25 =	sadd.s32 s18, s24  }
0x46: {  	s6 =	sshrl.u32 s25, $0x3  }
0x47: {  	s25 =	simm.s32 $0x4800;
	s6 =	sadd.s32 s3, s6  }
0x48: {  	[tilespmem:s25], [sflag:$0x1] =	stream.linear.gather [hbm4b:s6+s23], $0x800, $0x38;
	[tilespmem:$0xA850] =	vst v63  }
0x49: {  	s25 =	sadd.s32 s19, s24  }
0x4a: {  	s6 =	sshrl.u32 s25, $0x3  }
0x4b: {  	s25 =	simm.s32 $0x5000;
	s6 =	sadd.s32 s3, s6  }
0x4c: {  	[tilespmem:s25], [sflag:$0x1] =	stream.linear.gather [hbm4b:s6+s23], $0x800, $0x38;
	[tilespmem:$0xA850] =	vst v63  }
0x4d: {  	s25 =	sadd.s32 s20, s24  }
0x4e: {  	s6 =	sshrl.u32 s25, $0x3  }
0x4f: {  	s25 =	simm.s32 $0x5800;
	s6 =	sadd.s32 s3, s6  }
0x50: {  	[tilespmem:s25], [sflag:$0x1] =	stream.linear.gather [hbm4b:s6+s23], $0x800, $0x38;
	[tilespmem:$0xA850] =	vst v63  }
0x51: {  	s25 =	sadd.s32 s26, s24  }
0x52: {  	s6 =	sshrl.u32 s25, $0x3  }
0x53: {  	s25 =	simm.s32 $0x6000;
	s6 =	sadd.s32 s3, s6  }
0x54: {  	[tilespmem:s25], [sflag:$0x1] =	stream.linear.gather [hbm4b:s6+s23], $0x800, $0x38;
	[tilespmem:$0xA850] =	vst v63  }
0x55: {  	s25 =	sadd.s32 s28, s24  }
0x56: {  	s6 =	sshrl.u32 s25, $0x3  }
0x57: {  	s25 =	simm.s32 $0x6800;
	s6 =	sadd.s32 s3, s6  }
0x58: {  	[tilespmem:s25], [sflag:$0x1] =	stream.linear.gather [hbm4b:s6+s23], $0x800, $0x38;
	[tilespmem:$0xA850] =	vst v63  }
0x59: {  	s25 =	sadd.s32 s29, s24  }
0x5a: {  	s6 =	sshrl.u32 s25, $0x3  }
0x5b: {  	s25 =	simm.s32 $0x7000;
	s6 =	sadd.s32 s3, s6  }
0x5c: {  	[tilespmem:s25], [sflag:$0x1] =	stream.linear.gather [hbm4b:s6+s23], $0x800, $0x38;
	[tilespmem:$0xA850] =	vst v63  }
0x5d: {  	s25 =	sadd.s32 s30, s24  }
0x5e: {  	s6 =	sshrl.u32 s25, $0x3  }
0x5f: {  	s25 =	simm.s32 $0x7800;
	s6 =	sadd.s32 s3, s6  }
0x60: {  	[tilespmem:s25], [sflag:$0x1] =	stream.linear.gather [hbm4b:s6+s23], $0x800, $0x38;
	[tilespmem:$0xA850] =	vst v63  }
0x61: {  	s25 =	sadd.s32 s31, s24  }
0x62: {  	s6 =	sshrl.u32 s25, $0x3  }
0x63: {  	s25 =	simm.s32 $0x8000;
	s6 =	sadd.s32 s3, s6  }
0x64: {  	[tilespmem:s25], [sflag:$0x1] =	stream.linear.gather [hbm4b:s6+s23], $0x800, $0x38;
	[tilespmem:$0xA850] =	vst v63  }
0x65: {  	s25 =	sadd.s32 s0, s24  }
0x66: {  	s6 =	sshrl.u32 s25, $0x3  }
0x67: {  	s25 =	simm.s32 $0x8800;
	s6 =	sadd.s32 s3, s6  }
0x68: {  	[tilespmem:s25], [sflag:$0x1] =	stream.linear.gather [hbm4b:s6+s23], $0x800, $0x38;
	[tilespmem:$0xA850] =	vst v63  }
0x69: {  	s25 =	sadd.s32 s2, s24  }
0x6a: {  	s6 =	sshrl.u32 s25, $0x3  }
0x6b: {  	s24 =	sadd.s32 s21, s24;
	s25 =	simm.s32 $0x9000;
	s6 =	sadd.s32 s3, s6  }
0x6c: {  	[tilespmem:s25], [sflag:$0x1] =	stream.linear.gather [hbm4b:s6+s23], $0x800, $0x38;
	[tilespmem:$0xA850] =	vst v63  }
0x6d: {  	s6 =	sshrl.u32 s24, $0x3  }
0x6e: {  	s25 =	simm.s32 $0x9800;
	s24 =	sadd.s32 s4, s6  }
0x6f: {  	[tilespmem:s25], [sflag:$0x1] =	stream.linear.gather [hbm4b:s24+s23], $0x800, $0x38;
	[tilespmem:$0xA850] =	vst v63  }
0x70: {  	s6 =	sadd.s32 s5, s6;
	s24 =	simm.s32 $0xA000  }
0x71: {  	[tilespmem:s24], [sflag:$0x1] =	stream.linear.gather [hbm4b:s6+s23], $0x800, $0x38;
	[tilespmem:$0xA850] =	vst v63  }
0x72: {  	_ =	swait.ge [sflag:s7], $0x800  }
0x73: {  	[sflag:s7] =	ssyncset.done $0x0  }
0x74: {  	[sflag:s7] =	ssyncadd.s32 $0xFFFFF800  }
0x75: {  	_ =	swait.ge [sflag:s7], $0x800  }
0x76: {  	[sflag:s7] =	ssyncset.done $0x0  }
0x77: {  	[sflag:s7] =	ssyncadd.s32 $0xFFFFF800  }
0x78: {  	_ =	swait.ge [sflag:s7], $0x800  }
0x79: {  	[sflag:s7] =	ssyncset.done $0x0  }
0x7a: {  	[sflag:s7] =	ssyncadd.s32 $0xFFFFF800  }
0x7b: {  	_ =	swait.ge [sflag:s7], $0x800  }
0x7c: {  	[sflag:s7] =	ssyncset.done $0x0  }
0x7d: {  	[sflag:s7] =	ssyncadd.s32 $0xFFFFF800  }
0x7e: {  	_ =	swait.ge [sflag:s7], $0x800  }
0x7f: {  	[sflag:s7] =	ssyncset.done $0x0  }
0x80: {  	[sflag:s7] =	ssyncadd.s32 $0xFFFFF800  }
0x81: {  	_ =	swait.ge [sflag:s7], $0x800  }
0x82: {  	[sflag:s7] =	ssyncset.done $0x0  }
0x83: {  	[sflag:s7] =	ssyncadd.s32 $0xFFFFF800  }
0x84: {  	_ =	swait.ge [sflag:s7], $0x800  }
0x85: {  	[sflag:s7] =	ssyncset.done $0x0  }
0x86: {  	[sflag:s7] =	ssyncadd.s32 $0xFFFFF800  }
0x87: {  	_ =	swait.ge [sflag:s7], $0x800  }
0x88: {  	[sflag:s7] =	ssyncset.done $0x0  }
0x89: {  	[sflag:s7] =	ssyncadd.s32 $0xFFFFF800  }
0x8a: {  	_ =	swait.ge [sflag:s7], $0x800  }
0x8b: {  	[sflag:s7] =	ssyncset.done $0x0  }
0x8c: {  	[sflag:s7] =	ssyncadd.s32 $0xFFFFF800  }
0x8d: {  	_ =	swait.ge [sflag:s7], $0x800  }
0x8e: {  	[sflag:s7] =	ssyncset.done $0x0  }
0x8f: {  	[sflag:s7] =	ssyncadd.s32 $0xFFFFF800  }
0x90: {  	_ =	swait.ge [sflag:s7], $0x800  }
0x91: {  	[sflag:s7] =	ssyncset.done $0x0  }
0x92: {  	[sflag:s7] =	ssyncadd.s32 $0xFFFFF800  }
0x93: {  	_ =	swait.ge [sflag:s7], $0x800  }
0x94: {  	[sflag:s7] =	ssyncset.done $0x0  }
0x95: {  	[sflag:s7] =	ssyncadd.s32 $0xFFFFF800  }
0x96: {  	_ =	swait.ge [sflag:s7], $0x800  }
0x97: {  	[sflag:s7] =	ssyncset.done $0x0  }
0x98: {  	[sflag:s7] =	ssyncadd.s32 $0xFFFFF800  }
0x99: {  	_ =	swait.ge [sflag:s7], $0x800  }
0x9a: {  	[sflag:s7] =	ssyncset.done $0x0  }
0x9b: {  	[sflag:s7] =	ssyncadd.s32 $0xFFFFF800  }
0x9c: {  	_ =	swait.ge [sflag:s7], $0x800  }
0x9d: {  	[sflag:s7] =	ssyncset.done $0x0  }
0x9e: {  	[sflag:s7] =	ssyncadd.s32 $0xFFFFF800  }
0x9f: {  	_ =	swait.ge [sflag:s7], $0x800  }
0xa0: {  	[sflag:s7] =	ssyncset.done $0x0  }
0xa1: {  	[sflag:s7] =	ssyncadd.s32 $0xFFFFF800  }
0xa2: {  	_ =	swait.ge [sflag:s7], $0x800  }
0xa3: {  	[sflag:s7] =	ssyncset.done $0x0  }
0xa4: {  	[sflag:s7] =	ssyncadd.s32 $0xFFFFF800  }
0xa5: {  	_ =	swait.ge [sflag:s7], $0x800  }
0xa6: {  	[sflag:s7] =	ssyncset.done $0x0  }
0xa7: {  	[sflag:s7] =	ssyncadd.s32 $0xFFFFF800  }
0xa8: {  	_ =	swait.ge [sflag:s7], $0x800  }
0xa9: {  	[sflag:s7] =	ssyncset.done $0x0  }
0xaa: {  	[sflag:s7] =	ssyncadd.s32 $0xFFFFF800  }
0xab: {  	_ =	swait.ge [sflag:s7], $0x800  }
0xac: {  	[sflag:s7] =	ssyncset.done $0x0  }
0xad: {  	[sflag:s7] =	ssyncadd.s32 $0xFFFFF800  }
0xae: {  	_ =	swait.ge [sflag:s7], $0x800  }
0xaf: {  	[sflag:s7] =	ssyncset.done $0x0  }
0xb0: {  	[sflag:s7] =	ssyncadd.s32 $0xFFFFF800  }
0xb1: {  	v7 =	vld [tilespmem:s25+$0x0];
	_ =	sdelay $0x4  }
0xb2: {  	s25 =	simm.s32 $0x9810;
	vm0 =	veq.s32 v7, $0xFF;
	v7 =	vshll.u32 v7, $0xB  }
0xb3: {  	v8 =	vld [tilespmem:s25+$0x0];
	v7 =	vsel vm0, $0x0, v7  }
0xb4: {  	v7 =	vor.u32 s23, v7  }
0xb5: {  	v7 =	vor.u32 v0, v7;
	_ =	sdelay $0x2  }
0xb6: {  	vm1 =	veq.s32 v8, $0xFF;
	v8 =	vshll.u32 v8, $0xB  }
0xb7: {  	s6 =	simm.s32 $0x10;
	v8 =	vsel vm1, $0x0, v8  }
0xb8: {  	s25 =	simm.s32 $0x9820;
	v8 =	vor.u32 s6, v8;
	v7 =	vld.idx.msk [tilespmem:v7+s1+$0x0], $0xffff  }
0xb9: {  	v9 =	vld [tilespmem:s25+$0x0];
	v8 =	vor.u32 v0, v8  }
0xba: {  	v10 =	vld [tilespmem:s24+$0x0];
	_ =	sdelay $0x1  }
0xbb: {  	s24 =	simm.s32 $0x9830  }
0xbc: {  	v11 =	vld [tilespmem:s24+$0x0];
	v7 =	vsub.f32 $0.0e+00, v7  }
0xbd: {  	vm3 =	veq.s32 v9, $0xFF;
	v9 =	vshll.u32 v9, $0xB;
	v12 =	vld.idx.msk [tilespmem:v8+s1+$0x0], $0xffff  }
0xbe: {  	s25 =	simm.s32 $0x20;
	vm0 =	vmmov vm0;
	v9 =	vsel vm3, $0x0, v9;
	v7 =	vmul.f32 v7, v10  }
0xbf: {  	vm0 =	vmmov vm0;
	vm1 =	vmmov vm1;
	s23 =	simm.s32 $0xA010;
	v8 =	vor.u32 s25, v9  }
0xc0: {  	v14 =	vld [tilespmem:s23+$0x0];
	vm2 =	vmmov vm1;
	v13 =	vor.u32 v0, v8;
	v7 =	vsel vm0, $0x0, v7  }
0xc1: {  	vm1 =	vmmov vm3;
	v10 =	vshll.u32 v11, $0xB;
	v8 =	vshra.s32 v7, $0x1F  }
0xc2: {  	vm0 =	veq.s32 v11, $0xFF;
	v11 =	vsub.f32 $0.0e+00, v12;
	v9 =	vor.u32 $0x80000000, v8  }
0xc3: {  	s24 =	simm.s32 $0x9840;
	vm4 =	vgt.f32 v7, v3;
	v15 =	vsel vm0, $0x0, v10;
	v12 =	vxor.u32 v7, v9  }
0xc4: {  	s6 =	simm.s32 $0x30;
	v8 =	vsel vm4, $0x1, v1;
	v10 =	vnsel vm4, $0x0, v7;
	v9 =	vld [tilespmem:s24+$0x0];
	vm3 =	vge.u32 v12, v2  }
0xc5: {  	s25 =	simm.s32 $0x40;
	v11 =	vmul.f32 v11, v14;
	v7 =	vld.idx.msk [tilespmem:v13+s1+$0x0], $0xffff;
	v13 =	vor.u32 s6, v15;
	s6 =	simm.s32 $0x50;
	v12 =	vsel vm3, $0x1, v1  }
.LBB2_3:
0xc6: {  	p0 =	sne.s32 s6, $0x7F0;
	v13 =	vor.u32 v0, v13;
	s23 =	sadd.s32 $0x10, s23;
	v6 =	vadd.s32 v12, v6;
	v5 =	vadd.s32 v8, v5  }
0xc7: {  	v4 =	vadd.f32 v10, v4;
	v12 =	vld [tilespmem:s23+$0x0];
	v11 =	vsel vm2, $0x0, v11;
	vm2 =	vmmov vm1  }
.Ltmp0:
0xc8: {  	vm1 =	vmmov vm0;
	v8 =	vshra.s32 v11, $0x1F;
	vm3 =	vgt.f32 v11, v3;
	(pc) =	sbr.rel @p0 .LBB2_3-.Ltmp0, $4  }
0xc9: {  	s24 =	sadd.s32 $0x10, s24;
	vm0 =	veq.s32 v9, $0xFF;
	v10 =	vor.u32 $0x80000000, v8;
	v8 =	vsel vm3, $0x1, v1  }
0xca: {  	v14 =	vshll.u32 v9, $0xB;
	v15 =	vsub.f32 $0.0e+00, v7;
	v9 =	vld [tilespmem:s24+$0x0];
	v10 =	vxor.u32 v11, v10  }
0xcb: {  	v14 =	vsel vm0, $0x0, v14;
	v7 =	vld.idx.msk [tilespmem:v13+s1+$0x0], $0xffff;
	vm4 =	vge.u32 v10, v2;
	v10 =	vnsel vm3, $0x0, v11  }
0xcc: {  	v13 =	vor.u32 s25, v14;
	s25 =	smov.u32 s6;
	s6 =	sadd.s32 $0x10, s6;
	v11 =	vmul.f32 v15, v12;
	v12 =	vsel vm4, $0x1, v1  }
0xcd: {  	_ =	sdelay $0x1  }
0xce: {  	v13 =	vor.u32 v0, v13;
	vm3 =	veq.s32 v9, $0xFF;
	v52 =	vshll.u32 v9, $0xB  }
0xcf: {  	v9 =	vsel vm3, $0x0, v52  }
0xd0: {  	s6 =	sadd.s32 $0x10, s23;
	v9 =	vor.u32 s25, v9  }
0xd1: {  	v6 =	vadd.s32 v12, v6;
	v14 =	vld [tilespmem:s6+$0x0];
	v11 =	vsel vm2, $0x0, v11;
	v9 =	vor.u32 v0, v9  }
0xd2: {  	v5 =	vadd.s32 v8, v5;
	v4 =	vadd.f32 v10, v4;
	v8 =	vshra.s32 v11, $0x1F  }
0xd3: {  	vm1 =	vmmov vm1;
	vm0 =	vmmov vm0;
	v8 =	vor.u32 $0x80000000, v8;
	v53 =	vld.idx.msk [tilespmem:v13+s1+$0x0], $0xffff  }
0xd4: {  	s6 =	sadd.s32 $0x10, s6;
	vm2 =	vgt.f32 v11, v3;
	v7 =	vsub.f32 $0.0e+00, v7;
	v8 =	vxor.u32 v11, v8  }
0xd5: {  	vm0 =	vmmov vm0;
	v54 =	vsel vm2, $0x1, v1;
	vm4 =	vge.u32 v8, v2;
	v8 =	vld [tilespmem:s6+$0x0]  }
0xd6: {  	vm9 =	vmmov vm3;
	v11 =	vnsel vm2, $0x0, v11;
	v7 =	vmul.f32 v7, v14;
	v9 =	vld.idx.msk [tilespmem:v9+s1+$0x0], $0xffff  }
0xd7: {  	v5 =	vadd.s32 v54, v5;
	vm11 =	vmmov vm9;
	s6 =	sadd.s32 $0x10, s6;
	v4 =	vadd.f32 v11, v4  }
0xd8: {  	v55 =	vsel vm4, $0x1, v1;
	v58 =	vld [tilespmem:s6+$0x0];
	v7 =	vsel vm1, $0x0, v7;
	v10 =	vsub.f32 $0.0e+00, v53  }
0xd9: {  	v6 =	vadd.s32 v55, v6;
	v56 =	vshra.s32 v7, $0x1F;
	vm1 =	vgt.f32 v7, v3  }
0xda: {  	v57 =	vor.u32 $0x80000000, v56;
	v59 =	vsel vm1, $0x1, v1;
	v8 =	vmul.f32 v10, v8  }
0xdb: {  	v11 =	vxor.u32 v7, v57;
	v7 =	vnsel vm1, $0x0, v7;
	v9 =	vsub.f32 $0.0e+00, v9  }
0xdc: {  	v5 =	vadd.s32 v59, v5;
	vm10 =	vge.u32 v11, v2;
	v8 =	vsel vm0, $0x0, v8  }
0xdd: {  	v11 =	vsel vm10, $0x1, v1;
	v60 =	vshra.s32 v8, $0x1F;
	v9 =	vmul.f32 v9, v58  }
0xde: {  	v4 =	vadd.f32 v7, v4;
	v6 =	vadd.s32 v11, v6;
	v7 =	vor.u32 $0x80000000, v60  }
0xdf: {  	s22 =	sadd.s32 $0x1, s22;
	vm12 =	vgt.f32 v8, v3;
	v7 =	vxor.u32 v8, v7;
	v9 =	vsel vm11, $0x0, v9  }
0xe0: {  	p0 =	sne.s32 s22, $0x20;
	v61 =	vsel vm12, $0x1, v1;
	vm13 =	vge.u32 v7, v2;
	v7 =	vshra.s32 v9, $0x1F  }
.Ltmp1:
0xe1: {  	v8 =	vnsel vm12, $0x0, v8;
	v5 =	vadd.s32 v61, v5;
	v7 =	vor.u32 $0x80000000, v7;
	(pc) =	sbr.rel @p0 .LBB2_2-.Ltmp1, $4  }
0xe2: {  	v4 =	vadd.f32 v8, v4;
	v62 =	vsel vm13, $0x1, v1;
	v7 =	vxor.u32 v9, v7  }
0xe3: {  	v6 =	vadd.s32 v62, v6;
	vm14 =	vgt.f32 v9, v3;
	vm15 =	vge.u32 v7, v2  }
0xe4: {  	v8 =	vnsel vm14, $0x0, v9;
	v7 =	vsel vm14, $0x1, v1;
	v63 =	vsel vm15, $0x1, v1  }
0xe5: {  	v4 =	vadd.f32 v8, v4;
	v5 =	vadd.s32 v7, v5;
	v6 =	vadd.s32 v63, v6  }
0xe6: {  	[tilespmem:$0xA820] =	vst v6  }
0xe7: {  	[tilespmem:$0xA830] =	vst v5  }
0xe8: {  	s6 =	rddreg [dreg:$0x4];
	s22 =	simm.s32 $0xA820;
	s23 =	simm.s32 $0x2;
	[tilespmem:$0xA840] =	vst v4  }
0xe9: {  	[hbm4b:s6+s1] =	stream.linear.scatter [tilespmem:s22], [sflag:$0x2], $0x10, $0x38;
	[tilespmem:$0xA850] =	vst v63  }
0xea: {  	_ =	swait.ge [sflag:s23], $0x10  }
0xeb: {  	[sflag:s23] =	ssyncset.done $0x0  }
0xec: {  	s25 =	simm.s32 $0xA830;
	s24 =	rddreg [dreg:$0x5];
	[sflag:s23] =	ssyncadd.s32 $0xFFFFFFF0  }
0xed: {  	[hbm4b:s24+s1] =	stream.linear.scatter [tilespmem:s25], [sflag:$0x2], $0x10, $0x38;
	[tilespmem:$0xA850] =	vst v63  }
0xee: {  	_ =	swait.ge [sflag:s23], $0x10  }
0xef: {  	[sflag:s23] =	ssyncset.done $0x0  }
0xf0: {  	s25 =	simm.s32 $0xA840;
	s24 =	rddreg [dreg:$0x6];
	[sflag:s23] =	ssyncadd.s32 $0xFFFFFFF0  }
0xf1: {  	[hbm4b:s24+s1] =	stream.linear.scatter [tilespmem:s25], [sflag:$0x2], $0x10, $0x38;
	[tilespmem:$0xA850] =	vst v63  }
0xf2: {  	_ =	swait.ge [sflag:s23], $0x10  }
0xf3: {  	s24 =	rddreg [dreg:$0x8]  }
0xf4: {  	s25 =	rddreg [dreg:$0x7];
	s22 =	sadd.s32 $0x1, s24  }
0xf5: {  	p0 =	sne.s32 s22, s25  }
.Ltmp2:
0xf6: {  	_ = 	snop;
	(pc) =	sbr.rel @p0 .LBB2_1-.Ltmp2, $3  }
0xf7: {  	_ =	sdelay $0x1  }
0xf8: {  	[sflag:s23] =	ssyncset.done $0x0  }
0xf9: {  	[sflag:s23] =	ssyncadd.s32 $0xFFFFFFF0  }
0xfa: {  	_ =	sfence.sel $0x180000  }
0xfb: {  	[bflag:$0x0] =	sbarrier.arrive $0xFFFF  }
0xfc: {  	_ =	strace $0x90000050  }
0xfd: {  	s0 =	stileid.u32;
	[bflag:$0x2] =	sbarrier.arrive $0xFFFF  }
0xfe: {  	p0 =	sne.s32 s0, $0x0;
	s0 =	rddreg [dreg:$0x1]  }
0xff: {  	s0 =	sadd.s32 @!p0 $0x100000, s0  }
0x100: {  	[sflag:s0] =	ssyncadd.tile.s32 @!p0 $0x1;
	_ =	shalt  }
.Lfunc_end2:
_tile_overlayer_lowered:
.L_overlay_start_2:
0x101: {  	(tag) =	ssettag $0x2  }
0x102: {  	s0 =	rddreg [dreg:$0x0];
	s2 =	stileid.u32  }
0x103: {  	s1 =	rddreg [dreg:$0x1];
	p0 =	sne.s32 s2, $0x0  }
0x104: {  	s3 =	rddreg [dreg:$0x2];
	[bflag:$0x3] =	sbarrier.arrive $0xFFFF;
	s2 =	simm.s32 @!p0 $0x1C02  }
0x105: {  	[timem:s3], [sflag:s2] =	dma.local @!p0 [hbm:s0], s1  }
0x106: {  	s0 =	simm.s32 @!p0 $0x2  }
0x107: {  	_ =	swait.ge @!p0 [sflag:s0], s1  }
0x108: {  	s1 =	ssub.s32 @!p0 $0x0, s1;
	[sflag:s0] =	ssyncset.done @!p0 $0x0  }
0x109: {  	[sflag:s0] =	ssyncadd.s32 @!p0 s1  }
0x10a: {  	[bflag:$0x3] =	sbarrier.arrive $0xFFFF  }
0x10b: {  	_ =	shalt  }

// kernel: kernel.3.cloned.1.call-start
scs
__scs_entry_jumppad:
0x0: {  	(pc) =	sbr.rel $0x88, $3  }
0x1: {  	(tag) =	ssettag $0x0;
	lr =	simm.s32 $0x1  }
0x2: {  	[smem:$0x3F9E] =	sst lr;
	_ =	strace $0xD0000000  }
0x3: {  	_ = 	snop  }
0x4: {  	_ = 	snop  }
0x5: {  	_ = 	snop  }
0x6: {  	_ = 	snop  }
0x7: {  	_ = 	snop  }
__scs_overlays_trampoline_lowered:
0x8: {  	[smem:$0x3FAD] =	sst s0  }
0x9: {  	[smem:$0x3FAE] =	sst s1  }
0xa: {  	[smem:$0x3FAF] =	sst s2  }
0xb: {  	[smem:$0x3FB0] =	sst s3  }
0xc: {  	[smem:$0x3FB1] =	sst s4  }
0xd: {  	[smem:$0x3FB2] =	sst s5  }
0xe: {  	[smem:$0x3FB3] =	sst s6  }
0xf: {  	[smem:$0x3FB4] =	sst s7  }
0x10: {  	[smem:$0x3FB5] =	sst s8  }
0x11: {  	[smem:$0x3FB6] =	sst s9;
	s0 =	simm.s32 @!p0 $0x0  }
0x12: {  	s1 =	sld [smem:$0x3F9C];
	s0 =	simm.s32 @p0 $0x1  }
0x13: {  	[smem:$0x3FB7] =	sst s0;
	s0 =	simm.s32 @!p1 $0x0  }
0x14: {  	s2 =	sld [smem:$0x3F9B];
	s0 =	simm.s32 @p1 $0x1  }
0x15: {  	[smem:$0x3FB8] =	sst s0;
	s0 =	simm.s32 @!p2 $0x0  }
0x16: {  	s3 =	sld [smem:$0x3FDB];
	s0 =	simm.s32 @p2 $0x1  }
0x17: {  	s4 =	simm.s32 $0x1BF5;
	[smem:$0x3FBA] =	sst s0  }
0x18: {  	s0 =	sld [smem:$0x3F9D];
	_ =	swait.ge [sflag:s4], $0x0  }
0x19: {  	s7 =	sld [smem:$0x3F9E]  }
0x1a: {  	s8 =	sadd.s32 $0xFFFFE003, lr  }
0x1b: {  	s9 =	sadd.s32 $0xFFFFFEF7, lr;
	s5 =	simm.s32 $0xFFFFFFFF;
	p2 =	slt.u32 s8, $0xFFFFF086  }
0x1c: {  	p1 =	slt.u32 s9, $0xF7A;
	s5 =	simm.s32 @!p2 $0x0  }
0x1d: {  	s5 =	simm.s32 @p1 $0x1;
	p0 =	seq.s32 s7, s2  }
0x1e: {  	s7 =	smul.u32 @!p0 $0xF7A, s2;
	p2 =	seq.s32 @!p0 s5, $0x0  }
0x1f: {  	s9 =	smul.u32 $0xF7A, s1;
	s8 =	simm.s32 @!p0 $0x1BF5;
	p2 =	por !p2, p0  }
0x20: {  	[sflag:s8] =	ssyncset.s32 @!p0 $0xFFFFF086;
	s6 =	sadd.s32 @!p0 s3, s7;
	s7 =	simm.s32 @!p0 $0x108  }
0x21: {  	s3 =	sadd.s32 s3, s9;
	s6 =	sadd.s32 @!p0 $0x88, s6;
	s7 =	simm.s32 @p2 $0x1082  }
0x22: {  	[simem:s7], [sflag:s8] =	dma.local @!p0 [hbm:s6], $0xF7A  }
0x23: {  	s9 =	sor.u32 $0xD0000000, s2;
	s6 =	simm.s32 $0x108;
	_ =	swait.ge @!p0 [sflag:s8], $0x0  }
0x24: {  	s3 =	sadd.s32 $0x88, s3;
	s6 =	simm.s32 @!p1 $0x1082;
	[sflag:s4] =	ssyncset.s32 $0xFFFFF086  }
0x25: {  	[simem:s6], [sflag:s4] =	dma.local [hbm:s3], $0xF7A  }
0x26: {  	[smem:$0x3F9E] =	sst s1;
	(tag) =	ssettag s2;
	_ =	strace s9  }
0x27: {  	s1 =	sld [smem:$0x3FAE]  }
0x28: {  	s2 =	sld [smem:$0x3FAF]  }
0x29: {  	s4 =	sld [smem:$0x3FB1]  }
0x2a: {  	p0 =	seq.s32 s5, $0x0;
	s5 =	sld [smem:$0x3FB2]  }
0x2b: {  	s6 =	sld [smem:$0x3FB3]  }
0x2c: {  	s7 =	sld [smem:$0x3FB4]  }
0x2d: {  	s3 =	simm.s32 $0x108;
	s8 =	sld [smem:$0x3FB5]  }
0x2e: {  	s3 =	simm.s32 @!p0 $0x1082;
	s9 =	sld [smem:$0x3FB6]  }
0x2f: {  	lr =	sadd.s32 s0, s3;
	s0 =	sld [smem:$0x3FAD]  }
0x30: {  	s3 =	sld [smem:$0x3FB0]  }
0x31: {  	[smem:$0x3FB9] =	sst s10  }
0x32: {  	s10 =	sld [smem:$0x3FB7];
	_ =	sdelay $0x3  }
0x33: {  	p0 =	seq.s32 s10, $0x1;
	s10 =	sld [smem:$0x3FB9];
	_ =	sdelay $0x3  }
0x34: {  	[smem:$0x3FB9] =	sst s10  }
0x35: {  	s10 =	sld [smem:$0x3FB8];
	_ =	sdelay $0x3  }
0x36: {  	p1 =	seq.s32 s10, $0x1;
	s10 =	sld [smem:$0x3FB9];
	_ =	sdelay $0x3  }
0x37: {  	[smem:$0x3FB9] =	sst s10  }
0x38: {  	s10 =	sld [smem:$0x3FBA]  }
0x39: {  	_ = 	snop;
	(pc) =	sbr.ind lr, $3  }
0x3a: {  	_ = 	snop  }
0x3b: {  	_ = 	snop  }
0x3c: {  	p2 =	seq.s32 s10, $0x1;
	s10 =	sld [smem:$0x3FB9]  }
0x3d: {  	_ =	shalt  }
0x3e: {  	_ =	shalt  }
0x3f: {  	_ =	shalt  }
0x40: {  	_ =	shalt  }
0x41: {  	_ =	shalt  }
0x42: {  	_ =	shalt  }
0x43: {  	_ =	shalt  }
0x44: {  	_ =	shalt  }
0x45: {  	_ =	shalt  }
0x46: {  	_ =	shalt  }
0x47: {  	_ =	shalt  }
0x48: {  	_ =	shalt  }
0x49: {  	_ =	shalt  }
0x4a: {  	_ =	shalt  }
0x4b: {  	_ =	shalt  }
0x4c: {  	_ =	shalt  }
0x4d: {  	_ =	shalt  }
0x4e: {  	_ =	shalt  }
0x4f: {  	_ =	shalt  }
0x50: {  	_ =	shalt  }
0x51: {  	_ =	shalt  }
0x52: {  	_ =	shalt  }
0x53: {  	_ =	shalt  }
0x54: {  	_ =	shalt  }
0x55: {  	_ =	shalt  }
0x56: {  	_ =	shalt  }
0x57: {  	_ =	shalt  }
0x58: {  	_ =	shalt  }
0x59: {  	_ =	shalt  }
0x5a: {  	_ =	shalt  }
0x5b: {  	_ =	shalt  }
0x5c: {  	_ =	shalt  }
0x5d: {  	_ =	shalt  }
0x5e: {  	_ =	shalt  }
0x5f: {  	_ =	shalt  }
0x60: {  	_ =	shalt  }
0x61: {  	_ =	shalt  }
0x62: {  	_ =	shalt  }
0x63: {  	_ =	shalt  }
0x64: {  	_ =	shalt  }
0x65: {  	_ =	shalt  }
0x66: {  	_ =	shalt  }
0x67: {  	_ =	shalt  }
0x68: {  	_ =	shalt  }
0x69: {  	_ =	shalt  }
0x6a: {  	_ =	shalt  }
0x6b: {  	_ =	shalt  }
0x6c: {  	_ =	shalt  }
0x6d: {  	_ =	shalt  }
0x6e: {  	_ =	shalt  }
0x6f: {  	_ =	shalt  }
0x70: {  	_ =	shalt  }
0x71: {  	_ =	shalt  }
0x72: {  	_ =	shalt  }
0x73: {  	_ =	shalt  }
0x74: {  	_ =	shalt  }
0x75: {  	_ =	shalt  }
0x76: {  	_ =	shalt  }
0x77: {  	_ =	shalt  }
0x78: {  	_ =	shalt  }
0x79: {  	_ =	shalt  }
0x7a: {  	_ =	shalt  }
0x7b: {  	_ =	shalt  }
0x7c: {  	_ =	shalt  }
0x7d: {  	_ =	shalt  }
0x7e: {  	_ =	shalt  }
0x7f: {  	_ =	shalt  }
0x80: {  	_ =	shalt  }
0x81: {  	_ =	shalt  }
0x82: {  	_ =	shalt  }
0x83: {  	_ =	shalt  }
0x84: {  	_ =	shalt  }
0x85: {  	_ =	shalt  }
0x86: {  	_ =	shalt  }
0x87: {  	_ =	shalt  }
.Lfunc_end0:
.L_simem_size_0:
called_computation.3_lowered:
.L_overlay_start_0:
0x88: {  	s2 =	sld [smem:$0x3FD9]  }
0x89: {  	s3 =	sld [smem:$0x3FFE];
	_ =	sdelay $0x1  }
0x8a: {  	s1 =	srdreg.scid  }
0x8b: {  	s0 =	sand.u32 $0x1, s1  }
0x8c: {  	s16 =	sshll.u32 s0, $0xA;
	s2 =	sadd.s32 s3, s2  }
0x8d: {  	s2 =	sadd.s32 s2, s16  }
0x8e: {  	[smem:$0x3FC5] =	sst s2  }
0x8f: {  	_ = 	snop  }
0x90: {  	(tm) =	ssettm $0x1  }
0x91: {  	s17 =	sld [smem:$0x3FFB];
	_ =	sdelay $0x3  }
0x92: {  	_ =	strace s17  }
0x93: {  	s2 =	sld [smem:$0x3FFC];
	_ =	sdelay $0x3  }
0x94: {  	_ =	strace s2  }
0x95: {  	s2 =	sld [smem:$0x3FFD];
	_ =	sdelay $0x3  }
0x96: {  	_ =	strace s2  }
0x97: {  	_ =	strace $0x8FFFFFFF  }
0x98: {  	s18 =	sld [smem:$0x3FDB];
	_ =	sdelay $0x1  }
0x99: {  	s19 =	simm.s32 $_scs_section_size  }
0x9a: {  	s4 =	simm.s32 $_size__tile_overlayer_lowered;
	s5 =	simm.s32 $_tile_overlayer_lowered  }
0x9b: {  	s22 =	simm.s32 $0x1BFF;
	s21 =	sshll.u32 s5, $0x1;
	s2 =	sadd.s32 s19, s18  }
0x9c: {  	s6 =	simm.s32 $0x0;
	s20 =	sshll.u32 s4, $0x1;
	s4 =	sadd.s32 s21, s2  }
0x9d: {  	[timem:s6], [sflag:s22] =	dma.local [hbm:s4], s20  }
0x9e: {  	_ =	swait.ge [sflag:s22], s20  }
0x9f: {  	s3 =	ssub.s32 $0x0, s20;
	[sflag:s22] =	ssyncset.done $0x0  }
0xa0: {  	[sflag:s22] =	ssyncadd.s32 s3;
	_ =	sdelay $0x1  }
0xa1: {  	s23 =	simm.s32 $0x1B8B  }
0xa2: {  	_ =	swait.ge [sflag:s23], $0x1  }
0xa3: {  	[sflag:s23] =	ssyncset.done $0x0  }
0xa4: {  	s25 =	simm.s32 $0x1B8E;
	s24 =	sld [smem:$0x3FFE];
	[sflag:s23] =	ssyncadd.s32 $0xFFFFFFFF  }
0xa5: {  	s26 =	simm.s32 $execute0_lowered;
	[smem:$0x3FD2] =	sst s25  }
0xa6: {  	s4 =	sshll.u32 s26, $0x1;
	_ =	strace $0x8000004C;
	[dreg:$0x1] =	wrdreg $0xFFFFFFFF  }
0xa7: {  	s28 =	simm.s32 $_size_execute0_lowered;
	s2 =	sadd.s32 s2, s4;
	[dreg:$0x0] =	wrdreg $0x0  }
0xa8: {  	s4 =	sshll.u32 s28, $0x1;
	[dreg:$0x2] =	wrdreg s2  }
0xa9: {  	[dreg:$0x3] =	wrdreg s4  }
0xaa: {  	[dreg:$0x4] =	wrdreg $0xC0  }
0xab: {  	_ =	task [dreg:s6], $0x5FFFF  }
0xac: {  	[dreg:$0x1] =	wrdreg $0xFFFFFFFF  }
0xad: {  	[dreg:$0x0] =	wrdreg $0x60  }
0xae: {  	[dreg:$0x2] =	wrdreg s24  }
0xaf: {  	[dreg:$0x3] =	wrdreg $0x9  }
0xb0: {  	_ =	task.clear_ibuf [dreg:s6], $0x4FFFF;
	_ =	strace $0x9000004C  }
0xb1: {  	s29 =	simm.s32 $0x9;
	_ =	strace $0x8000004E  }
0xb2: {  	_ =	swait.ge [sflag:s29], $0x1  }
0xb3: {  	[sflag:s29] =	ssyncadd.s32 $0xFFFFFFFF  }
0xb4: {  	_ =	strace $0x9000004E  }
0xb5: {  	_ =	sfence  }
0xb6: {  	s30 =	sld [smem:$0x0];
	_ =	sdelay $0x2  }
0xb7: {  	s31 =	sshll.u32 s1, $0xD;
	s1 =	sshrl.u32 s1, $0x2  }
0xb8: {  	s3 =	sand.u32 $0x4000, s31;
	s1 =	sadd.s32 s1, s30  }
0xb9: {  	s0 =	sor.u32 s3, s0;
	s1 =	sshll.u32 s1, $0x11  }
0xba: {  	s0 =	sor.u32 s1, s0  }
0xbb: {  	s0 =	sadd.s32 $0x8F2B, s0  }
0xbc: {  	[sflag:s0] =	ssyncadd.remote.s32 $0x1  }
0xbd: {  	_ =	sfence.sel $0xFFFF  }
0xbe: {  	[dreg:$0x0] =	wrdreg $0xFFFFFFFF;
	(pc) =	sbr.abs _section_cstart, $3  }
0xbf: {  	[dreg:$0x1] =	wrdreg $0xFFFFFFFF  }
0xc0: {  	_ =	task.clear_ibuf [dreg:s6], $0x2FFFF;
	_ =	strace $0x9FFFFFFF  }
0xc1: {  	(tm) =	ssettm $0x7FFFFFFF  }
tec
execute0_lowered:
.L_overlay_start_1:
0x0: {  	(tag) =	ssettag $0x1  }
0x1: {  	s0 =	rddreg [dreg:$0x0]  }
0x2: {  	s2 =	simm.s32 $0x0;
	s1 =	srdreg.scid;
	s5 =	stileid.u32  }
0x3: {  	[smem:$0x7FF] =	sst s2;
	s1 =	sand.u32 $0x1, s1;
	s4 =	sshll.u32 s5, $0x1  }
0x4: {  	s3 =	sadd.s32 $0x600, s0;
	s8 =	sshrl.u32 s5, $0x1;
	s5 =	sadd.s32 $0x500600, s0  }
0x5: {  	s28 =	sadd.s32 $0x4C0600, s0;
	_ =	strace $0x8000004D;
	s4 =	sor.u32 s1, s4  }
0x6: {  	s6 =	smul.u32 $0x4C0000, s8;
	s9 =	ssub.s32 $0x2, s1;
	s7 =	sshll.u32 s4, $0x1  }
0x7: {  	s4 =	sshll.u32 s4, $0x10;
	s21 =	sshrl.u32 s9, $0x1;
	s0 =	sadd.s32 s7, s0  }
0x8: {  	s1 =	sand.u32 $0x30000, s4;
	s20 =	sadd.s32 $0x40000, s6;
	s4 =	ssub.s32 s9, s21  }
0x9: {  	s26 =	sadd.s32 $0x80000, s6;
	s18 =	sadd.s32 $0x140000, s6;
	s21 =	sadd.s32 $0x1C0000, s6  }
0xa: {  	s29 =	sadd.s32 $0x2C0000, s6;
	s30 =	sadd.s32 $0x300000, s6;
	[dreg:$0x2] =	wrdreg s20  }
0xb: {  	s31 =	sadd.s32 $0x340000, s6;
	s10 =	sor.u32 s6, s1;
	[dreg:$0x5] =	wrdreg s26  }
0xc: {  	s11 =	sor.u32 s20, s1;
	s7 =	sor.u32 s26, s1;
	[dreg:$0xb] =	wrdreg s18  }
0xd: {  	s19 =	sor.u32 s18, s1;
	s20 =	sadd.s32 $0x180000, s6;
	s18 =	smov.u32 s21  }
0xe: {  	s22 =	sshrl.u32 s10, $0x3;
	s23 =	sshrl.u32 s11, $0x3;
	s10 =	sadd.s32 $0xC0000, s6  }
0xf: {  	s11 =	sadd.s32 $0x100000, s6;
	s9 =	sshrl.u32 s7, $0x3;
	[dreg:$0xf] =	wrdreg s20  }
0x10: {  	s7 =	sor.u32 s29, s1;
	s24 =	sadd.s32 s3, s22;
	[dreg:$0x6] =	wrdreg s10  }
0x11: {  	s25 =	sadd.s32 s3, s23;
	s13 =	sor.u32 s10, s1;
	[dreg:$0xa] =	wrdreg s11  }
0x12: {  	s14 =	sor.u32 s11, s1;
	s12 =	sadd.s32 s3, s9;
	[dreg:$0x3] =	wrdreg s24  }
0x13: {  	s9 =	sshrl.u32 s19, $0x3;
	s22 =	sor.u32 s20, s1;
	[dreg:$0x4] =	wrdreg s25  }
0x14: {  	s23 =	sor.u32 s21, s1;
	[dreg:$0x7] =	wrdreg s12;
	s13 =	sshrl.u32 s13, $0x3  }
0x15: {  	s15 =	sshrl.u32 s14, $0x3;
	s24 =	sadd.s32 s3, s9;
	s25 =	sshrl.u32 s22, $0x3  }
0x16: {  	s26 =	sshrl.u32 s23, $0x3;
	s12 =	sadd.s32 $0x200000, s6;
	s14 =	sadd.s32 $0x240000, s6  }
0x17: {  	s16 =	sadd.s32 s3, s13;
	s17 =	sadd.s32 s3, s15;
	[dreg:$0xc] =	wrdreg s24  }
0x18: {  	s10 =	sadd.s32 s3, s25;
	s11 =	sadd.s32 s3, s26;
	[dreg:$0x8] =	wrdreg s16  }
0x19: {  	s23 =	smov.u32 s12;
	s13 =	sor.u32 s12, s1;
	[dreg:$0x9] =	wrdreg s17  }
0x1a: {  	s15 =	sadd.s32 $0x280000, s6;
	s24 =	smov.u32 s14;
	[dreg:$0xd] =	wrdreg s10  }
0x1b: {  	[dreg:$0xe] =	wrdreg s11;
	s9 =	sshrl.u32 s13, $0x3;
	s16 =	sor.u32 s14, s1  }
0x1c: {  	s22 =	smov.u32 s15;
	s17 =	sor.u32 s15, s1;
	s10 =	sor.u32 s30, s1  }
0x1d: {  	s11 =	sor.u32 s31, s1;
	s19 =	sadd.s32 s3, s9;
	s20 =	sshrl.u32 s16, $0x3  }
0x1e: {  	s21 =	sshrl.u32 s17, $0x3;
	[dreg:$0x10] =	wrdreg s19;
	s25 =	sadd.s32 s3, s20  }
0x1f: {  	s9 =	sshrl.u32 s7, $0x3;
	s26 =	sadd.s32 s3, s21;
	[dreg:$0x11] =	wrdreg s25  }
0x20: {  	s13 =	sshrl.u32 s10, $0x3;
	s12 =	sadd.s32 s3, s9;
	[dreg:$0x12] =	wrdreg s26  }
0x21: {  	s14 =	sshrl.u32 s11, $0x3;
	s15 =	sadd.s32 s3, s13;
	[dreg:$0x13] =	wrdreg s12  }
0x22: {  	s16 =	sadd.s32 s3, s14;
	s9 =	sadd.s32 $0x380000, s6;
	[dreg:$0x14] =	wrdreg s15  }
0x23: {  	s13 =	sadd.s32 $0x3C0000, s6;
	s14 =	sadd.s32 $0x400000, s6;
	[dreg:$0x15] =	wrdreg s16  }
0x24: {  	s15 =	sor.u32 s9, s1;
	s19 =	sor.u32 s13, s1;
	s20 =	sor.u32 s14, s1  }
0x25: {  	s15 =	sshrl.u32 s15, $0x3;
	s21 =	sshrl.u32 s19, $0x3;
	s19 =	sadd.s32 $0x540800, s0  }
0x26: {  	s16 =	smov.u32 s6;
	s17 =	sadd.s32 s3, s15;
	[smem:$0x7FB] =	sst s19  }
0x27: {  	s25 =	sshrl.u32 s20, $0x3;
	s26 =	sadd.s32 s3, s21;
	[dreg:$0x16] =	wrdreg s17  }
0x28: {  	s10 =	sadd.s32 s3, s25;
	s21 =	sadd.s32 $0x440000, s6;
	[dreg:$0x17] =	wrdreg s26  }
0x29: {  	s25 =	sshll.u32 s8, $0x12;
	s15 =	sadd.s32 $0x540A00, s0;
	[dreg:$0x18] =	wrdreg s10  }
0x2a: {  	s0 =	sadd.s32 $0x540600, s0;
	s11 =	sor.u32 s21, s1;
	[dreg:$0x1f] =	wrdreg s15  }
0x2b: {  	s26 =	sadd.s32 $0x480000, s6;
	s17 =	sor.u32 s25, s1;
	[smem:$0x7FC] =	sst s0  }
0x2c: {  	s8 =	sshrl.u32 s11, $0x3;
	s12 =	sor.u32 s26, s1;
	s11 =	sor.u32 $0x800, s1  }
0x2d: {  	s7 =	sshrl.u32 s17, $0x3;
	s1 =	sor.u32 $0x1000, s1;
	[dreg:$0x1d] =	wrdreg s11  }
0x2e: {  	s20 =	sadd.s32 s3, s8;
	s6 =	sshrl.u32 s12, $0x3;
	[dreg:$0x1e] =	wrdreg s1  }
0x2f: {  	s12 =	smov.u32 s5;
	s5 =	sadd.s32 s5, s7;
	[dreg:$0x19] =	wrdreg s20  }
0x30: {  	s17 =	smov.u32 s28;
	s10 =	sadd.s32 s28, s7;
	[dreg:$0x1b] =	wrdreg s5  }
0x31: {  	s28 =	simm.s32 $0x2;
	s8 =	sadd.s32 s3, s6;
	[dreg:$0x1c] =	wrdreg s10  }
0x32: {  	s20 =	smax.u32 s4, $0x1;
	s4 =	simm.s32 $0x0;
	[dreg:$0x1a] =	wrdreg s8  }
0x33: {  	v0 =	vlaneseq.u32;
	v1 =	vimm.s32 $0x0;
	[smem:$0x7FD] =	sst s20;
	s8 =	simm.s32 $0x9800;
	s20 =	simm.s32 $0x1  }
.LBB2_1:
0x34: {  	[smem:$0x7FA] =	sst s4  }
0x35: {  	s0 =	rddreg [dreg:$0x3]  }
0x36: {  	[tilespmem:s2], [sflag:$0x1] =	stream.linear.gather [hbm4b:s0+s2], $0x800, $0x38;
	[tilespmem:$0x15030] =	vst v63  }
0x37: {  	s5 =	rddreg [dreg:$0x4];
	s1 =	simm.s32 $0x800  }
0x38: {  	[tilespmem:s1], [sflag:$0x1] =	stream.linear.gather [hbm4b:s5+s2], $0x800, $0x38;
	[tilespmem:$0x15030] =	vst v63  }
0x39: {  	s6 =	rddreg [dreg:$0x7];
	s7 =	simm.s32 $0x1000  }
0x3a: {  	[tilespmem:s7], [sflag:$0x1] =	stream.linear.gather [hbm4b:s6+s2], $0x800, $0x38;
	[tilespmem:$0x15030] =	vst v63  }
0x3b: {  	s10 =	rddreg [dreg:$0x8];
	s11 =	simm.s32 $0x1800  }
0x3c: {  	[tilespmem:s11], [sflag:$0x1] =	stream.linear.gather [hbm4b:s10+s2], $0x800, $0x38;
	[tilespmem:$0x15030] =	vst v63  }
0x3d: {  	s15 =	rddreg [dreg:$0x9];
	s19 =	simm.s32 $0x2000  }
0x3e: {  	[tilespmem:s19], [sflag:$0x1] =	stream.linear.gather [hbm4b:s15+s2], $0x800, $0x38;
	[tilespmem:$0x15030] =	vst v63  }
0x3f: {  	s4 =	rddreg [dreg:$0xc];
	s5 =	simm.s32 $0x2800  }
0x40: {  	[tilespmem:s5], [sflag:$0x1] =	stream.linear.gather [hbm4b:s4+s2], $0x800, $0x38;
	[tilespmem:$0x15030] =	vst v63  }
0x41: {  	s6 =	rddreg [dreg:$0xd];
	s7 =	simm.s32 $0x3000  }
0x42: {  	[tilespmem:s7], [sflag:$0x1] =	stream.linear.gather [hbm4b:s6+s2], $0x800, $0x38;
	[tilespmem:$0x15030] =	vst v63  }
0x43: {  	s10 =	rddreg [dreg:$0xe];
	s11 =	simm.s32 $0x3800  }
0x44: {  	[tilespmem:s11], [sflag:$0x1] =	stream.linear.gather [hbm4b:s10+s2], $0x800, $0x38;
	[tilespmem:$0x15030] =	vst v63  }
0x45: {  	s15 =	rddreg [dreg:$0x10];
	s19 =	simm.s32 $0x4000  }
0x46: {  	[tilespmem:s19], [sflag:$0x1] =	stream.linear.gather [hbm4b:s15+s2], $0x800, $0x38;
	[tilespmem:$0x15030] =	vst v63  }
0x47: {  	s4 =	rddreg [dreg:$0x11];
	s5 =	simm.s32 $0x4800  }
0x48: {  	[tilespmem:s5], [sflag:$0x1] =	stream.linear.gather [hbm4b:s4+s2], $0x800, $0x38;
	[tilespmem:$0x15030] =	vst v63  }
0x49: {  	s6 =	rddreg [dreg:$0x12];
	s7 =	simm.s32 $0x5000  }
0x4a: {  	[tilespmem:s7], [sflag:$0x1] =	stream.linear.gather [hbm4b:s6+s2], $0x800, $0x38;
	[tilespmem:$0x15030] =	vst v63  }
0x4b: {  	s10 =	rddreg [dreg:$0x13];
	s11 =	simm.s32 $0x5800  }
0x4c: {  	[tilespmem:s11], [sflag:$0x1] =	stream.linear.gather [hbm4b:s10+s2], $0x800, $0x38;
	[tilespmem:$0x15030] =	vst v63  }
0x4d: {  	s15 =	rddreg [dreg:$0x14];
	s19 =	simm.s32 $0x6000  }
0x4e: {  	[tilespmem:s19], [sflag:$0x1] =	stream.linear.gather [hbm4b:s15+s2], $0x800, $0x38;
	[tilespmem:$0x15030] =	vst v63  }
0x4f: {  	s4 =	rddreg [dreg:$0x15];
	s5 =	simm.s32 $0x6800  }
0x50: {  	[tilespmem:s5], [sflag:$0x1] =	stream.linear.gather [hbm4b:s4+s2], $0x800, $0x38;
	[tilespmem:$0x15030] =	vst v63  }
0x51: {  	s6 =	rddreg [dreg:$0x16];
	s7 =	simm.s32 $0x7000  }
0x52: {  	[tilespmem:s7], [sflag:$0x1] =	stream.linear.gather [hbm4b:s6+s2], $0x800, $0x38;
	[tilespmem:$0x15030] =	vst v63  }
0x53: {  	s10 =	rddreg [dreg:$0x17];
	s11 =	simm.s32 $0x7800  }
0x54: {  	[tilespmem:s11], [sflag:$0x1] =	stream.linear.gather [hbm4b:s10+s2], $0x800, $0x38;
	[tilespmem:$0x15030] =	vst v63  }
0x55: {  	s15 =	rddreg [dreg:$0x18];
	s19 =	simm.s32 $0x8000  }
0x56: {  	[tilespmem:s19], [sflag:$0x1] =	stream.linear.gather [hbm4b:s15+s2], $0x800, $0x38;
	[tilespmem:$0x15030] =	vst v63  }
0x57: {  	s4 =	rddreg [dreg:$0x19];
	s5 =	simm.s32 $0x8800  }
0x58: {  	[tilespmem:s5], [sflag:$0x1] =	stream.linear.gather [hbm4b:s4+s2], $0x800, $0x38;
	[tilespmem:$0x15030] =	vst v63  }
0x59: {  	s6 =	rddreg [dreg:$0x1a];
	s7 =	simm.s32 $0x9000  }
0x5a: {  	[tilespmem:s7], [sflag:$0x1] =	stream.linear.gather [hbm4b:s6+s2], $0x800, $0x38;
	[tilespmem:$0x15030] =	vst v63  }
0x5b: {  	s10 =	rddreg [dreg:$0x1b];
	s11 =	simm.s32 $0x13000  }
0x5c: {  	[tilespmem:s11], [sflag:$0x1] =	stream.linear.gather [hbm4b:s10+s2], $0x800, $0x38;
	[tilespmem:$0x15030] =	vst v63  }
0x5d: {  	s0 =	simm.s32 $0x0;
	s15 =	rddreg [dreg:$0x1c];
	s19 =	simm.s32 $0x14000  }
0x5e: {  	v3 =	vimm.f32 $0.0e+00;
	v4 =	vimm.s32 $0x0;
	v2 =	vimm.s32 $0x0;
	[tilespmem:s19], [sflag:$0x1] =	stream.linear.gather [hbm4b:s15+s2], $0x800, $0x38;
	[tilespmem:$0x15030] =	vst v63  }
.LBB2_2:
0x5f: {  	s1 =	sshll.u32 s0, $0xC;
	s4 =	rddreg [dreg:$0x1d]  }
0x60: {  	s1 =	sadd.s32 s4, s1  }
0x61: {  	s4 =	sor.u32 s16, s1  }
0x62: {  	s4 =	sshrl.u32 s4, $0x3  }
0x63: {  	s5 =	rddreg [dreg:$0x2];
	s4 =	sadd.s32 s3, s4  }
0x64: {  	[tilespmem:s8], [sflag:$0x2] =	stream.linear.gather [hbm4b:s4+s2], $0x800, $0x38;
	[tilespmem:$0x15030] =	vst v63  }
0x65: {  	s4 =	sor.u32 s5, s1  }
0x66: {  	s4 =	sshrl.u32 s4, $0x3  }
0x67: {  	s6 =	rddreg [dreg:$0x5];
	s5 =	simm.s32 $0xA000;
	s4 =	sadd.s32 s3, s4  }
0x68: {  	[tilespmem:s5], [sflag:$0x2] =	stream.linear.gather [hbm4b:s4+s2], $0x800, $0x38;
	[tilespmem:$0x15030] =	vst v63  }
0x69: {  	s4 =	sor.u32 s6, s1  }
0x6a: {  	s4 =	sshrl.u32 s4, $0x3  }
0x6b: {  	s7 =	simm.s32 $0xA800;
	s10 =	rddreg [dreg:$0x6];
	s4 =	sadd.s32 s3, s4  }
0x6c: {  	[tilespmem:s7], [sflag:$0x2] =	stream.linear.gather [hbm4b:s4+s2], $0x800, $0x38;
	[tilespmem:$0x15030] =	vst v63  }
0x6d: {  	s4 =	sor.u32 s10, s1  }
0x6e: {  	s4 =	sshrl.u32 s4, $0x3  }
0x6f: {  	s11 =	simm.s32 $0xB000;
	s15 =	rddreg [dreg:$0xa];
	s4 =	sadd.s32 s3, s4  }
0x70: {  	[tilespmem:s11], [sflag:$0x2] =	stream.linear.gather [hbm4b:s4+s2], $0x800, $0x38;
	[tilespmem:$0x15030] =	vst v63  }
0x71: {  	s4 =	sor.u32 s15, s1  }
0x72: {  	s4 =	sshrl.u32 s4, $0x3  }
0x73: {  	s19 =	simm.s32 $0xB800;
	s6 =	rddreg [dreg:$0xb];
	s4 =	sadd.s32 s3, s4  }
0x74: {  	[tilespmem:s19], [sflag:$0x2] =	stream.linear.gather [hbm4b:s4+s2], $0x800, $0x38;
	[tilespmem:$0x15030] =	vst v63  }
0x75: {  	s4 =	sor.u32 s6, s1  }
0x76: {  	s4 =	sshrl.u32 s4, $0x3  }
0x77: {  	s7 =	simm.s32 $0xC000;
	s10 =	rddreg [dreg:$0xf];
	s4 =	sadd.s32 s3, s4  }
0x78: {  	[tilespmem:s7], [sflag:$0x2] =	stream.linear.gather [hbm4b:s4+s2], $0x800, $0x38;
	[tilespmem:$0x15030] =	vst v63  }
0x79: {  	s4 =	sor.u32 s10, s1  }
0x7a: {  	s4 =	sshrl.u32 s4, $0x3  }
0x7b: {  	s11 =	simm.s32 $0xC800;
	s15 =	sor.u32 s18, s1;
	s4 =	sadd.s32 s3, s4  }
0x7c: {  	[tilespmem:s11], [sflag:$0x2] =	stream.linear.gather [hbm4b:s4+s2], $0x800, $0x38;
	[tilespmem:$0x15030] =	vst v63  }
0x7d: {  	s4 =	sshrl.u32 s15, $0x3  }
0x7e: {  	s19 =	simm.s32 $0xD000;
	s6 =	sor.u32 s23, s1;
	s4 =	sadd.s32 s3, s4  }
0x7f: {  	[tilespmem:s19], [sflag:$0x2] =	stream.linear.gather [hbm4b:s4+s2], $0x800, $0x38;
	[tilespmem:$0x15030] =	vst v63  }
0x80: {  	s4 =	sshrl.u32 s6, $0x3  }
0x81: {  	s7 =	simm.s32 $0xD800;
	s10 =	sor.u32 s24, s1;
	s4 =	sadd.s32 s3, s4  }
0x82: {  	[tilespmem:s7], [sflag:$0x2] =	stream.linear.gather [hbm4b:s4+s2], $0x800, $0x38;
	[tilespmem:$0x15030] =	vst v63  }
0x83: {  	s4 =	sshrl.u32 s10, $0x3  }
0x84: {  	s11 =	simm.s32 $0xE000;
	s15 =	sor.u32 s22, s1;
	s4 =	sadd.s32 s3, s4  }
0x85: {  	[tilespmem:s11], [sflag:$0x2] =	stream.linear.gather [hbm4b:s4+s2], $0x800, $0x38;
	[tilespmem:$0x15030] =	vst v63  }
0x86: {  	s4 =	sshrl.u32 s15, $0x3  }
0x87: {  	s19 =	simm.s32 $0xE800;
	s6 =	sor.u32 s29, s1;
	s4 =	sadd.s32 s3, s4  }
0x88: {  	[tilespmem:s19], [sflag:$0x2] =	stream.linear.gather [hbm4b:s4+s2], $0x800, $0x38;
	[tilespmem:$0x15030] =	vst v63  }
0x89: {  	s4 =	sshrl.u32 s6, $0x3  }
0x8a: {  	s7 =	simm.s32 $0xF000;
	s10 =	sor.u32 s30, s1;
	s4 =	sadd.s32 s3, s4  }
0x8b: {  	[tilespmem:s7], [sflag:$0x2] =	stream.linear.gather [hbm4b:s4+s2], $0x800, $0x38;
	[tilespmem:$0x15030] =	vst v63  }
0x8c: {  	s4 =	sshrl.u32 s10, $0x3  }
0x8d: {  	s11 =	simm.s32 $0xF800;
	s15 =	sor.u32 s31, s1;
	s4 =	sadd.s32 s3, s4  }
0x8e: {  	[tilespmem:s11], [sflag:$0x2] =	stream.linear.gather [hbm4b:s4+s2], $0x800, $0x38;
	[tilespmem:$0x15030] =	vst v63  }
0x8f: {  	s4 =	sshrl.u32 s15, $0x3  }
0x90: {  	s19 =	simm.s32 $0x10000;
	s6 =	sor.u32 s9, s1;
	s4 =	sadd.s32 s3, s4  }
0x91: {  	[tilespmem:s19], [sflag:$0x2] =	stream.linear.gather [hbm4b:s4+s2], $0x800, $0x38;
	[tilespmem:$0x15030] =	vst v63  }
0x92: {  	s4 =	sshrl.u32 s6, $0x3  }
0x93: {  	s7 =	simm.s32 $0x10800;
	s10 =	sor.u32 s13, s1;
	s4 =	sadd.s32 s3, s4  }
0x94: {  	[tilespmem:s7], [sflag:$0x2] =	stream.linear.gather [hbm4b:s4+s2], $0x800, $0x38;
	[tilespmem:$0x15030] =	vst v63  }
0x95: {  	s4 =	sshrl.u32 s10, $0x3  }
0x96: {  	s11 =	simm.s32 $0x11000;
	s15 =	sor.u32 s14, s1;
	s4 =	sadd.s32 s3, s4  }
0x97: {  	[tilespmem:s11], [sflag:$0x2] =	stream.linear.gather [hbm4b:s4+s2], $0x800, $0x38;
	[tilespmem:$0x15030] =	vst v63  }
0x98: {  	s4 =	sshrl.u32 s15, $0x3  }
0x99: {  	s19 =	simm.s32 $0x11800;
	s6 =	sor.u32 s21, s1;
	s4 =	sadd.s32 s3, s4  }
0x9a: {  	[tilespmem:s19], [sflag:$0x2] =	stream.linear.gather [hbm4b:s4+s2], $0x800, $0x38;
	[tilespmem:$0x15030] =	vst v63  }
0x9b: {  	s4 =	sshrl.u32 s6, $0x3  }
0x9c: {  	s7 =	simm.s32 $0x12000;
	s10 =	sor.u32 s26, s1;
	s4 =	sadd.s32 s3, s4  }
0x9d: {  	[tilespmem:s7], [sflag:$0x2] =	stream.linear.gather [hbm4b:s4+s2], $0x800, $0x38;
	[tilespmem:$0x15030] =	vst v63  }
0x9e: {  	s1 =	sor.u32 s25, s1;
	s4 =	sshrl.u32 s10, $0x3  }
0x9f: {  	s1 =	sshrl.u32 s1, $0x3;
	s11 =	simm.s32 $0x12800;
	s4 =	sadd.s32 s3, s4  }
0xa0: {  	[tilespmem:s11], [sflag:$0x2] =	stream.linear.gather [hbm4b:s4+s2], $0x800, $0x38;
	[tilespmem:$0x15030] =	vst v63  }
0xa1: {  	s15 =	sadd.s32 s12, s1;
	s19 =	simm.s32 $0x13800  }
0xa2: {  	[tilespmem:s19], [sflag:$0x2] =	stream.linear.gather [hbm4b:s15+s2], $0x800, $0x38;
	[tilespmem:$0x15030] =	vst v63  }
0xa3: {  	s1 =	sadd.s32 s17, s1;
	s6 =	simm.s32 $0x14800  }
0xa4: {  	[tilespmem:s6], [sflag:$0x2] =	stream.linear.gather [hbm4b:s1+s2], $0x800, $0x38;
	[tilespmem:$0x15030] =	vst v63  }
0xa5: {  	_ =	swait.ge [sflag:s20], $0x9800  }
0xa6: {  	[sflag:s20] =	ssyncset.done $0x0  }
0xa7: {  	[sflag:s20] =	ssyncadd.s32 $0xFFFF6800  }
0xa8: {  	_ =	swait.ge [sflag:s20], $0x800  }
0xa9: {  	[sflag:s20] =	ssyncset.done $0x0  }
0xaa: {  	[sflag:s20] =	ssyncadd.s32 $0xFFFFF800  }
0xab: {  	_ =	swait.ge [sflag:s20], $0x800  }
0xac: {  	[sflag:s20] =	ssyncset.done $0x0  }
0xad: {  	s7 =	simm.s32 $0x13040;
	[sflag:s20] =	ssyncadd.s32 $0xFFFFF800  }
0xae: {  	v5 =	vld [tilespmem:s7+$0xFFFFFFD0]  }
0xaf: {  	v6 =	vld [tilespmem:s7+$0xFFFFFFF0]  }
0xb0: {  	v7 =	vld [tilespmem:s7+$0xFFFFFFC0]  }
0xb1: {  	v8 =	vld [tilespmem:s7+$0xFFFFFFE0]  }
0xb2: {  	v10 =	vld [tilespmem:s7+$0x10]  }
0xb3: {  	v11 =	vld [tilespmem:s7+$0x0]  }
0xb4: {  	v12 =	vld [tilespmem:s7+$0x20]  }
0xb5: {  	vm7 =	vne.s32 v5, $0xFF;
	v5 =	vshll.u32 v5, $0xB  }
0xb6: {  	v9 =	vshll.u32 v6, $0xB;
	vm4 =	vne.s32 v7, $0xFF;
	vm6 =	vne.s32 v6, $0xFF  }
0xb7: {  	vm1 =	vne.s32 v8, $0xFF;
	v8 =	vshll.u32 v8, $0xB;
	v7 =	vshll.u32 v7, $0xB  }
0xb8: {  	vm2 =	vne.s32 v10, $0xFF;
	v10 =	vshll.u32 v10, $0xB;
	vm3 =	vne.s32 v11, $0xFF  }
0xb9: {  	s10 =	simm.s32 $0x10;
	v11 =	vshll.u32 v11, $0xB;
	vm5 =	vne.s32 v12, $0xFF;
	v5 =	vnsel vm7, $0x0, v5  }
0xba: {  	s5 =	simm.s32 $0x14040;
	s11 =	simm.s32 $0x30;
	v12 =	vshll.u32 v12, $0xB;
	v9 =	vnsel vm6, $0x0, v9;
	v5 =	vor.u32 s10, v5  }
0xbb: {  	s15 =	simm.s32 $0x20;
	v13 =	vld [tilespmem:s5+$0xFFFFFFD0];
	v8 =	vnsel vm1, $0x0, v8;
	v9 =	vor.u32 s11, v9;
	v5 =	vor.u32 v0, v5  }
0xbc: {  	s19 =	simm.s32 $0x0;
	v6 =	vld [tilespmem:s7+$0x30];
	v7 =	vnsel vm4, $0x0, v7;
	v8 =	vor.u32 s15, v8;
	v9 =	vor.u32 v0, v9  }
0xbd: {  	s6 =	simm.s32 $0x50;
	v14 =	vld [tilespmem:s5+$0xFFFFFFF0];
	v10 =	vnsel vm2, $0x0, v10;
	v7 =	vor.u32 s19, v7;
	v8 =	vor.u32 v0, v8  }
0xbe: {  	v17 =	vld [tilespmem:s5+$0xFFFFFFC0];
	s7 =	simm.s32 $0x40;
	v11 =	vnsel vm3, $0x0, v11;
	v10 =	vor.u32 s6, v10;
	v7 =	vor.u32 v0, v7  }
0xbf: {  	v18 =	vld [tilespmem:s5+$0xFFFFFFE0];
	v12 =	vnsel vm5, $0x0, v12;
	v11 =	vor.u32 s7, v11;
	s11 =	simm.s32 $0x60;
	v10 =	vor.u32 v0, v10  }
0xc0: {  	v11 =	vor.u32 v0, v11;
	v12 =	vor.u32 s11, v12;
	v5 =	vld.idx.msk [tilespmem:v5+s2+$0x0], $0xffff  }
0xc1: {  	v12 =	vor.u32 v0, v12;
	vm0 =	vne.s32 v6, $0xFF;
	v6 =	vshll.u32 v6, $0xB;
	v9 =	vld.idx.msk [tilespmem:v9+s2+$0x0], $0xffff  }
0xc2: {  	s10 =	simm.s32 $0x70;
	v6 =	vnsel vm0, $0x0, v6;
	v8 =	vld.idx.msk [tilespmem:v8+s2+$0x0], $0xffff  }
0xc3: {  	v6 =	vor.u32 s10, v6;
	v7 =	vld.idx.msk [tilespmem:v7+s2+$0x0], $0xffff  }
0xc4: {  	v6 =	vor.u32 v0, v6;
	v10 =	vld.idx.msk [tilespmem:v10+s2+$0x0], $0xffff  }
0xc5: {  	v11 =	vld.idx.msk [tilespmem:v11+s2+$0x0], $0xffff  }
0xc6: {  	v15 =	vsel vm6, $0x1, v1;
	v12 =	vld.idx.msk [tilespmem:v12+s2+$0x0], $0xffff  }
0xc7: {  	v16 =	vsel vm7, $0x1, v1;
	v19 =	vsel vm4, $0x1, v1;
	v5 =	vsub.f32 $0.0e+00, v5  }
0xc8: {  	v4 =	vadd.s32 v19, v4;
	v9 =	vsub.f32 $0.0e+00, v9;
	v8 =	vsub.f32 $0.0e+00, v8  }
0xc9: {  	v4 =	vadd.s32 v16, v4;
	v7 =	vsub.f32 $0.0e+00, v7;
	v6 =	vld.idx.msk [tilespmem:v6+s2+$0x0], $0xffff;
	v5 =	vmul.f32 v5, v13  }
0xca: {  	v10 =	vsub.f32 $0.0e+00, v10;
	v9 =	vmul.f32 v9, v14;
	v8 =	vmul.f32 v8, v18  }
0xcb: {  	s15 =	simm.s32 $0x130C0;
	v11 =	vsub.f32 $0.0e+00, v11;
	v12 =	vsub.f32 $0.0e+00, v12;
	v13 =	vld [tilespmem:s5+$0x10];
	v7 =	vmul.f32 v7, v17  }
0xcc: {  	v19 =	vld [tilespmem:s15+$0xFFFFFFC0];
	v5 =	vnsel vm7, $0x0, v5;
	v9 =	vnsel vm6, $0x0, v9;
	v8 =	vnsel vm1, $0x0, v8  }
0xcd: {  	v7 =	vnsel vm4, $0x0, v7;
	vm7 =	vgt.f32 v5, $3.566749390e-01;
	vm6 =	vgt.f32 v9, $3.566749390e-01  }
0xce: {  	vm4 =	vgt.f32 v8, $3.566749390e-01;
	v6 =	vsub.f32 $0.0e+00, v6;
	v16 =	vnsel vm7, $0x0, v5  }
0xcf: {  	v5 =	vsel vm7, $0x1, v1;
	vm7 =	vgt.f32 v7, $3.566749390e-01;
	v17 =	vnsel vm6, $0x0, v9  }
0xd0: {  	v14 =	vld [tilespmem:s5+$0x0];
	v8 =	vnsel vm4, $0x0, v8;
	v18 =	vsel vm7, $0x1, v1;
	v10 =	vmul.f32 v10, v13  }
0xd1: {  	v7 =	vnsel vm7, $0x0, v7;
	vm7 =	vne.s32 v19, $0xFF;
	v19 =	vshll.u32 v19, $0xB  }
0xd2: {  	v9 =	vld [tilespmem:s5+$0x20];
	v13 =	vsel vm6, $0x1, v1;
	v2 =	vadd.s32 v18, v2;
	v19 =	vnsel vm7, $0x0, v19  }
0xd3: {  	s10 =	simm.s32 $0x80;
	v3 =	vadd.f32 v7, v3;
	v2 =	vadd.s32 v5, v2;
	v5 =	vsel vm4, $0x1, v1  }
0xd4: {  	v10 =	vnsel vm2, $0x0, v10;
	v19 =	vor.u32 s10, v19;
	v2 =	vadd.s32 v5, v2  }
0xd5: {  	v18 =	vld [tilespmem:s15+$0xFFFFFFF0];
	v5 =	vmul.f32 v11, v14;
	vm4 =	vgt.f32 v10, $3.566749390e-01;
	v14 =	vsel vm3, $0x1, v1  }
0xd6: {  	v11 =	vld [tilespmem:s5+$0x30];
	v19 =	vor.u32 v0, v19;
	v3 =	vadd.f32 v16, v3;
	v13 =	vadd.s32 v13, v2  }
0xd7: {  	v2 =	vmul.f32 v12, v9;
	v60 =	vsel vm4, $0x1, v1;
	v9 =	vnsel vm3, $0x0, v5  }
0xd8: {  	v5 =	vnsel vm4, $0x0, v10;
	v10 =	vsel vm1, $0x1, v1;
	v3 =	vadd.f32 v8, v3  }
0xd9: {  	v12 =	vnsel vm5, $0x0, v2;
	v2 =	vld [tilespmem:s15+$0xFFFFFFD0];
	v4 =	vadd.s32 v10, v4;
	vm6 =	vgt.f32 v9, $3.566749390e-01  }
0xda: {  	vm9 =	vne.s32 v18, $0xFF;
	v4 =	vadd.s32 v15, v4;
	v15 =	vnsel vm6, $0x0, v9  }
0xdb: {  	v9 =	vsel vm2, $0x1, v1;
	v6 =	vmul.f32 v6, v11;
	v11 =	vld [tilespmem:s15+$0x10];
	v4 =	vadd.s32 v14, v4  }
0xdc: {  	v8 =	vsel vm6, $0x1, v1;
	v4 =	vadd.s32 v9, v4;
	v9 =	vsel vm5, $0x1, v1  }
0xdd: {  	v10 =	vld [tilespmem:s15+$0x30];
	vm6 =	vgt.f32 v12, $3.566749390e-01;
	v4 =	vadd.s32 v9, v4;
	v9 =	vsel vm0, $0x1, v1  }
0xde: {  	vm10 =	vne.s32 v2, $0xFF;
	v2 =	vshll.u32 v2, $0xB;
	v4 =	vadd.s32 v9, v4;
	v9 =	vld [tilespmem:s15+$0xFFFFFFE0]  }
0xdf: {  	s19 =	simm.s32 $0x90;
	v8 =	vadd.s32 v8, v13;
	v13 =	vadd.f32 v17, v3;
	v2 =	vnsel vm10, $0x0, v2  }
0xe0: {  	v14 =	vld [tilespmem:s15+$0x0];
	v6 =	vnsel vm0, $0x0, v6;
	v2 =	vor.u32 s19, v2;
	vm1 =	vne.s32 v11, $0xFF  }
0xe1: {  	v20 =	vor.u32 v0, v2;
	v2 =	vshll.u32 v11, $0xB;
	v11 =	vshll.u32 v18, $0xB  }
0xe2: {  	s5 =	simm.s32 $0xB0;
	vm0 =	vne.s32 v10, $0xFF;
	v10 =	vshll.u32 v10, $0xB;
	v18 =	vld [tilespmem:s15+$0x20];
	v11 =	vnsel vm9, $0x0, v11  }
0xe3: {  	vm5 =	vne.s32 v9, $0xFF;
	v9 =	vshll.u32 v9, $0xB;
	v11 =	vor.u32 s5, v11  }
0xe4: {  	s6 =	simm.s32 $0xA0;
	v10 =	vnsel vm0, $0x0, v10;
	v9 =	vnsel vm5, $0x0, v9;
	v11 =	vor.u32 v0, v11  }
0xe5: {  	vm2 =	vne.s32 v14, $0xFF;
	v14 =	vshll.u32 v14, $0xB;
	v9 =	vor.u32 s6, v9  }
0xe6: {  	v22 =	vsel vm10, $0x1, v1;
	v14 =	vnsel vm2, $0x0, v14;
	v20 =	vld.idx.msk [tilespmem:v20+s2+$0x0], $0xffff;
	v23 =	vor.u32 v0, v9  }
0xe7: {  	s1 =	simm.s32 $0x140C0;
	s15 =	simm.s32 $0xF0;
	v21 =	vnsel vm1, $0x0, v2;
	vm3 =	vne.s32 v18, $0xFF;
	v9 =	vshll.u32 v18, $0xB  }
0xe8: {  	v24 =	vld [tilespmem:s1+$0xFFFFFFD0];
	s7 =	simm.s32 $0xD0;
	s11 =	simm.s32 $0xE0;
	v10 =	vor.u32 s15, v10;
	v18 =	vsel vm7, $0x1, v1;
	v9 =	vnsel vm3, $0x0, v9  }
0xe9: {  	s19 =	simm.s32 $0xC0;
	v21 =	vor.u32 s7, v21;
	v4 =	vadd.s32 v18, v4;
	v9 =	vor.u32 s11, v9;
	v7 =	vld.idx.msk [tilespmem:v11+s2+$0x0], $0xffff  }
0xea: {  	v59 =	vld [tilespmem:s1+$0xFFFFFFF0];
	v18 =	vor.u32 v0, v9;
	v9 =	vadd.s32 v22, v4;
	v4 =	vor.u32 s19, v14  }
0xeb: {  	v25 =	vor.u32 v0, v10;
	v4 =	vor.u32 v0, v4;
	v10 =	vsub.f32 $0.0e+00, v20;
	v14 =	vld.idx.msk [tilespmem:v23+s2+$0x0], $0xffff  }
0xec: {  	v19 =	vld.idx.msk [tilespmem:v19+s2+$0x0], $0xffff;
	v17 =	vsel vm6, $0x1, v1;
	v8 =	vadd.s32 v60, v8;
	v21 =	vor.u32 v0, v21  }
0xed: {  	v61 =	vld [tilespmem:s1+$0xFFFFFFE0];
	v8 =	vadd.s32 v17, v8;
	vm8 =	vgt.f32 v6, $3.566749390e-01;
	v10 =	vmul.f32 v10, v24  }
0xee: {  	v16 =	vsel vm8, $0x1, v1;
	v11 =	vnsel vm8, $0x0, v6;
	v6 =	vld [tilespmem:s1+$0xFFFFFFC0];
	v7 =	vsub.f32 $0.0e+00, v7  }
0xef: {  	v8 =	vadd.s32 v16, v8;
	v16 =	vnsel vm6, $0x0, v12;
	v12 =	vld.idx.msk [tilespmem:v18+s2+$0x0], $0xffff;
	v10 =	vnsel vm10, $0x0, v10  }
0xf0: {  	v62 =	vld.idx.msk [tilespmem:v4+s2+$0x0], $0xffff;
	vm4 =	vgt.f32 v10, $3.566749390e-01;
	v14 =	vsub.f32 $0.0e+00, v14;
	v7 =	vmul.f32 v7, v59  }
0xf1: {  	v4 =	vsub.f32 $0.0e+00, v19;
	v3 =	vnsel vm4, $0x0, v10;
	v10 =	vld.idx.msk [tilespmem:v21+s2+$0x0], $0xffff  }
0xf2: {  	v14 =	vmul.f32 v14, v61;
	v7 =	vnsel vm9, $0x0, v7  }
0xf3: {  	v17 =	vld [tilespmem:s1+$0x10];
	v19 =	vsel vm4, $0x1, v1;
	v6 =	vmul.f32 v4, v6;
	vm4 =	vgt.f32 v7, $3.566749390e-01  }
0xf4: {  	v14 =	vnsel vm5, $0x0, v14;
	v4 =	vnsel vm4, $0x0, v7;
	v7 =	vadd.f32 v15, v13;
	v13 =	vld [tilespmem:s1+$0x0]  }
0xf5: {  	v12 =	vsub.f32 $0.0e+00, v12;
	v15 =	vnsel vm7, $0x0, v6;
	vm6 =	vgt.f32 v14, $3.566749390e-01  }
0xf6: {  	v63 =	vld [tilespmem:s1+$0x20];
	vm7 =	vgt.f32 v15, $3.566749390e-01;
	v18 =	vsub.f32 $0.0e+00, v10;
	v6 =	vnsel vm6, $0x0, v14  }
0xf7: {  	v14 =	vsub.f32 $0.0e+00, v62;
	v10 =	vnsel vm7, $0x0, v15;
	v15 =	vsel vm7, $0x1, v1  }
0xf8: {  	v7 =	vadd.f32 v5, v7;
	v8 =	vadd.s32 v15, v8;
	v17 =	vmul.f32 v18, v17  }
0xf9: {  	v18 =	vld.idx.msk [tilespmem:v25+s2+$0x0], $0xffff;
	v5 =	vadd.s32 v19, v8;
	v8 =	vsel vm6, $0x1, v1;
	v13 =	vmul.f32 v14, v13  }
0xfa: {  	v15 =	vsel vm4, $0x1, v1;
	v5 =	vadd.s32 v8, v5  }
0xfb: {  	v14 =	vnsel vm1, $0x0, v17;
	v17 =	vmul.f32 v12, v63;
	v12 =	vnsel vm2, $0x0, v13;
	v13 =	vld [tilespmem:s1+$0x30]  }
0xfc: {  	v2 =	vsel vm9, $0x1, v1;
	v8 =	vadd.s32 v15, v5  }
0xfd: {  	v15 =	vadd.f32 v16, v7;
	v16 =	vsel vm5, $0x1, v1;
	vm4 =	vgt.f32 v14, $3.566749390e-01  }
0xfe: {  	s4 =	simm.s32 $0x13140;
	s19 =	simm.s32 $0x8;
	v5 =	vnsel vm4, $0x0, v14;
	v7 =	vnsel vm3, $0x0, v17;
	v14 =	vsub.f32 $0.0e+00, v18  }
.LBB2_3:
0xff: {  	v17 =	vld [tilespmem:s4+$0xFFFFFFD0];
	s19 =	sadd.s32 $0x8, s19;
	v9 =	vadd.s32 v16, v9;
	vm6 =	vgt.f32 v12, $3.566749390e-01;
	v11 =	vadd.f32 v11, v15  }
0x100: {  	v15 =	vld [tilespmem:s4+$0x30];
	p0 =	slt.u32 s19, $0x78;
	v2 =	vadd.s32 v2, v9;
	v9 =	vsel vm2, $0x1, v1;
	v13 =	vmul.f32 v14, v13  }
0x101: {  	v12 =	vnsel vm6, $0x0, v12;
	v14 =	vld [tilespmem:s4+$0x10];
	v2 =	vadd.s32 v9, v2;
	v9 =	vsel vm1, $0x1, v1  }
0x102: {  	v16 =	vld [tilespmem:s4+$0x0];
	v2 =	vadd.s32 v9, v2;
	v9 =	vsel vm3, $0x1, v1;
	v13 =	vnsel vm0, $0x0, v13  }
0x103: {  	v18 =	vld [tilespmem:s4+$0xFFFFFFF0];
	v2 =	vadd.s32 v9, v2;
	vm8 =	vgt.f32 v13, $3.566749390e-01;
	v9 =	vsel vm0, $0x1, v1  }
0x104: {  	s15 =	sadd.s32 $0x80, s15;
	v19 =	vld [tilespmem:s4+$0xFFFFFFC0];
	vm9 =	vne.s32 v17, $0xFF;
	v17 =	vshll.u32 v17, $0xB;
	v9 =	vadd.s32 v9, v2  }
0x105: {  	s6 =	sadd.s32 $0xFFFFFFA0, s15;
	v2 =	vnsel vm9, $0x0, v17;
	v17 =	vld [tilespmem:s4+$0xFFFFFFE0];
	vm0 =	vne.s32 v15, $0xFF;
	v15 =	vshll.u32 v15, $0xB  }
0x106: {  	v2 =	vor.u32 s6, v2;
	s6 =	sadd.s32 $0xFFFFFFB0, s15;
	vm1 =	vne.s32 v14, $0xFF;
	v15 =	vnsel vm0, $0x0, v15  }
0x107: {  	s7 =	sadd.s32 $0xFFFFFFE0, s15;
	v20 =	vor.u32 v0, v2;
	vm2 =	vne.s32 v16, $0xFF;
	v2 =	vshll.u32 v14, $0xB  }
0x108: {  	s5 =	sadd.s32 $0xFFFFFFD0, s15;
	v16 =	vshll.u32 v16, $0xB;
	v14 =	vshll.u32 v18, $0xB;
	v21 =	vnsel vm1, $0x0, v2  }
0x109: {  	vm10 =	vne.s32 v18, $0xFF;
	v16 =	vnsel vm2, $0x0, v16;
	vm7 =	vne.s32 v19, $0xFF  }
0x10a: {  	s10 =	sadd.s32 $0xFFFFFF90, s15;
	s11 =	sadd.s32 $0xFFFFFFC0, s15;
	v14 =	vnsel vm10, $0x0, v14;
	v2 =	vsel vm10, $0x1, v1;
	vm5 =	vne.s32 v17, $0xFF;
	v18 =	vld [tilespmem:s4+$0x20]  }
0x10b: {  	v22 =	vsel vm9, $0x1, v1;
	v17 =	vshll.u32 v17, $0xB;
	v14 =	vor.u32 s11, v14  }
0x10c: {  	v19 =	vshll.u32 v19, $0xB;
	v17 =	vnsel vm5, $0x0, v17;
	v14 =	vor.u32 v0, v14;
	v20 =	vld.idx.msk [tilespmem:v20+s2+$0x0], $0xffff  }
0x10d: {  	s1 =	sadd.s32 $0x80, s1;
	v21 =	vor.u32 s7, v21;
	v19 =	vnsel vm7, $0x0, v19;
	v17 =	vor.u32 s6, v17  }
0x10e: {  	v21 =	vor.u32 v0, v21;
	v19 =	vor.u32 s10, v19;
	v17 =	vor.u32 v0, v17;
	v23 =	vld [tilespmem:s1+$0xFFFFFFD0]  }
0x10f: {  	v19 =	vor.u32 v0, v19;
	v24 =	vld [tilespmem:s1+$0xFFFFFFF0];
	vm3 =	vne.s32 v18, $0xFF;
	v18 =	vshll.u32 v18, $0xB  }
0x110: {  	v15 =	vor.u32 s15, v15;
	v25 =	vsel vm7, $0x1, v1;
	s6 =	sadd.s32 $0xFFFFFFF0, s15;
	v18 =	vnsel vm3, $0x0, v18  }
0x111: {  	v10 =	vadd.f32 v10, v11;
	v15 =	vor.u32 v0, v15;
	v14 =	vld.idx.msk [tilespmem:v14+s2+$0x0], $0xffff;
	v18 =	vor.u32 s6, v18  }
0x112: {  	v9 =	vadd.s32 v25, v9;
	v11 =	vsub.f32 $0.0e+00, v20;
	v20 =	vld [tilespmem:s1+$0x0];
	v18 =	vor.u32 v0, v18  }
0x113: {  	v3 =	vadd.f32 v3, v10;
	v16 =	vor.u32 s5, v16;
	v9 =	vadd.s32 v22, v9;
	v17 =	vld.idx.msk [tilespmem:v17+s2+$0x0], $0xffff  }
0x114: {  	v16 =	vor.u32 v0, v16;
	v11 =	vmul.f32 v11, v23;
	v10 =	vld.idx.msk [tilespmem:v19+s2+$0x0], $0xffff;
	v19 =	vsel vm8, $0x1, v1  }
0x115: {  	v3 =	vadd.f32 v6, v3;
	v6 =	vsel vm6, $0x1, v1;
	v23 =	vsel vm4, $0x1, v1;
	v22 =	vld [tilespmem:s1+$0xFFFFFFC0]  }
0x116: {  	v6 =	vadd.s32 v6, v8;
	v25 =	vnsel vm9, $0x0, v11;
	v11 =	vnsel vm8, $0x0, v13;
	v26 =	vld [tilespmem:s1+$0xFFFFFFE0]  }
0x117: {  	vm4 =	vgt.f32 v25, $3.566749390e-01;
	v8 =	vsub.f32 $0.0e+00, v14;
	v14 =	vadd.f32 v4, v3;
	v13 =	vld.idx.msk [tilespmem:v21+s2+$0x0], $0xffff  }
0x118: {  	vm6 =	vgt.f32 v7, $3.566749390e-01;
	v4 =	vadd.s32 v23, v6;
	v3 =	vnsel vm4, $0x0, v25;
	v18 =	vld.idx.msk [tilespmem:v18+s2+$0x0], $0xffff  }
0x119: {  	v6 =	vsub.f32 $0.0e+00, v17;
	v8 =	vmul.f32 v8, v24;
	v17 =	vsel vm6, $0x1, v1;
	v16 =	vld.idx.msk [tilespmem:v16+s2+$0x0], $0xffff  }
0x11a: {  	v21 =	vsel vm4, $0x1, v1;
	v10 =	vsub.f32 $0.0e+00, v10;
	v4 =	vadd.s32 v17, v4  }
0x11b: {  	v8 =	vnsel vm10, $0x0, v8;
	v19 =	vadd.s32 v19, v4;
	v6 =	vmul.f32 v6, v26;
	v17 =	vld [tilespmem:s1+$0x10]  }
0x11c: {  	v7 =	vnsel vm6, $0x0, v7;
	v10 =	vmul.f32 v10, v22;
	vm4 =	vgt.f32 v8, $3.566749390e-01  }
0x11d: {  	v4 =	vnsel vm4, $0x0, v8;
	v8 =	vadd.f32 v12, v14;
	v6 =	vnsel vm5, $0x0, v6  }
0x11e: {  	v12 =	vsub.f32 $0.0e+00, v13;
	v10 =	vnsel vm7, $0x0, v10;
	vm6 =	vgt.f32 v6, $3.566749390e-01  }
0x11f: {  	vm7 =	vgt.f32 v10, $3.566749390e-01;
	v13 =	vsub.f32 $0.0e+00, v16;
	v6 =	vnsel vm6, $0x0, v6;
	v14 =	vld [tilespmem:s1+$0x20]  }
0x120: {  	v10 =	vnsel vm7, $0x0, v10;
	v16 =	vsel vm7, $0x1, v1;
	v12 =	vmul.f32 v12, v17;
	v17 =	vld.idx.msk [tilespmem:v15+s2+$0x0], $0xffff  }
0x121: {  	v15 =	vadd.s32 v16, v19;
	v16 =	vsel vm4, $0x1, v1;
	v19 =	vadd.f32 v5, v8  }
.Ltmp0:
0x122: {  	v8 =	vsel vm6, $0x1, v1;
	v5 =	vadd.s32 v21, v15;
	v15 =	vsub.f32 $0.0e+00, v18;
	(pc) =	sbr.rel @p0 .LBB2_3-.Ltmp0, $4  }
0x123: {  	v18 =	vmul.f32 v13, v20;
	v5 =	vadd.s32 v8, v5;
	v20 =	vnsel vm1, $0x0, v12;
	v13 =	vld [tilespmem:s1+$0x30]  }
0x124: {  	v8 =	vadd.s32 v16, v5;
	vm4 =	vgt.f32 v20, $3.566749390e-01;
	v14 =	vmul.f32 v15, v14  }
0x125: {  	v12 =	vnsel vm2, $0x0, v18;
	v5 =	vnsel vm4, $0x0, v20;
	v15 =	vadd.f32 v7, v19  }
0x126: {  	s4 =	sadd.s32 $0x80, s4;
	v16 =	vsel vm5, $0x1, v1;
	v7 =	vnsel vm3, $0x0, v14;
	v14 =	vsub.f32 $0.0e+00, v17  }
0x127: {  	s1 =	sshll.u32 s0, $0x1  }
0x128: {  	s1 =	smin.u32 s1, $0x1D  }
0x129: {  	s4 =	rddreg [dreg:$0x1e];
	s1 =	sshll.u32 s1, $0xB  }
0x12a: {  	s1 =	sadd.s32 s1, s4  }
0x12b: {  	s4 =	sadd.s32 s16, s1  }
0x12c: {  	s4 =	sshrl.u32 s4, $0x3  }
0x12d: {  	s5 =	rddreg [dreg:$0x2];
	s4 =	sadd.s32 s3, s4  }
0x12e: {  	[tilespmem:s2], [sflag:$0x1] =	stream.linear.gather [hbm4b:s4+s2], $0x800, $0x38;
	[tilespmem:$0x15030] =	vst v63  }
0x12f: {  	s4 =	sadd.s32 s5, s1  }
0x130: {  	s4 =	sshrl.u32 s4, $0x3  }
0x131: {  	s6 =	rddreg [dreg:$0x5];
	s5 =	simm.s32 $0x800;
	s4 =	sadd.s32 s3, s4  }
0x132: {  	[tilespmem:s5], [sflag:$0x1] =	stream.linear.gather [hbm4b:s4+s2], $0x800, $0x38;
	[tilespmem:$0x15030] =	vst v63  }
0x133: {  	s4 =	sadd.s32 s6, s1  }
0x134: {  	s4 =	sshrl.u32 s4, $0x3  }
0x135: {  	s7 =	simm.s32 $0x1000;
	s10 =	rddreg [dreg:$0x6];
	s4 =	sadd.s32 s3, s4  }
0x136: {  	[tilespmem:s7], [sflag:$0x1] =	stream.linear.gather [hbm4b:s4+s2], $0x800, $0x38;
	[tilespmem:$0x15030] =	vst v63  }
0x137: {  	s4 =	sadd.s32 s10, s1  }
0x138: {  	s4 =	sshrl.u32 s4, $0x3  }
0x139: {  	s11 =	simm.s32 $0x1800;
	s15 =	rddreg [dreg:$0xa];
	s4 =	sadd.s32 s3, s4  }
0x13a: {  	[tilespmem:s11], [sflag:$0x1] =	stream.linear.gather [hbm4b:s4+s2], $0x800, $0x38;
	[tilespmem:$0x15030] =	vst v63  }
0x13b: {  	s4 =	sadd.s32 s15, s1  }
0x13c: {  	s4 =	sshrl.u32 s4, $0x3  }
0x13d: {  	s19 =	simm.s32 $0x2000;
	s6 =	rddreg [dreg:$0xb];
	s4 =	sadd.s32 s3, s4  }
0x13e: {  	[tilespmem:s19], [sflag:$0x1] =	stream.linear.gather [hbm4b:s4+s2], $0x800, $0x38;
	[tilespmem:$0x15030] =	vst v63  }
0x13f: {  	s4 =	sadd.s32 s6, s1  }
0x140: {  	s4 =	sshrl.u32 s4, $0x3  }
0x141: {  	s7 =	simm.s32 $0x2800;
	s10 =	rddreg [dreg:$0xf];
	s4 =	sadd.s32 s3, s4  }
0x142: {  	[tilespmem:s7], [sflag:$0x1] =	stream.linear.gather [hbm4b:s4+s2], $0x800, $0x38;
	[tilespmem:$0x15030] =	vst v63  }
0x143: {  	s4 =	sadd.s32 s10, s1  }
0x144: {  	s4 =	sshrl.u32 s4, $0x3  }
0x145: {  	s11 =	simm.s32 $0x3000;
	s15 =	sadd.s32 s18, s1;
	s4 =	sadd.s32 s3, s4  }
0x146: {  	[tilespmem:s11], [sflag:$0x1] =	stream.linear.gather [hbm4b:s4+s2], $0x800, $0x38;
	[tilespmem:$0x15030] =	vst v63  }
0x147: {  	s4 =	sshrl.u32 s15, $0x3  }
0x148: {  	s19 =	simm.s32 $0x3800;
	s6 =	sadd.s32 s23, s1;
	s4 =	sadd.s32 s3, s4  }
0x149: {  	[tilespmem:s19], [sflag:$0x1] =	stream.linear.gather [hbm4b:s4+s2], $0x800, $0x38;
	[tilespmem:$0x15030] =	vst v63  }
0x14a: {  	s4 =	sshrl.u32 s6, $0x3  }
0x14b: {  	s7 =	simm.s32 $0x4000;
	s10 =	sadd.s32 s24, s1;
	s4 =	sadd.s32 s3, s4  }
0x14c: {  	[tilespmem:s7], [sflag:$0x1] =	stream.linear.gather [hbm4b:s4+s2], $0x800, $0x38;
	[tilespmem:$0x15030] =	vst v63  }
0x14d: {  	s4 =	sshrl.u32 s10, $0x3  }
0x14e: {  	s11 =	simm.s32 $0x4800;
	s15 =	sadd.s32 s22, s1;
	s4 =	sadd.s32 s3, s4  }
0x14f: {  	[tilespmem:s11], [sflag:$0x1] =	stream.linear.gather [hbm4b:s4+s2], $0x800, $0x38;
	[tilespmem:$0x15030] =	vst v63  }
0x150: {  	s4 =	sshrl.u32 s15, $0x3  }
0x151: {  	s19 =	simm.s32 $0x5000;
	s6 =	sadd.s32 s29, s1;
	s4 =	sadd.s32 s3, s4  }
0x152: {  	[tilespmem:s19], [sflag:$0x1] =	stream.linear.gather [hbm4b:s4+s2], $0x800, $0x38;
	[tilespmem:$0x15030] =	vst v63  }
0x153: {  	s4 =	sshrl.u32 s6, $0x3  }
0x154: {  	s7 =	simm.s32 $0x5800;
	s10 =	sadd.s32 s30, s1;
	s4 =	sadd.s32 s3, s4  }
0x155: {  	[tilespmem:s7], [sflag:$0x1] =	stream.linear.gather [hbm4b:s4+s2], $0x800, $0x38;
	[tilespmem:$0x15030] =	vst v63  }
0x156: {  	s4 =	sshrl.u32 s10, $0x3  }
0x157: {  	s11 =	simm.s32 $0x6000;
	s15 =	sadd.s32 s31, s1;
	s4 =	sadd.s32 s3, s4  }
0x158: {  	[tilespmem:s11], [sflag:$0x1] =	stream.linear.gather [hbm4b:s4+s2], $0x800, $0x38;
	[tilespmem:$0x15030] =	vst v63  }
0x159: {  	s4 =	sshrl.u32 s15, $0x3  }
0x15a: {  	s19 =	simm.s32 $0x6800;
	s6 =	sadd.s32 s9, s1;
	s4 =	sadd.s32 s3, s4  }
0x15b: {  	[tilespmem:s19], [sflag:$0x1] =	stream.linear.gather [hbm4b:s4+s2], $0x800, $0x38;
	[tilespmem:$0x15030] =	vst v63  }
0x15c: {  	s4 =	sshrl.u32 s6, $0x3  }
0x15d: {  	s7 =	simm.s32 $0x7000;
	s10 =	sadd.s32 s13, s1;
	s4 =	sadd.s32 s3, s4  }
0x15e: {  	[tilespmem:s7], [sflag:$0x1] =	stream.linear.gather [hbm4b:s4+s2], $0x800, $0x38;
	[tilespmem:$0x15030] =	vst v63  }
0x15f: {  	s4 =	sshrl.u32 s10, $0x3  }
0x160: {  	s11 =	simm.s32 $0x7800;
	s15 =	sadd.s32 s14, s1;
	s4 =	sadd.s32 s3, s4  }
0x161: {  	[tilespmem:s11], [sflag:$0x1] =	stream.linear.gather [hbm4b:s4+s2], $0x800, $0x38;
	[tilespmem:$0x15030] =	vst v63  }
0x162: {  	s4 =	sshrl.u32 s15, $0x3  }
0x163: {  	s19 =	simm.s32 $0x8000;
	s6 =	sadd.s32 s21, s1;
	s4 =	sadd.s32 s3, s4  }
0x164: {  	[tilespmem:s19], [sflag:$0x1] =	stream.linear.gather [hbm4b:s4+s2], $0x800, $0x38;
	[tilespmem:$0x15030] =	vst v63  }
0x165: {  	s4 =	sshrl.u32 s6, $0x3  }
0x166: {  	s7 =	simm.s32 $0x8800;
	s10 =	sadd.s32 s26, s1;
	s4 =	sadd.s32 s3, s4  }
0x167: {  	[tilespmem:s7], [sflag:$0x1] =	stream.linear.gather [hbm4b:s4+s2], $0x800, $0x38;
	[tilespmem:$0x15030] =	vst v63  }
0x168: {  	s1 =	sadd.s32 s25, s1;
	s4 =	sshrl.u32 s10, $0x3  }
0x169: {  	s1 =	sshrl.u32 s1, $0x3;
	s11 =	simm.s32 $0x9000;
	s4 =	sadd.s32 s3, s4  }
0x16a: {  	[tilespmem:s11], [sflag:$0x1] =	stream.linear.gather [hbm4b:s4+s2], $0x800, $0x38;
	[tilespmem:$0x15030] =	vst v63  }
0x16b: {  	s15 =	sadd.s32 s12, s1;
	s19 =	simm.s32 $0x13000  }
0x16c: {  	[tilespmem:s19], [sflag:$0x1] =	stream.linear.gather [hbm4b:s15+s2], $0x800, $0x38;
	[tilespmem:$0x15030] =	vst v63  }
0x16d: {  	v11 =	vadd.f32 v11, v15;
	s5 =	simm.s32 $0x14000;
	s1 =	sadd.s32 s17, s1  }
0x16e: {  	[tilespmem:s5], [sflag:$0x1] =	stream.linear.gather [hbm4b:s1+s2], $0x800, $0x38;
	[tilespmem:$0x15030] =	vst v63  }
0x16f: {  	v10 =	vadd.f32 v10, v11;
	_ =	swait.ge [sflag:s28], $0x9800  }
0x170: {  	[sflag:s28] =	ssyncset.done $0x0  }
0x171: {  	v3 =	vadd.f32 v3, v10;
	[sflag:s28] =	ssyncadd.s32 $0xFFFF6800  }
0x172: {  	v9 =	vadd.s32 v16, v9;
	_ =	swait.ge [sflag:s28], $0x800  }
0x173: {  	vm5 =	vgt.f32 v12, $3.566749390e-01;
	v2 =	vadd.s32 v2, v9;
	v3 =	vadd.f32 v6, v3;
	[sflag:s28] =	ssyncset.done $0x0  }
0x174: {  	v9 =	vsel vm2, $0x1, v1;
	v12 =	vnsel vm5, $0x0, v12;
	v11 =	vmul.f32 v14, v13;
	[sflag:s28] =	ssyncadd.s32 $0xFFFFF800  }
0x175: {  	v2 =	vadd.s32 v9, v2;
	v9 =	vsel vm1, $0x1, v1;
	v3 =	vadd.f32 v4, v3;
	_ =	swait.ge [sflag:s28], $0x800  }
0x176: {  	v13 =	vsel vm4, $0x1, v1;
	v2 =	vadd.s32 v9, v2;
	v9 =	vsel vm3, $0x1, v1;
	[sflag:s28] =	ssyncset.done $0x0  }
0x177: {  	v11 =	vnsel vm0, $0x0, v11;
	v6 =	vsel vm5, $0x1, v1;
	v3 =	vadd.f32 v12, v3;
	s6 =	simm.s32 $0x13840;
	[sflag:s28] =	ssyncadd.s32 $0xFFFFF800  }
0x178: {  	v2 =	vadd.s32 v9, v2;
	v9 =	vsel vm0, $0x1, v1;
	v6 =	vadd.s32 v6, v8;
	v10 =	vld [tilespmem:s6+$0xFFFFFFD0]  }
0x179: {  	vm0 =	vgt.f32 v7, $3.566749390e-01;
	v4 =	vadd.s32 v13, v6;
	v3 =	vadd.f32 v5, v3;
	v6 =	vld [tilespmem:s6+$0xFFFFFFC0]  }
0x17a: {  	v7 =	vnsel vm0, $0x0, v7;
	v13 =	vsel vm0, $0x1, v1;
	v8 =	vld [tilespmem:s6+$0xFFFFFFF0]  }
0x17b: {  	vm1 =	vgt.f32 v11, $3.566749390e-01;
	v4 =	vadd.s32 v13, v4;
	v3 =	vadd.f32 v7, v3;
	v13 =	vld [tilespmem:s6+$0x10]  }
0x17c: {  	v11 =	vnsel vm1, $0x0, v11;
	v12 =	vsel vm1, $0x1, v1  }
0x17d: {  	v2 =	vadd.s32 v9, v2;
	v4 =	vadd.s32 v12, v4;
	v3 =	vadd.f32 v11, v3;
	v14 =	vld [tilespmem:s6+$0x0]  }
0x17e: {  	v7 =	vld [tilespmem:s6+$0x20];
	vm4 =	vne.s32 v10, $0xFF;
	v9 =	vshll.u32 v10, $0xB;
	vm5 =	vne.s32 v6, $0xFF  }
0x17f: {  	s7 =	simm.s32 $0x10;
	v10 =	vld [tilespmem:s6+$0xFFFFFFE0];
	vm6 =	vne.s32 v8, $0xFF;
	v6 =	vshll.u32 v6, $0xB;
	v9 =	vnsel vm4, $0x0, v9  }
0x180: {  	s15 =	simm.s32 $0x0;
	vm2 =	vne.s32 v13, $0xFF;
	v6 =	vnsel vm5, $0x0, v6;
	v9 =	vor.u32 s7, v9  }
0x181: {  	v12 =	vshll.u32 v13, $0xB;
	v6 =	vor.u32 s15, v6;
	v5 =	vor.u32 v0, v9  }
0x182: {  	vm3 =	vne.s32 v14, $0xFF;
	v9 =	vshll.u32 v8, $0xB;
	v6 =	vor.u32 v0, v6  }
0x183: {  	s10 =	simm.s32 $0x30;
	v14 =	vshll.u32 v14, $0xB;
	vm7 =	vne.s32 v7, $0xFF;
	v9 =	vnsel vm6, $0x0, v9  }
0x184: {  	s19 =	simm.s32 $0x14840;
	v8 =	vld [tilespmem:s6+$0x30];
	vm0 =	vne.s32 v10, $0xFF;
	v10 =	vshll.u32 v10, $0xB;
	v9 =	vor.u32 s10, v9  }
0x185: {  	s11 =	simm.s32 $0x20;
	v11 =	vld [tilespmem:s19+$0xFFFFFFD0];
	v7 =	vshll.u32 v7, $0xB;
	v10 =	vnsel vm0, $0x0, v10;
	v9 =	vor.u32 v0, v9  }
0x186: {  	v12 =	vnsel vm2, $0x0, v12;
	v7 =	vnsel vm7, $0x0, v7;
	v10 =	vor.u32 s11, v10;
	s11 =	simm.s32 $0x60;
	v5 =	vld.idx.msk [tilespmem:v5+s8+$0x0], $0xffff  }
0x187: {  	v14 =	vnsel vm3, $0x0, v14;
	s7 =	simm.s32 $0x40;
	s6 =	simm.s32 $0x50;
	v10 =	vor.u32 v0, v10;
	v6 =	vld.idx.msk [tilespmem:v6+s8+$0x0], $0xffff;
	v7 =	vor.u32 s11, v7  }
0x188: {  	v17 =	vld [tilespmem:s19+$0xFFFFFFC0];
	v14 =	vor.u32 s7, v14;
	v12 =	vor.u32 s6, v12;
	v7 =	vor.u32 v0, v7  }
0x189: {  	v18 =	vld [tilespmem:s19+$0xFFFFFFE0];
	v12 =	vor.u32 v0, v12;
	vm1 =	vne.s32 v8, $0xFF;
	v8 =	vshll.u32 v8, $0xB  }
0x18a: {  	v14 =	vor.u32 v0, v14;
	s10 =	simm.s32 $0x70;
	v8 =	vnsel vm1, $0x0, v8;
	v9 =	vld.idx.msk [tilespmem:v9+s8+$0x0], $0xffff  }
0x18b: {  	v13 =	vld [tilespmem:s19+$0xFFFFFFF0];
	v8 =	vor.u32 s10, v8  }
0x18c: {  	v8 =	vor.u32 v0, v8;
	v10 =	vld.idx.msk [tilespmem:v10+s8+$0x0], $0xffff;
	v5 =	vsub.f32 $0.0e+00, v5;
	v6 =	vsub.f32 $0.0e+00, v6  }
0x18d: {  	v15 =	vsel vm6, $0x1, v1;
	v7 =	vld.idx.msk [tilespmem:v7+s8+$0x0], $0xffff  }
0x18e: {  	v19 =	vsel vm5, $0x1, v1;
	v5 =	vmul.f32 v5, v11;
	v11 =	vld.idx.msk [tilespmem:v12+s8+$0x0], $0xffff;
	v6 =	vmul.f32 v6, v17  }
0x18f: {  	v16 =	vsel vm4, $0x1, v1;
	v2 =	vadd.s32 v19, v2;
	v12 =	vld.idx.msk [tilespmem:v14+s8+$0x0], $0xffff;
	v9 =	vsub.f32 $0.0e+00, v9  }
0x190: {  	v2 =	vadd.s32 v16, v2;
	v17 =	vld [tilespmem:s19+$0x20];
	v5 =	vnsel vm4, $0x0, v5;
	v6 =	vnsel vm5, $0x0, v6  }
0x191: {  	v8 =	vld.idx.msk [tilespmem:v8+s8+$0x0], $0xffff;
	v10 =	vsub.f32 $0.0e+00, v10;
	v9 =	vmul.f32 v9, v13;
	vm4 =	vgt.f32 v5, $3.566749390e-01  }
0x192: {  	v16 =	vnsel vm4, $0x0, v5;
	v5 =	vsel vm4, $0x1, v1;
	v7 =	vsub.f32 $0.0e+00, v7  }
0x193: {  	v13 =	vld [tilespmem:s19+$0x10];
	v10 =	vmul.f32 v10, v18;
	v9 =	vnsel vm6, $0x0, v9;
	v11 =	vsub.f32 $0.0e+00, v11  }
0x194: {  	vm6 =	vgt.f32 v6, $3.566749390e-01;
	v12 =	vsub.f32 $0.0e+00, v12;
	vm4 =	vgt.f32 v9, $3.566749390e-01  }
0x195: {  	v14 =	vld [tilespmem:s19+$0x0];
	v18 =	vsel vm6, $0x1, v1;
	v6 =	vnsel vm6, $0x0, v6;
	v7 =	vmul.f32 v7, v17  }
0x196: {  	v8 =	vsub.f32 $0.0e+00, v8;
	v10 =	vnsel vm0, $0x0, v10;
	v9 =	vnsel vm4, $0x0, v9  }
0x197: {  	v4 =	vadd.s32 v18, v4;
	v3 =	vadd.f32 v6, v3;
	vm5 =	vgt.f32 v10, $3.566749390e-01  }
0x198: {  	v11 =	vmul.f32 v11, v13;
	v13 =	vsel vm4, $0x1, v1;
	v4 =	vadd.s32 v5, v4  }
0x199: {  	v7 =	vnsel vm7, $0x0, v7;
	v10 =	vnsel vm5, $0x0, v10;
	v5 =	vsel vm5, $0x1, v1  }
0x19a: {  	s15 =	simm.s32 $0x138C0;
	v4 =	vadd.s32 v5, v4;
	v5 =	vmul.f32 v12, v14;
	v12 =	vld [tilespmem:s19+$0x30];
	v11 =	vnsel vm2, $0x0, v11  }
0x19b: {  	v3 =	vadd.f32 v16, v3;
	v14 =	vld [tilespmem:s15+$0xFFFFFFD0];
	v4 =	vadd.s32 v13, v4;
	vm4 =	vgt.f32 v11, $3.566749390e-01  }
0x19c: {  	v19 =	vld [tilespmem:s15+$0xFFFFFFC0];
	v13 =	vnsel vm3, $0x0, v5;
	v5 =	vnsel vm4, $0x0, v11;
	v11 =	vsel vm0, $0x1, v1  }
0x19d: {  	v3 =	vadd.f32 v10, v3;
	v59 =	vsel vm4, $0x1, v1;
	v2 =	vadd.s32 v11, v2  }
0x19e: {  	vm6 =	vgt.f32 v13, $3.566749390e-01;
	v2 =	vadd.s32 v15, v2;
	v15 =	vsel vm3, $0x1, v1  }
0x19f: {  	v9 =	vadd.f32 v9, v3;
	v8 =	vmul.f32 v8, v12;
	v2 =	vadd.s32 v15, v2  }
0x1a0: {  	v15 =	vsel vm2, $0x1, v1;
	vm10 =	vne.s32 v14, $0xFF;
	v14 =	vshll.u32 v14, $0xB  }
0x1a1: {  	v12 =	vld [tilespmem:s15+$0x10];
	v2 =	vadd.s32 v15, v2;
	v15 =	vsel vm7, $0x1, v1;
	vm7 =	vne.s32 v19, $0xFF  }
0x1a2: {  	v18 =	vnsel vm1, $0x0, v8;
	v8 =	vld [tilespmem:s15+$0xFFFFFFF0];
	v2 =	vadd.s32 v15, v2;
	v15 =	vsel vm1, $0x1, v1  }
0x1a3: {  	v19 =	vshll.u32 v19, $0xB;
	v15 =	vadd.s32 v15, v2;
	v2 =	vnsel vm10, $0x0, v14;
	v14 =	vld [tilespmem:s15+$0xFFFFFFE0]  }
0x1a4: {  	s10 =	simm.s32 $0x80;
	v17 =	vld [tilespmem:s15+$0x0];
	s19 =	simm.s32 $0x90;
	v13 =	vnsel vm6, $0x0, v13;
	v10 =	vsel vm6, $0x1, v1;
	v19 =	vnsel vm7, $0x0, v19  }
0x1a5: {  	vm6 =	vgt.f32 v7, $3.566749390e-01;
	v19 =	vor.u32 s10, v19;
	v2 =	vor.u32 s19, v2  }
0x1a6: {  	v19 =	vor.u32 v0, v19;
	vm1 =	vne.s32 v12, $0xFF;
	v20 =	vor.u32 v0, v2  }
0x1a7: {  	v2 =	vshll.u32 v12, $0xB;
	v12 =	vshll.u32 v8, $0xB;
	vm9 =	vne.s32 v8, $0xFF  }
0x1a8: {  	s5 =	simm.s32 $0xB0;
	v11 =	vld [tilespmem:s15+$0x30];
	vm5 =	vne.s32 v14, $0xFF;
	v8 =	vnsel vm9, $0x0, v12;
	v14 =	vshll.u32 v14, $0xB  }
0x1a9: {  	s1 =	simm.s32 $0x148C0;
	s6 =	simm.s32 $0xA0;
	vm2 =	vne.s32 v17, $0xFF;
	v8 =	vor.u32 s5, v8;
	v14 =	vnsel vm5, $0x0, v14  }
0x1aa: {  	v23 =	vld [tilespmem:s1+$0xFFFFFFD0];
	v17 =	vshll.u32 v17, $0xB;
	v8 =	vor.u32 v0, v8;
	v14 =	vor.u32 s6, v14  }
0x1ab: {  	v4 =	vadd.s32 v10, v4;
	v7 =	vnsel vm6, $0x0, v7;
	v12 =	vld [tilespmem:s15+$0x20];
	v14 =	vor.u32 v0, v14  }
0x1ac: {  	v9 =	vadd.f32 v13, v9;
	v17 =	vnsel vm2, $0x0, v17;
	v22 =	vsel vm10, $0x1, v1;
	v19 =	vld.idx.msk [tilespmem:v19+s8+$0x0], $0xffff  }
0x1ad: {  	s7 =	simm.s32 $0xD0;
	v24 =	vsel vm7, $0x1, v1;
	vm0 =	vne.s32 v11, $0xFF;
	s19 =	simm.s32 $0xC0;
	v21 =	vnsel vm1, $0x0, v2;
	v20 =	vld.idx.msk [tilespmem:v20+s8+$0x0], $0xffff  }
0x1ae: {  	v10 =	vld [tilespmem:s1+$0xFFFFFFC0];
	v11 =	vshll.u32 v11, $0xB;
	v17 =	vor.u32 s19, v17;
	v21 =	vor.u32 s7, v21  }
0x1af: {  	v11 =	vnsel vm0, $0x0, v11;
	v16 =	vor.u32 v0, v17;
	v21 =	vor.u32 v0, v21;
	s15 =	simm.s32 $0xF0;
	v6 =	vld.idx.msk [tilespmem:v8+s8+$0x0], $0xffff  }
0x1b0: {  	v11 =	vor.u32 s15, v11;
	vm3 =	vne.s32 v12, $0xFF;
	v12 =	vshll.u32 v12, $0xB;
	v14 =	vld.idx.msk [tilespmem:v14+s8+$0x0], $0xffff  }
0x1b1: {  	v61 =	vld [tilespmem:s1+$0xFFFFFFE0];
	s11 =	simm.s32 $0xE0;
	v25 =	vor.u32 v0, v11;
	v12 =	vnsel vm3, $0x0, v12;
	v19 =	vsub.f32 $0.0e+00, v19  }
0x1b2: {  	v12 =	vor.u32 s11, v12;
	v8 =	vadd.s32 v24, v15;
	v11 =	vsub.f32 $0.0e+00, v20;
	v15 =	vld [tilespmem:s1+$0xFFFFFFF0]  }
0x1b3: {  	vm8 =	vgt.f32 v18, $3.566749390e-01;
	v12 =	vor.u32 v0, v12;
	v10 =	vmul.f32 v19, v10  }
0x1b4: {  	v4 =	vadd.s32 v59, v4;
	v17 =	vsel vm8, $0x1, v1;
	v11 =	vmul.f32 v11, v23  }
0x1b5: {  	v13 =	vld [tilespmem:s1+$0x0];
	v10 =	vnsel vm7, $0x0, v10;
	v6 =	vsub.f32 $0.0e+00, v6;
	v14 =	vsub.f32 $0.0e+00, v14  }
0x1b6: {  	v16 =	vld.idx.msk [tilespmem:v16+s8+$0x0], $0xffff;
	v60 =	vnsel vm10, $0x0, v11;
	v11 =	vnsel vm8, $0x0, v18;
	vm7 =	vgt.f32 v10, $3.566749390e-01  }
0x1b7: {  	v18 =	vld.idx.msk [tilespmem:v21+s8+$0x0], $0xffff;
	vm4 =	vgt.f32 v60, $3.566749390e-01;
	v6 =	vmul.f32 v6, v15;
	v14 =	vmul.f32 v14, v61  }
0x1b8: {  	v3 =	vnsel vm4, $0x0, v60;
	v62 =	vsel vm4, $0x1, v1;
	v12 =	vld.idx.msk [tilespmem:v12+s8+$0x0], $0xffff;
	v15 =	vsel vm6, $0x1, v1  }
0x1b9: {  	v4 =	vadd.s32 v15, v4;
	v15 =	vld [tilespmem:s1+$0x10];
	v6 =	vnsel vm9, $0x0, v6;
	v14 =	vnsel vm5, $0x0, v14  }
0x1ba: {  	v17 =	vadd.s32 v17, v4;
	vm4 =	vgt.f32 v6, $3.566749390e-01;
	vm6 =	vgt.f32 v14, $3.566749390e-01  }
0x1bb: {  	v4 =	vnsel vm4, $0x0, v6;
	v6 =	vnsel vm6, $0x0, v14;
	v14 =	vsub.f32 $0.0e+00, v16;
	v16 =	vld [tilespmem:s1+$0x20]  }
0x1bc: {  	v63 =	vadd.f32 v5, v9;
	v19 =	vsel vm7, $0x1, v1;
	v18 =	vsub.f32 $0.0e+00, v18  }
0x1bd: {  	v2 =	vsel vm9, $0x1, v1;
	v8 =	vadd.s32 v22, v8;
	v17 =	vadd.s32 v19, v17  }
0x1be: {  	v12 =	vsub.f32 $0.0e+00, v12;
	v15 =	vmul.f32 v18, v15;
	v18 =	vld.idx.msk [tilespmem:v25+s8+$0x0], $0xffff;
	v13 =	vmul.f32 v14, v13  }
0x1bf: {  	v10 =	vnsel vm7, $0x0, v10;
	v5 =	vadd.s32 v62, v17;
	v9 =	vsel vm6, $0x1, v1  }
0x1c0: {  	v14 =	vnsel vm1, $0x0, v15;
	v17 =	vmul.f32 v12, v16;
	v12 =	vnsel vm2, $0x0, v13;
	v13 =	vld [tilespmem:s1+$0x30]  }
0x1c1: {  	v19 =	vsel vm4, $0x1, v1;
	v5 =	vadd.s32 v9, v5;
	vm4 =	vgt.f32 v14, $3.566749390e-01  }
0x1c2: {  	v9 =	vadd.s32 v19, v5;
	v15 =	vadd.f32 v7, v63;
	v5 =	vnsel vm4, $0x0, v14  }
0x1c3: {  	s4 =	simm.s32 $0x13940;
	s19 =	simm.s32 $0x8;
	v16 =	vsel vm5, $0x1, v1;
	v14 =	vsub.f32 $0.0e+00, v18;
	v7 =	vnsel vm3, $0x0, v17  }
.LBB2_5:
0x1c4: {  	v17 =	vld [tilespmem:s4+$0xFFFFFFD0];
	s19 =	sadd.s32 $0x8, s19;
	v8 =	vadd.s32 v16, v8;
	vm6 =	vgt.f32 v12, $3.566749390e-01;
	v11 =	vadd.f32 v11, v15  }
0x1c5: {  	v15 =	vld [tilespmem:s4+$0x30];
	p0 =	slt.u32 s19, $0x78;
	v2 =	vadd.s32 v2, v8;
	v8 =	vsel vm2, $0x1, v1;
	v13 =	vmul.f32 v14, v13  }
0x1c6: {  	v12 =	vnsel vm6, $0x0, v12;
	v14 =	vld [tilespmem:s4+$0x10];
	v2 =	vadd.s32 v8, v2;
	v8 =	vsel vm1, $0x1, v1  }
0x1c7: {  	v16 =	vld [tilespmem:s4+$0x0];
	v2 =	vadd.s32 v8, v2;
	v8 =	vsel vm3, $0x1, v1;
	v13 =	vnsel vm0, $0x0, v13  }
0x1c8: {  	v18 =	vld [tilespmem:s4+$0xFFFFFFF0];
	v2 =	vadd.s32 v8, v2;
	vm8 =	vgt.f32 v13, $3.566749390e-01;
	v8 =	vsel vm0, $0x1, v1  }
0x1c9: {  	s15 =	sadd.s32 $0x80, s15;
	v19 =	vld [tilespmem:s4+$0xFFFFFFC0];
	vm9 =	vne.s32 v17, $0xFF;
	v17 =	vshll.u32 v17, $0xB;
	v8 =	vadd.s32 v8, v2  }
0x1ca: {  	s5 =	sadd.s32 $0xFFFFFFA0, s15;
	v2 =	vnsel vm9, $0x0, v17;
	v17 =	vld [tilespmem:s4+$0xFFFFFFE0];
	vm0 =	vne.s32 v15, $0xFF;
	v15 =	vshll.u32 v15, $0xB  }
0x1cb: {  	v2 =	vor.u32 s5, v2;
	s5 =	sadd.s32 $0xFFFFFFB0, s15;
	vm1 =	vne.s32 v14, $0xFF;
	v15 =	vnsel vm0, $0x0, v15  }
0x1cc: {  	s6 =	sadd.s32 $0xFFFFFFE0, s15;
	v20 =	vor.u32 v0, v2;
	vm2 =	vne.s32 v16, $0xFF;
	v2 =	vshll.u32 v14, $0xB  }
0x1cd: {  	s7 =	sadd.s32 $0xFFFFFFD0, s15;
	v16 =	vshll.u32 v16, $0xB;
	v14 =	vshll.u32 v18, $0xB;
	v21 =	vnsel vm1, $0x0, v2  }
0x1ce: {  	vm10 =	vne.s32 v18, $0xFF;
	v16 =	vnsel vm2, $0x0, v16;
	vm7 =	vne.s32 v19, $0xFF  }
0x1cf: {  	s10 =	sadd.s32 $0xFFFFFF90, s15;
	s11 =	sadd.s32 $0xFFFFFFC0, s15;
	v14 =	vnsel vm10, $0x0, v14;
	v2 =	vsel vm10, $0x1, v1;
	vm5 =	vne.s32 v17, $0xFF;
	v18 =	vld [tilespmem:s4+$0x20]  }
0x1d0: {  	v22 =	vsel vm9, $0x1, v1;
	v17 =	vshll.u32 v17, $0xB;
	v14 =	vor.u32 s11, v14  }
0x1d1: {  	v19 =	vshll.u32 v19, $0xB;
	v17 =	vnsel vm5, $0x0, v17;
	v14 =	vor.u32 v0, v14;
	v20 =	vld.idx.msk [tilespmem:v20+s8+$0x0], $0xffff  }
0x1d2: {  	s1 =	sadd.s32 $0x80, s1;
	v21 =	vor.u32 s6, v21;
	v19 =	vnsel vm7, $0x0, v19;
	v17 =	vor.u32 s5, v17  }
0x1d3: {  	v21 =	vor.u32 v0, v21;
	v19 =	vor.u32 s10, v19;
	v17 =	vor.u32 v0, v17;
	v23 =	vld [tilespmem:s1+$0xFFFFFFD0]  }
0x1d4: {  	v19 =	vor.u32 v0, v19;
	v24 =	vld [tilespmem:s1+$0xFFFFFFF0];
	vm3 =	vne.s32 v18, $0xFF;
	v18 =	vshll.u32 v18, $0xB  }
0x1d5: {  	v15 =	vor.u32 s15, v15;
	v25 =	vsel vm7, $0x1, v1;
	s5 =	sadd.s32 $0xFFFFFFF0, s15;
	v18 =	vnsel vm3, $0x0, v18  }
0x1d6: {  	v10 =	vadd.f32 v10, v11;
	v15 =	vor.u32 v0, v15;
	v14 =	vld.idx.msk [tilespmem:v14+s8+$0x0], $0xffff;
	v18 =	vor.u32 s5, v18  }
0x1d7: {  	v8 =	vadd.s32 v25, v8;
	v11 =	vsub.f32 $0.0e+00, v20;
	v20 =	vld [tilespmem:s1+$0x0];
	v18 =	vor.u32 v0, v18  }
0x1d8: {  	v3 =	vadd.f32 v3, v10;
	v16 =	vor.u32 s7, v16;
	v8 =	vadd.s32 v22, v8;
	v17 =	vld.idx.msk [tilespmem:v17+s8+$0x0], $0xffff  }
0x1d9: {  	v16 =	vor.u32 v0, v16;
	v11 =	vmul.f32 v11, v23;
	v10 =	vld.idx.msk [tilespmem:v19+s8+$0x0], $0xffff;
	v19 =	vsel vm8, $0x1, v1  }
0x1da: {  	v3 =	vadd.f32 v6, v3;
	v6 =	vsel vm6, $0x1, v1;
	v23 =	vsel vm4, $0x1, v1;
	v22 =	vld [tilespmem:s1+$0xFFFFFFC0]  }
0x1db: {  	v6 =	vadd.s32 v6, v9;
	v25 =	vnsel vm9, $0x0, v11;
	v11 =	vnsel vm8, $0x0, v13;
	v26 =	vld [tilespmem:s1+$0xFFFFFFE0]  }
0x1dc: {  	vm4 =	vgt.f32 v25, $3.566749390e-01;
	v9 =	vsub.f32 $0.0e+00, v14;
	v14 =	vadd.f32 v4, v3;
	v13 =	vld.idx.msk [tilespmem:v21+s8+$0x0], $0xffff  }
0x1dd: {  	vm6 =	vgt.f32 v7, $3.566749390e-01;
	v4 =	vadd.s32 v23, v6;
	v3 =	vnsel vm4, $0x0, v25;
	v18 =	vld.idx.msk [tilespmem:v18+s8+$0x0], $0xffff  }
0x1de: {  	v6 =	vsub.f32 $0.0e+00, v17;
	v9 =	vmul.f32 v9, v24;
	v17 =	vsel vm6, $0x1, v1;
	v16 =	vld.idx.msk [tilespmem:v16+s8+$0x0], $0xffff  }
0x1df: {  	v21 =	vsel vm4, $0x1, v1;
	v10 =	vsub.f32 $0.0e+00, v10;
	v4 =	vadd.s32 v17, v4  }
0x1e0: {  	v9 =	vnsel vm10, $0x0, v9;
	v19 =	vadd.s32 v19, v4;
	v6 =	vmul.f32 v6, v26;
	v17 =	vld [tilespmem:s1+$0x10]  }
0x1e1: {  	v7 =	vnsel vm6, $0x0, v7;
	v10 =	vmul.f32 v10, v22;
	vm4 =	vgt.f32 v9, $3.566749390e-01  }
0x1e2: {  	v4 =	vnsel vm4, $0x0, v9;
	v9 =	vadd.f32 v12, v14;
	v6 =	vnsel vm5, $0x0, v6  }
0x1e3: {  	v12 =	vsub.f32 $0.0e+00, v13;
	v10 =	vnsel vm7, $0x0, v10;
	vm6 =	vgt.f32 v6, $3.566749390e-01  }
0x1e4: {  	vm7 =	vgt.f32 v10, $3.566749390e-01;
	v13 =	vsub.f32 $0.0e+00, v16;
	v6 =	vnsel vm6, $0x0, v6;
	v14 =	vld [tilespmem:s1+$0x20]  }
0x1e5: {  	v10 =	vnsel vm7, $0x0, v10;
	v16 =	vsel vm7, $0x1, v1;
	v12 =	vmul.f32 v12, v17;
	v17 =	vld.idx.msk [tilespmem:v15+s8+$0x0], $0xffff  }
0x1e6: {  	v15 =	vadd.s32 v16, v19;
	v16 =	vsel vm4, $0x1, v1;
	v19 =	vadd.f32 v5, v9  }
.Ltmp1:
0x1e7: {  	v9 =	vsel vm6, $0x1, v1;
	v5 =	vadd.s32 v21, v15;
	v15 =	vsub.f32 $0.0e+00, v18;
	(pc) =	sbr.rel @p0 .LBB2_5-.Ltmp1, $4  }
0x1e8: {  	v18 =	vmul.f32 v13, v20;
	v5 =	vadd.s32 v9, v5;
	v20 =	vnsel vm1, $0x0, v12;
	v13 =	vld [tilespmem:s1+$0x30]  }
0x1e9: {  	v9 =	vadd.s32 v16, v5;
	vm4 =	vgt.f32 v20, $3.566749390e-01;
	v14 =	vmul.f32 v15, v14  }
0x1ea: {  	v12 =	vnsel vm2, $0x0, v18;
	v5 =	vnsel vm4, $0x0, v20;
	v15 =	vadd.f32 v7, v19  }
0x1eb: {  	s4 =	sadd.s32 $0x80, s4;
	v16 =	vsel vm5, $0x1, v1;
	v7 =	vnsel vm3, $0x0, v14;
	v14 =	vsub.f32 $0.0e+00, v17  }
0x1ec: {  	v11 =	vadd.f32 v11, v15;
	_ =	sdelay $0x1  }
0x1ed: {  	v10 =	vadd.f32 v10, v11;
	_ =	sdelay $0x1  }
0x1ee: {  	v3 =	vadd.f32 v3, v10;
	_ =	sdelay $0x1  }
0x1ef: {  	v8 =	vadd.s32 v16, v8;
	v3 =	vadd.f32 v6, v3  }
0x1f0: {  	vm5 =	vgt.f32 v12, $3.566749390e-01;
	vm15 =	vgt.f32 v7, $3.566749390e-01;
	v63 =	vmul.f32 v14, v13  }
0x1f1: {  	v2 =	vadd.s32 v2, v8;
	v7 =	vnsel vm15, $0x0, v7;
	v3 =	vadd.f32 v4, v3  }
0x1f2: {  	v8 =	vnsel vm0, $0x0, v63;
	v6 =	vsel vm2, $0x1, v1;
	v4 =	vnsel vm5, $0x0, v12  }
0x1f3: {  	s0 =	sadd.s32 $0x1, s0;
	v2 =	vadd.s32 v6, v2;
	v6 =	vsel vm1, $0x1, v1;
	v3 =	vadd.f32 v4, v3  }
0x1f4: {  	p0 =	sne.s32 s0, $0x10;
	vm14 =	vgt.f32 v8, $3.566749390e-01;
	v2 =	vadd.s32 v6, v2;
	v6 =	vsel vm3, $0x1, v1  }
.Ltmp2:
0x1f5: {  	v2 =	vadd.s32 v6, v2;
	v6 =	vsel vm5, $0x1, v1;
	v3 =	vadd.f32 v5, v3;
	(pc) =	sbr.rel @p0 .LBB2_2-.Ltmp2, $4  }
0x1f6: {  	v8 =	vnsel vm14, $0x0, v8;
	v6 =	vadd.s32 v6, v9;
	v5 =	vsel vm4, $0x1, v1  }
0x1f7: {  	v5 =	vadd.s32 v5, v6;
	v6 =	vsel vm15, $0x1, v1;
	v3 =	vadd.f32 v7, v3  }
0x1f8: {  	v4 =	vsel vm0, $0x1, v1;
	v7 =	vsel vm14, $0x1, v1;
	v5 =	vadd.s32 v6, v5  }
0x1f9: {  	v4 =	vadd.s32 v4, v2;
	v2 =	vadd.s32 v7, v5;
	v3 =	vadd.f32 v8, v3  }
0x1fa: {  	_ =	swait.ge [sflag:s20], $0x9800  }
0x1fb: {  	[sflag:s20] =	ssyncset.done $0x0  }
0x1fc: {  	[sflag:s20] =	ssyncadd.s32 $0xFFFF6800  }
0x1fd: {  	_ =	swait.ge [sflag:s20], $0x800  }
0x1fe: {  	[sflag:s20] =	ssyncset.done $0x0  }
0x1ff: {  	[sflag:s20] =	ssyncadd.s32 $0xFFFFF800  }
0x200: {  	_ =	swait.ge [sflag:s20], $0x800  }
0x201: {  	[sflag:s20] =	ssyncset.done $0x0  }
0x202: {  	[sflag:s20] =	ssyncadd.s32 $0xFFFFF800  }
0x203: {  	[tilespmem:$0x15000] =	vst v3  }
0x204: {  	[tilespmem:$0x15010] =	vst v2  }
0x205: {  	s1 =	simm.s32 $0x15000;
	s6 =	simm.s32 $0x3;
	s0 =	rddreg [dreg:$0x1f];
	[tilespmem:$0x15020] =	vst v4  }
0x206: {  	[hbm4b:s0+s2] =	stream.linear.scatter [tilespmem:s1], [sflag:$0x3], $0x10, $0x38;
	[tilespmem:$0x15030] =	vst v63  }
0x207: {  	_ =	swait.ge [sflag:s6], $0x10  }
0x208: {  	s7 =	sld [smem:$0x7FB]  }
0x209: {  	[sflag:s6] =	ssyncset.done $0x0  }
0x20a: {  	s4 =	simm.s32 $0x15010;
	[sflag:s6] =	ssyncadd.s32 $0xFFFFFFF0  }
0x20b: {  	[hbm4b:s7+s2] =	stream.linear.scatter [tilespmem:s4], [sflag:$0x3], $0x10, $0x38;
	[tilespmem:$0x15030] =	vst v63  }
0x20c: {  	_ =	swait.ge [sflag:s6], $0x10  }
0x20d: {  	s10 =	sld [smem:$0x7FC]  }
0x20e: {  	[sflag:s6] =	ssyncset.done $0x0  }
0x20f: {  	s11 =	simm.s32 $0x15020;
	[sflag:s6] =	ssyncadd.s32 $0xFFFFFFF0  }
0x210: {  	[hbm4b:s10+s2] =	stream.linear.scatter [tilespmem:s11], [sflag:$0x3], $0x10, $0x38;
	[tilespmem:$0x15030] =	vst v63  }
0x211: {  	_ =	swait.ge [sflag:s6], $0x10  }
0x212: {  	s15 =	sld [smem:$0x7FA]  }
0x213: {  	s19 =	sld [smem:$0x7FD];
	_ =	sdelay $0x1  }
0x214: {  	s4 =	sadd.s32 $0x1, s15  }
0x215: {  	p0 =	sne.s32 s4, s19  }
.Ltmp3:
0x216: {  	_ = 	snop;
	(pc) =	sbr.rel @p0 .LBB2_1-.Ltmp3, $3  }
0x217: {  	_ =	sdelay $0x1  }
0x218: {  	[sflag:s6] =	ssyncset.done $0x0  }
0x219: {  	[sflag:s6] =	ssyncadd.s32 $0xFFFFFFF0  }
0x21a: {  	_ =	sfence.sel $0x180000  }
0x21b: {  	[bflag:$0x0] =	sbarrier.arrive $0xFFFF  }
0x21c: {  	_ =	strace $0x9000004D  }
0x21d: {  	s0 =	stileid.u32;
	[bflag:$0x2] =	sbarrier.arrive $0xFFFF  }
0x21e: {  	p0 =	sne.s32 s0, $0x0;
	s0 =	rddreg [dreg:$0x1]  }
0x21f: {  	s0 =	sadd.s32 @!p0 $0x100000, s0  }
0x220: {  	[sflag:s0] =	ssyncadd.tile.s32 @!p0 $0x1;
	_ =	shalt  }
.Lfunc_end2:
_tile_overlayer_lowered:
.L_overlay_start_2:
0x221: {  	(tag) =	ssettag $0x2  }
0x222: {  	s0 =	rddreg [dreg:$0x0];
	s2 =	stileid.u32  }
0x223: {  	s1 =	rddreg [dreg:$0x1];
	p0 =	sne.s32 s2, $0x0  }
0x224: {  	s3 =	rddreg [dreg:$0x2];
	[bflag:$0x3] =	sbarrier.arrive $0xFFFF;
	s2 =	simm.s32 @!p0 $0x1C03  }
0x225: {  	[timem:s3], [sflag:s2] =	dma.local @!p0 [hbm:s0], s1  }
0x226: {  	s0 =	simm.s32 @!p0 $0x3  }
0x227: {  	_ =	swait.ge @!p0 [sflag:s0], s1  }
0x228: {  	s1 =	ssub.s32 @!p0 $0x0, s1;
	[sflag:s0] =	ssyncset.done @!p0 $0x0  }
0x229: {  	[sflag:s0] =	ssyncadd.s32 @!p0 s1  }
0x22a: {  	[bflag:$0x3] =	sbarrier.arrive $0xFFFF  }
0x22b: {  	_ =	shalt  }

// kernel: sparse-core-data-format-call.cloned.1.call-start
scs
called_computation_lowered:
.L_overlay_start_0:
0x0: {  	s2 =	sld [smem:$0x3FD9]  }
0x1: {  	s3 =	sld [smem:$0x3FFE];
	_ =	sdelay $0x1  }
0x2: {  	s1 =	srdreg.scid  }
0x3: {  	s0 =	sand.u32 $0x1, s1  }
0x4: {  	s18 =	sshll.u32 s0, $0xA;
	s2 =	sadd.s32 s3, s2  }
0x5: {  	s2 =	sadd.s32 s2, s18  }
0x6: {  	[smem:$0x3FC5] =	sst s2  }
0x7: {  	_ = 	snop  }
0x8: {  	s2 =	sld [smem:$0x3FC9];
	(tm) =	ssettm $0x1  }
0x9: {  	s19 =	sld [smem:$0x3FFB];
	_ =	sdelay $0x3  }
0xa: {  	_ =	strace s19  }
0xb: {  	s3 =	sld [smem:$0x3FFC];
	_ =	sdelay $0x3  }
0xc: {  	_ =	strace s3  }
0xd: {  	s3 =	sld [smem:$0x3FFD];
	_ =	sdelay $0x3  }
0xe: {  	_ =	strace s3  }
0xf: {  	_ =	strace $0x8FFFFFFF  }
0x10: {  	s20 =	sld [smem:$0x3FDB];
	_ =	sdelay $0x1  }
0x11: {  	s4 =	simm.s32 $_scs_section_size  }
0x12: {  	s5 =	simm.s32 $_size__tile_overlayer_lowered;
	s6 =	simm.s32 $_tile_overlayer_lowered  }
0x13: {  	s23 =	simm.s32 $0x1BFF;
	s22 =	sshll.u32 s6, $0x1;
	s3 =	sadd.s32 s4, s20  }
0x14: {  	s7 =	simm.s32 $0x0;
	s21 =	sshll.u32 s5, $0x1;
	s5 =	sadd.s32 s22, s3  }
0x15: {  	[timem:s7], [sflag:s23] =	dma.local [hbm:s5], s21  }
0x16: {  	_ =	swait.ge [sflag:s23], s21  }
0x17: {  	s4 =	ssub.s32 $0x0, s21;
	[sflag:s23] =	ssyncset.done $0x0  }
0x18: {  	[sflag:s23] =	ssyncadd.s32 s4;
	_ =	sdelay $0x1  }
0x19: {  	s24 =	simm.s32 $0x1B8B  }
0x1a: {  	_ =	swait.ge [sflag:s24], $0x1  }
0x1b: {  	[sflag:s24] =	ssyncset.done $0x0  }
0x1c: {  	s26 =	simm.s32 $0x1B8E;
	s25 =	sld [smem:$0x3FFE];
	[sflag:s24] =	ssyncadd.s32 $0xFFFFFFFF  }
0x1d: {  	s27 =	simm.s32 $execute0_lowered;
	[smem:$0x3FD2] =	sst s26  }
0x1e: {  	s5 =	sshll.u32 s27, $0x1;
	_ =	strace $0x80000049;
	[dreg:$0x1] =	wrdreg $0xFFFFFFFF  }
0x1f: {  	s28 =	simm.s32 $_size_execute0_lowered;
	s3 =	sadd.s32 s3, s5;
	[dreg:$0x0] =	wrdreg $0x0  }
0x20: {  	s5 =	sshll.u32 s28, $0x1;
	[dreg:$0x2] =	wrdreg s3  }
0x21: {  	[dreg:$0x3] =	wrdreg s5  }
0x22: {  	[dreg:$0x4] =	wrdreg $0xC0  }
0x23: {  	_ =	task [dreg:s7], $0x5FFFF  }
0x24: {  	[dreg:$0x1] =	wrdreg $0xFFFFFFFF  }
0x25: {  	[dreg:$0x0] =	wrdreg $0x60  }
0x26: {  	[dreg:$0x2] =	wrdreg s2  }
0x27: {  	[dreg:$0x3] =	wrdreg s25  }
0x28: {  	[dreg:$0x4] =	wrdreg $0x9  }
0x29: {  	_ =	task.clear_ibuf [dreg:s7], $0x5FFFF;
	_ =	strace $0x90000049  }
0x2a: {  	s29 =	simm.s32 $0x9;
	_ =	strace $0x8000004B  }
0x2b: {  	_ =	swait.ge [sflag:s29], $0x1  }
0x2c: {  	[sflag:s29] =	ssyncadd.s32 $0xFFFFFFFF  }
0x2d: {  	_ =	strace $0x9000004B  }
0x2e: {  	_ =	sfence  }
0x2f: {  	s30 =	sld [smem:$0x0];
	_ =	sdelay $0x2  }
0x30: {  	s31 =	sshll.u32 s1, $0xD;
	s1 =	sshrl.u32 s1, $0x2  }
0x31: {  	s3 =	sand.u32 $0x4000, s31;
	s1 =	sadd.s32 s1, s30  }
0x32: {  	s0 =	sor.u32 s3, s0;
	s1 =	sshll.u32 s1, $0x11  }
0x33: {  	s0 =	sor.u32 s1, s0  }
0x34: {  	s0 =	sadd.s32 $0x8F2B, s0  }
0x35: {  	[sflag:s0] =	ssyncadd.remote.s32 $0x1  }
0x36: {  	_ =	sfence.sel $0xFFFF  }
0x37: {  	[dreg:$0x0] =	wrdreg $0xFFFFFFFF;
	(pc) =	sbr.abs _section_cstart, $3  }
0x38: {  	[dreg:$0x1] =	wrdreg $0xFFFFFFFF  }
0x39: {  	_ =	task.clear_ibuf [dreg:s7], $0x2FFFF;
	_ =	strace $0x9FFFFFFF  }
0x3a: {  	(tm) =	ssettm $0x7FFFFFFF  }
0x3b: {  	_ =	shalt  }
tec
execute0_lowered:
.L_overlay_start_1:
0x0: {  	(tag) =	ssettag $0x1  }
0x1: {  	s0 =	srdreg.scid  }
0x2: {  	s1 =	sshll.u32 s0, $0x4  }
0x3: {  	s2 =	rddreg [dreg:$0x0];
	s0 =	stileid.u32;
	s1 =	sand.u32 $0x10, s1  }
0x4: {  	s4 =	rddreg [dreg:$0x1];
	s7 =	simm.s32 $0x1;
	s1 =	sor.u32 s0, s1  }
0x5: {  	s8 =	simm.s32 $0x2;
	s9 =	simm.s32 $0x0;
	s3 =	sshll.u32 s1, $0x2  }
0x6: {  	s12 =	simm.s32 $0x0;
	s11 =	simm.s32 $0x0;
	s6 =	ssub.s32 $0x2600, s3  }
.Ltmp0:
0x7: {  	s4 =	sadd.s32 $0x600, s4;
	s5 =	sand.u32 $0x7C, s6;
	(pc) =	sbr.rel .LBB1_1-.Ltmp0, $4  }
0x8: {  	s1 =	rddreg [dreg:$0x2];
	_ =	strace $0x8000004A;
	p0 =	sne.s32 s5, $0x0  }
0x9: {  	s6 =	sshrl.u32 s6, $0x7;
	s5 =	simm.s32 $0x1;
	s7 =	simm.s32 @!p0 $0x0  }
0xa: {  	s10 =	smov.u32 s3;
	[sflag:s5] =	ssyncpa.u1 $0x0;
	s6 =	sadd.s32 s7, s6  }
0xb: {  	[sflag:s8] =	ssyncpa.u1 $0x0;
	s8 =	simm.s32 $0x0;
	s7 =	sadd.s32 $0x1, s6  }
.LBB1_9:
0xc: {  	s14 =	sadd.s32 $0x80, s10  }
0xd: {  	p1 =	sgt.s32 s14, $0x25FF  }
0xe: {  	s14 =	smov.u32 @p1 s3;
	p1 =	sne.s32 s11, s7  }
.Ltmp1:
0xf: {  	p0 =	slt.u32 s11, $0x2;
	(pc) =	sbr.rel @!p1 .LBB1_10-.Ltmp1, $4  }
0x10: {  	s13 =	simm.s32 @!p0 $0x2  }
0x11: {  	s15 =	sadd.s32 $0x1, s11;
	_ =	swait.ge @!p0 [sflag:s13], $0x4000  }
0x12: {  	s12 =	smov.u32 s10;
	s9 =	sadd.s32 $0x4000, s9;
	[sflag:s13] =	ssyncset.done @!p0 $0x0  }
0x13: {  	s11 =	smov.u32 s15;
	s10 =	smov.u32 s14;
	[sflag:s13] =	ssyncadd.s32 @!p0 $0xFFFFC000  }
.LBB1_1:
0x14: {  	p0 =	sge.u32 s11, s6  }
0x15: {  	s13 =	sxor.u32 @!p0 $0xFFFFFFFF, s11  }
0x16: {  	s31 =	sadd.s32 $0xFFFFFFFF, s11;
	s14 =	sshll.u32 @!p0 s10, $0x9;
	s13 =	sshll.u32 @!p0 s13, $0xE  }
0x17: {  	s15 =	simm.s32 @!p0 $0x0;
	s14 =	sadd.s32 @!p0 s2, s14;
	s13 =	sand.u32 @!p0 $0x4000, s13  }
0x18: {  	[tilespmem:s13], [sflag:$0x1] =	stream.linear.gather @!p0 [hbm4b:s14+s15], $0x4000, $0x38;
	[tilespmem:$0x10000] =	vst v63  }
0x19: {  	p0 =	sge.u32 s31, s6  }
.Ltmp2:
0x1a: {  	_ = 	snop;
	(pc) =	sbr.rel @p0 .LBB1_9-.Ltmp2, $1  }
0x1b: {  	_ =	sdelay $0x3  }
0x1c: {  	s14 =	sand.u32 $0x4000, s9  }
0x1d: {  	_ =	swait.ge [sflag:s5], $0x4000;
	s15 =	sshll.u32 s11, $0xE;
	s16 =	simm.s32 $0x0  }
0x1e: {  	s13 =	sor.u32 $0x40, s14;
	[sflag:s5] =	ssyncset.done $0x0;
	s15 =	sand.u32 $0x4000, s15  }
0x1f: {  	s14 =	sor.u32 $0x8040, s14;
	[sflag:s5] =	ssyncadd.s32 $0xFFFFC000;
	s15 =	sor.u32 $0x8000, s15  }
.LBB1_3:
0x20: {  	s17 =	smov.u32 s14;
	s18 =	smov.u32 s13;
	s19 =	simm.s32 $0x0  }
.LBB1_4:
0x21: {  	v0 =	vmov s17;
	v2 =	vld [tilespmem:s18+$0x30]  }
0x22: {  	v4 =	vld [tilespmem:s18+$0xFFFFFFD0]  }
0x23: {  	v6 =	vld [tilespmem:s18+$0xFFFFFFE0]  }
0x24: {  	v7 =	vld [tilespmem:s18+$0xFFFFFFF0]  }
0x25: {  	s20 =	simm.s32 $0x0;
	v1 =	vld [tilespmem:s18+$0x0]  }
0x26: {  	v3 =	vld [tilespmem:s18+$0x10];
	[tilespmem:v0+s20+$0x30 ss:$0x1] =	vst.idx.msk $0xffff, v2  }
0x27: {  	v5 =	vld [tilespmem:s18+$0x20];
	[tilespmem:v0+s20+$0xFFFFFFD0 ss:$0x1] =	vst.idx.msk $0xffff, v4  }
0x28: {  	s21 =	sadd.s32 $0x80, s18;
	v2 =	vld [tilespmem:s18+$0xFFFFFFC0];
	[tilespmem:v0+s20+$0xFFFFFFE0 ss:$0x1] =	vst.idx.msk $0xffff, v6  }
0x29: {  	s22 =	simm.s32 $0x800;
	s23 =	simm.s32 $0x1000;
	v4 =	vld [tilespmem:s21+$0x30];
	[tilespmem:v0+s20+$0xFFFFFFF0 ss:$0x1] =	vst.idx.msk $0xffff, v7  }
.LBB1_5:
0x2a: {  	p0 =	sne.s32 s23, $0x3800;
	v6 =	vld [tilespmem:s21+$0xFFFFFFD0];
	[tilespmem:v0+s20+$0x0 ss:$0x1] =	vst.idx.msk $0xffff, v1  }
0x2b: {  	v7 =	vld [tilespmem:s21+$0xFFFFFFE0];
	[tilespmem:v0+s20+$0x10 ss:$0x1] =	vst.idx.msk $0xffff, v3  }
0x2c: {  	v8 =	vld [tilespmem:s21+$0xFFFFFFF0];
	[tilespmem:v0+s20+$0x20 ss:$0x1] =	vst.idx.msk $0xffff, v5  }
.Ltmp3:
0x2d: {  	v1 =	vld [tilespmem:s21+$0x0];
	[tilespmem:v0+s20+$0xFFFFFFC0 ss:$0x1] =	vst.idx.msk $0xffff, v2;
	s20 =	sshra.s32 s22, $0x2;
	s22 =	smov.u32 s23;
	(pc) =	sbr.rel @p0 .LBB1_5-.Ltmp3, $4  }
0x2e: {  	v3 =	vld [tilespmem:s21+$0x10];
	[tilespmem:v0+s20+$0x30 ss:$0x1] =	vst.idx.msk $0xffff, v4  }
0x2f: {  	[tilespmem:v0+s20+$0xFFFFFFD0 ss:$0x1] =	vst.idx.msk $0xffff, v6;
	v5 =	vld [tilespmem:s21+$0x20]  }
0x30: {  	v2 =	vld [tilespmem:s21+$0xFFFFFFC0];
	[tilespmem:v0+s20+$0xFFFFFFE0 ss:$0x1] =	vst.idx.msk $0xffff, v7;
	s21 =	sadd.s32 $0x80, s21  }
0x31: {  	s23 =	sadd.s32 $0x800, s23;
	v4 =	vld [tilespmem:s21+$0x30];
	[tilespmem:v0+s20+$0xFFFFFFF0 ss:$0x1] =	vst.idx.msk $0xffff, v8  }
0x32: {  	_ =	sdelay $0x3  }
0x33: {  	v6 =	vld [tilespmem:s21+$0xFFFFFFD0];
	[tilespmem:v0+s20+$0x0 ss:$0x1] =	vst.idx.msk $0xffff, v1  }
0x34: {  	v58 =	vld [tilespmem:s21+$0xFFFFFFE0];
	[tilespmem:v0+s20+$0x10 ss:$0x1] =	vst.idx.msk $0xffff, v3  }
0x35: {  	v59 =	vld [tilespmem:s21+$0xFFFFFFF0];
	[tilespmem:v0+s20+$0x20 ss:$0x1] =	vst.idx.msk $0xffff, v5  }
0x36: {  	s22 =	sshra.s32 s22, $0x2;
	v60 =	vld [tilespmem:s21+$0x0];
	[tilespmem:v0+s20+$0xFFFFFFC0 ss:$0x1] =	vst.idx.msk $0xffff, v2  }
0x37: {  	v61 =	vld [tilespmem:s21+$0x10];
	[tilespmem:v0+s22+$0x30 ss:$0x1] =	vst.idx.msk $0xffff, v4  }
0x38: {  	v62 =	vld [tilespmem:s21+$0x20];
	s19 =	sadd.s32 $0x1, s19;
	[tilespmem:v0+s22+$0xFFFFFFD0 ss:$0x1] =	vst.idx.msk $0xffff, v6  }
0x39: {  	v63 =	vld [tilespmem:s21+$0xFFFFFFC0];
	p0 =	sne.s32 s19, $0x4;
	[tilespmem:v0+s22+$0xFFFFFFE0 ss:$0x1] =	vst.idx.msk $0xffff, v58  }
.Ltmp4:
0x3a: {  	[tilespmem:v0+s22+$0xFFFFFFF0 ss:$0x1] =	vst.idx.msk $0xffff, v59;
	(pc) =	sbr.rel @p0 .LBB1_4-.Ltmp4, $4  }
0x3b: {  	[tilespmem:v0+s22+$0x0 ss:$0x1] =	vst.idx.msk $0xffff, v60  }
0x3c: {  	[tilespmem:v0+s22+$0x10 ss:$0x1] =	vst.idx.msk $0xffff, v61  }
0x3d: {  	[tilespmem:v0+s22+$0x20 ss:$0x1] =	vst.idx.msk $0xffff, v62  }
0x3e: {  	s18 =	sadd.s32 $0x400, s18;
	s17 =	sadd.s32 $0x80, s17;
	[tilespmem:v0+s22+$0xFFFFFFC0 ss:$0x1] =	vst.idx.msk $0xffff, v63  }
0x3f: {  	s16 =	sadd.s32 $0x1, s16  }
0x40: {  	p0 =	sne.s32 s16, $0x4  }
.Ltmp5:
0x41: {  	_ = 	snop;
	(pc) =	sbr.rel @p0 .LBB1_3-.Ltmp5, $2  }
0x42: {  	_ =	sdelay $0x2  }
0x43: {  	s13 =	sadd.s32 $0x1000, s13;
	s14 =	sadd.s32 $0x1000, s14  }
.Ltmp6:
0x44: {  	(pc) =	sbr.rel .LBB1_9-.Ltmp6, $4  }
0x45: {  	_ = 	snop  }
0x46: {  	s12 =	sshll.u32 s12, $0x9  }
0x47: {  	s12 =	sadd.s32 s4, s12  }
0x48: {  	[hbm4b:s12+s8] =	stream.linear.scatter [tilespmem:s15], [sflag:$0x2], $0x4000, $0x38;
	[tilespmem:$0x10000] =	vst v63  }
.LBB1_10:
0x49: {  	_ =	sfence.sel $0x180000  }
0x4a: {  	s2 =	simm.s32 $0x1;
	[bflag:$0x0] =	sbarrier.arrive $0xFFFF  }
0x4b: {  	s31 =	simm.s32 $0x2;
	[sflag:s2] =	ssyncpa.u1 $0x1  }
0x4c: {  	[sflag:s31] =	ssyncpa.u1 $0x1  }
0x4d: {  	p0 =	sne.s32 s0, $0x0;
	_ =	strace $0x9000004A  }
0x4e: {  	s0 =	sadd.s32 @!p0 $0x100000, s1;
	[bflag:$0x2] =	sbarrier.arrive $0xFFFF  }
0x4f: {  	[sflag:s0] =	ssyncadd.tile.s32 @!p0 $0x1;
	_ =	shalt  }
.Lfunc_end1:
_tile_overlayer_lowered:
.L_overlay_start_2:
0x50: {  	(tag) =	ssettag $0x2  }
0x51: {  	s0 =	rddreg [dreg:$0x0];
	s2 =	stileid.u32  }
0x52: {  	s1 =	rddreg [dreg:$0x1];
	p0 =	sne.s32 s2, $0x0  }
0x53: {  	s3 =	rddreg [dreg:$0x2];
	[bflag:$0x3] =	sbarrier.arrive $0xFFFF;
	s2 =	simm.s32 @!p0 $0x1C01  }
0x54: {  	[timem:s3], [sflag:s2] =	dma.local @!p0 [hbm:s0], s1  }
0x55: {  	s0 =	simm.s32 @!p0 $0x1  }
0x56: {  	_ =	swait.ge @!p0 [sflag:s0], s1  }
0x57: {  	s1 =	ssub.s32 @!p0 $0x0, s1;
	[sflag:s0] =	ssyncset.done @!p0 $0x0  }
0x58: {  	[sflag:s0] =	ssyncadd.s32 @!p0 s1  }
0x59: {  	[bflag:$0x3] =	sbarrier.arrive $0xFFFF  }
0x5a: {  	_ =	shalt  }

</sc_bundles>
